<compile_context>
chip_gen: v7x
topology: tpu7x:2x2x1
jax: 0.10.2.dev20260603
libtpu: 0.0.44.dev20260713+nightly
codegen_flags: <defaults>
</compile_context>

<pallas_src>
import functools

import jax
import jax.numpy as jnp
from jax import lax
from jax.experimental import pallas as pl
from jax.experimental.pallas import tpu as pltpu
from jax.experimental.pallas import tpu_sc as plsc

N = 10000
D = 128
NP = 10240
NC = 2
NS = 16
NW = NC * NS
RPT = NP // NS
EB = 128
G = 16
BLK = 1024
HW = 128


def _sc_mesh():
    return plsc.VectorSubcoreMesh(core_axis_name="c", subcore_axis_name="s")


@functools.lru_cache(maxsize=None)
def _hist_kernel(ch):
    ngroups = ch // G

    @functools.partial(
        pl.kernel,
        out_type=jax.ShapeDtypeStruct((NC, NP, HW), jnp.float32),
        mesh=_sc_mesh(),
        scratch_types=[
            pltpu.VMEM((G, EB), jnp.int32),
            pltpu.VMEM((EB, HW), jnp.float32),
            pltpu.VMEM_SHARED((NP, HW), jnp.float32),
        ],
    )
    def hist(dsti, zrows, ones, out, dstv, onesv, acc):
        c = lax.axis_index("c")
        s = lax.axis_index("s")
        w = c * NS + s
        sl = pl.ds(s * RPT, RPT)
        pltpu.sync_copy(zrows, acc.at[sl])
        pltpu.sync_copy(ones, onesv)
        plsc.subcore_barrier()

        for g in range(ngroups):
            pltpu.sync_copy(dsti.at[w * ngroups + g], dstv)

            @pl.loop(0, G)
            def _(j):
                pltpu.sync_copy(onesv, acc.at[dstv.at[j]], add=True)

        plsc.subcore_barrier()
        pltpu.sync_copy(acc.at[sl], out.at[c].at[sl])

    return hist


@functools.lru_cache(maxsize=None)
def _agg_kernel(ch):
    ngroups = ch // G

    @functools.partial(
        pl.kernel,
        out_type=jax.ShapeDtypeStruct((NC, NP, D), jnp.float32),
        mesh=_sc_mesh(),
        scratch_types=[
            pltpu.VMEM((G, EB), jnp.int32),
            pltpu.VMEM((G, EB), jnp.int32),
            pltpu.VMEM((2 * EB, D), jnp.float32),
            pltpu.VMEM_SHARED((NP, D), jnp.float32),
        ],
    )
    def agg(y, srci, dsti, zrows, out, srcv, dstv, rows, acc):
        c = lax.axis_index("c")
        s = lax.axis_index("s")
        w = c * NS + s
        sl = pl.ds(s * RPT, RPT)
        pltpu.sync_copy(zrows, acc.at[sl])
        plsc.subcore_barrier()

        for g in range(ngroups):
            pltpu.sync_copy(srci.at[w * ngroups + g], srcv)
            pltpu.sync_copy(dsti.at[w * ngroups + g], dstv)

            @pl.loop(0, G)
            def _(j):
                pltpu.sync_copy(y.at[srcv.at[j]], rows.at[pl.ds(0, EB)])
                pltpu.sync_copy(rows.at[pl.ds(0, EB)], acc.at[dstv.at[j]],
                                add=True)

        plsc.subcore_barrier()
        pltpu.sync_copy(acc.at[sl], out.at[c].at[sl])

    return agg


def _dinv_of(h_ref):
    deg = 1.0 + h_ref[0, :, :1] + h_ref[1, :, :1]
    return lax.rsqrt(deg)


def _mm_scale_body(x_ref, w_ref, h_ref, o_ref):
    dinv = _dinv_of(h_ref)
    o_ref[...] = jnp.dot(x_ref[...] * dinv, w_ref[...],
                         preferred_element_type=jnp.float32)


def _fuse_body(p_ref, y_ref, h_ref, b_ref, w_ref, o_ref):
    dinv = _dinv_of(h_ref)
    hcur = jnp.maximum((p_ref[0] + p_ref[1] + y_ref[...]) * dinv + b_ref[...],
                       0.0)
    o_ref[...] = jnp.dot(hcur * dinv, w_ref[...],
                         preferred_element_type=jnp.float32)


def _final_body(p_ref, y_ref, h_ref, b_ref, o_ref):
    dinv = _dinv_of(h_ref)
    o_ref[...] = jnp.maximum(
        (p_ref[0] + p_ref[1] + y_ref[...]) * dinv + b_ref[...], 0.0)


_ROW = pl.BlockSpec((BLK, D), lambda i: (i, 0))
_PAR = pl.BlockSpec((NC, BLK, D), lambda i: (0, i, 0))
_HIS = pl.BlockSpec((NC, BLK, HW), lambda i: (0, i, 0))
_WMAT = pl.BlockSpec((D, D), lambda i: (0, 0))
_BVEC = pl.BlockSpec((1, D), lambda i: (0, 0))
_OUT_SD = jax.ShapeDtypeStruct((NP, D), jnp.float32)
_GRID = (NP // BLK,)


def _mm_scale(x, w, hist):
    return pl.pallas_call(
        _mm_scale_body, grid=_GRID,
        in_specs=[_ROW, _WMAT, _HIS],
        out_specs=_ROW, out_shape=_OUT_SD,
    )(x, w, hist)


def _fuse(p, y, hist, b, w):
    return pl.pallas_call(
        _fuse_body, grid=_GRID,
        in_specs=[_PAR, _ROW, _HIS, _BVEC, _WMAT],
        out_specs=_ROW, out_shape=_OUT_SD,
    )(p, y, hist, b, w)


def _final(p, y, hist, b):
    return pl.pallas_call(
        _final_body, grid=_GRID,
        in_specs=[_PAR, _ROW, _HIS, _BVEC],
        out_specs=_ROW, out_shape=_OUT_SD,
    )(p, y, hist, b)


def kernel(x, edge_index, W0, b0, W1, b1, W2, b2, W3, b3):
    e = edge_index.shape[1]
    ch = -(-e // (NW * EB))
    ch = -(-ch // G) * G
    ep = NW * ch * EB
    ngroups = ch // G
    pad = jnp.full((ep - e,), N, dtype=jnp.int32)
    srci = jnp.concatenate([edge_index[0], pad]).reshape(NW * ngroups, G, EB)
    dsti = jnp.concatenate([edge_index[1], pad]).reshape(NW * ngroups, G, EB)

    x_pad = jnp.pad(x, ((0, NP - N), (0, 0)))
    z_agg = jnp.zeros((RPT, D), jnp.float32)
    z_his = jnp.zeros((RPT, HW), jnp.float32)
    ones = jnp.ones((EB, HW), jnp.float32)

    hist = _hist_kernel(ch)(dsti, z_his, ones)
    y = _mm_scale(x_pad, W0, hist)
    agg = _agg_kernel(ch)
    for b, w in ((b0, W1), (b1, W2), (b2, W3)):
        p = agg(y, srci, dsti, z_agg)
        y = _fuse(p, y, hist, b.reshape(1, D), w)
    p = agg(y, srci, dsti, z_agg)
    out = _final(p, y, hist, b3.reshape(1, D))
    return out[:N]

# --- scband reference (transcript-rebuilt; emitter-appended) ---
"""Pipeline reference for scband-gcn-48172353191956 (READ-ONLY COPY).

The authoritative reference and input builder live on the scoring server;
editing this copy changes nothing except your own understanding.
"""

import jax, jax.numpy as jnp
import numpy as np

N = 10000
E = 320000
D = 128
NUM_LAYERS = 4


def setup_inputs(seed: int = 0) -> dict:
    key = jax.random.key(seed)
    ks = jax.random.split(key, 2 + 2 * NUM_LAYERS)
    inp = {
        "x": jax.random.normal(ks[0], (N, D), dtype=jnp.float32),
        "edge_index": jax.random.randint(ks[1], (2, E), 0, N, dtype=jnp.int32),
    }
    for i in range(NUM_LAYERS):
        inp[f"W{i}"] = jax.random.normal(ks[2 + 2 * i], (D, D), dtype=jnp.float32) / np.sqrt(D)
        inp[f"b{i}"] = jnp.zeros((D,), dtype=jnp.float32)
    return inp


def _gcn_conv(x, W, b, src, dst):
    # GCNConv with added self-loops and symmetric normalization:
    # out = D^{-1/2} (A + I) D^{-1/2} X W + b
    xw = x @ W
    n = x.shape[0]
    # degree including self-loop
    deg = jnp.ones((n,), dtype=x.dtype).at[dst].add(1.0)
    dinv = jax.lax.rsqrt(deg)
    norm = dinv[src] * dinv[dst]
    msg = xw[src] * norm[:, None]
    out = jnp.zeros_like(xw).at[dst].add(msg)
    # self-loop contribution: norm_ii = dinv[i] * dinv[i]
    out = out + xw * (dinv * dinv)[:, None]
    return out + b


def reference(x, edge_index, W0, b0, W1, b1, W2, b2, W3, b3):
    # eval mode: dropout is identity
    src, dst = edge_index[0], edge_index[1]
    params = [(W0, b0), (W1, b1), (W2, b2), (W3, b3)]
    h = x
    for (W, b) in params:
        h = jax.nn.relu(_gcn_conv(h, W, b, src, dst))
    return h

if __name__ == "__main__":
    import jax
    _d = setup_inputs()
    print(jax.jit(kernel)(*tuple(_d.values())))

</pallas_src>

<mosaic_0001>
#map = affine_map<(d0, d1) -> (0, 0)>
#map1 = affine_map<(d0, d1) -> (0, 0, 0)>
module attributes {stable_mosaic.version = 14 : i64} {
  func.func @agg(%arg0: i32, %arg1: i32, %arg2: memref<10240x128xf32, #tpu.memory_space<hbm>>, %arg3: memref<160x16x128xi32, #tpu.memory_space<hbm>>, %arg4: memref<160x16x128xi32, #tpu.memory_space<hbm>>, %arg5: memref<640x128xf32, #tpu.memory_space<hbm>>, %arg6: memref<2x10240x128xf32, #tpu.memory_space<hbm>>, %arg7: memref<16x128xi32, #tpu.memory_space<vmem>>, %arg8: memref<16x128xi32, #tpu.memory_space<vmem>>, %arg9: memref<256x128xf32, #tpu.memory_space<vmem>>, %arg10: memref<10240x128xf32, #tpu.memory_space<vmem_shared>>) attributes {dimension_semantics = [#tpu.dimension_semantics<core_parallel>, #tpu.dimension_semantics<subcore_parallel>], iteration_bounds = array<i64: 2, 16>, scalar_prefetch = 0 : i64, scratch_operands = 4 : i64, tpu.core_type = #tpu.core_type<sc_vector_subcore>, window_params = [{transform_indices = #map}, {transform_indices = #map1}, {transform_indices = #map1}, {transform_indices = #map}, {transform_indices = #map1}]} {
    %mul3A = arith.constant 16 : i32
    %mul3A_0 = arith.muli %arg0, %mul3A : i32
    %add3A = arith.addi %mul3A_0, %arg1 : i32
    %mul3A_1 = arith.constant 640 : i32
    %mul3A_2 = arith.muli %arg1, %mul3A_1 : i32
    "tpu.region"() ({
      %run_scoped3A = tpu.sem_alloc : memref<!tpu.dma_semaphore, #tpu.memory_space<semaphore_mem>>
      %dma_start3A = arith.constant 0 : i32
      %dma_start3A_68 = tpu.memref_slice %arg10[%mul3A_2, %dma_start3A] : memref<10240x128xf32, #tpu.memory_space<vmem_shared>> -> memref<640x128xf32, #tpu.memory_space<vmem_shared>>
      tpu.enqueue_dma source(%arg5 : memref<640x128xf32, #tpu.memory_space<hbm>>) target(%dma_start3A_68 : memref<640x128xf32, #tpu.memory_space<vmem_shared>>) target_semaphore(%run_scoped3A : memref<!tpu.dma_semaphore, #tpu.memory_space<semaphore_mem>>)
      %dma_wait3A = arith.constant 0 : i32
      %dma_wait3A_69 = tpu.memref_slice %arg10[%mul3A_2, %dma_wait3A] : memref<10240x128xf32, #tpu.memory_space<vmem_shared>> -> memref<640x128xf32, #tpu.memory_space<vmem_shared>>
      tpu.wait_dma2 semaphore(%run_scoped3A : memref<!tpu.dma_semaphore, #tpu.memory_space<semaphore_mem>>) src(%arg5 : memref<640x128xf32, #tpu.memory_space<hbm>>) dst(%dma_wait3A_69 : memref<640x128xf32, #tpu.memory_space<vmem_shared>>)
      tpu.yield
    }) : () -> ()
    %barrier3A = arith.constant 0 : index
    tpu.barrier barrier_id(%barrier3A)
    %mul3A_3 = arith.constant 5 : i32
    %mul3A_4 = arith.muli %add3A, %mul3A_3 : i32
    %add3A_5 = arith.constant 0 : i32
    %add3A_6 = arith.addi %mul3A_4, %add3A_5 : i32
    "tpu.region"() ({
      %run_scoped3A = tpu.sem_alloc : memref<!tpu.dma_semaphore, #tpu.memory_space<semaphore_mem>>
      %dma_start3A = arith.constant 0 : i32
      %dma_start3A_68 = arith.constant 0 : i32
      %dma_start3A_69 = tpu.memref_slice %arg3[%add3A_6, %dma_start3A, %dma_start3A_68] : memref<160x16x128xi32, #tpu.memory_space<hbm>> -> memref<1x16x128xi32, #tpu.memory_space<hbm>>
      %dma_start3A_70 = tpu.memref_squeeze %dma_start3A_69 : memref<1x16x128xi32, #tpu.memory_space<hbm>> -> memref<16x128xi32, #tpu.memory_space<hbm>>
      %dma_start3A_71 = arith.constant 0 : i32
      %dma_start3A_72 = arith.constant 0 : i32
      %dma_start3A_73 = tpu.memref_slice %arg3[%add3A_6, %dma_start3A_71, %dma_start3A_72] : memref<160x16x128xi32, #tpu.memory_space<hbm>> -> memref<1x16x128xi32, #tpu.memory_space<hbm>>
      %dma_start3A_74 = tpu.memref_squeeze %dma_start3A_73 : memref<1x16x128xi32, #tpu.memory_space<hbm>> -> memref<16x128xi32, #tpu.memory_space<hbm>>
      tpu.enqueue_dma source(%dma_start3A_74 : memref<16x128xi32, #tpu.memory_space<hbm>>) target(%arg7 : memref<16x128xi32, #tpu.memory_space<vmem>>) target_semaphore(%run_scoped3A : memref<!tpu.dma_semaphore, #tpu.memory_space<semaphore_mem>>)
      %dma_wait3A = arith.constant 0 : i32
      %dma_wait3A_75 = arith.constant 0 : i32
      %dma_wait3A_76 = tpu.memref_slice %arg3[%add3A_6, %dma_wait3A, %dma_wait3A_75] : memref<160x16x128xi32, #tpu.memory_space<hbm>> -> memref<1x16x128xi32, #tpu.memory_space<hbm>>
      %dma_wait3A_77 = tpu.memref_squeeze %dma_wait3A_76 : memref<1x16x128xi32, #tpu.memory_space<hbm>> -> memref<16x128xi32, #tpu.memory_space<hbm>>
      %dma_wait3A_78 = arith.constant 0 : i32
      %dma_wait3A_79 = arith.constant 0 : i32
      %dma_wait3A_80 = tpu.memref_slice %arg3[%add3A_6, %dma_wait3A_78, %dma_wait3A_79] : memref<160x16x128xi32, #tpu.memory_space<hbm>> -> memref<1x16x128xi32, #tpu.memory_space<hbm>>
      %dma_wait3A_81 = tpu.memref_squeeze %dma_wait3A_80 : memref<1x16x128xi32, #tpu.memory_space<hbm>> -> memref<16x128xi32, #tpu.memory_space<hbm>>
      tpu.wait_dma2 semaphore(%run_scoped3A : memref<!tpu.dma_semaphore, #tpu.memory_space<semaphore_mem>>) src(%dma_wait3A_81 : memref<16x128xi32, #tpu.memory_space<hbm>>) dst(%arg7 : memref<16x128xi32, #tpu.memory_space<vmem>>)
      tpu.yield
    }) : () -> ()
    %mul3A_7 = arith.constant 5 : i32
    %mul3A_8 = arith.muli %add3A, %mul3A_7 : i32
    %add3A_9 = arith.constant 0 : i32
    %add3A_10 = arith.addi %mul3A_8, %add3A_9 : i32
    "tpu.region"() ({
      %run_scoped3A = tpu.sem_alloc : memref<!tpu.dma_semaphore, #tpu.memory_space<semaphore_mem>>
      %dma_start3A = arith.constant 0 : i32
      %dma_start3A_68 = arith.constant 0 : i32
      %dma_start3A_69 = tpu.memref_slice %arg4[%add3A_10, %dma_start3A, %dma_start3A_68] : memref<160x16x128xi32, #tpu.memory_space<hbm>> -> memref<1x16x128xi32, #tpu.memory_space<hbm>>
      %dma_start3A_70 = tpu.memref_squeeze %dma_start3A_69 : memref<1x16x128xi32, #tpu.memory_space<hbm>> -> memref<16x128xi32, #tpu.memory_space<hbm>>
      %dma_start3A_71 = arith.constant 0 : i32
      %dma_start3A_72 = arith.constant 0 : i32
      %dma_start3A_73 = tpu.memref_slice %arg4[%add3A_10, %dma_start3A_71, %dma_start3A_72] : memref<160x16x128xi32, #tpu.memory_space<hbm>> -> memref<1x16x128xi32, #tpu.memory_space<hbm>>
      %dma_start3A_74 = tpu.memref_squeeze %dma_start3A_73 : memref<1x16x128xi32, #tpu.memory_space<hbm>> -> memref<16x128xi32, #tpu.memory_space<hbm>>
      tpu.enqueue_dma source(%dma_start3A_74 : memref<16x128xi32, #tpu.memory_space<hbm>>) target(%arg8 : memref<16x128xi32, #tpu.memory_space<vmem>>) target_semaphore(%run_scoped3A : memref<!tpu.dma_semaphore, #tpu.memory_space<semaphore_mem>>)
      %dma_wait3A = arith.constant 0 : i32
      %dma_wait3A_75 = arith.constant 0 : i32
      %dma_wait3A_76 = tpu.memref_slice %arg4[%add3A_10, %dma_wait3A, %dma_wait3A_75] : memref<160x16x128xi32, #tpu.memory_space<hbm>> -> memref<1x16x128xi32, #tpu.memory_space<hbm>>
      %dma_wait3A_77 = tpu.memref_squeeze %dma_wait3A_76 : memref<1x16x128xi32, #tpu.memory_space<hbm>> -> memref<16x128xi32, #tpu.memory_space<hbm>>
      %dma_wait3A_78 = arith.constant 0 : i32
      %dma_wait3A_79 = arith.constant 0 : i32
      %dma_wait3A_80 = tpu.memref_slice %arg4[%add3A_10, %dma_wait3A_78, %dma_wait3A_79] : memref<160x16x128xi32, #tpu.memory_space<hbm>> -> memref<1x16x128xi32, #tpu.memory_space<hbm>>
      %dma_wait3A_81 = tpu.memref_squeeze %dma_wait3A_80 : memref<1x16x128xi32, #tpu.memory_space<hbm>> -> memref<16x128xi32, #tpu.memory_space<hbm>>
      tpu.wait_dma2 semaphore(%run_scoped3A : memref<!tpu.dma_semaphore, #tpu.memory_space<semaphore_mem>>) src(%dma_wait3A_81 : memref<16x128xi32, #tpu.memory_space<hbm>>) dst(%arg8 : memref<16x128xi32, #tpu.memory_space<vmem>>)
      tpu.yield
    }) : () -> ()
    %scan3A = arith.constant 0 : i32
    %scan3A_11 = arith.constant 16 : i32
    %scan3A_12 = arith.addi %scan3A, %scan3A_11 : i32
    %scan3A_13 = arith.constant 1 : i32
    scf.for %scan3A_68 = %scan3A to %scan3A_12 step %scan3A_13  : i32 {
      %mul3A_69 = arith.constant 1 : i32
      %mul3A_70 = arith.muli %scan3A_68, %mul3A_69 : i32
      %add3A_71 = arith.constant 0 : i32
      %add3A_72 = arith.addi %add3A_71, %mul3A_70 : i32
      "tpu.region"() ({
        %run_scoped3A = tpu.sem_alloc : memref<!tpu.dma_semaphore, #tpu.memory_space<semaphore_mem>>
        %dma_start3A = arith.constant 0 : i32
        %dma_start3A_73 = arith.constant 0 : i32
        %dma_start3A_74 = tpu.memref_slice %arg9[%dma_start3A, %dma_start3A_73] : memref<256x128xf32, #tpu.memory_space<vmem>> -> memref<128x128xf32, #tpu.memory_space<vmem>>
        %dma_start3A_75 = arith.constant 0 : i32
        %dma_start3A_76 = tpu.memref_slice %arg7[%add3A_72, %dma_start3A_75] : memref<16x128xi32, #tpu.memory_space<vmem>> -> memref<1x128xi32, #tpu.memory_space<vmem>>
        %dma_start3A_77 = tpu.memref_squeeze %dma_start3A_76 : memref<1x128xi32, #tpu.memory_space<vmem>> -> memref<128xi32, #tpu.memory_space<vmem>>
        %dma_start3A_78 = arith.constant 0 : i32
        %dma_start3A_79 = arith.constant 0 : i32
        %dma_start3A_80 = tpu.memref_slice %arg2[%dma_start3A_78, %dma_start3A_79] : memref<10240x128xf32, #tpu.memory_space<hbm>> -> memref<10240x128xf32, #tpu.memory_space<hbm>>
        tpu.enqueue_indirect_dma source(%dma_start3A_80 : memref<10240x128xf32, #tpu.memory_space<hbm>>) target(%dma_start3A_74 : memref<128x128xf32, #tpu.memory_space<vmem>>) offsets(%dma_start3A_77 : memref<128xi32, #tpu.memory_space<vmem>>) semaphore(%run_scoped3A : memref<!tpu.dma_semaphore, #tpu.memory_space<semaphore_mem>>)
        %dma_wait3A = arith.constant 0 : i32
        %dma_wait3A_81 = arith.constant 0 : i32
        %dma_wait3A_82 = tpu.memref_slice %arg9[%dma_wait3A, %dma_wait3A_81] : memref<256x128xf32, #tpu.memory_space<vmem>> -> memref<128x128xf32, #tpu.memory_space<vmem>>
        %dma_wait3A_83 = arith.constant 0 : i32
        %dma_wait3A_84 = tpu.memref_slice %arg7[%add3A_72, %dma_wait3A_83] : memref<16x128xi32, #tpu.memory_space<vmem>> -> memref<1x128xi32, #tpu.memory_space<vmem>>
        %dma_wait3A_85 = tpu.memref_squeeze %dma_wait3A_84 : memref<1x128xi32, #tpu.memory_space<vmem>> -> memref<128xi32, #tpu.memory_space<vmem>>
        %dma_wait3A_86 = arith.constant 0 : i32
        %dma_wait3A_87 = arith.constant 0 : i32
        %dma_wait3A_88 = tpu.memref_slice %arg2[%dma_wait3A_86, %dma_wait3A_87] : memref<10240x128xf32, #tpu.memory_space<hbm>> -> memref<10240x128xf32, #tpu.memory_space<hbm>>
        tpu.wait_indirect_dma semaphore(%run_scoped3A : memref<!tpu.dma_semaphore, #tpu.memory_space<semaphore_mem>>) src(%dma_wait3A_88 : memref<10240x128xf32, #tpu.memory_space<hbm>>) dst(%dma_wait3A_82 : memref<128x128xf32, #tpu.memory_space<vmem>>)
        tpu.yield
      }) : () -> ()
      "tpu.region"() ({
        %run_scoped3A = tpu.sem_alloc : memref<!tpu.dma_semaphore, #tpu.memory_space<semaphore_mem>>
        %dma_start3A = arith.constant 0 : i32
        %dma_start3A_73 = arith.constant 0 : i32
        %dma_start3A_74 = tpu.memref_slice %arg9[%dma_start3A, %dma_start3A_73] : memref<256x128xf32, #tpu.memory_space<vmem>> -> memref<128x128xf32, #tpu.memory_space<vmem>>
        %dma_start3A_75 = arith.constant 0 : i32
        %dma_start3A_76 = tpu.memref_slice %arg8[%add3A_72, %dma_start3A_75] : memref<16x128xi32, #tpu.memory_space<vmem>> -> memref<1x128xi32, #tpu.memory_space<vmem>>
        %dma_start3A_77 = tpu.memref_squeeze %dma_start3A_76 : memref<1x128xi32, #tpu.memory_space<vmem>> -> memref<128xi32, #tpu.memory_space<vmem>>
        %dma_start3A_78 = arith.constant 0 : i32
        %dma_start3A_79 = arith.constant 0 : i32
        %dma_start3A_80 = tpu.memref_slice %arg10[%dma_start3A_78, %dma_start3A_79] : memref<10240x128xf32, #tpu.memory_space<vmem_shared>> -> memref<10240x128xf32, #tpu.memory_space<vmem_shared>>
        tpu.enqueue_indirect_dma source(%dma_start3A_74 : memref<128x128xf32, #tpu.memory_space<vmem>>) target(%dma_start3A_80 : memref<10240x128xf32, #tpu.memory_space<vmem_shared>>) offsets(%dma_start3A_77 : memref<128xi32, #tpu.memory_space<vmem>>) semaphore(%run_scoped3A : memref<!tpu.dma_semaphore, #tpu.memory_space<semaphore_mem>>) {add = true}
        %dma_wait3A = arith.constant 0 : i32
        %dma_wait3A_81 = arith.constant 0 : i32
        %dma_wait3A_82 = tpu.memref_slice %arg9[%dma_wait3A, %dma_wait3A_81] : memref<256x128xf32, #tpu.memory_space<vmem>> -> memref<128x128xf32, #tpu.memory_space<vmem>>
        %dma_wait3A_83 = arith.constant 0 : i32
        %dma_wait3A_84 = tpu.memref_slice %arg8[%add3A_72, %dma_wait3A_83] : memref<16x128xi32, #tpu.memory_space<vmem>> -> memref<1x128xi32, #tpu.memory_space<vmem>>
        %dma_wait3A_85 = tpu.memref_squeeze %dma_wait3A_84 : memref<1x128xi32, #tpu.memory_space<vmem>> -> memref<128xi32, #tpu.memory_space<vmem>>
        %dma_wait3A_86 = arith.constant 0 : i32
        %dma_wait3A_87 = arith.constant 0 : i32
        %dma_wait3A_88 = tpu.memref_slice %arg10[%dma_wait3A_86, %dma_wait3A_87] : memref<10240x128xf32, #tpu.memory_space<vmem_shared>> -> memref<10240x128xf32, #tpu.memory_space<vmem_shared>>
        tpu.wait_indirect_dma semaphore(%run_scoped3A : memref<!tpu.dma_semaphore, #tpu.memory_space<semaphore_mem>>) src(%dma_wait3A_82 : memref<128x128xf32, #tpu.memory_space<vmem>>) dst(%dma_wait3A_88 : memref<10240x128xf32, #tpu.memory_space<vmem_shared>>)
        tpu.yield
      }) : () -> ()
    }
    %scan3A_14 = arith.constant 16 : i32
    %mul3A_15 = arith.constant 5 : i32
    %mul3A_16 = arith.muli %add3A, %mul3A_15 : i32
    %add3A_17 = arith.constant 1 : i32
    %add3A_18 = arith.addi %mul3A_16, %add3A_17 : i32
    "tpu.region"() ({
      %run_scoped3A = tpu.sem_alloc : memref<!tpu.dma_semaphore, #tpu.memory_space<semaphore_mem>>
      %dma_start3A = arith.constant 0 : i32
      %dma_start3A_68 = arith.constant 0 : i32
      %dma_start3A_69 = tpu.memref_slice %arg3[%add3A_18, %dma_start3A, %dma_start3A_68] : memref<160x16x128xi32, #tpu.memory_space<hbm>> -> memref<1x16x128xi32, #tpu.memory_space<hbm>>
      %dma_start3A_70 = tpu.memref_squeeze %dma_start3A_69 : memref<1x16x128xi32, #tpu.memory_space<hbm>> -> memref<16x128xi32, #tpu.memory_space<hbm>>
      %dma_start3A_71 = arith.constant 0 : i32
      %dma_start3A_72 = arith.constant 0 : i32
      %dma_start3A_73 = tpu.memref_slice %arg3[%add3A_18, %dma_start3A_71, %dma_start3A_72] : memref<160x16x128xi32, #tpu.memory_space<hbm>> -> memref<1x16x128xi32, #tpu.memory_space<hbm>>
      %dma_start3A_74 = tpu.memref_squeeze %dma_start3A_73 : memref<1x16x128xi32, #tpu.memory_space<hbm>> -> memref<16x128xi32, #tpu.memory_space<hbm>>
      tpu.enqueue_dma source(%dma_start3A_74 : memref<16x128xi32, #tpu.memory_space<hbm>>) target(%arg7 : memref<16x128xi32, #tpu.memory_space<vmem>>) target_semaphore(%run_scoped3A : memref<!tpu.dma_semaphore, #tpu.memory_space<semaphore_mem>>)
      %dma_wait3A = arith.constant 0 : i32
      %dma_wait3A_75 = arith.constant 0 : i32
      %dma_wait3A_76 = tpu.memref_slice %arg3[%add3A_18, %dma_wait3A, %dma_wait3A_75] : memref<160x16x128xi32, #tpu.memory_space<hbm>> -> memref<1x16x128xi32, #tpu.memory_space<hbm>>
      %dma_wait3A_77 = tpu.memref_squeeze %dma_wait3A_76 : memref<1x16x128xi32, #tpu.memory_space<hbm>> -> memref<16x128xi32, #tpu.memory_space<hbm>>
      %dma_wait3A_78 = arith.constant 0 : i32
      %dma_wait3A_79 = arith.constant 0 : i32
      %dma_wait3A_80 = tpu.memref_slice %arg3[%add3A_18, %dma_wait3A_78, %dma_wait3A_79] : memref<160x16x128xi32, #tpu.memory_space<hbm>> -> memref<1x16x128xi32, #tpu.memory_space<hbm>>
      %dma_wait3A_81 = tpu.memref_squeeze %dma_wait3A_80 : memref<1x16x128xi32, #tpu.memory_space<hbm>> -> memref<16x128xi32, #tpu.memory_space<hbm>>
      tpu.wait_dma2 semaphore(%run_scoped3A : memref<!tpu.dma_semaphore, #tpu.memory_space<semaphore_mem>>) src(%dma_wait3A_81 : memref<16x128xi32, #tpu.memory_space<hbm>>) dst(%arg7 : memref<16x128xi32, #tpu.memory_space<vmem>>)
      tpu.yield
    }) : () -> ()
    %mul3A_19 = arith.constant 5 : i32
    %mul3A_20 = arith.muli %add3A, %mul3A_19 : i32
    %add3A_21 = arith.constant 1 : i32
    %add3A_22 = arith.addi %mul3A_20, %add3A_21 : i32
    "tpu.region"() ({
      %run_scoped3A = tpu.sem_alloc : memref<!tpu.dma_semaphore, #tpu.memory_space<semaphore_mem>>
      %dma_start3A = arith.constant 0 : i32
      %dma_start3A_68 = arith.constant 0 : i32
      %dma_start3A_69 = tpu.memref_slice %arg4[%add3A_22, %dma_start3A, %dma_start3A_68] : memref<160x16x128xi32, #tpu.memory_space<hbm>> -> memref<1x16x128xi32, #tpu.memory_space<hbm>>
      %dma_start3A_70 = tpu.memref_squeeze %dma_start3A_69 : memref<1x16x128xi32, #tpu.memory_space<hbm>> -> memref<16x128xi32, #tpu.memory_space<hbm>>
      %dma_start3A_71 = arith.constant 0 : i32
      %dma_start3A_72 = arith.constant 0 : i32
      %dma_start3A_73 = tpu.memref_slice %arg4[%add3A_22, %dma_start3A_71, %dma_start3A_72] : memref<160x16x128xi32, #tpu.memory_space<hbm>> -> memref<1x16x128xi32, #tpu.memory_space<hbm>>
      %dma_start3A_74 = tpu.memref_squeeze %dma_start3A_73 : memref<1x16x128xi32, #tpu.memory_space<hbm>> -> memref<16x128xi32, #tpu.memory_space<hbm>>
      tpu.enqueue_dma source(%dma_start3A_74 : memref<16x128xi32, #tpu.memory_space<hbm>>) target(%arg8 : memref<16x128xi32, #tpu.memory_space<vmem>>) target_semaphore(%run_scoped3A : memref<!tpu.dma_semaphore, #tpu.memory_space<semaphore_mem>>)
      %dma_wait3A = arith.constant 0 : i32
      %dma_wait3A_75 = arith.constant 0 : i32
      %dma_wait3A_76 = tpu.memref_slice %arg4[%add3A_22, %dma_wait3A, %dma_wait3A_75] : memref<160x16x128xi32, #tpu.memory_space<hbm>> -> memref<1x16x128xi32, #tpu.memory_space<hbm>>
      %dma_wait3A_77 = tpu.memref_squeeze %dma_wait3A_76 : memref<1x16x128xi32, #tpu.memory_space<hbm>> -> memref<16x128xi32, #tpu.memory_space<hbm>>
      %dma_wait3A_78 = arith.constant 0 : i32
      %dma_wait3A_79 = arith.constant 0 : i32
      %dma_wait3A_80 = tpu.memref_slice %arg4[%add3A_22, %dma_wait3A_78, %dma_wait3A_79] : memref<160x16x128xi32, #tpu.memory_space<hbm>> -> memref<1x16x128xi32, #tpu.memory_space<hbm>>
      %dma_wait3A_81 = tpu.memref_squeeze %dma_wait3A_80 : memref<1x16x128xi32, #tpu.memory_space<hbm>> -> memref<16x128xi32, #tpu.memory_space<hbm>>
      tpu.wait_dma2 semaphore(%run_scoped3A : memref<!tpu.dma_semaphore, #tpu.memory_space<semaphore_mem>>) src(%dma_wait3A_81 : memref<16x128xi32, #tpu.memory_space<hbm>>) dst(%arg8 : memref<16x128xi32, #tpu.memory_space<vmem>>)
      tpu.yield
    }) : () -> ()
    %scan3A_23 = arith.constant 0 : i32
    %scan3A_24 = arith.constant 16 : i32
    %scan3A_25 = arith.addi %scan3A_23, %scan3A_24 : i32
    %scan3A_26 = arith.constant 1 : i32
    scf.for %scan3A_68 = %scan3A_23 to %scan3A_25 step %scan3A_26  : i32 {
      %mul3A_69 = arith.constant 1 : i32
      %mul3A_70 = arith.muli %scan3A_68, %mul3A_69 : i32
      %add3A_71 = arith.constant 0 : i32
      %add3A_72 = arith.addi %add3A_71, %mul3A_70 : i32
      "tpu.region"() ({
        %run_scoped3A = tpu.sem_alloc : memref<!tpu.dma_semaphore, #tpu.memory_space<semaphore_mem>>
        %dma_start3A = arith.constant 0 : i32
        %dma_start3A_73 = arith.constant 0 : i32
        %dma_start3A_74 = tpu.memref_slice %arg9[%dma_start3A, %dma_start3A_73] : memref<256x128xf32, #tpu.memory_space<vmem>> -> memref<128x128xf32, #tpu.memory_space<vmem>>
        %dma_start3A_75 = arith.constant 0 : i32
        %dma_start3A_76 = tpu.memref_slice %arg7[%add3A_72, %dma_start3A_75] : memref<16x128xi32, #tpu.memory_space<vmem>> -> memref<1x128xi32, #tpu.memory_space<vmem>>
        %dma_start3A_77 = tpu.memref_squeeze %dma_start3A_76 : memref<1x128xi32, #tpu.memory_space<vmem>> -> memref<128xi32, #tpu.memory_space<vmem>>
        %dma_start3A_78 = arith.constant 0 : i32
        %dma_start3A_79 = arith.constant 0 : i32
        %dma_start3A_80 = tpu.memref_slice %arg2[%dma_start3A_78, %dma_start3A_79] : memref<10240x128xf32, #tpu.memory_space<hbm>> -> memref<10240x128xf32, #tpu.memory_space<hbm>>
        tpu.enqueue_indirect_dma source(%dma_start3A_80 : memref<10240x128xf32, #tpu.memory_space<hbm>>) target(%dma_start3A_74 : memref<128x128xf32, #tpu.memory_space<vmem>>) offsets(%dma_start3A_77 : memref<128xi32, #tpu.memory_space<vmem>>) semaphore(%run_scoped3A : memref<!tpu.dma_semaphore, #tpu.memory_space<semaphore_mem>>)
        %dma_wait3A = arith.constant 0 : i32
        %dma_wait3A_81 = arith.constant 0 : i32
        %dma_wait3A_82 = tpu.memref_slice %arg9[%dma_wait3A, %dma_wait3A_81] : memref<256x128xf32, #tpu.memory_space<vmem>> -> memref<128x128xf32, #tpu.memory_space<vmem>>
        %dma_wait3A_83 = arith.constant 0 : i32
        %dma_wait3A_84 = tpu.memref_slice %arg7[%add3A_72, %dma_wait3A_83] : memref<16x128xi32, #tpu.memory_space<vmem>> -> memref<1x128xi32, #tpu.memory_space<vmem>>
        %dma_wait3A_85 = tpu.memref_squeeze %dma_wait3A_84 : memref<1x128xi32, #tpu.memory_space<vmem>> -> memref<128xi32, #tpu.memory_space<vmem>>
        %dma_wait3A_86 = arith.constant 0 : i32
        %dma_wait3A_87 = arith.constant 0 : i32
        %dma_wait3A_88 = tpu.memref_slice %arg2[%dma_wait3A_86, %dma_wait3A_87] : memref<10240x128xf32, #tpu.memory_space<hbm>> -> memref<10240x128xf32, #tpu.memory_space<hbm>>
        tpu.wait_indirect_dma semaphore(%run_scoped3A : memref<!tpu.dma_semaphore, #tpu.memory_space<semaphore_mem>>) src(%dma_wait3A_88 : memref<10240x128xf32, #tpu.memory_space<hbm>>) dst(%dma_wait3A_82 : memref<128x128xf32, #tpu.memory_space<vmem>>)
        tpu.yield
      }) : () -> ()
      "tpu.region"() ({
        %run_scoped3A = tpu.sem_alloc : memref<!tpu.dma_semaphore, #tpu.memory_space<semaphore_mem>>
        %dma_start3A = arith.constant 0 : i32
        %dma_start3A_73 = arith.constant 0 : i32
        %dma_start3A_74 = tpu.memref_slice %arg9[%dma_start3A, %dma_start3A_73] : memref<256x128xf32, #tpu.memory_space<vmem>> -> memref<128x128xf32, #tpu.memory_space<vmem>>
        %dma_start3A_75 = arith.constant 0 : i32
        %dma_start3A_76 = tpu.memref_slice %arg8[%add3A_72, %dma_start3A_75] : memref<16x128xi32, #tpu.memory_space<vmem>> -> memref<1x128xi32, #tpu.memory_space<vmem>>
        %dma_start3A_77 = tpu.memref_squeeze %dma_start3A_76 : memref<1x128xi32, #tpu.memory_space<vmem>> -> memref<128xi32, #tpu.memory_space<vmem>>
        %dma_start3A_78 = arith.constant 0 : i32
        %dma_start3A_79 = arith.constant 0 : i32
        %dma_start3A_80 = tpu.memref_slice %arg10[%dma_start3A_78, %dma_start3A_79] : memref<10240x128xf32, #tpu.memory_space<vmem_shared>> -> memref<10240x128xf32, #tpu.memory_space<vmem_shared>>
        tpu.enqueue_indirect_dma source(%dma_start3A_74 : memref<128x128xf32, #tpu.memory_space<vmem>>) target(%dma_start3A_80 : memref<10240x128xf32, #tpu.memory_space<vmem_shared>>) offsets(%dma_start3A_77 : memref<128xi32, #tpu.memory_space<vmem>>) semaphore(%run_scoped3A : memref<!tpu.dma_semaphore, #tpu.memory_space<semaphore_mem>>) {add = true}
        %dma_wait3A = arith.constant 0 : i32
        %dma_wait3A_81 = arith.constant 0 : i32
        %dma_wait3A_82 = tpu.memref_slice %arg9[%dma_wait3A, %dma_wait3A_81] : memref<256x128xf32, #tpu.memory_space<vmem>> -> memref<128x128xf32, #tpu.memory_space<vmem>>
        %dma_wait3A_83 = arith.constant 0 : i32
        %dma_wait3A_84 = tpu.memref_slice %arg8[%add3A_72, %dma_wait3A_83] : memref<16x128xi32, #tpu.memory_space<vmem>> -> memref<1x128xi32, #tpu.memory_space<vmem>>
        %dma_wait3A_85 = tpu.memref_squeeze %dma_wait3A_84 : memref<1x128xi32, #tpu.memory_space<vmem>> -> memref<128xi32, #tpu.memory_space<vmem>>
        %dma_wait3A_86 = arith.constant 0 : i32
        %dma_wait3A_87 = arith.constant 0 : i32
        %dma_wait3A_88 = tpu.memref_slice %arg10[%dma_wait3A_86, %dma_wait3A_87] : memref<10240x128xf32, #tpu.memory_space<vmem_shared>> -> memref<10240x128xf32, #tpu.memory_space<vmem_shared>>
        tpu.wait_indirect_dma semaphore(%run_scoped3A : memref<!tpu.dma_semaphore, #tpu.memory_space<semaphore_mem>>) src(%dma_wait3A_82 : memref<128x128xf32, #tpu.memory_space<vmem>>) dst(%dma_wait3A_88 : memref<10240x128xf32, #tpu.memory_space<vmem_shared>>)
        tpu.yield
      }) : () -> ()
    }
    %scan3A_27 = arith.constant 16 : i32
    %mul3A_28 = arith.constant 5 : i32
    %mul3A_29 = arith.muli %add3A, %mul3A_28 : i32
    %add3A_30 = arith.constant 2 : i32
    %add3A_31 = arith.addi %mul3A_29, %add3A_30 : i32
    "tpu.region"() ({
      %run_scoped3A = tpu.sem_alloc : memref<!tpu.dma_semaphore, #tpu.memory_space<semaphore_mem>>
      %dma_start3A = arith.constant 0 : i32
      %dma_start3A_68 = arith.constant 0 : i32
      %dma_start3A_69 = tpu.memref_slice %arg3[%add3A_31, %dma_start3A, %dma_start3A_68] : memref<160x16x128xi32, #tpu.memory_space<hbm>> -> memref<1x16x128xi32, #tpu.memory_space<hbm>>
      %dma_start3A_70 = tpu.memref_squeeze %dma_start3A_69 : memref<1x16x128xi32, #tpu.memory_space<hbm>> -> memref<16x128xi32, #tpu.memory_space<hbm>>
      %dma_start3A_71 = arith.constant 0 : i32
      %dma_start3A_72 = arith.constant 0 : i32
      %dma_start3A_73 = tpu.memref_slice %arg3[%add3A_31, %dma_start3A_71, %dma_start3A_72] : memref<160x16x128xi32, #tpu.memory_space<hbm>> -> memref<1x16x128xi32, #tpu.memory_space<hbm>>
      %dma_start3A_74 = tpu.memref_squeeze %dma_start3A_73 : memref<1x16x128xi32, #tpu.memory_space<hbm>> -> memref<16x128xi32, #tpu.memory_space<hbm>>
      tpu.enqueue_dma source(%dma_start3A_74 : memref<16x128xi32, #tpu.memory_space<hbm>>) target(%arg7 : memref<16x128xi32, #tpu.memory_space<vmem>>) target_semaphore(%run_scoped3A : memref<!tpu.dma_semaphore, #tpu.memory_space<semaphore_mem>>)
      %dma_wait3A = arith.constant 0 : i32
      %dma_wait3A_75 = arith.constant 0 : i32
      %dma_wait3A_76 = tpu.memref_slice %arg3[%add3A_31, %dma_wait3A, %dma_wait3A_75] : memref<160x16x128xi32, #tpu.memory_space<hbm>> -> memref<1x16x128xi32, #tpu.memory_space<hbm>>
      %dma_wait3A_77 = tpu.memref_squeeze %dma_wait3A_76 : memref<1x16x128xi32, #tpu.memory_space<hbm>> -> memref<16x128xi32, #tpu.memory_space<hbm>>
      %dma_wait3A_78 = arith.constant 0 : i32
      %dma_wait3A_79 = arith.constant 0 : i32
      %dma_wait3A_80 = tpu.memref_slice %arg3[%add3A_31, %dma_wait3A_78, %dma_wait3A_79] : memref<160x16x128xi32, #tpu.memory_space<hbm>> -> memref<1x16x128xi32, #tpu.memory_space<hbm>>
      %dma_wait3A_81 = tpu.memref_squeeze %dma_wait3A_80 : memref<1x16x128xi32, #tpu.memory_space<hbm>> -> memref<16x128xi32, #tpu.memory_space<hbm>>
      tpu.wait_dma2 semaphore(%run_scoped3A : memref<!tpu.dma_semaphore, #tpu.memory_space<semaphore_mem>>) src(%dma_wait3A_81 : memref<16x128xi32, #tpu.memory_space<hbm>>) dst(%arg7 : memref<16x128xi32, #tpu.memory_space<vmem>>)
      tpu.yield
    }) : () -> ()
    %mul3A_32 = arith.constant 5 : i32
    %mul3A_33 = arith.muli %add3A, %mul3A_32 : i32
    %add3A_34 = arith.constant 2 : i32
    %add3A_35 = arith.addi %mul3A_33, %add3A_34 : i32
    "tpu.region"() ({
      %run_scoped3A = tpu.sem_alloc : memref<!tpu.dma_semaphore, #tpu.memory_space<semaphore_mem>>
      %dma_start3A = arith.constant 0 : i32
      %dma_start3A_68 = arith.constant 0 : i32
      %dma_start3A_69 = tpu.memref_slice %arg4[%add3A_35, %dma_start3A, %dma_start3A_68] : memref<160x16x128xi32, #tpu.memory_space<hbm>> -> memref<1x16x128xi32, #tpu.memory_space<hbm>>
      %dma_start3A_70 = tpu.memref_squeeze %dma_start3A_69 : memref<1x16x128xi32, #tpu.memory_space<hbm>> -> memref<16x128xi32, #tpu.memory_space<hbm>>
      %dma_start3A_71 = arith.constant 0 : i32
      %dma_start3A_72 = arith.constant 0 : i32
      %dma_start3A_73 = tpu.memref_slice %arg4[%add3A_35, %dma_start3A_71, %dma_start3A_72] : memref<160x16x128xi32, #tpu.memory_space<hbm>> -> memref<1x16x128xi32, #tpu.memory_space<hbm>>
      %dma_start3A_74 = tpu.memref_squeeze %dma_start3A_73 : memref<1x16x128xi32, #tpu.memory_space<hbm>> -> memref<16x128xi32, #tpu.memory_space<hbm>>
      tpu.enqueue_dma source(%dma_start3A_74 : memref<16x128xi32, #tpu.memory_space<hbm>>) target(%arg8 : memref<16x128xi32, #tpu.memory_space<vmem>>) target_semaphore(%run_scoped3A : memref<!tpu.dma_semaphore, #tpu.memory_space<semaphore_mem>>)
      %dma_wait3A = arith.constant 0 : i32
      %dma_wait3A_75 = arith.constant 0 : i32
      %dma_wait3A_76 = tpu.memref_slice %arg4[%add3A_35, %dma_wait3A, %dma_wait3A_75] : memref<160x16x128xi32, #tpu.memory_space<hbm>> -> memref<1x16x128xi32, #tpu.memory_space<hbm>>
      %dma_wait3A_77 = tpu.memref_squeeze %dma_wait3A_76 : memref<1x16x128xi32, #tpu.memory_space<hbm>> -> memref<16x128xi32, #tpu.memory_space<hbm>>
      %dma_wait3A_78 = arith.constant 0 : i32
      %dma_wait3A_79 = arith.constant 0 : i32
      %dma_wait3A_80 = tpu.memref_slice %arg4[%add3A_35, %dma_wait3A_78, %dma_wait3A_79] : memref<160x16x128xi32, #tpu.memory_space<hbm>> -> memref<1x16x128xi32, #tpu.memory_space<hbm>>
      %dma_wait3A_81 = tpu.memref_squeeze %dma_wait3A_80 : memref<1x16x128xi32, #tpu.memory_space<hbm>> -> memref<16x128xi32, #tpu.memory_space<hbm>>
      tpu.wait_dma2 semaphore(%run_scoped3A : memref<!tpu.dma_semaphore, #tpu.memory_space<semaphore_mem>>) src(%dma_wait3A_81 : memref<16x128xi32, #tpu.memory_space<hbm>>) dst(%arg8 : memref<16x128xi32, #tpu.memory_space<vmem>>)
      tpu.yield
    }) : () -> ()
    %scan3A_36 = arith.constant 0 : i32
    %scan3A_37 = arith.constant 16 : i32
    %scan3A_38 = arith.addi %scan3A_36, %scan3A_37 : i32
    %scan3A_39 = arith.constant 1 : i32
    scf.for %scan3A_68 = %scan3A_36 to %scan3A_38 step %scan3A_39  : i32 {
      %mul3A_69 = arith.constant 1 : i32
      %mul3A_70 = arith.muli %scan3A_68, %mul3A_69 : i32
      %add3A_71 = arith.constant 0 : i32
      %add3A_72 = arith.addi %add3A_71, %mul3A_70 : i32
      "tpu.region"() ({
        %run_scoped3A = tpu.sem_alloc : memref<!tpu.dma_semaphore, #tpu.memory_space<semaphore_mem>>
        %dma_start3A = arith.constant 0 : i32
        %dma_start3A_73 = arith.constant 0 : i32
        %dma_start3A_74 = tpu.memref_slice %arg9[%dma_start3A, %dma_start3A_73] : memref<256x128xf32, #tpu.memory_space<vmem>> -> memref<128x128xf32, #tpu.memory_space<vmem>>
        %dma_start3A_75 = arith.constant 0 : i32
        %dma_start3A_76 = tpu.memref_slice %arg7[%add3A_72, %dma_start3A_75] : memref<16x128xi32, #tpu.memory_space<vmem>> -> memref<1x128xi32, #tpu.memory_space<vmem>>
        %dma_start3A_77 = tpu.memref_squeeze %dma_start3A_76 : memref<1x128xi32, #tpu.memory_space<vmem>> -> memref<128xi32, #tpu.memory_space<vmem>>
        %dma_start3A_78 = arith.constant 0 : i32
        %dma_start3A_79 = arith.constant 0 : i32
        %dma_start3A_80 = tpu.memref_slice %arg2[%dma_start3A_78, %dma_start3A_79] : memref<10240x128xf32, #tpu.memory_space<hbm>> -> memref<10240x128xf32, #tpu.memory_space<hbm>>
        tpu.enqueue_indirect_dma source(%dma_start3A_80 : memref<10240x128xf32, #tpu.memory_space<hbm>>) target(%dma_start3A_74 : memref<128x128xf32, #tpu.memory_space<vmem>>) offsets(%dma_start3A_77 : memref<128xi32, #tpu.memory_space<vmem>>) semaphore(%run_scoped3A : memref<!tpu.dma_semaphore, #tpu.memory_space<semaphore_mem>>)
        %dma_wait3A = arith.constant 0 : i32
        %dma_wait3A_81 = arith.constant 0 : i32
        %dma_wait3A_82 = tpu.memref_slice %arg9[%dma_wait3A, %dma_wait3A_81] : memref<256x128xf32, #tpu.memory_space<vmem>> -> memref<128x128xf32, #tpu.memory_space<vmem>>
        %dma_wait3A_83 = arith.constant 0 : i32
        %dma_wait3A_84 = tpu.memref_slice %arg7[%add3A_72, %dma_wait3A_83] : memref<16x128xi32, #tpu.memory_space<vmem>> -> memref<1x128xi32, #tpu.memory_space<vmem>>
        %dma_wait3A_85 = tpu.memref_squeeze %dma_wait3A_84 : memref<1x128xi32, #tpu.memory_space<vmem>> -> memref<128xi32, #tpu.memory_space<vmem>>
        %dma_wait3A_86 = arith.constant 0 : i32
        %dma_wait3A_87 = arith.constant 0 : i32
        %dma_wait3A_88 = tpu.memref_slice %arg2[%dma_wait3A_86, %dma_wait3A_87] : memref<10240x128xf32, #tpu.memory_space<hbm>> -> memref<10240x128xf32, #tpu.memory_space<hbm>>
        tpu.wait_indirect_dma semaphore(%run_scoped3A : memref<!tpu.dma_semaphore, #tpu.memory_space<semaphore_mem>>) src(%dma_wait3A_88 : memref<10240x128xf32, #tpu.memory_space<hbm>>) dst(%dma_wait3A_82 : memref<128x128xf32, #tpu.memory_space<vmem>>)
        tpu.yield
      }) : () -> ()
      "tpu.region"() ({
        %run_scoped3A = tpu.sem_alloc : memref<!tpu.dma_semaphore, #tpu.memory_space<semaphore_mem>>
        %dma_start3A = arith.constant 0 : i32
        %dma_start3A_73 = arith.constant 0 : i32
        %dma_start3A_74 = tpu.memref_slice %arg9[%dma_start3A, %dma_start3A_73] : memref<256x128xf32, #tpu.memory_space<vmem>> -> memref<128x128xf32, #tpu.memory_space<vmem>>
        %dma_start3A_75 = arith.constant 0 : i32
        %dma_start3A_76 = tpu.memref_slice %arg8[%add3A_72, %dma_start3A_75] : memref<16x128xi32, #tpu.memory_space<vmem>> -> memref<1x128xi32, #tpu.memory_space<vmem>>
        %dma_start3A_77 = tpu.memref_squeeze %dma_start3A_76 : memref<1x128xi32, #tpu.memory_space<vmem>> -> memref<128xi32, #tpu.memory_space<vmem>>
        %dma_start3A_78 = arith.constant 0 : i32
        %dma_start3A_79 = arith.constant 0 : i32
        %dma_start3A_80 = tpu.memref_slice %arg10[%dma_start3A_78, %dma_start3A_79] : memref<10240x128xf32, #tpu.memory_space<vmem_shared>> -> memref<10240x128xf32, #tpu.memory_space<vmem_shared>>
        tpu.enqueue_indirect_dma source(%dma_start3A_74 : memref<128x128xf32, #tpu.memory_space<vmem>>) target(%dma_start3A_80 : memref<10240x128xf32, #tpu.memory_space<vmem_shared>>) offsets(%dma_start3A_77 : memref<128xi32, #tpu.memory_space<vmem>>) semaphore(%run_scoped3A : memref<!tpu.dma_semaphore, #tpu.memory_space<semaphore_mem>>) {add = true}
        %dma_wait3A = arith.constant 0 : i32
        %dma_wait3A_81 = arith.constant 0 : i32
        %dma_wait3A_82 = tpu.memref_slice %arg9[%dma_wait3A, %dma_wait3A_81] : memref<256x128xf32, #tpu.memory_space<vmem>> -> memref<128x128xf32, #tpu.memory_space<vmem>>
        %dma_wait3A_83 = arith.constant 0 : i32
        %dma_wait3A_84 = tpu.memref_slice %arg8[%add3A_72, %dma_wait3A_83] : memref<16x128xi32, #tpu.memory_space<vmem>> -> memref<1x128xi32, #tpu.memory_space<vmem>>
        %dma_wait3A_85 = tpu.memref_squeeze %dma_wait3A_84 : memref<1x128xi32, #tpu.memory_space<vmem>> -> memref<128xi32, #tpu.memory_space<vmem>>
        %dma_wait3A_86 = arith.constant 0 : i32
        %dma_wait3A_87 = arith.constant 0 : i32
        %dma_wait3A_88 = tpu.memref_slice %arg10[%dma_wait3A_86, %dma_wait3A_87] : memref<10240x128xf32, #tpu.memory_space<vmem_shared>> -> memref<10240x128xf32, #tpu.memory_space<vmem_shared>>
        tpu.wait_indirect_dma semaphore(%run_scoped3A : memref<!tpu.dma_semaphore, #tpu.memory_space<semaphore_mem>>) src(%dma_wait3A_82 : memref<128x128xf32, #tpu.memory_space<vmem>>) dst(%dma_wait3A_88 : memref<10240x128xf32, #tpu.memory_space<vmem_shared>>)
        tpu.yield
      }) : () -> ()
    }
    %scan3A_40 = arith.constant 16 : i32
    %mul3A_41 = arith.constant 5 : i32
    %mul3A_42 = arith.muli %add3A, %mul3A_41 : i32
    %add3A_43 = arith.constant 3 : i32
    %add3A_44 = arith.addi %mul3A_42, %add3A_43 : i32
    "tpu.region"() ({
      %run_scoped3A = tpu.sem_alloc : memref<!tpu.dma_semaphore, #tpu.memory_space<semaphore_mem>>
      %dma_start3A = arith.constant 0 : i32
      %dma_start3A_68 = arith.constant 0 : i32
      %dma_start3A_69 = tpu.memref_slice %arg3[%add3A_44, %dma_start3A, %dma_start3A_68] : memref<160x16x128xi32, #tpu.memory_space<hbm>> -> memref<1x16x128xi32, #tpu.memory_space<hbm>>
      %dma_start3A_70 = tpu.memref_squeeze %dma_start3A_69 : memref<1x16x128xi32, #tpu.memory_space<hbm>> -> memref<16x128xi32, #tpu.memory_space<hbm>>
      %dma_start3A_71 = arith.constant 0 : i32
      %dma_start3A_72 = arith.constant 0 : i32
      %dma_start3A_73 = tpu.memref_slice %arg3[%add3A_44, %dma_start3A_71, %dma_start3A_72] : memref<160x16x128xi32, #tpu.memory_space<hbm>> -> memref<1x16x128xi32, #tpu.memory_space<hbm>>
      %dma_start3A_74 = tpu.memref_squeeze %dma_start3A_73 : memref<1x16x128xi32, #tpu.memory_space<hbm>> -> memref<16x128xi32, #tpu.memory_space<hbm>>
      tpu.enqueue_dma source(%dma_start3A_74 : memref<16x128xi32, #tpu.memory_space<hbm>>) target(%arg7 : memref<16x128xi32, #tpu.memory_space<vmem>>) target_semaphore(%run_scoped3A : memref<!tpu.dma_semaphore, #tpu.memory_space<semaphore_mem>>)
      %dma_wait3A = arith.constant 0 : i32
      %dma_wait3A_75 = arith.constant 0 : i32
      %dma_wait3A_76 = tpu.memref_slice %arg3[%add3A_44, %dma_wait3A, %dma_wait3A_75] : memref<160x16x128xi32, #tpu.memory_space<hbm>> -> memref<1x16x128xi32, #tpu.memory_space<hbm>>
      %dma_wait3A_77 = tpu.memref_squeeze %dma_wait3A_76 : memref<1x16x128xi32, #tpu.memory_space<hbm>> -> memref<16x128xi32, #tpu.memory_space<hbm>>
      %dma_wait3A_78 = arith.constant 0 : i32
      %dma_wait3A_79 = arith.constant 0 : i32
      %dma_wait3A_80 = tpu.memref_slice %arg3[%add3A_44, %dma_wait3A_78, %dma_wait3A_79] : memref<160x16x128xi32, #tpu.memory_space<hbm>> -> memref<1x16x128xi32, #tpu.memory_space<hbm>>
      %dma_wait3A_81 = tpu.memref_squeeze %dma_wait3A_80 : memref<1x16x128xi32, #tpu.memory_space<hbm>> -> memref<16x128xi32, #tpu.memory_space<hbm>>
      tpu.wait_dma2 semaphore(%run_scoped3A : memref<!tpu.dma_semaphore, #tpu.memory_space<semaphore_mem>>) src(%dma_wait3A_81 : memref<16x128xi32, #tpu.memory_space<hbm>>) dst(%arg7 : memref<16x128xi32, #tpu.memory_space<vmem>>)
      tpu.yield
    }) : () -> ()
    %mul3A_45 = arith.constant 5 : i32
    %mul3A_46 = arith.muli %add3A, %mul3A_45 : i32
    %add3A_47 = arith.constant 3 : i32
    %add3A_48 = arith.addi %mul3A_46, %add3A_47 : i32
    "tpu.region"() ({
      %run_scoped3A = tpu.sem_alloc : memref<!tpu.dma_semaphore, #tpu.memory_space<semaphore_mem>>
      %dma_start3A = arith.constant 0 : i32
      %dma_start3A_68 = arith.constant 0 : i32
      %dma_start3A_69 = tpu.memref_slice %arg4[%add3A_48, %dma_start3A, %dma_start3A_68] : memref<160x16x128xi32, #tpu.memory_space<hbm>> -> memref<1x16x128xi32, #tpu.memory_space<hbm>>
      %dma_start3A_70 = tpu.memref_squeeze %dma_start3A_69 : memref<1x16x128xi32, #tpu.memory_space<hbm>> -> memref<16x128xi32, #tpu.memory_space<hbm>>
      %dma_start3A_71 = arith.constant 0 : i32
      %dma_start3A_72 = arith.constant 0 : i32
      %dma_start3A_73 = tpu.memref_slice %arg4[%add3A_48, %dma_start3A_71, %dma_start3A_72] : memref<160x16x128xi32, #tpu.memory_space<hbm>> -> memref<1x16x128xi32, #tpu.memory_space<hbm>>
      %dma_start3A_74 = tpu.memref_squeeze %dma_start3A_73 : memref<1x16x128xi32, #tpu.memory_space<hbm>> -> memref<16x128xi32, #tpu.memory_space<hbm>>
      tpu.enqueue_dma source(%dma_start3A_74 : memref<16x128xi32, #tpu.memory_space<hbm>>) target(%arg8 : memref<16x128xi32, #tpu.memory_space<vmem>>) target_semaphore(%run_scoped3A : memref<!tpu.dma_semaphore, #tpu.memory_space<semaphore_mem>>)
      %dma_wait3A = arith.constant 0 : i32
      %dma_wait3A_75 = arith.constant 0 : i32
      %dma_wait3A_76 = tpu.memref_slice %arg4[%add3A_48, %dma_wait3A, %dma_wait3A_75] : memref<160x16x128xi32, #tpu.memory_space<hbm>> -> memref<1x16x128xi32, #tpu.memory_space<hbm>>
      %dma_wait3A_77 = tpu.memref_squeeze %dma_wait3A_76 : memref<1x16x128xi32, #tpu.memory_space<hbm>> -> memref<16x128xi32, #tpu.memory_space<hbm>>
      %dma_wait3A_78 = arith.constant 0 : i32
      %dma_wait3A_79 = arith.constant 0 : i32
      %dma_wait3A_80 = tpu.memref_slice %arg4[%add3A_48, %dma_wait3A_78, %dma_wait3A_79] : memref<160x16x128xi32, #tpu.memory_space<hbm>> -> memref<1x16x128xi32, #tpu.memory_space<hbm>>
      %dma_wait3A_81 = tpu.memref_squeeze %dma_wait3A_80 : memref<1x16x128xi32, #tpu.memory_space<hbm>> -> memref<16x128xi32, #tpu.memory_space<hbm>>
      tpu.wait_dma2 semaphore(%run_scoped3A : memref<!tpu.dma_semaphore, #tpu.memory_space<semaphore_mem>>) src(%dma_wait3A_81 : memref<16x128xi32, #tpu.memory_space<hbm>>) dst(%arg8 : memref<16x128xi32, #tpu.memory_space<vmem>>)
      tpu.yield
    }) : () -> ()
    %scan3A_49 = arith.constant 0 : i32
    %scan3A_50 = arith.constant 16 : i32
    %scan3A_51 = arith.addi %scan3A_49, %scan3A_50 : i32
    %scan3A_52 = arith.constant 1 : i32
    scf.for %scan3A_68 = %scan3A_49 to %scan3A_51 step %scan3A_52  : i32 {
      %mul3A_69 = arith.constant 1 : i32
      %mul3A_70 = arith.muli %scan3A_68, %mul3A_69 : i32
      %add3A_71 = arith.constant 0 : i32
      %add3A_72 = arith.addi %add3A_71, %mul3A_70 : i32
      "tpu.region"() ({
        %run_scoped3A = tpu.sem_alloc : memref<!tpu.dma_semaphore, #tpu.memory_space<semaphore_mem>>
        %dma_start3A = arith.constant 0 : i32
        %dma_start3A_73 = arith.constant 0 : i32
        %dma_start3A_74 = tpu.memref_slice %arg9[%dma_start3A, %dma_start3A_73] : memref<256x128xf32, #tpu.memory_space<vmem>> -> memref<128x128xf32, #tpu.memory_space<vmem>>
        %dma_start3A_75 = arith.constant 0 : i32
        %dma_start3A_76 = tpu.memref_slice %arg7[%add3A_72, %dma_start3A_75] : memref<16x128xi32, #tpu.memory_space<vmem>> -> memref<1x128xi32, #tpu.memory_space<vmem>>
        %dma_start3A_77 = tpu.memref_squeeze %dma_start3A_76 : memref<1x128xi32, #tpu.memory_space<vmem>> -> memref<128xi32, #tpu.memory_space<vmem>>
        %dma_start3A_78 = arith.constant 0 : i32
        %dma_start3A_79 = arith.constant 0 : i32
        %dma_start3A_80 = tpu.memref_slice %arg2[%dma_start3A_78, %dma_start3A_79] : memref<10240x128xf32, #tpu.memory_space<hbm>> -> memref<10240x128xf32, #tpu.memory_space<hbm>>
        tpu.enqueue_indirect_dma source(%dma_start3A_80 : memref<10240x128xf32, #tpu.memory_space<hbm>>) target(%dma_start3A_74 : memref<128x128xf32, #tpu.memory_space<vmem>>) offsets(%dma_start3A_77 : memref<128xi32, #tpu.memory_space<vmem>>) semaphore(%run_scoped3A : memref<!tpu.dma_semaphore, #tpu.memory_space<semaphore_mem>>)
        %dma_wait3A = arith.constant 0 : i32
        %dma_wait3A_81 = arith.constant 0 : i32
        %dma_wait3A_82 = tpu.memref_slice %arg9[%dma_wait3A, %dma_wait3A_81] : memref<256x128xf32, #tpu.memory_space<vmem>> -> memref<128x128xf32, #tpu.memory_space<vmem>>
        %dma_wait3A_83 = arith.constant 0 : i32
        %dma_wait3A_84 = tpu.memref_slice %arg7[%add3A_72, %dma_wait3A_83] : memref<16x128xi32, #tpu.memory_space<vmem>> -> memref<1x128xi32, #tpu.memory_space<vmem>>
        %dma_wait3A_85 = tpu.memref_squeeze %dma_wait3A_84 : memref<1x128xi32, #tpu.memory_space<vmem>> -> memref<128xi32, #tpu.memory_space<vmem>>
        %dma_wait3A_86 = arith.constant 0 : i32
        %dma_wait3A_87 = arith.constant 0 : i32
        %dma_wait3A_88 = tpu.memref_slice %arg2[%dma_wait3A_86, %dma_wait3A_87] : memref<10240x128xf32, #tpu.memory_space<hbm>> -> memref<10240x128xf32, #tpu.memory_space<hbm>>
        tpu.wait_indirect_dma semaphore(%run_scoped3A : memref<!tpu.dma_semaphore, #tpu.memory_space<semaphore_mem>>) src(%dma_wait3A_88 : memref<10240x128xf32, #tpu.memory_space<hbm>>) dst(%dma_wait3A_82 : memref<128x128xf32, #tpu.memory_space<vmem>>)
        tpu.yield
      }) : () -> ()
      "tpu.region"() ({
        %run_scoped3A = tpu.sem_alloc : memref<!tpu.dma_semaphore, #tpu.memory_space<semaphore_mem>>
        %dma_start3A = arith.constant 0 : i32
        %dma_start3A_73 = arith.constant 0 : i32
        %dma_start3A_74 = tpu.memref_slice %arg9[%dma_start3A, %dma_start3A_73] : memref<256x128xf32, #tpu.memory_space<vmem>> -> memref<128x128xf32, #tpu.memory_space<vmem>>
        %dma_start3A_75 = arith.constant 0 : i32
        %dma_start3A_76 = tpu.memref_slice %arg8[%add3A_72, %dma_start3A_75] : memref<16x128xi32, #tpu.memory_space<vmem>> -> memref<1x128xi32, #tpu.memory_space<vmem>>
        %dma_start3A_77 = tpu.memref_squeeze %dma_start3A_76 : memref<1x128xi32, #tpu.memory_space<vmem>> -> memref<128xi32, #tpu.memory_space<vmem>>
        %dma_start3A_78 = arith.constant 0 : i32
        %dma_start3A_79 = arith.constant 0 : i32
        %dma_start3A_80 = tpu.memref_slice %arg10[%dma_start3A_78, %dma_start3A_79] : memref<10240x128xf32, #tpu.memory_space<vmem_shared>> -> memref<10240x128xf32, #tpu.memory_space<vmem_shared>>
        tpu.enqueue_indirect_dma source(%dma_start3A_74 : memref<128x128xf32, #tpu.memory_space<vmem>>) target(%dma_start3A_80 : memref<10240x128xf32, #tpu.memory_space<vmem_shared>>) offsets(%dma_start3A_77 : memref<128xi32, #tpu.memory_space<vmem>>) semaphore(%run_scoped3A : memref<!tpu.dma_semaphore, #tpu.memory_space<semaphore_mem>>) {add = true}
        %dma_wait3A = arith.constant 0 : i32
        %dma_wait3A_81 = arith.constant 0 : i32
        %dma_wait3A_82 = tpu.memref_slice %arg9[%dma_wait3A, %dma_wait3A_81] : memref<256x128xf32, #tpu.memory_space<vmem>> -> memref<128x128xf32, #tpu.memory_space<vmem>>
        %dma_wait3A_83 = arith.constant 0 : i32
        %dma_wait3A_84 = tpu.memref_slice %arg8[%add3A_72, %dma_wait3A_83] : memref<16x128xi32, #tpu.memory_space<vmem>> -> memref<1x128xi32, #tpu.memory_space<vmem>>
        %dma_wait3A_85 = tpu.memref_squeeze %dma_wait3A_84 : memref<1x128xi32, #tpu.memory_space<vmem>> -> memref<128xi32, #tpu.memory_space<vmem>>
        %dma_wait3A_86 = arith.constant 0 : i32
        %dma_wait3A_87 = arith.constant 0 : i32
        %dma_wait3A_88 = tpu.memref_slice %arg10[%dma_wait3A_86, %dma_wait3A_87] : memref<10240x128xf32, #tpu.memory_space<vmem_shared>> -> memref<10240x128xf32, #tpu.memory_space<vmem_shared>>
        tpu.wait_indirect_dma semaphore(%run_scoped3A : memref<!tpu.dma_semaphore, #tpu.memory_space<semaphore_mem>>) src(%dma_wait3A_82 : memref<128x128xf32, #tpu.memory_space<vmem>>) dst(%dma_wait3A_88 : memref<10240x128xf32, #tpu.memory_space<vmem_shared>>)
        tpu.yield
      }) : () -> ()
    }
    %scan3A_53 = arith.constant 16 : i32
    %mul3A_54 = arith.constant 5 : i32
    %mul3A_55 = arith.muli %add3A, %mul3A_54 : i32
    %add3A_56 = arith.constant 4 : i32
    %add3A_57 = arith.addi %mul3A_55, %add3A_56 : i32
    "tpu.region"() ({
      %run_scoped3A = tpu.sem_alloc : memref<!tpu.dma_semaphore, #tpu.memory_space<semaphore_mem>>
      %dma_start3A = arith.constant 0 : i32
      %dma_start3A_68 = arith.constant 0 : i32
      %dma_start3A_69 = tpu.memref_slice %arg3[%add3A_57, %dma_start3A, %dma_start3A_68] : memref<160x16x128xi32, #tpu.memory_space<hbm>> -> memref<1x16x128xi32, #tpu.memory_space<hbm>>
      %dma_start3A_70 = tpu.memref_squeeze %dma_start3A_69 : memref<1x16x128xi32, #tpu.memory_space<hbm>> -> memref<16x128xi32, #tpu.memory_space<hbm>>
      %dma_start3A_71 = arith.constant 0 : i32
      %dma_start3A_72 = arith.constant 0 : i32
      %dma_start3A_73 = tpu.memref_slice %arg3[%add3A_57, %dma_start3A_71, %dma_start3A_72] : memref<160x16x128xi32, #tpu.memory_space<hbm>> -> memref<1x16x128xi32, #tpu.memory_space<hbm>>
      %dma_start3A_74 = tpu.memref_squeeze %dma_start3A_73 : memref<1x16x128xi32, #tpu.memory_space<hbm>> -> memref<16x128xi32, #tpu.memory_space<hbm>>
      tpu.enqueue_dma source(%dma_start3A_74 : memref<16x128xi32, #tpu.memory_space<hbm>>) target(%arg7 : memref<16x128xi32, #tpu.memory_space<vmem>>) target_semaphore(%run_scoped3A : memref<!tpu.dma_semaphore, #tpu.memory_space<semaphore_mem>>)
      %dma_wait3A = arith.constant 0 : i32
      %dma_wait3A_75 = arith.constant 0 : i32
      %dma_wait3A_76 = tpu.memref_slice %arg3[%add3A_57, %dma_wait3A, %dma_wait3A_75] : memref<160x16x128xi32, #tpu.memory_space<hbm>> -> memref<1x16x128xi32, #tpu.memory_space<hbm>>
      %dma_wait3A_77 = tpu.memref_squeeze %dma_wait3A_76 : memref<1x16x128xi32, #tpu.memory_space<hbm>> -> memref<16x128xi32, #tpu.memory_space<hbm>>
      %dma_wait3A_78 = arith.constant 0 : i32
      %dma_wait3A_79 = arith.constant 0 : i32
      %dma_wait3A_80 = tpu.memref_slice %arg3[%add3A_57, %dma_wait3A_78, %dma_wait3A_79] : memref<160x16x128xi32, #tpu.memory_space<hbm>> -> memref<1x16x128xi32, #tpu.memory_space<hbm>>
      %dma_wait3A_81 = tpu.memref_squeeze %dma_wait3A_80 : memref<1x16x128xi32, #tpu.memory_space<hbm>> -> memref<16x128xi32, #tpu.memory_space<hbm>>
      tpu.wait_dma2 semaphore(%run_scoped3A : memref<!tpu.dma_semaphore, #tpu.memory_space<semaphore_mem>>) src(%dma_wait3A_81 : memref<16x128xi32, #tpu.memory_space<hbm>>) dst(%arg7 : memref<16x128xi32, #tpu.memory_space<vmem>>)
      tpu.yield
    }) : () -> ()
    %mul3A_58 = arith.constant 5 : i32
    %mul3A_59 = arith.muli %add3A, %mul3A_58 : i32
    %add3A_60 = arith.constant 4 : i32
    %add3A_61 = arith.addi %mul3A_59, %add3A_60 : i32
    "tpu.region"() ({
      %run_scoped3A = tpu.sem_alloc : memref<!tpu.dma_semaphore, #tpu.memory_space<semaphore_mem>>
      %dma_start3A = arith.constant 0 : i32
      %dma_start3A_68 = arith.constant 0 : i32
      %dma_start3A_69 = tpu.memref_slice %arg4[%add3A_61, %dma_start3A, %dma_start3A_68] : memref<160x16x128xi32, #tpu.memory_space<hbm>> -> memref<1x16x128xi32, #tpu.memory_space<hbm>>
      %dma_start3A_70 = tpu.memref_squeeze %dma_start3A_69 : memref<1x16x128xi32, #tpu.memory_space<hbm>> -> memref<16x128xi32, #tpu.memory_space<hbm>>
      %dma_start3A_71 = arith.constant 0 : i32
      %dma_start3A_72 = arith.constant 0 : i32
      %dma_start3A_73 = tpu.memref_slice %arg4[%add3A_61, %dma_start3A_71, %dma_start3A_72] : memref<160x16x128xi32, #tpu.memory_space<hbm>> -> memref<1x16x128xi32, #tpu.memory_space<hbm>>
      %dma_start3A_74 = tpu.memref_squeeze %dma_start3A_73 : memref<1x16x128xi32, #tpu.memory_space<hbm>> -> memref<16x128xi32, #tpu.memory_space<hbm>>
      tpu.enqueue_dma source(%dma_start3A_74 : memref<16x128xi32, #tpu.memory_space<hbm>>) target(%arg8 : memref<16x128xi32, #tpu.memory_space<vmem>>) target_semaphore(%run_scoped3A : memref<!tpu.dma_semaphore, #tpu.memory_space<semaphore_mem>>)
      %dma_wait3A = arith.constant 0 : i32
      %dma_wait3A_75 = arith.constant 0 : i32
      %dma_wait3A_76 = tpu.memref_slice %arg4[%add3A_61, %dma_wait3A, %dma_wait3A_75] : memref<160x16x128xi32, #tpu.memory_space<hbm>> -> memref<1x16x128xi32, #tpu.memory_space<hbm>>
      %dma_wait3A_77 = tpu.memref_squeeze %dma_wait3A_76 : memref<1x16x128xi32, #tpu.memory_space<hbm>> -> memref<16x128xi32, #tpu.memory_space<hbm>>
      %dma_wait3A_78 = arith.constant 0 : i32
      %dma_wait3A_79 = arith.constant 0 : i32
      %dma_wait3A_80 = tpu.memref_slice %arg4[%add3A_61, %dma_wait3A_78, %dma_wait3A_79] : memref<160x16x128xi32, #tpu.memory_space<hbm>> -> memref<1x16x128xi32, #tpu.memory_space<hbm>>
      %dma_wait3A_81 = tpu.memref_squeeze %dma_wait3A_80 : memref<1x16x128xi32, #tpu.memory_space<hbm>> -> memref<16x128xi32, #tpu.memory_space<hbm>>
      tpu.wait_dma2 semaphore(%run_scoped3A : memref<!tpu.dma_semaphore, #tpu.memory_space<semaphore_mem>>) src(%dma_wait3A_81 : memref<16x128xi32, #tpu.memory_space<hbm>>) dst(%arg8 : memref<16x128xi32, #tpu.memory_space<vmem>>)
      tpu.yield
    }) : () -> ()
    %scan3A_62 = arith.constant 0 : i32
    %scan3A_63 = arith.constant 16 : i32
    %scan3A_64 = arith.addi %scan3A_62, %scan3A_63 : i32
    %scan3A_65 = arith.constant 1 : i32
    scf.for %scan3A_68 = %scan3A_62 to %scan3A_64 step %scan3A_65  : i32 {
      %mul3A_69 = arith.constant 1 : i32
      %mul3A_70 = arith.muli %scan3A_68, %mul3A_69 : i32
      %add3A_71 = arith.constant 0 : i32
      %add3A_72 = arith.addi %add3A_71, %mul3A_70 : i32
      "tpu.region"() ({
        %run_scoped3A = tpu.sem_alloc : memref<!tpu.dma_semaphore, #tpu.memory_space<semaphore_mem>>
        %dma_start3A = arith.constant 0 : i32
        %dma_start3A_73 = arith.constant 0 : i32
        %dma_start3A_74 = tpu.memref_slice %arg9[%dma_start3A, %dma_start3A_73] : memref<256x128xf32, #tpu.memory_space<vmem>> -> memref<128x128xf32, #tpu.memory_space<vmem>>
        %dma_start3A_75 = arith.constant 0 : i32
        %dma_start3A_76 = tpu.memref_slice %arg7[%add3A_72, %dma_start3A_75] : memref<16x128xi32, #tpu.memory_space<vmem>> -> memref<1x128xi32, #tpu.memory_space<vmem>>
        %dma_start3A_77 = tpu.memref_squeeze %dma_start3A_76 : memref<1x128xi32, #tpu.memory_space<vmem>> -> memref<128xi32, #tpu.memory_space<vmem>>
        %dma_start3A_78 = arith.constant 0 : i32
        %dma_start3A_79 = arith.constant 0 : i32
        %dma_start3A_80 = tpu.memref_slice %arg2[%dma_start3A_78, %dma_start3A_79] : memref<10240x128xf32, #tpu.memory_space<hbm>> -> memref<10240x128xf32, #tpu.memory_space<hbm>>
        tpu.enqueue_indirect_dma source(%dma_start3A_80 : memref<10240x128xf32, #tpu.memory_space<hbm>>) target(%dma_start3A_74 : memref<128x128xf32, #tpu.memory_space<vmem>>) offsets(%dma_start3A_77 : memref<128xi32, #tpu.memory_space<vmem>>) semaphore(%run_scoped3A : memref<!tpu.dma_semaphore, #tpu.memory_space<semaphore_mem>>)
        %dma_wait3A = arith.constant 0 : i32
        %dma_wait3A_81 = arith.constant 0 : i32
        %dma_wait3A_82 = tpu.memref_slice %arg9[%dma_wait3A, %dma_wait3A_81] : memref<256x128xf32, #tpu.memory_space<vmem>> -> memref<128x128xf32, #tpu.memory_space<vmem>>
        %dma_wait3A_83 = arith.constant 0 : i32
        %dma_wait3A_84 = tpu.memref_slice %arg7[%add3A_72, %dma_wait3A_83] : memref<16x128xi32, #tpu.memory_space<vmem>> -> memref<1x128xi32, #tpu.memory_space<vmem>>
        %dma_wait3A_85 = tpu.memref_squeeze %dma_wait3A_84 : memref<1x128xi32, #tpu.memory_space<vmem>> -> memref<128xi32, #tpu.memory_space<vmem>>
        %dma_wait3A_86 = arith.constant 0 : i32
        %dma_wait3A_87 = arith.constant 0 : i32
        %dma_wait3A_88 = tpu.memref_slice %arg2[%dma_wait3A_86, %dma_wait3A_87] : memref<10240x128xf32, #tpu.memory_space<hbm>> -> memref<10240x128xf32, #tpu.memory_space<hbm>>
        tpu.wait_indirect_dma semaphore(%run_scoped3A : memref<!tpu.dma_semaphore, #tpu.memory_space<semaphore_mem>>) src(%dma_wait3A_88 : memref<10240x128xf32, #tpu.memory_space<hbm>>) dst(%dma_wait3A_82 : memref<128x128xf32, #tpu.memory_space<vmem>>)
        tpu.yield
      }) : () -> ()
      "tpu.region"() ({
        %run_scoped3A = tpu.sem_alloc : memref<!tpu.dma_semaphore, #tpu.memory_space<semaphore_mem>>
        %dma_start3A = arith.constant 0 : i32
        %dma_start3A_73 = arith.constant 0 : i32
        %dma_start3A_74 = tpu.memref_slice %arg9[%dma_start3A, %dma_start3A_73] : memref<256x128xf32, #tpu.memory_space<vmem>> -> memref<128x128xf32, #tpu.memory_space<vmem>>
        %dma_start3A_75 = arith.constant 0 : i32
        %dma_start3A_76 = tpu.memref_slice %arg8[%add3A_72, %dma_start3A_75] : memref<16x128xi32, #tpu.memory_space<vmem>> -> memref<1x128xi32, #tpu.memory_space<vmem>>
        %dma_start3A_77 = tpu.memref_squeeze %dma_start3A_76 : memref<1x128xi32, #tpu.memory_space<vmem>> -> memref<128xi32, #tpu.memory_space<vmem>>
        %dma_start3A_78 = arith.constant 0 : i32
        %dma_start3A_79 = arith.constant 0 : i32
        %dma_start3A_80 = tpu.memref_slice %arg10[%dma_start3A_78, %dma_start3A_79] : memref<10240x128xf32, #tpu.memory_space<vmem_shared>> -> memref<10240x128xf32, #tpu.memory_space<vmem_shared>>
        tpu.enqueue_indirect_dma source(%dma_start3A_74 : memref<128x128xf32, #tpu.memory_space<vmem>>) target(%dma_start3A_80 : memref<10240x128xf32, #tpu.memory_space<vmem_shared>>) offsets(%dma_start3A_77 : memref<128xi32, #tpu.memory_space<vmem>>) semaphore(%run_scoped3A : memref<!tpu.dma_semaphore, #tpu.memory_space<semaphore_mem>>) {add = true}
        %dma_wait3A = arith.constant 0 : i32
        %dma_wait3A_81 = arith.constant 0 : i32
        %dma_wait3A_82 = tpu.memref_slice %arg9[%dma_wait3A, %dma_wait3A_81] : memref<256x128xf32, #tpu.memory_space<vmem>> -> memref<128x128xf32, #tpu.memory_space<vmem>>
        %dma_wait3A_83 = arith.constant 0 : i32
        %dma_wait3A_84 = tpu.memref_slice %arg8[%add3A_72, %dma_wait3A_83] : memref<16x128xi32, #tpu.memory_space<vmem>> -> memref<1x128xi32, #tpu.memory_space<vmem>>
        %dma_wait3A_85 = tpu.memref_squeeze %dma_wait3A_84 : memref<1x128xi32, #tpu.memory_space<vmem>> -> memref<128xi32, #tpu.memory_space<vmem>>
        %dma_wait3A_86 = arith.constant 0 : i32
        %dma_wait3A_87 = arith.constant 0 : i32
        %dma_wait3A_88 = tpu.memref_slice %arg10[%dma_wait3A_86, %dma_wait3A_87] : memref<10240x128xf32, #tpu.memory_space<vmem_shared>> -> memref<10240x128xf32, #tpu.memory_space<vmem_shared>>
        tpu.wait_indirect_dma semaphore(%run_scoped3A : memref<!tpu.dma_semaphore, #tpu.memory_space<semaphore_mem>>) src(%dma_wait3A_82 : memref<128x128xf32, #tpu.memory_space<vmem>>) dst(%dma_wait3A_88 : memref<10240x128xf32, #tpu.memory_space<vmem_shared>>)
        tpu.yield
      }) : () -> ()
    }
    %scan3A_66 = arith.constant 16 : i32
    %barrier3A_67 = arith.constant 0 : index
    tpu.barrier barrier_id(%barrier3A_67)
    "tpu.region"() ({
      %run_scoped3A = tpu.sem_alloc : memref<!tpu.dma_semaphore, #tpu.memory_space<semaphore_mem>>
      %dma_start3A = arith.constant 0 : i32
      %dma_start3A_68 = arith.constant 0 : i32
      %dma_start3A_69 = tpu.memref_slice %arg6[%arg0, %dma_start3A, %dma_start3A_68] : memref<2x10240x128xf32, #tpu.memory_space<hbm>> -> memref<1x10240x128xf32, #tpu.memory_space<hbm>>
      %dma_start3A_70 = tpu.memref_squeeze %dma_start3A_69 : memref<1x10240x128xf32, #tpu.memory_space<hbm>> -> memref<10240x128xf32, #tpu.memory_space<hbm>>
      %dma_start3A_71 = arith.constant 0 : i32
      %dma_start3A_72 = tpu.memref_slice %dma_start3A_70[%mul3A_2, %dma_start3A_71] : memref<10240x128xf32, #tpu.memory_space<hbm>> -> memref<640x128xf32, #tpu.memory_space<hbm>>
      %dma_start3A_73 = arith.constant 0 : i32
      %dma_start3A_74 = tpu.memref_slice %arg10[%mul3A_2, %dma_start3A_73] : memref<10240x128xf32, #tpu.memory_space<vmem_shared>> -> memref<640x128xf32, #tpu.memory_space<vmem_shared>>
      tpu.enqueue_dma source(%dma_start3A_74 : memref<640x128xf32, #tpu.memory_space<vmem_shared>>) target(%dma_start3A_72 : memref<640x128xf32, #tpu.memory_space<hbm>>) target_semaphore(%run_scoped3A : memref<!tpu.dma_semaphore, #tpu.memory_space<semaphore_mem>>)
      %dma_wait3A = arith.constant 0 : i32
      %dma_wait3A_75 = arith.constant 0 : i32
      %dma_wait3A_76 = tpu.memref_slice %arg6[%arg0, %dma_wait3A, %dma_wait3A_75] : memref<2x10240x128xf32, #tpu.memory_space<hbm>> -> memref<1x10240x128xf32, #tpu.memory_space<hbm>>
      %dma_wait3A_77 = tpu.memref_squeeze %dma_wait3A_76 : memref<1x10240x128xf32, #tpu.memory_space<hbm>> -> memref<10240x128xf32, #tpu.memory_space<hbm>>
      %dma_wait3A_78 = arith.constant 0 : i32
      %dma_wait3A_79 = tpu.memref_slice %dma_wait3A_77[%mul3A_2, %dma_wait3A_78] : memref<10240x128xf32, #tpu.memory_space<hbm>> -> memref<640x128xf32, #tpu.memory_space<hbm>>
      %dma_wait3A_80 = arith.constant 0 : i32
      %dma_wait3A_81 = tpu.memref_slice %arg10[%mul3A_2, %dma_wait3A_80] : memref<10240x128xf32, #tpu.memory_space<vmem_shared>> -> memref<640x128xf32, #tpu.memory_space<vmem_shared>>
      tpu.wait_dma2 semaphore(%run_scoped3A : memref<!tpu.dma_semaphore, #tpu.memory_space<semaphore_mem>>) src(%dma_wait3A_81 : memref<640x128xf32, #tpu.memory_space<vmem_shared>>) dst(%dma_wait3A_79 : memref<640x128xf32, #tpu.memory_space<hbm>>)
      tpu.yield
    }) : () -> ()
    return
  }
}

#map = affine_map<(d0, d1) -> (0, 0, 0)>
#map1 = affine_map<(d0, d1) -> (0, 0)>
module attributes {stable_mosaic.version = 14 : i64} {
  func.func @hist(%arg0: i32, %arg1: i32, %arg2: memref<160x16x128xi32, #tpu.memory_space<hbm>>, %arg3: memref<640x128xf32, #tpu.memory_space<hbm>>, %arg4: memref<128x128xf32, #tpu.memory_space<hbm>>, %arg5: memref<2x10240x128xf32, #tpu.memory_space<hbm>>, %arg6: memref<16x128xi32, #tpu.memory_space<vmem>>, %arg7: memref<128x128xf32, #tpu.memory_space<vmem>>, %arg8: memref<10240x128xf32, #tpu.memory_space<vmem_shared>>) attributes {dimension_semantics = [#tpu.dimension_semantics<core_parallel>, #tpu.dimension_semantics<subcore_parallel>], iteration_bounds = array<i64: 2, 16>, scalar_prefetch = 0 : i64, scratch_operands = 3 : i64, tpu.core_type = #tpu.core_type<sc_vector_subcore>, window_params = [{transform_indices = #map}, {transform_indices = #map1}, {transform_indices = #map1}, {transform_indices = #map}]} {
    %mul3A = arith.constant 16 : i32
    %mul3A_0 = arith.muli %arg0, %mul3A : i32
    %add3A = arith.addi %mul3A_0, %arg1 : i32
    %mul3A_1 = arith.constant 640 : i32
    %mul3A_2 = arith.muli %arg1, %mul3A_1 : i32
    "tpu.region"() ({
      %run_scoped3A = tpu.sem_alloc : memref<!tpu.dma_semaphore, #tpu.memory_space<semaphore_mem>>
      %dma_start3A = arith.constant 0 : i32
      %dma_start3A_48 = tpu.memref_slice %arg8[%mul3A_2, %dma_start3A] : memref<10240x128xf32, #tpu.memory_space<vmem_shared>> -> memref<640x128xf32, #tpu.memory_space<vmem_shared>>
      tpu.enqueue_dma source(%arg3 : memref<640x128xf32, #tpu.memory_space<hbm>>) target(%dma_start3A_48 : memref<640x128xf32, #tpu.memory_space<vmem_shared>>) target_semaphore(%run_scoped3A : memref<!tpu.dma_semaphore, #tpu.memory_space<semaphore_mem>>)
      %dma_wait3A = arith.constant 0 : i32
      %dma_wait3A_49 = tpu.memref_slice %arg8[%mul3A_2, %dma_wait3A] : memref<10240x128xf32, #tpu.memory_space<vmem_shared>> -> memref<640x128xf32, #tpu.memory_space<vmem_shared>>
      tpu.wait_dma2 semaphore(%run_scoped3A : memref<!tpu.dma_semaphore, #tpu.memory_space<semaphore_mem>>) src(%arg3 : memref<640x128xf32, #tpu.memory_space<hbm>>) dst(%dma_wait3A_49 : memref<640x128xf32, #tpu.memory_space<vmem_shared>>)
      tpu.yield
    }) : () -> ()
    "tpu.region"() ({
      %run_scoped3A = tpu.sem_alloc : memref<!tpu.dma_semaphore, #tpu.memory_space<semaphore_mem>>
      tpu.enqueue_dma source(%arg4 : memref<128x128xf32, #tpu.memory_space<hbm>>) target(%arg7 : memref<128x128xf32, #tpu.memory_space<vmem>>) target_semaphore(%run_scoped3A : memref<!tpu.dma_semaphore, #tpu.memory_space<semaphore_mem>>)
      tpu.wait_dma2 semaphore(%run_scoped3A : memref<!tpu.dma_semaphore, #tpu.memory_space<semaphore_mem>>) src(%arg4 : memref<128x128xf32, #tpu.memory_space<hbm>>) dst(%arg7 : memref<128x128xf32, #tpu.memory_space<vmem>>)
      tpu.yield
    }) : () -> ()
    %barrier3A = arith.constant 0 : index
    tpu.barrier barrier_id(%barrier3A)
    %mul3A_3 = arith.constant 5 : i32
    %mul3A_4 = arith.muli %add3A, %mul3A_3 : i32
    %add3A_5 = arith.constant 0 : i32
    %add3A_6 = arith.addi %mul3A_4, %add3A_5 : i32
    "tpu.region"() ({
      %run_scoped3A = tpu.sem_alloc : memref<!tpu.dma_semaphore, #tpu.memory_space<semaphore_mem>>
      %dma_start3A = arith.constant 0 : i32
      %dma_start3A_48 = arith.constant 0 : i32
      %dma_start3A_49 = tpu.memref_slice %arg2[%add3A_6, %dma_start3A, %dma_start3A_48] : memref<160x16x128xi32, #tpu.memory_space<hbm>> -> memref<1x16x128xi32, #tpu.memory_space<hbm>>
      %dma_start3A_50 = tpu.memref_squeeze %dma_start3A_49 : memref<1x16x128xi32, #tpu.memory_space<hbm>> -> memref<16x128xi32, #tpu.memory_space<hbm>>
      %dma_start3A_51 = arith.constant 0 : i32
      %dma_start3A_52 = arith.constant 0 : i32
      %dma_start3A_53 = tpu.memref_slice %arg2[%add3A_6, %dma_start3A_51, %dma_start3A_52] : memref<160x16x128xi32, #tpu.memory_space<hbm>> -> memref<1x16x128xi32, #tpu.memory_space<hbm>>
      %dma_start3A_54 = tpu.memref_squeeze %dma_start3A_53 : memref<1x16x128xi32, #tpu.memory_space<hbm>> -> memref<16x128xi32, #tpu.memory_space<hbm>>
      tpu.enqueue_dma source(%dma_start3A_54 : memref<16x128xi32, #tpu.memory_space<hbm>>) target(%arg6 : memref<16x128xi32, #tpu.memory_space<vmem>>) target_semaphore(%run_scoped3A : memref<!tpu.dma_semaphore, #tpu.memory_space<semaphore_mem>>)
      %dma_wait3A = arith.constant 0 : i32
      %dma_wait3A_55 = arith.constant 0 : i32
      %dma_wait3A_56 = tpu.memref_slice %arg2[%add3A_6, %dma_wait3A, %dma_wait3A_55] : memref<160x16x128xi32, #tpu.memory_space<hbm>> -> memref<1x16x128xi32, #tpu.memory_space<hbm>>
      %dma_wait3A_57 = tpu.memref_squeeze %dma_wait3A_56 : memref<1x16x128xi32, #tpu.memory_space<hbm>> -> memref<16x128xi32, #tpu.memory_space<hbm>>
      %dma_wait3A_58 = arith.constant 0 : i32
      %dma_wait3A_59 = arith.constant 0 : i32
      %dma_wait3A_60 = tpu.memref_slice %arg2[%add3A_6, %dma_wait3A_58, %dma_wait3A_59] : memref<160x16x128xi32, #tpu.memory_space<hbm>> -> memref<1x16x128xi32, #tpu.memory_space<hbm>>
      %dma_wait3A_61 = tpu.memref_squeeze %dma_wait3A_60 : memref<1x16x128xi32, #tpu.memory_space<hbm>> -> memref<16x128xi32, #tpu.memory_space<hbm>>
      tpu.wait_dma2 semaphore(%run_scoped3A : memref<!tpu.dma_semaphore, #tpu.memory_space<semaphore_mem>>) src(%dma_wait3A_61 : memref<16x128xi32, #tpu.memory_space<hbm>>) dst(%arg6 : memref<16x128xi32, #tpu.memory_space<vmem>>)
      tpu.yield
    }) : () -> ()
    %scan3A = arith.constant 0 : i32
    %scan3A_7 = arith.constant 16 : i32
    %scan3A_8 = arith.addi %scan3A, %scan3A_7 : i32
    %scan3A_9 = arith.constant 1 : i32
    scf.for %scan3A_48 = %scan3A to %scan3A_8 step %scan3A_9  : i32 {
      %mul3A_49 = arith.constant 1 : i32
      %mul3A_50 = arith.muli %scan3A_48, %mul3A_49 : i32
      %add3A_51 = arith.constant 0 : i32
      %add3A_52 = arith.addi %add3A_51, %mul3A_50 : i32
      "tpu.region"() ({
        %run_scoped3A = tpu.sem_alloc : memref<!tpu.dma_semaphore, #tpu.memory_space<semaphore_mem>>
        %dma_start3A = arith.constant 0 : i32
        %dma_start3A_53 = tpu.memref_slice %arg6[%add3A_52, %dma_start3A] : memref<16x128xi32, #tpu.memory_space<vmem>> -> memref<1x128xi32, #tpu.memory_space<vmem>>
        %dma_start3A_54 = tpu.memref_squeeze %dma_start3A_53 : memref<1x128xi32, #tpu.memory_space<vmem>> -> memref<128xi32, #tpu.memory_space<vmem>>
        %dma_start3A_55 = arith.constant 0 : i32
        %dma_start3A_56 = arith.constant 0 : i32
        %dma_start3A_57 = tpu.memref_slice %arg8[%dma_start3A_55, %dma_start3A_56] : memref<10240x128xf32, #tpu.memory_space<vmem_shared>> -> memref<10240x128xf32, #tpu.memory_space<vmem_shared>>
        tpu.enqueue_indirect_dma source(%arg7 : memref<128x128xf32, #tpu.memory_space<vmem>>) target(%dma_start3A_57 : memref<10240x128xf32, #tpu.memory_space<vmem_shared>>) offsets(%dma_start3A_54 : memref<128xi32, #tpu.memory_space<vmem>>) semaphore(%run_scoped3A : memref<!tpu.dma_semaphore, #tpu.memory_space<semaphore_mem>>) {add = true}
        %dma_wait3A = arith.constant 0 : i32
        %dma_wait3A_58 = tpu.memref_slice %arg6[%add3A_52, %dma_wait3A] : memref<16x128xi32, #tpu.memory_space<vmem>> -> memref<1x128xi32, #tpu.memory_space<vmem>>
        %dma_wait3A_59 = tpu.memref_squeeze %dma_wait3A_58 : memref<1x128xi32, #tpu.memory_space<vmem>> -> memref<128xi32, #tpu.memory_space<vmem>>
        %dma_wait3A_60 = arith.constant 0 : i32
        %dma_wait3A_61 = arith.constant 0 : i32
        %dma_wait3A_62 = tpu.memref_slice %arg8[%dma_wait3A_60, %dma_wait3A_61] : memref<10240x128xf32, #tpu.memory_space<vmem_shared>> -> memref<10240x128xf32, #tpu.memory_space<vmem_shared>>
        tpu.wait_indirect_dma semaphore(%run_scoped3A : memref<!tpu.dma_semaphore, #tpu.memory_space<semaphore_mem>>) src(%arg7 : memref<128x128xf32, #tpu.memory_space<vmem>>) dst(%dma_wait3A_62 : memref<10240x128xf32, #tpu.memory_space<vmem_shared>>)
        tpu.yield
      }) : () -> ()
    }
    %scan3A_10 = arith.constant 16 : i32
    %mul3A_11 = arith.constant 5 : i32
    %mul3A_12 = arith.muli %add3A, %mul3A_11 : i32
    %add3A_13 = arith.constant 1 : i32
    %add3A_14 = arith.addi %mul3A_12, %add3A_13 : i32
    "tpu.region"() ({
      %run_scoped3A = tpu.sem_alloc : memref<!tpu.dma_semaphore, #tpu.memory_space<semaphore_mem>>
      %dma_start3A = arith.constant 0 : i32
      %dma_start3A_48 = arith.constant 0 : i32
      %dma_start3A_49 = tpu.memref_slice %arg2[%add3A_14, %dma_start3A, %dma_start3A_48] : memref<160x16x128xi32, #tpu.memory_space<hbm>> -> memref<1x16x128xi32, #tpu.memory_space<hbm>>
      %dma_start3A_50 = tpu.memref_squeeze %dma_start3A_49 : memref<1x16x128xi32, #tpu.memory_space<hbm>> -> memref<16x128xi32, #tpu.memory_space<hbm>>
      %dma_start3A_51 = arith.constant 0 : i32
      %dma_start3A_52 = arith.constant 0 : i32
      %dma_start3A_53 = tpu.memref_slice %arg2[%add3A_14, %dma_start3A_51, %dma_start3A_52] : memref<160x16x128xi32, #tpu.memory_space<hbm>> -> memref<1x16x128xi32, #tpu.memory_space<hbm>>
      %dma_start3A_54 = tpu.memref_squeeze %dma_start3A_53 : memref<1x16x128xi32, #tpu.memory_space<hbm>> -> memref<16x128xi32, #tpu.memory_space<hbm>>
      tpu.enqueue_dma source(%dma_start3A_54 : memref<16x128xi32, #tpu.memory_space<hbm>>) target(%arg6 : memref<16x128xi32, #tpu.memory_space<vmem>>) target_semaphore(%run_scoped3A : memref<!tpu.dma_semaphore, #tpu.memory_space<semaphore_mem>>)
      %dma_wait3A = arith.constant 0 : i32
      %dma_wait3A_55 = arith.constant 0 : i32
      %dma_wait3A_56 = tpu.memref_slice %arg2[%add3A_14, %dma_wait3A, %dma_wait3A_55] : memref<160x16x128xi32, #tpu.memory_space<hbm>> -> memref<1x16x128xi32, #tpu.memory_space<hbm>>
      %dma_wait3A_57 = tpu.memref_squeeze %dma_wait3A_56 : memref<1x16x128xi32, #tpu.memory_space<hbm>> -> memref<16x128xi32, #tpu.memory_space<hbm>>
      %dma_wait3A_58 = arith.constant 0 : i32
      %dma_wait3A_59 = arith.constant 0 : i32
      %dma_wait3A_60 = tpu.memref_slice %arg2[%add3A_14, %dma_wait3A_58, %dma_wait3A_59] : memref<160x16x128xi32, #tpu.memory_space<hbm>> -> memref<1x16x128xi32, #tpu.memory_space<hbm>>
      %dma_wait3A_61 = tpu.memref_squeeze %dma_wait3A_60 : memref<1x16x128xi32, #tpu.memory_space<hbm>> -> memref<16x128xi32, #tpu.memory_space<hbm>>
      tpu.wait_dma2 semaphore(%run_scoped3A : memref<!tpu.dma_semaphore, #tpu.memory_space<semaphore_mem>>) src(%dma_wait3A_61 : memref<16x128xi32, #tpu.memory_space<hbm>>) dst(%arg6 : memref<16x128xi32, #tpu.memory_space<vmem>>)
      tpu.yield
    }) : () -> ()
    %scan3A_15 = arith.constant 0 : i32
    %scan3A_16 = arith.constant 16 : i32
    %scan3A_17 = arith.addi %scan3A_15, %scan3A_16 : i32
    %scan3A_18 = arith.constant 1 : i32
    scf.for %scan3A_48 = %scan3A_15 to %scan3A_17 step %scan3A_18  : i32 {
      %mul3A_49 = arith.constant 1 : i32
      %mul3A_50 = arith.muli %scan3A_48, %mul3A_49 : i32
      %add3A_51 = arith.constant 0 : i32
      %add3A_52 = arith.addi %add3A_51, %mul3A_50 : i32
      "tpu.region"() ({
        %run_scoped3A = tpu.sem_alloc : memref<!tpu.dma_semaphore, #tpu.memory_space<semaphore_mem>>
        %dma_start3A = arith.constant 0 : i32
        %dma_start3A_53 = tpu.memref_slice %arg6[%add3A_52, %dma_start3A] : memref<16x128xi32, #tpu.memory_space<vmem>> -> memref<1x128xi32, #tpu.memory_space<vmem>>
        %dma_start3A_54 = tpu.memref_squeeze %dma_start3A_53 : memref<1x128xi32, #tpu.memory_space<vmem>> -> memref<128xi32, #tpu.memory_space<vmem>>
        %dma_start3A_55 = arith.constant 0 : i32
        %dma_start3A_56 = arith.constant 0 : i32
        %dma_start3A_57 = tpu.memref_slice %arg8[%dma_start3A_55, %dma_start3A_56] : memref<10240x128xf32, #tpu.memory_space<vmem_shared>> -> memref<10240x128xf32, #tpu.memory_space<vmem_shared>>
        tpu.enqueue_indirect_dma source(%arg7 : memref<128x128xf32, #tpu.memory_space<vmem>>) target(%dma_start3A_57 : memref<10240x128xf32, #tpu.memory_space<vmem_shared>>) offsets(%dma_start3A_54 : memref<128xi32, #tpu.memory_space<vmem>>) semaphore(%run_scoped3A : memref<!tpu.dma_semaphore, #tpu.memory_space<semaphore_mem>>) {add = true}
        %dma_wait3A = arith.constant 0 : i32
        %dma_wait3A_58 = tpu.memref_slice %arg6[%add3A_52, %dma_wait3A] : memref<16x128xi32, #tpu.memory_space<vmem>> -> memref<1x128xi32, #tpu.memory_space<vmem>>
        %dma_wait3A_59 = tpu.memref_squeeze %dma_wait3A_58 : memref<1x128xi32, #tpu.memory_space<vmem>> -> memref<128xi32, #tpu.memory_space<vmem>>
        %dma_wait3A_60 = arith.constant 0 : i32
        %dma_wait3A_61 = arith.constant 0 : i32
        %dma_wait3A_62 = tpu.memref_slice %arg8[%dma_wait3A_60, %dma_wait3A_61] : memref<10240x128xf32, #tpu.memory_space<vmem_shared>> -> memref<10240x128xf32, #tpu.memory_space<vmem_shared>>
        tpu.wait_indirect_dma semaphore(%run_scoped3A : memref<!tpu.dma_semaphore, #tpu.memory_space<semaphore_mem>>) src(%arg7 : memref<128x128xf32, #tpu.memory_space<vmem>>) dst(%dma_wait3A_62 : memref<10240x128xf32, #tpu.memory_space<vmem_shared>>)
        tpu.yield
      }) : () -> ()
    }
    %scan3A_19 = arith.constant 16 : i32
    %mul3A_20 = arith.constant 5 : i32
    %mul3A_21 = arith.muli %add3A, %mul3A_20 : i32
    %add3A_22 = arith.constant 2 : i32
    %add3A_23 = arith.addi %mul3A_21, %add3A_22 : i32
    "tpu.region"() ({
      %run_scoped3A = tpu.sem_alloc : memref<!tpu.dma_semaphore, #tpu.memory_space<semaphore_mem>>
      %dma_start3A = arith.constant 0 : i32
      %dma_start3A_48 = arith.constant 0 : i32
      %dma_start3A_49 = tpu.memref_slice %arg2[%add3A_23, %dma_start3A, %dma_start3A_48] : memref<160x16x128xi32, #tpu.memory_space<hbm>> -> memref<1x16x128xi32, #tpu.memory_space<hbm>>
      %dma_start3A_50 = tpu.memref_squeeze %dma_start3A_49 : memref<1x16x128xi32, #tpu.memory_space<hbm>> -> memref<16x128xi32, #tpu.memory_space<hbm>>
      %dma_start3A_51 = arith.constant 0 : i32
      %dma_start3A_52 = arith.constant 0 : i32
      %dma_start3A_53 = tpu.memref_slice %arg2[%add3A_23, %dma_start3A_51, %dma_start3A_52] : memref<160x16x128xi32, #tpu.memory_space<hbm>> -> memref<1x16x128xi32, #tpu.memory_space<hbm>>
      %dma_start3A_54 = tpu.memref_squeeze %dma_start3A_53 : memref<1x16x128xi32, #tpu.memory_space<hbm>> -> memref<16x128xi32, #tpu.memory_space<hbm>>
      tpu.enqueue_dma source(%dma_start3A_54 : memref<16x128xi32, #tpu.memory_space<hbm>>) target(%arg6 : memref<16x128xi32, #tpu.memory_space<vmem>>) target_semaphore(%run_scoped3A : memref<!tpu.dma_semaphore, #tpu.memory_space<semaphore_mem>>)
      %dma_wait3A = arith.constant 0 : i32
      %dma_wait3A_55 = arith.constant 0 : i32
      %dma_wait3A_56 = tpu.memref_slice %arg2[%add3A_23, %dma_wait3A, %dma_wait3A_55] : memref<160x16x128xi32, #tpu.memory_space<hbm>> -> memref<1x16x128xi32, #tpu.memory_space<hbm>>
      %dma_wait3A_57 = tpu.memref_squeeze %dma_wait3A_56 : memref<1x16x128xi32, #tpu.memory_space<hbm>> -> memref<16x128xi32, #tpu.memory_space<hbm>>
      %dma_wait3A_58 = arith.constant 0 : i32
      %dma_wait3A_59 = arith.constant 0 : i32
      %dma_wait3A_60 = tpu.memref_slice %arg2[%add3A_23, %dma_wait3A_58, %dma_wait3A_59] : memref<160x16x128xi32, #tpu.memory_space<hbm>> -> memref<1x16x128xi32, #tpu.memory_space<hbm>>
      %dma_wait3A_61 = tpu.memref_squeeze %dma_wait3A_60 : memref<1x16x128xi32, #tpu.memory_space<hbm>> -> memref<16x128xi32, #tpu.memory_space<hbm>>
      tpu.wait_dma2 semaphore(%run_scoped3A : memref<!tpu.dma_semaphore, #tpu.memory_space<semaphore_mem>>) src(%dma_wait3A_61 : memref<16x128xi32, #tpu.memory_space<hbm>>) dst(%arg6 : memref<16x128xi32, #tpu.memory_space<vmem>>)
      tpu.yield
    }) : () -> ()
    %scan3A_24 = arith.constant 0 : i32
    %scan3A_25 = arith.constant 16 : i32
    %scan3A_26 = arith.addi %scan3A_24, %scan3A_25 : i32
    %scan3A_27 = arith.constant 1 : i32
    scf.for %scan3A_48 = %scan3A_24 to %scan3A_26 step %scan3A_27  : i32 {
      %mul3A_49 = arith.constant 1 : i32
      %mul3A_50 = arith.muli %scan3A_48, %mul3A_49 : i32
      %add3A_51 = arith.constant 0 : i32
      %add3A_52 = arith.addi %add3A_51, %mul3A_50 : i32
      "tpu.region"() ({
        %run_scoped3A = tpu.sem_alloc : memref<!tpu.dma_semaphore, #tpu.memory_space<semaphore_mem>>
        %dma_start3A = arith.constant 0 : i32
        %dma_start3A_53 = tpu.memref_slice %arg6[%add3A_52, %dma_start3A] : memref<16x128xi32, #tpu.memory_space<vmem>> -> memref<1x128xi32, #tpu.memory_space<vmem>>
        %dma_start3A_54 = tpu.memref_squeeze %dma_start3A_53 : memref<1x128xi32, #tpu.memory_space<vmem>> -> memref<128xi32, #tpu.memory_space<vmem>>
        %dma_start3A_55 = arith.constant 0 : i32
        %dma_start3A_56 = arith.constant 0 : i32
        %dma_start3A_57 = tpu.memref_slice %arg8[%dma_start3A_55, %dma_start3A_56] : memref<10240x128xf32, #tpu.memory_space<vmem_shared>> -> memref<10240x128xf32, #tpu.memory_space<vmem_shared>>
        tpu.enqueue_indirect_dma source(%arg7 : memref<128x128xf32, #tpu.memory_space<vmem>>) target(%dma_start3A_57 : memref<10240x128xf32, #tpu.memory_space<vmem_shared>>) offsets(%dma_start3A_54 : memref<128xi32, #tpu.memory_space<vmem>>) semaphore(%run_scoped3A : memref<!tpu.dma_semaphore, #tpu.memory_space<semaphore_mem>>) {add = true}
        %dma_wait3A = arith.constant 0 : i32
        %dma_wait3A_58 = tpu.memref_slice %arg6[%add3A_52, %dma_wait3A] : memref<16x128xi32, #tpu.memory_space<vmem>> -> memref<1x128xi32, #tpu.memory_space<vmem>>
        %dma_wait3A_59 = tpu.memref_squeeze %dma_wait3A_58 : memref<1x128xi32, #tpu.memory_space<vmem>> -> memref<128xi32, #tpu.memory_space<vmem>>
        %dma_wait3A_60 = arith.constant 0 : i32
        %dma_wait3A_61 = arith.constant 0 : i32
        %dma_wait3A_62 = tpu.memref_slice %arg8[%dma_wait3A_60, %dma_wait3A_61] : memref<10240x128xf32, #tpu.memory_space<vmem_shared>> -> memref<10240x128xf32, #tpu.memory_space<vmem_shared>>
        tpu.wait_indirect_dma semaphore(%run_scoped3A : memref<!tpu.dma_semaphore, #tpu.memory_space<semaphore_mem>>) src(%arg7 : memref<128x128xf32, #tpu.memory_space<vmem>>) dst(%dma_wait3A_62 : memref<10240x128xf32, #tpu.memory_space<vmem_shared>>)
        tpu.yield
      }) : () -> ()
    }
    %scan3A_28 = arith.constant 16 : i32
    %mul3A_29 = arith.constant 5 : i32
    %mul3A_30 = arith.muli %add3A, %mul3A_29 : i32
    %add3A_31 = arith.constant 3 : i32
    %add3A_32 = arith.addi %mul3A_30, %add3A_31 : i32
    "tpu.region"() ({
      %run_scoped3A = tpu.sem_alloc : memref<!tpu.dma_semaphore, #tpu.memory_space<semaphore_mem>>
      %dma_start3A = arith.constant 0 : i32
      %dma_start3A_48 = arith.constant 0 : i32
      %dma_start3A_49 = tpu.memref_slice %arg2[%add3A_32, %dma_start3A, %dma_start3A_48] : memref<160x16x128xi32, #tpu.memory_space<hbm>> -> memref<1x16x128xi32, #tpu.memory_space<hbm>>
      %dma_start3A_50 = tpu.memref_squeeze %dma_start3A_49 : memref<1x16x128xi32, #tpu.memory_space<hbm>> -> memref<16x128xi32, #tpu.memory_space<hbm>>
      %dma_start3A_51 = arith.constant 0 : i32
      %dma_start3A_52 = arith.constant 0 : i32
      %dma_start3A_53 = tpu.memref_slice %arg2[%add3A_32, %dma_start3A_51, %dma_start3A_52] : memref<160x16x128xi32, #tpu.memory_space<hbm>> -> memref<1x16x128xi32, #tpu.memory_space<hbm>>
      %dma_start3A_54 = tpu.memref_squeeze %dma_start3A_53 : memref<1x16x128xi32, #tpu.memory_space<hbm>> -> memref<16x128xi32, #tpu.memory_space<hbm>>
      tpu.enqueue_dma source(%dma_start3A_54 : memref<16x128xi32, #tpu.memory_space<hbm>>) target(%arg6 : memref<16x128xi32, #tpu.memory_space<vmem>>) target_semaphore(%run_scoped3A : memref<!tpu.dma_semaphore, #tpu.memory_space<semaphore_mem>>)
      %dma_wait3A = arith.constant 0 : i32
      %dma_wait3A_55 = arith.constant 0 : i32
      %dma_wait3A_56 = tpu.memref_slice %arg2[%add3A_32, %dma_wait3A, %dma_wait3A_55] : memref<160x16x128xi32, #tpu.memory_space<hbm>> -> memref<1x16x128xi32, #tpu.memory_space<hbm>>
      %dma_wait3A_57 = tpu.memref_squeeze %dma_wait3A_56 : memref<1x16x128xi32, #tpu.memory_space<hbm>> -> memref<16x128xi32, #tpu.memory_space<hbm>>
      %dma_wait3A_58 = arith.constant 0 : i32
      %dma_wait3A_59 = arith.constant 0 : i32
      %dma_wait3A_60 = tpu.memref_slice %arg2[%add3A_32, %dma_wait3A_58, %dma_wait3A_59] : memref<160x16x128xi32, #tpu.memory_space<hbm>> -> memref<1x16x128xi32, #tpu.memory_space<hbm>>
      %dma_wait3A_61 = tpu.memref_squeeze %dma_wait3A_60 : memref<1x16x128xi32, #tpu.memory_space<hbm>> -> memref<16x128xi32, #tpu.memory_space<hbm>>
      tpu.wait_dma2 semaphore(%run_scoped3A : memref<!tpu.dma_semaphore, #tpu.memory_space<semaphore_mem>>) src(%dma_wait3A_61 : memref<16x128xi32, #tpu.memory_space<hbm>>) dst(%arg6 : memref<16x128xi32, #tpu.memory_space<vmem>>)
      tpu.yield
    }) : () -> ()
    %scan3A_33 = arith.constant 0 : i32
    %scan3A_34 = arith.constant 16 : i32
    %scan3A_35 = arith.addi %scan3A_33, %scan3A_34 : i32
    %scan3A_36 = arith.constant 1 : i32
    scf.for %scan3A_48 = %scan3A_33 to %scan3A_35 step %scan3A_36  : i32 {
      %mul3A_49 = arith.constant 1 : i32
      %mul3A_50 = arith.muli %scan3A_48, %mul3A_49 : i32
      %add3A_51 = arith.constant 0 : i32
      %add3A_52 = arith.addi %add3A_51, %mul3A_50 : i32
      "tpu.region"() ({
        %run_scoped3A = tpu.sem_alloc : memref<!tpu.dma_semaphore, #tpu.memory_space<semaphore_mem>>
        %dma_start3A = arith.constant 0 : i32
        %dma_start3A_53 = tpu.memref_slice %arg6[%add3A_52, %dma_start3A] : memref<16x128xi32, #tpu.memory_space<vmem>> -> memref<1x128xi32, #tpu.memory_space<vmem>>
        %dma_start3A_54 = tpu.memref_squeeze %dma_start3A_53 : memref<1x128xi32, #tpu.memory_space<vmem>> -> memref<128xi32, #tpu.memory_space<vmem>>
        %dma_start3A_55 = arith.constant 0 : i32
        %dma_start3A_56 = arith.constant 0 : i32
        %dma_start3A_57 = tpu.memref_slice %arg8[%dma_start3A_55, %dma_start3A_56] : memref<10240x128xf32, #tpu.memory_space<vmem_shared>> -> memref<10240x128xf32, #tpu.memory_space<vmem_shared>>
        tpu.enqueue_indirect_dma source(%arg7 : memref<128x128xf32, #tpu.memory_space<vmem>>) target(%dma_start3A_57 : memref<10240x128xf32, #tpu.memory_space<vmem_shared>>) offsets(%dma_start3A_54 : memref<128xi32, #tpu.memory_space<vmem>>) semaphore(%run_scoped3A : memref<!tpu.dma_semaphore, #tpu.memory_space<semaphore_mem>>) {add = true}
        %dma_wait3A = arith.constant 0 : i32
        %dma_wait3A_58 = tpu.memref_slice %arg6[%add3A_52, %dma_wait3A] : memref<16x128xi32, #tpu.memory_space<vmem>> -> memref<1x128xi32, #tpu.memory_space<vmem>>
        %dma_wait3A_59 = tpu.memref_squeeze %dma_wait3A_58 : memref<1x128xi32, #tpu.memory_space<vmem>> -> memref<128xi32, #tpu.memory_space<vmem>>
        %dma_wait3A_60 = arith.constant 0 : i32
        %dma_wait3A_61 = arith.constant 0 : i32
        %dma_wait3A_62 = tpu.memref_slice %arg8[%dma_wait3A_60, %dma_wait3A_61] : memref<10240x128xf32, #tpu.memory_space<vmem_shared>> -> memref<10240x128xf32, #tpu.memory_space<vmem_shared>>
        tpu.wait_indirect_dma semaphore(%run_scoped3A : memref<!tpu.dma_semaphore, #tpu.memory_space<semaphore_mem>>) src(%arg7 : memref<128x128xf32, #tpu.memory_space<vmem>>) dst(%dma_wait3A_62 : memref<10240x128xf32, #tpu.memory_space<vmem_shared>>)
        tpu.yield
      }) : () -> ()
    }
    %scan3A_37 = arith.constant 16 : i32
    %mul3A_38 = arith.constant 5 : i32
    %mul3A_39 = arith.muli %add3A, %mul3A_38 : i32
    %add3A_40 = arith.constant 4 : i32
    %add3A_41 = arith.addi %mul3A_39, %add3A_40 : i32
    "tpu.region"() ({
      %run_scoped3A = tpu.sem_alloc : memref<!tpu.dma_semaphore, #tpu.memory_space<semaphore_mem>>
      %dma_start3A = arith.constant 0 : i32
      %dma_start3A_48 = arith.constant 0 : i32
      %dma_start3A_49 = tpu.memref_slice %arg2[%add3A_41, %dma_start3A, %dma_start3A_48] : memref<160x16x128xi32, #tpu.memory_space<hbm>> -> memref<1x16x128xi32, #tpu.memory_space<hbm>>
      %dma_start3A_50 = tpu.memref_squeeze %dma_start3A_49 : memref<1x16x128xi32, #tpu.memory_space<hbm>> -> memref<16x128xi32, #tpu.memory_space<hbm>>
      %dma_start3A_51 = arith.constant 0 : i32
      %dma_start3A_52 = arith.constant 0 : i32
      %dma_start3A_53 = tpu.memref_slice %arg2[%add3A_41, %dma_start3A_51, %dma_start3A_52] : memref<160x16x128xi32, #tpu.memory_space<hbm>> -> memref<1x16x128xi32, #tpu.memory_space<hbm>>
      %dma_start3A_54 = tpu.memref_squeeze %dma_start3A_53 : memref<1x16x128xi32, #tpu.memory_space<hbm>> -> memref<16x128xi32, #tpu.memory_space<hbm>>
      tpu.enqueue_dma source(%dma_start3A_54 : memref<16x128xi32, #tpu.memory_space<hbm>>) target(%arg6 : memref<16x128xi32, #tpu.memory_space<vmem>>) target_semaphore(%run_scoped3A : memref<!tpu.dma_semaphore, #tpu.memory_space<semaphore_mem>>)
      %dma_wait3A = arith.constant 0 : i32
      %dma_wait3A_55 = arith.constant 0 : i32
      %dma_wait3A_56 = tpu.memref_slice %arg2[%add3A_41, %dma_wait3A, %dma_wait3A_55] : memref<160x16x128xi32, #tpu.memory_space<hbm>> -> memref<1x16x128xi32, #tpu.memory_space<hbm>>
      %dma_wait3A_57 = tpu.memref_squeeze %dma_wait3A_56 : memref<1x16x128xi32, #tpu.memory_space<hbm>> -> memref<16x128xi32, #tpu.memory_space<hbm>>
      %dma_wait3A_58 = arith.constant 0 : i32
      %dma_wait3A_59 = arith.constant 0 : i32
      %dma_wait3A_60 = tpu.memref_slice %arg2[%add3A_41, %dma_wait3A_58, %dma_wait3A_59] : memref<160x16x128xi32, #tpu.memory_space<hbm>> -> memref<1x16x128xi32, #tpu.memory_space<hbm>>
      %dma_wait3A_61 = tpu.memref_squeeze %dma_wait3A_60 : memref<1x16x128xi32, #tpu.memory_space<hbm>> -> memref<16x128xi32, #tpu.memory_space<hbm>>
      tpu.wait_dma2 semaphore(%run_scoped3A : memref<!tpu.dma_semaphore, #tpu.memory_space<semaphore_mem>>) src(%dma_wait3A_61 : memref<16x128xi32, #tpu.memory_space<hbm>>) dst(%arg6 : memref<16x128xi32, #tpu.memory_space<vmem>>)
      tpu.yield
    }) : () -> ()
    %scan3A_42 = arith.constant 0 : i32
    %scan3A_43 = arith.constant 16 : i32
    %scan3A_44 = arith.addi %scan3A_42, %scan3A_43 : i32
    %scan3A_45 = arith.constant 1 : i32
    scf.for %scan3A_48 = %scan3A_42 to %scan3A_44 step %scan3A_45  : i32 {
      %mul3A_49 = arith.constant 1 : i32
      %mul3A_50 = arith.muli %scan3A_48, %mul3A_49 : i32
      %add3A_51 = arith.constant 0 : i32
      %add3A_52 = arith.addi %add3A_51, %mul3A_50 : i32
      "tpu.region"() ({
        %run_scoped3A = tpu.sem_alloc : memref<!tpu.dma_semaphore, #tpu.memory_space<semaphore_mem>>
        %dma_start3A = arith.constant 0 : i32
        %dma_start3A_53 = tpu.memref_slice %arg6[%add3A_52, %dma_start3A] : memref<16x128xi32, #tpu.memory_space<vmem>> -> memref<1x128xi32, #tpu.memory_space<vmem>>
        %dma_start3A_54 = tpu.memref_squeeze %dma_start3A_53 : memref<1x128xi32, #tpu.memory_space<vmem>> -> memref<128xi32, #tpu.memory_space<vmem>>
        %dma_start3A_55 = arith.constant 0 : i32
        %dma_start3A_56 = arith.constant 0 : i32
        %dma_start3A_57 = tpu.memref_slice %arg8[%dma_start3A_55, %dma_start3A_56] : memref<10240x128xf32, #tpu.memory_space<vmem_shared>> -> memref<10240x128xf32, #tpu.memory_space<vmem_shared>>
        tpu.enqueue_indirect_dma source(%arg7 : memref<128x128xf32, #tpu.memory_space<vmem>>) target(%dma_start3A_57 : memref<10240x128xf32, #tpu.memory_space<vmem_shared>>) offsets(%dma_start3A_54 : memref<128xi32, #tpu.memory_space<vmem>>) semaphore(%run_scoped3A : memref<!tpu.dma_semaphore, #tpu.memory_space<semaphore_mem>>) {add = true}
        %dma_wait3A = arith.constant 0 : i32
        %dma_wait3A_58 = tpu.memref_slice %arg6[%add3A_52, %dma_wait3A] : memref<16x128xi32, #tpu.memory_space<vmem>> -> memref<1x128xi32, #tpu.memory_space<vmem>>
        %dma_wait3A_59 = tpu.memref_squeeze %dma_wait3A_58 : memref<1x128xi32, #tpu.memory_space<vmem>> -> memref<128xi32, #tpu.memory_space<vmem>>
        %dma_wait3A_60 = arith.constant 0 : i32
        %dma_wait3A_61 = arith.constant 0 : i32
        %dma_wait3A_62 = tpu.memref_slice %arg8[%dma_wait3A_60, %dma_wait3A_61] : memref<10240x128xf32, #tpu.memory_space<vmem_shared>> -> memref<10240x128xf32, #tpu.memory_space<vmem_shared>>
        tpu.wait_indirect_dma semaphore(%run_scoped3A : memref<!tpu.dma_semaphore, #tpu.memory_space<semaphore_mem>>) src(%arg7 : memref<128x128xf32, #tpu.memory_space<vmem>>) dst(%dma_wait3A_62 : memref<10240x128xf32, #tpu.memory_space<vmem_shared>>)
        tpu.yield
      }) : () -> ()
    }
    %scan3A_46 = arith.constant 16 : i32
    %barrier3A_47 = arith.constant 0 : index
    tpu.barrier barrier_id(%barrier3A_47)
    "tpu.region"() ({
      %run_scoped3A = tpu.sem_alloc : memref<!tpu.dma_semaphore, #tpu.memory_space<semaphore_mem>>
      %dma_start3A = arith.constant 0 : i32
      %dma_start3A_48 = arith.constant 0 : i32
      %dma_start3A_49 = tpu.memref_slice %arg5[%arg0, %dma_start3A, %dma_start3A_48] : memref<2x10240x128xf32, #tpu.memory_space<hbm>> -> memref<1x10240x128xf32, #tpu.memory_space<hbm>>
      %dma_start3A_50 = tpu.memref_squeeze %dma_start3A_49 : memref<1x10240x128xf32, #tpu.memory_space<hbm>> -> memref<10240x128xf32, #tpu.memory_space<hbm>>
      %dma_start3A_51 = arith.constant 0 : i32
      %dma_start3A_52 = tpu.memref_slice %dma_start3A_50[%mul3A_2, %dma_start3A_51] : memref<10240x128xf32, #tpu.memory_space<hbm>> -> memref<640x128xf32, #tpu.memory_space<hbm>>
      %dma_start3A_53 = arith.constant 0 : i32
      %dma_start3A_54 = tpu.memref_slice %arg8[%mul3A_2, %dma_start3A_53] : memref<10240x128xf32, #tpu.memory_space<vmem_shared>> -> memref<640x128xf32, #tpu.memory_space<vmem_shared>>
      tpu.enqueue_dma source(%dma_start3A_54 : memref<640x128xf32, #tpu.memory_space<vmem_shared>>) target(%dma_start3A_52 : memref<640x128xf32, #tpu.memory_space<hbm>>) target_semaphore(%run_scoped3A : memref<!tpu.dma_semaphore, #tpu.memory_space<semaphore_mem>>)
      %dma_wait3A = arith.constant 0 : i32
      %dma_wait3A_55 = arith.constant 0 : i32
      %dma_wait3A_56 = tpu.memref_slice %arg5[%arg0, %dma_wait3A, %dma_wait3A_55] : memref<2x10240x128xf32, #tpu.memory_space<hbm>> -> memref<1x10240x128xf32, #tpu.memory_space<hbm>>
      %dma_wait3A_57 = tpu.memref_squeeze %dma_wait3A_56 : memref<1x10240x128xf32, #tpu.memory_space<hbm>> -> memref<10240x128xf32, #tpu.memory_space<hbm>>
      %dma_wait3A_58 = arith.constant 0 : i32
      %dma_wait3A_59 = tpu.memref_slice %dma_wait3A_57[%mul3A_2, %dma_wait3A_58] : memref<10240x128xf32, #tpu.memory_space<hbm>> -> memref<640x128xf32, #tpu.memory_space<hbm>>
      %dma_wait3A_60 = arith.constant 0 : i32
      %dma_wait3A_61 = tpu.memref_slice %arg8[%mul3A_2, %dma_wait3A_60] : memref<10240x128xf32, #tpu.memory_space<vmem_shared>> -> memref<640x128xf32, #tpu.memory_space<vmem_shared>>
      tpu.wait_dma2 semaphore(%run_scoped3A : memref<!tpu.dma_semaphore, #tpu.memory_space<semaphore_mem>>) src(%dma_wait3A_61 : memref<640x128xf32, #tpu.memory_space<vmem_shared>>) dst(%dma_wait3A_59 : memref<640x128xf32, #tpu.memory_space<hbm>>)
      tpu.yield
    }) : () -> ()
    return
  }
}

#map = affine_map<(d0, d1) -> (0, 0)>
#map1 = affine_map<(d0, d1) -> (0, 0, 0)>
module attributes {stable_mosaic.version = 14 : i64} {
  func.func @agg(%arg0: i32, %arg1: i32, %arg2: memref<10240x128xf32, #tpu.memory_space<hbm>>, %arg3: memref<160x16x128xi32, #tpu.memory_space<hbm>>, %arg4: memref<160x16x128xi32, #tpu.memory_space<hbm>>, %arg5: memref<640x128xf32, #tpu.memory_space<hbm>>, %arg6: memref<2x10240x128xf32, #tpu.memory_space<hbm>>, %arg7: memref<16x128xi32, #tpu.memory_space<vmem>>, %arg8: memref<16x128xi32, #tpu.memory_space<vmem>>, %arg9: memref<256x128xf32, #tpu.memory_space<vmem>>, %arg10: memref<10240x128xf32, #tpu.memory_space<vmem_shared>>) attributes {dimension_semantics = [#tpu.dimension_semantics<core_parallel>, #tpu.dimension_semantics<subcore_parallel>], iteration_bounds = array<i64: 2, 16>, scalar_prefetch = 0 : i64, scratch_operands = 4 : i64, tpu.core_type = #tpu.core_type<sc_vector_subcore>, window_params = [{transform_indices = #map}, {transform_indices = #map1}, {transform_indices = #map1}, {transform_indices = #map}, {transform_indices = #map1}]} {
    %mul3A = arith.constant 16 : i32
    %mul3A_0 = arith.muli %arg0, %mul3A : i32
    %add3A = arith.addi %mul3A_0, %arg1 : i32
    %mul3A_1 = arith.constant 640 : i32
    %mul3A_2 = arith.muli %arg1, %mul3A_1 : i32
    "tpu.region"() ({
      %run_scoped3A = tpu.sem_alloc : memref<!tpu.dma_semaphore, #tpu.memory_space<semaphore_mem>>
      %dma_start3A = arith.constant 0 : i32
      %dma_start3A_68 = tpu.memref_slice %arg10[%mul3A_2, %dma_start3A] : memref<10240x128xf32, #tpu.memory_space<vmem_shared>> -> memref<640x128xf32, #tpu.memory_space<vmem_shared>>
      tpu.enqueue_dma source(%arg5 : memref<640x128xf32, #tpu.memory_space<hbm>>) target(%dma_start3A_68 : memref<640x128xf32, #tpu.memory_space<vmem_shared>>) target_semaphore(%run_scoped3A : memref<!tpu.dma_semaphore, #tpu.memory_space<semaphore_mem>>)
      %dma_wait3A = arith.constant 0 : i32
      %dma_wait3A_69 = tpu.memref_slice %arg10[%mul3A_2, %dma_wait3A] : memref<10240x128xf32, #tpu.memory_space<vmem_shared>> -> memref<640x128xf32, #tpu.memory_space<vmem_shared>>
      tpu.wait_dma2 semaphore(%run_scoped3A : memref<!tpu.dma_semaphore, #tpu.memory_space<semaphore_mem>>) src(%arg5 : memref<640x128xf32, #tpu.memory_space<hbm>>) dst(%dma_wait3A_69 : memref<640x128xf32, #tpu.memory_space<vmem_shared>>)
      tpu.yield
    }) : () -> ()
    %barrier3A = arith.constant 0 : index
    tpu.barrier barrier_id(%barrier3A)
    %mul3A_3 = arith.constant 5 : i32
    %mul3A_4 = arith.muli %add3A, %mul3A_3 : i32
    %add3A_5 = arith.constant 0 : i32
    %add3A_6 = arith.addi %mul3A_4, %add3A_5 : i32
    "tpu.region"() ({
      %run_scoped3A = tpu.sem_alloc : memref<!tpu.dma_semaphore, #tpu.memory_space<semaphore_mem>>
      %dma_start3A = arith.constant 0 : i32
      %dma_start3A_68 = arith.constant 0 : i32
      %dma_start3A_69 = tpu.memref_slice %arg3[%add3A_6, %dma_start3A, %dma_start3A_68] : memref<160x16x128xi32, #tpu.memory_space<hbm>> -> memref<1x16x128xi32, #tpu.memory_space<hbm>>
      %dma_start3A_70 = tpu.memref_squeeze %dma_start3A_69 : memref<1x16x128xi32, #tpu.memory_space<hbm>> -> memref<16x128xi32, #tpu.memory_space<hbm>>
      %dma_start3A_71 = arith.constant 0 : i32
      %dma_start3A_72 = arith.constant 0 : i32
      %dma_start3A_73 = tpu.memref_slice %arg3[%add3A_6, %dma_start3A_71, %dma_start3A_72] : memref<160x16x128xi32, #tpu.memory_space<hbm>> -> memref<1x16x128xi32, #tpu.memory_space<hbm>>
      %dma_start3A_74 = tpu.memref_squeeze %dma_start3A_73 : memref<1x16x128xi32, #tpu.memory_space<hbm>> -> memref<16x128xi32, #tpu.memory_space<hbm>>
      tpu.enqueue_dma source(%dma_start3A_74 : memref<16x128xi32, #tpu.memory_space<hbm>>) target(%arg7 : memref<16x128xi32, #tpu.memory_space<vmem>>) target_semaphore(%run_scoped3A : memref<!tpu.dma_semaphore, #tpu.memory_space<semaphore_mem>>)
      %dma_wait3A = arith.constant 0 : i32
      %dma_wait3A_75 = arith.constant 0 : i32
      %dma_wait3A_76 = tpu.memref_slice %arg3[%add3A_6, %dma_wait3A, %dma_wait3A_75] : memref<160x16x128xi32, #tpu.memory_space<hbm>> -> memref<1x16x128xi32, #tpu.memory_space<hbm>>
      %dma_wait3A_77 = tpu.memref_squeeze %dma_wait3A_76 : memref<1x16x128xi32, #tpu.memory_space<hbm>> -> memref<16x128xi32, #tpu.memory_space<hbm>>
      %dma_wait3A_78 = arith.constant 0 : i32
      %dma_wait3A_79 = arith.constant 0 : i32
      %dma_wait3A_80 = tpu.memref_slice %arg3[%add3A_6, %dma_wait3A_78, %dma_wait3A_79] : memref<160x16x128xi32, #tpu.memory_space<hbm>> -> memref<1x16x128xi32, #tpu.memory_space<hbm>>
      %dma_wait3A_81 = tpu.memref_squeeze %dma_wait3A_80 : memref<1x16x128xi32, #tpu.memory_space<hbm>> -> memref<16x128xi32, #tpu.memory_space<hbm>>
      tpu.wait_dma2 semaphore(%run_scoped3A : memref<!tpu.dma_semaphore, #tpu.memory_space<semaphore_mem>>) src(%dma_wait3A_81 : memref<16x128xi32, #tpu.memory_space<hbm>>) dst(%arg7 : memref<16x128xi32, #tpu.memory_space<vmem>>)
      tpu.yield
    }) : () -> ()
    %mul3A_7 = arith.constant 5 : i32
    %mul3A_8 = arith.muli %add3A, %mul3A_7 : i32
    %add3A_9 = arith.constant 0 : i32
    %add3A_10 = arith.addi %mul3A_8, %add3A_9 : i32
    "tpu.region"() ({
      %run_scoped3A = tpu.sem_alloc : memref<!tpu.dma_semaphore, #tpu.memory_space<semaphore_mem>>
      %dma_start3A = arith.constant 0 : i32
      %dma_start3A_68 = arith.constant 0 : i32
      %dma_start3A_69 = tpu.memref_slice %arg4[%add3A_10, %dma_start3A, %dma_start3A_68] : memref<160x16x128xi32, #tpu.memory_space<hbm>> -> memref<1x16x128xi32, #tpu.memory_space<hbm>>
      %dma_start3A_70 = tpu.memref_squeeze %dma_start3A_69 : memref<1x16x128xi32, #tpu.memory_space<hbm>> -> memref<16x128xi32, #tpu.memory_space<hbm>>
      %dma_start3A_71 = arith.constant 0 : i32
      %dma_start3A_72 = arith.constant 0 : i32
      %dma_start3A_73 = tpu.memref_slice %arg4[%add3A_10, %dma_start3A_71, %dma_start3A_72] : memref<160x16x128xi32, #tpu.memory_space<hbm>> -> memref<1x16x128xi32, #tpu.memory_space<hbm>>
      %dma_start3A_74 = tpu.memref_squeeze %dma_start3A_73 : memref<1x16x128xi32, #tpu.memory_space<hbm>> -> memref<16x128xi32, #tpu.memory_space<hbm>>
      tpu.enqueue_dma source(%dma_start3A_74 : memref<16x128xi32, #tpu.memory_space<hbm>>) target(%arg8 : memref<16x128xi32, #tpu.memory_space<vmem>>) target_semaphore(%run_scoped3A : memref<!tpu.dma_semaphore, #tpu.memory_space<semaphore_mem>>)
      %dma_wait3A = arith.constant 0 : i32
      %dma_wait3A_75 = arith.constant 0 : i32
      %dma_wait3A_76 = tpu.memref_slice %arg4[%add3A_10, %dma_wait3A, %dma_wait3A_75] : memref<160x16x128xi32, #tpu.memory_space<hbm>> -> memref<1x16x128xi32, #tpu.memory_space<hbm>>
      %dma_wait3A_77 = tpu.memref_squeeze %dma_wait3A_76 : memref<1x16x128xi32, #tpu.memory_space<hbm>> -> memref<16x128xi32, #tpu.memory_space<hbm>>
      %dma_wait3A_78 = arith.constant 0 : i32
      %dma_wait3A_79 = arith.constant 0 : i32
      %dma_wait3A_80 = tpu.memref_slice %arg4[%add3A_10, %dma_wait3A_78, %dma_wait3A_79] : memref<160x16x128xi32, #tpu.memory_space<hbm>> -> memref<1x16x128xi32, #tpu.memory_space<hbm>>
      %dma_wait3A_81 = tpu.memref_squeeze %dma_wait3A_80 : memref<1x16x128xi32, #tpu.memory_space<hbm>> -> memref<16x128xi32, #tpu.memory_space<hbm>>
      tpu.wait_dma2 semaphore(%run_scoped3A : memref<!tpu.dma_semaphore, #tpu.memory_space<semaphore_mem>>) src(%dma_wait3A_81 : memref<16x128xi32, #tpu.memory_space<hbm>>) dst(%arg8 : memref<16x128xi32, #tpu.memory_space<vmem>>)
      tpu.yield
    }) : () -> ()
    %scan3A = arith.constant 0 : i32
    %scan3A_11 = arith.constant 16 : i32
    %scan3A_12 = arith.addi %scan3A, %scan3A_11 : i32
    %scan3A_13 = arith.constant 1 : i32
    scf.for %scan3A_68 = %scan3A to %scan3A_12 step %scan3A_13  : i32 {
      %mul3A_69 = arith.constant 1 : i32
      %mul3A_70 = arith.muli %scan3A_68, %mul3A_69 : i32
      %add3A_71 = arith.constant 0 : i32
      %add3A_72 = arith.addi %add3A_71, %mul3A_70 : i32
      "tpu.region"() ({
        %run_scoped3A = tpu.sem_alloc : memref<!tpu.dma_semaphore, #tpu.memory_space<semaphore_mem>>
        %dma_start3A = arith.constant 0 : i32
        %dma_start3A_73 = arith.constant 0 : i32
        %dma_start3A_74 = tpu.memref_slice %arg9[%dma_start3A, %dma_start3A_73] : memref<256x128xf32, #tpu.memory_space<vmem>> -> memref<128x128xf32, #tpu.memory_space<vmem>>
        %dma_start3A_75 = arith.constant 0 : i32
        %dma_start3A_76 = tpu.memref_slice %arg7[%add3A_72, %dma_start3A_75] : memref<16x128xi32, #tpu.memory_space<vmem>> -> memref<1x128xi32, #tpu.memory_space<vmem>>
        %dma_start3A_77 = tpu.memref_squeeze %dma_start3A_76 : memref<1x128xi32, #tpu.memory_space<vmem>> -> memref<128xi32, #tpu.memory_space<vmem>>
        %dma_start3A_78 = arith.constant 0 : i32
        %dma_start3A_79 = arith.constant 0 : i32
        %dma_start3A_80 = tpu.memref_slice %arg2[%dma_start3A_78, %dma_start3A_79] : memref<10240x128xf32, #tpu.memory_space<hbm>> -> memref<10240x128xf32, #tpu.memory_space<hbm>>
        tpu.enqueue_indirect_dma source(%dma_start3A_80 : memref<10240x128xf32, #tpu.memory_space<hbm>>) target(%dma_start3A_74 : memref<128x128xf32, #tpu.memory_space<vmem>>) offsets(%dma_start3A_77 : memref<128xi32, #tpu.memory_space<vmem>>) semaphore(%run_scoped3A : memref<!tpu.dma_semaphore, #tpu.memory_space<semaphore_mem>>)
        %dma_wait3A = arith.constant 0 : i32
        %dma_wait3A_81 = arith.constant 0 : i32
        %dma_wait3A_82 = tpu.memref_slice %arg9[%dma_wait3A, %dma_wait3A_81] : memref<256x128xf32, #tpu.memory_space<vmem>> -> memref<128x128xf32, #tpu.memory_space<vmem>>
        %dma_wait3A_83 = arith.constant 0 : i32
        %dma_wait3A_84 = tpu.memref_slice %arg7[%add3A_72, %dma_wait3A_83] : memref<16x128xi32, #tpu.memory_space<vmem>> -> memref<1x128xi32, #tpu.memory_space<vmem>>
        %dma_wait3A_85 = tpu.memref_squeeze %dma_wait3A_84 : memref<1x128xi32, #tpu.memory_space<vmem>> -> memref<128xi32, #tpu.memory_space<vmem>>
        %dma_wait3A_86 = arith.constant 0 : i32
        %dma_wait3A_87 = arith.constant 0 : i32
        %dma_wait3A_88 = tpu.memref_slice %arg2[%dma_wait3A_86, %dma_wait3A_87] : memref<10240x128xf32, #tpu.memory_space<hbm>> -> memref<10240x128xf32, #tpu.memory_space<hbm>>
        tpu.wait_indirect_dma semaphore(%run_scoped3A : memref<!tpu.dma_semaphore, #tpu.memory_space<semaphore_mem>>) src(%dma_wait3A_88 : memref<10240x128xf32, #tpu.memory_space<hbm>>) dst(%dma_wait3A_82 : memref<128x128xf32, #tpu.memory_space<vmem>>)
        tpu.yield
      }) : () -> ()
      "tpu.region"() ({
        %run_scoped3A = tpu.sem_alloc : memref<!tpu.dma_semaphore, #tpu.memory_space<semaphore_mem>>
        %dma_start3A = arith.constant 0 : i32
        %dma_start3A_73 = arith.constant 0 : i32
        %dma_start3A_74 = tpu.memref_slice %arg9[%dma_start3A, %dma_start3A_73] : memref<256x128xf32, #tpu.memory_space<vmem>> -> memref<128x128xf32, #tpu.memory_space<vmem>>
        %dma_start3A_75 = arith.constant 0 : i32
        %dma_start3A_76 = tpu.memref_slice %arg8[%add3A_72, %dma_start3A_75] : memref<16x128xi32, #tpu.memory_space<vmem>> -> memref<1x128xi32, #tpu.memory_space<vmem>>
        %dma_start3A_77 = tpu.memref_squeeze %dma_start3A_76 : memref<1x128xi32, #tpu.memory_space<vmem>> -> memref<128xi32, #tpu.memory_space<vmem>>
        %dma_start3A_78 = arith.constant 0 : i32
        %dma_start3A_79 = arith.constant 0 : i32
        %dma_start3A_80 = tpu.memref_slice %arg10[%dma_start3A_78, %dma_start3A_79] : memref<10240x128xf32, #tpu.memory_space<vmem_shared>> -> memref<10240x128xf32, #tpu.memory_space<vmem_shared>>
        tpu.enqueue_indirect_dma source(%dma_start3A_74 : memref<128x128xf32, #tpu.memory_space<vmem>>) target(%dma_start3A_80 : memref<10240x128xf32, #tpu.memory_space<vmem_shared>>) offsets(%dma_start3A_77 : memref<128xi32, #tpu.memory_space<vmem>>) semaphore(%run_scoped3A : memref<!tpu.dma_semaphore, #tpu.memory_space<semaphore_mem>>) {add = true}
        %dma_wait3A = arith.constant 0 : i32
        %dma_wait3A_81 = arith.constant 0 : i32
        %dma_wait3A_82 = tpu.memref_slice %arg9[%dma_wait3A, %dma_wait3A_81] : memref<256x128xf32, #tpu.memory_space<vmem>> -> memref<128x128xf32, #tpu.memory_space<vmem>>
        %dma_wait3A_83 = arith.constant 0 : i32
        %dma_wait3A_84 = tpu.memref_slice %arg8[%add3A_72, %dma_wait3A_83] : memref<16x128xi32, #tpu.memory_space<vmem>> -> memref<1x128xi32, #tpu.memory_space<vmem>>
        %dma_wait3A_85 = tpu.memref_squeeze %dma_wait3A_84 : memref<1x128xi32, #tpu.memory_space<vmem>> -> memref<128xi32, #tpu.memory_space<vmem>>
        %dma_wait3A_86 = arith.constant 0 : i32
        %dma_wait3A_87 = arith.constant 0 : i32
        %dma_wait3A_88 = tpu.memref_slice %arg10[%dma_wait3A_86, %dma_wait3A_87] : memref<10240x128xf32, #tpu.memory_space<vmem_shared>> -> memref<10240x128xf32, #tpu.memory_space<vmem_shared>>
        tpu.wait_indirect_dma semaphore(%run_scoped3A : memref<!tpu.dma_semaphore, #tpu.memory_space<semaphore_mem>>) src(%dma_wait3A_82 : memref<128x128xf32, #tpu.memory_space<vmem>>) dst(%dma_wait3A_88 : memref<10240x128xf32, #tpu.memory_space<vmem_shared>>)
        tpu.yield
      }) : () -> ()
    }
    %scan3A_14 = arith.constant 16 : i32
    %mul3A_15 = arith.constant 5 : i32
    %mul3A_16 = arith.muli %add3A, %mul3A_15 : i32
    %add3A_17 = arith.constant 1 : i32
    %add3A_18 = arith.addi %mul3A_16, %add3A_17 : i32
    "tpu.region"() ({
      %run_scoped3A = tpu.sem_alloc : memref<!tpu.dma_semaphore, #tpu.memory_space<semaphore_mem>>
      %dma_start3A = arith.constant 0 : i32
      %dma_start3A_68 = arith.constant 0 : i32
      %dma_start3A_69 = tpu.memref_slice %arg3[%add3A_18, %dma_start3A, %dma_start3A_68] : memref<160x16x128xi32, #tpu.memory_space<hbm>> -> memref<1x16x128xi32, #tpu.memory_space<hbm>>
      %dma_start3A_70 = tpu.memref_squeeze %dma_start3A_69 : memref<1x16x128xi32, #tpu.memory_space<hbm>> -> memref<16x128xi32, #tpu.memory_space<hbm>>
      %dma_start3A_71 = arith.constant 0 : i32
      %dma_start3A_72 = arith.constant 0 : i32
      %dma_start3A_73 = tpu.memref_slice %arg3[%add3A_18, %dma_start3A_71, %dma_start3A_72] : memref<160x16x128xi32, #tpu.memory_space<hbm>> -> memref<1x16x128xi32, #tpu.memory_space<hbm>>
      %dma_start3A_74 = tpu.memref_squeeze %dma_start3A_73 : memref<1x16x128xi32, #tpu.memory_space<hbm>> -> memref<16x128xi32, #tpu.memory_space<hbm>>
      tpu.enqueue_dma source(%dma_start3A_74 : memref<16x128xi32, #tpu.memory_space<hbm>>) target(%arg7 : memref<16x128xi32, #tpu.memory_space<vmem>>) target_semaphore(%run_scoped3A : memref<!tpu.dma_semaphore, #tpu.memory_space<semaphore_mem>>)
      %dma_wait3A = arith.constant 0 : i32
      %dma_wait3A_75 = arith.constant 0 : i32
      %dma_wait3A_76 = tpu.memref_slice %arg3[%add3A_18, %dma_wait3A, %dma_wait3A_75] : memref<160x16x128xi32, #tpu.memory_space<hbm>> -> memref<1x16x128xi32, #tpu.memory_space<hbm>>
      %dma_wait3A_77 = tpu.memref_squeeze %dma_wait3A_76 : memref<1x16x128xi32, #tpu.memory_space<hbm>> -> memref<16x128xi32, #tpu.memory_space<hbm>>
      %dma_wait3A_78 = arith.constant 0 : i32
      %dma_wait3A_79 = arith.constant 0 : i32
      %dma_wait3A_80 = tpu.memref_slice %arg3[%add3A_18, %dma_wait3A_78, %dma_wait3A_79] : memref<160x16x128xi32, #tpu.memory_space<hbm>> -> memref<1x16x128xi32, #tpu.memory_space<hbm>>
      %dma_wait3A_81 = tpu.memref_squeeze %dma_wait3A_80 : memref<1x16x128xi32, #tpu.memory_space<hbm>> -> memref<16x128xi32, #tpu.memory_space<hbm>>
      tpu.wait_dma2 semaphore(%run_scoped3A : memref<!tpu.dma_semaphore, #tpu.memory_space<semaphore_mem>>) src(%dma_wait3A_81 : memref<16x128xi32, #tpu.memory_space<hbm>>) dst(%arg7 : memref<16x128xi32, #tpu.memory_space<vmem>>)
      tpu.yield
    }) : () -> ()
    %mul3A_19 = arith.constant 5 : i32
    %mul3A_20 = arith.muli %add3A, %mul3A_19 : i32
    %add3A_21 = arith.constant 1 : i32
    %add3A_22 = arith.addi %mul3A_20, %add3A_21 : i32
    "tpu.region"() ({
      %run_scoped3A = tpu.sem_alloc : memref<!tpu.dma_semaphore, #tpu.memory_space<semaphore_mem>>
      %dma_start3A = arith.constant 0 : i32
      %dma_start3A_68 = arith.constant 0 : i32
      %dma_start3A_69 = tpu.memref_slice %arg4[%add3A_22, %dma_start3A, %dma_start3A_68] : memref<160x16x128xi32, #tpu.memory_space<hbm>> -> memref<1x16x128xi32, #tpu.memory_space<hbm>>
      %dma_start3A_70 = tpu.memref_squeeze %dma_start3A_69 : memref<1x16x128xi32, #tpu.memory_space<hbm>> -> memref<16x128xi32, #tpu.memory_space<hbm>>
      %dma_start3A_71 = arith.constant 0 : i32
      %dma_start3A_72 = arith.constant 0 : i32
      %dma_start3A_73 = tpu.memref_slice %arg4[%add3A_22, %dma_start3A_71, %dma_start3A_72] : memref<160x16x128xi32, #tpu.memory_space<hbm>> -> memref<1x16x128xi32, #tpu.memory_space<hbm>>
      %dma_start3A_74 = tpu.memref_squeeze %dma_start3A_73 : memref<1x16x128xi32, #tpu.memory_space<hbm>> -> memref<16x128xi32, #tpu.memory_space<hbm>>
      tpu.enqueue_dma source(%dma_start3A_74 : memref<16x128xi32, #tpu.memory_space<hbm>>) target(%arg8 : memref<16x128xi32, #tpu.memory_space<vmem>>) target_semaphore(%run_scoped3A : memref<!tpu.dma_semaphore, #tpu.memory_space<semaphore_mem>>)
      %dma_wait3A = arith.constant 0 : i32
      %dma_wait3A_75 = arith.constant 0 : i32
      %dma_wait3A_76 = tpu.memref_slice %arg4[%add3A_22, %dma_wait3A, %dma_wait3A_75] : memref<160x16x128xi32, #tpu.memory_space<hbm>> -> memref<1x16x128xi32, #tpu.memory_space<hbm>>
      %dma_wait3A_77 = tpu.memref_squeeze %dma_wait3A_76 : memref<1x16x128xi32, #tpu.memory_space<hbm>> -> memref<16x128xi32, #tpu.memory_space<hbm>>
      %dma_wait3A_78 = arith.constant 0 : i32
      %dma_wait3A_79 = arith.constant 0 : i32
      %dma_wait3A_80 = tpu.memref_slice %arg4[%add3A_22, %dma_wait3A_78, %dma_wait3A_79] : memref<160x16x128xi32, #tpu.memory_space<hbm>> -> memref<1x16x128xi32, #tpu.memory_space<hbm>>
      %dma_wait3A_81 = tpu.memref_squeeze %dma_wait3A_80 : memref<1x16x128xi32, #tpu.memory_space<hbm>> -> memref<16x128xi32, #tpu.memory_space<hbm>>
      tpu.wait_dma2 semaphore(%run_scoped3A : memref<!tpu.dma_semaphore, #tpu.memory_space<semaphore_mem>>) src(%dma_wait3A_81 : memref<16x128xi32, #tpu.memory_space<hbm>>) dst(%arg8 : memref<16x128xi32, #tpu.memory_space<vmem>>)
      tpu.yield
    }) : () -> ()
    %scan3A_23 = arith.constant 0 : i32
    %scan3A_24 = arith.constant 16 : i32
    %scan3A_25 = arith.addi %scan3A_23, %scan3A_24 : i32
    %scan3A_26 = arith.constant 1 : i32
    scf.for %scan3A_68 = %scan3A_23 to %scan3A_25 step %scan3A_26  : i32 {
      %mul3A_69 = arith.constant 1 : i32
      %mul3A_70 = arith.muli %scan3A_68, %mul3A_69 : i32
      %add3A_71 = arith.constant 0 : i32
      %add3A_72 = arith.addi %add3A_71, %mul3A_70 : i32
      "tpu.region"() ({
        %run_scoped3A = tpu.sem_alloc : memref<!tpu.dma_semaphore, #tpu.memory_space<semaphore_mem>>
        %dma_start3A = arith.constant 0 : i32
        %dma_start3A_73 = arith.constant 0 : i32
        %dma_start3A_74 = tpu.memref_slice %arg9[%dma_start3A, %dma_start3A_73] : memref<256x128xf32, #tpu.memory_space<vmem>> -> memref<128x128xf32, #tpu.memory_space<vmem>>
        %dma_start3A_75 = arith.constant 0 : i32
        %dma_start3A_76 = tpu.memref_slice %arg7[%add3A_72, %dma_start3A_75] : memref<16x128xi32, #tpu.memory_space<vmem>> -> memref<1x128xi32, #tpu.memory_space<vmem>>
        %dma_start3A_77 = tpu.memref_squeeze %dma_start3A_76 : memref<1x128xi32, #tpu.memory_space<vmem>> -> memref<128xi32, #tpu.memory_space<vmem>>
        %dma_start3A_78 = arith.constant 0 : i32
        %dma_start3A_79 = arith.constant 0 : i32
        %dma_start3A_80 = tpu.memref_slice %arg2[%dma_start3A_78, %dma_start3A_79] : memref<10240x128xf32, #tpu.memory_space<hbm>> -> memref<10240x128xf32, #tpu.memory_space<hbm>>
        tpu.enqueue_indirect_dma source(%dma_start3A_80 : memref<10240x128xf32, #tpu.memory_space<hbm>>) target(%dma_start3A_74 : memref<128x128xf32, #tpu.memory_space<vmem>>) offsets(%dma_start3A_77 : memref<128xi32, #tpu.memory_space<vmem>>) semaphore(%run_scoped3A : memref<!tpu.dma_semaphore, #tpu.memory_space<semaphore_mem>>)
        %dma_wait3A = arith.constant 0 : i32
        %dma_wait3A_81 = arith.constant 0 : i32
        %dma_wait3A_82 = tpu.memref_slice %arg9[%dma_wait3A, %dma_wait3A_81] : memref<256x128xf32, #tpu.memory_space<vmem>> -> memref<128x128xf32, #tpu.memory_space<vmem>>
        %dma_wait3A_83 = arith.constant 0 : i32
        %dma_wait3A_84 = tpu.memref_slice %arg7[%add3A_72, %dma_wait3A_83] : memref<16x128xi32, #tpu.memory_space<vmem>> -> memref<1x128xi32, #tpu.memory_space<vmem>>
        %dma_wait3A_85 = tpu.memref_squeeze %dma_wait3A_84 : memref<1x128xi32, #tpu.memory_space<vmem>> -> memref<128xi32, #tpu.memory_space<vmem>>
        %dma_wait3A_86 = arith.constant 0 : i32
        %dma_wait3A_87 = arith.constant 0 : i32
        %dma_wait3A_88 = tpu.memref_slice %arg2[%dma_wait3A_86, %dma_wait3A_87] : memref<10240x128xf32, #tpu.memory_space<hbm>> -> memref<10240x128xf32, #tpu.memory_space<hbm>>
        tpu.wait_indirect_dma semaphore(%run_scoped3A : memref<!tpu.dma_semaphore, #tpu.memory_space<semaphore_mem>>) src(%dma_wait3A_88 : memref<10240x128xf32, #tpu.memory_space<hbm>>) dst(%dma_wait3A_82 : memref<128x128xf32, #tpu.memory_space<vmem>>)
        tpu.yield
      }) : () -> ()
      "tpu.region"() ({
        %run_scoped3A = tpu.sem_alloc : memref<!tpu.dma_semaphore, #tpu.memory_space<semaphore_mem>>
        %dma_start3A = arith.constant 0 : i32
        %dma_start3A_73 = arith.constant 0 : i32
        %dma_start3A_74 = tpu.memref_slice %arg9[%dma_start3A, %dma_start3A_73] : memref<256x128xf32, #tpu.memory_space<vmem>> -> memref<128x128xf32, #tpu.memory_space<vmem>>
        %dma_start3A_75 = arith.constant 0 : i32
        %dma_start3A_76 = tpu.memref_slice %arg8[%add3A_72, %dma_start3A_75] : memref<16x128xi32, #tpu.memory_space<vmem>> -> memref<1x128xi32, #tpu.memory_space<vmem>>
        %dma_start3A_77 = tpu.memref_squeeze %dma_start3A_76 : memref<1x128xi32, #tpu.memory_space<vmem>> -> memref<128xi32, #tpu.memory_space<vmem>>
        %dma_start3A_78 = arith.constant 0 : i32
        %dma_start3A_79 = arith.constant 0 : i32
        %dma_start3A_80 = tpu.memref_slice %arg10[%dma_start3A_78, %dma_start3A_79] : memref<10240x128xf32, #tpu.memory_space<vmem_shared>> -> memref<10240x128xf32, #tpu.memory_space<vmem_shared>>
        tpu.enqueue_indirect_dma source(%dma_start3A_74 : memref<128x128xf32, #tpu.memory_space<vmem>>) target(%dma_start3A_80 : memref<10240x128xf32, #tpu.memory_space<vmem_shared>>) offsets(%dma_start3A_77 : memref<128xi32, #tpu.memory_space<vmem>>) semaphore(%run_scoped3A : memref<!tpu.dma_semaphore, #tpu.memory_space<semaphore_mem>>) {add = true}
        %dma_wait3A = arith.constant 0 : i32
        %dma_wait3A_81 = arith.constant 0 : i32
        %dma_wait3A_82 = tpu.memref_slice %arg9[%dma_wait3A, %dma_wait3A_81] : memref<256x128xf32, #tpu.memory_space<vmem>> -> memref<128x128xf32, #tpu.memory_space<vmem>>
        %dma_wait3A_83 = arith.constant 0 : i32
        %dma_wait3A_84 = tpu.memref_slice %arg8[%add3A_72, %dma_wait3A_83] : memref<16x128xi32, #tpu.memory_space<vmem>> -> memref<1x128xi32, #tpu.memory_space<vmem>>
        %dma_wait3A_85 = tpu.memref_squeeze %dma_wait3A_84 : memref<1x128xi32, #tpu.memory_space<vmem>> -> memref<128xi32, #tpu.memory_space<vmem>>
        %dma_wait3A_86 = arith.constant 0 : i32
        %dma_wait3A_87 = arith.constant 0 : i32
        %dma_wait3A_88 = tpu.memref_slice %arg10[%dma_wait3A_86, %dma_wait3A_87] : memref<10240x128xf32, #tpu.memory_space<vmem_shared>> -> memref<10240x128xf32, #tpu.memory_space<vmem_shared>>
        tpu.wait_indirect_dma semaphore(%run_scoped3A : memref<!tpu.dma_semaphore, #tpu.memory_space<semaphore_mem>>) src(%dma_wait3A_82 : memref<128x128xf32, #tpu.memory_space<vmem>>) dst(%dma_wait3A_88 : memref<10240x128xf32, #tpu.memory_space<vmem_shared>>)
        tpu.yield
      }) : () -> ()
    }
    %scan3A_27 = arith.constant 16 : i32
    %mul3A_28 = arith.constant 5 : i32
    %mul3A_29 = arith.muli %add3A, %mul3A_28 : i32
    %add3A_30 = arith.constant 2 : i32
    %add3A_31 = arith.addi %mul3A_29, %add3A_30 : i32
    "tpu.region"() ({
      %run_scoped3A = tpu.sem_alloc : memref<!tpu.dma_semaphore, #tpu.memory_space<semaphore_mem>>
      %dma_start3A = arith.constant 0 : i32
      %dma_start3A_68 = arith.constant 0 : i32
      %dma_start3A_69 = tpu.memref_slice %arg3[%add3A_31, %dma_start3A, %dma_start3A_68] : memref<160x16x128xi32, #tpu.memory_space<hbm>> -> memref<1x16x128xi32, #tpu.memory_space<hbm>>
      %dma_start3A_70 = tpu.memref_squeeze %dma_start3A_69 : memref<1x16x128xi32, #tpu.memory_space<hbm>> -> memref<16x128xi32, #tpu.memory_space<hbm>>
      %dma_start3A_71 = arith.constant 0 : i32
      %dma_start3A_72 = arith.constant 0 : i32
      %dma_start3A_73 = tpu.memref_slice %arg3[%add3A_31, %dma_start3A_71, %dma_start3A_72] : memref<160x16x128xi32, #tpu.memory_space<hbm>> -> memref<1x16x128xi32, #tpu.memory_space<hbm>>
      %dma_start3A_74 = tpu.memref_squeeze %dma_start3A_73 : memref<1x16x128xi32, #tpu.memory_space<hbm>> -> memref<16x128xi32, #tpu.memory_space<hbm>>
      tpu.enqueue_dma source(%dma_start3A_74 : memref<16x128xi32, #tpu.memory_space<hbm>>) target(%arg7 : memref<16x128xi32, #tpu.memory_space<vmem>>) target_semaphore(%run_scoped3A : memref<!tpu.dma_semaphore, #tpu.memory_space<semaphore_mem>>)
      %dma_wait3A = arith.constant 0 : i32
      %dma_wait3A_75 = arith.constant 0 : i32
      %dma_wait3A_76 = tpu.memref_slice %arg3[%add3A_31, %dma_wait3A, %dma_wait3A_75] : memref<160x16x128xi32, #tpu.memory_space<hbm>> -> memref<1x16x128xi32, #tpu.memory_space<hbm>>
      %dma_wait3A_77 = tpu.memref_squeeze %dma_wait3A_76 : memref<1x16x128xi32, #tpu.memory_space<hbm>> -> memref<16x128xi32, #tpu.memory_space<hbm>>
      %dma_wait3A_78 = arith.constant 0 : i32
      %dma_wait3A_79 = arith.constant 0 : i32
      %dma_wait3A_80 = tpu.memref_slice %arg3[%add3A_31, %dma_wait3A_78, %dma_wait3A_79] : memref<160x16x128xi32, #tpu.memory_space<hbm>> -> memref<1x16x128xi32, #tpu.memory_space<hbm>>
      %dma_wait3A_81 = tpu.memref_squeeze %dma_wait3A_80 : memref<1x16x128xi32, #tpu.memory_space<hbm>> -> memref<16x128xi32, #tpu.memory_space<hbm>>
      tpu.wait_dma2 semaphore(%run_scoped3A : memref<!tpu.dma_semaphore, #tpu.memory_space<semaphore_mem>>) src(%dma_wait3A_81 : memref<16x128xi32, #tpu.memory_space<hbm>>) dst(%arg7 : memref<16x128xi32, #tpu.memory_space<vmem>>)
      tpu.yield
    }) : () -> ()
    %mul3A_32 = arith.constant 5 : i32
    %mul3A_33 = arith.muli %add3A, %mul3A_32 : i32
    %add3A_34 = arith.constant 2 : i32
    %add3A_35 = arith.addi %mul3A_33, %add3A_34 : i32
    "tpu.region"() ({
      %run_scoped3A = tpu.sem_alloc : memref<!tpu.dma_semaphore, #tpu.memory_space<semaphore_mem>>
      %dma_start3A = arith.constant 0 : i32
      %dma_start3A_68 = arith.constant 0 : i32
      %dma_start3A_69 = tpu.memref_slice %arg4[%add3A_35, %dma_start3A, %dma_start3A_68] : memref<160x16x128xi32, #tpu.memory_space<hbm>> -> memref<1x16x128xi32, #tpu.memory_space<hbm>>
      %dma_start3A_70 = tpu.memref_squeeze %dma_start3A_69 : memref<1x16x128xi32, #tpu.memory_space<hbm>> -> memref<16x128xi32, #tpu.memory_space<hbm>>
      %dma_start3A_71 = arith.constant 0 : i32
      %dma_start3A_72 = arith.constant 0 : i32
      %dma_start3A_73 = tpu.memref_slice %arg4[%add3A_35, %dma_start3A_71, %dma_start3A_72] : memref<160x16x128xi32, #tpu.memory_space<hbm>> -> memref<1x16x128xi32, #tpu.memory_space<hbm>>
      %dma_start3A_74 = tpu.memref_squeeze %dma_start3A_73 : memref<1x16x128xi32, #tpu.memory_space<hbm>> -> memref<16x128xi32, #tpu.memory_space<hbm>>
      tpu.enqueue_dma source(%dma_start3A_74 : memref<16x128xi32, #tpu.memory_space<hbm>>) target(%arg8 : memref<16x128xi32, #tpu.memory_space<vmem>>) target_semaphore(%run_scoped3A : memref<!tpu.dma_semaphore, #tpu.memory_space<semaphore_mem>>)
      %dma_wait3A = arith.constant 0 : i32
      %dma_wait3A_75 = arith.constant 0 : i32
      %dma_wait3A_76 = tpu.memref_slice %arg4[%add3A_35, %dma_wait3A, %dma_wait3A_75] : memref<160x16x128xi32, #tpu.memory_space<hbm>> -> memref<1x16x128xi32, #tpu.memory_space<hbm>>
      %dma_wait3A_77 = tpu.memref_squeeze %dma_wait3A_76 : memref<1x16x128xi32, #tpu.memory_space<hbm>> -> memref<16x128xi32, #tpu.memory_space<hbm>>
      %dma_wait3A_78 = arith.constant 0 : i32
      %dma_wait3A_79 = arith.constant 0 : i32
      %dma_wait3A_80 = tpu.memref_slice %arg4[%add3A_35, %dma_wait3A_78, %dma_wait3A_79] : memref<160x16x128xi32, #tpu.memory_space<hbm>> -> memref<1x16x128xi32, #tpu.memory_space<hbm>>
      %dma_wait3A_81 = tpu.memref_squeeze %dma_wait3A_80 : memref<1x16x128xi32, #tpu.memory_space<hbm>> -> memref<16x128xi32, #tpu.memory_space<hbm>>
      tpu.wait_dma2 semaphore(%run_scoped3A : memref<!tpu.dma_semaphore, #tpu.memory_space<semaphore_mem>>) src(%dma_wait3A_81 : memref<16x128xi32, #tpu.memory_space<hbm>>) dst(%arg8 : memref<16x128xi32, #tpu.memory_space<vmem>>)
      tpu.yield
    }) : () -> ()
    %scan3A_36 = arith.constant 0 : i32
    %scan3A_37 = arith.constant 16 : i32
    %scan3A_38 = arith.addi %scan3A_36, %scan3A_37 : i32
    %scan3A_39 = arith.constant 1 : i32
    scf.for %scan3A_68 = %scan3A_36 to %scan3A_38 step %scan3A_39  : i32 {
      %mul3A_69 = arith.constant 1 : i32
      %mul3A_70 = arith.muli %scan3A_68, %mul3A_69 : i32
      %add3A_71 = arith.constant 0 : i32
      %add3A_72 = arith.addi %add3A_71, %mul3A_70 : i32
      "tpu.region"() ({
        %run_scoped3A = tpu.sem_alloc : memref<!tpu.dma_semaphore, #tpu.memory_space<semaphore_mem>>
        %dma_start3A = arith.constant 0 : i32
        %dma_start3A_73 = arith.constant 0 : i32
        %dma_start3A_74 = tpu.memref_slice %arg9[%dma_start3A, %dma_start3A_73] : memref<256x128xf32, #tpu.memory_space<vmem>> -> memref<128x128xf32, #tpu.memory_space<vmem>>
        %dma_start3A_75 = arith.constant 0 : i32
        %dma_start3A_76 = tpu.memref_slice %arg7[%add3A_72, %dma_start3A_75] : memref<16x128xi32, #tpu.memory_space<vmem>> -> memref<1x128xi32, #tpu.memory_space<vmem>>
        %dma_start3A_77 = tpu.memref_squeeze %dma_start3A_76 : memref<1x128xi32, #tpu.memory_space<vmem>> -> memref<128xi32, #tpu.memory_space<vmem>>
        %dma_start3A_78 = arith.constant 0 : i32
        %dma_start3A_79 = arith.constant 0 : i32
        %dma_start3A_80 = tpu.memref_slice %arg2[%dma_start3A_78, %dma_start3A_79] : memref<10240x128xf32, #tpu.memory_space<hbm>> -> memref<10240x128xf32, #tpu.memory_space<hbm>>
        tpu.enqueue_indirect_dma source(%dma_start3A_80 : memref<10240x128xf32, #tpu.memory_space<hbm>>) target(%dma_start3A_74 : memref<128x128xf32, #tpu.memory_space<vmem>>) offsets(%dma_start3A_77 : memref<128xi32, #tpu.memory_space<vmem>>) semaphore(%run_scoped3A : memref<!tpu.dma_semaphore, #tpu.memory_space<semaphore_mem>>)
        %dma_wait3A = arith.constant 0 : i32
        %dma_wait3A_81 = arith.constant 0 : i32
        %dma_wait3A_82 = tpu.memref_slice %arg9[%dma_wait3A, %dma_wait3A_81] : memref<256x128xf32, #tpu.memory_space<vmem>> -> memref<128x128xf32, #tpu.memory_space<vmem>>
        %dma_wait3A_83 = arith.constant 0 : i32
        %dma_wait3A_84 = tpu.memref_slice %arg7[%add3A_72, %dma_wait3A_83] : memref<16x128xi32, #tpu.memory_space<vmem>> -> memref<1x128xi32, #tpu.memory_space<vmem>>
        %dma_wait3A_85 = tpu.memref_squeeze %dma_wait3A_84 : memref<1x128xi32, #tpu.memory_space<vmem>> -> memref<128xi32, #tpu.memory_space<vmem>>
        %dma_wait3A_86 = arith.constant 0 : i32
        %dma_wait3A_87 = arith.constant 0 : i32
        %dma_wait3A_88 = tpu.memref_slice %arg2[%dma_wait3A_86, %dma_wait3A_87] : memref<10240x128xf32, #tpu.memory_space<hbm>> -> memref<10240x128xf32, #tpu.memory_space<hbm>>
        tpu.wait_indirect_dma semaphore(%run_scoped3A : memref<!tpu.dma_semaphore, #tpu.memory_space<semaphore_mem>>) src(%dma_wait3A_88 : memref<10240x128xf32, #tpu.memory_space<hbm>>) dst(%dma_wait3A_82 : memref<128x128xf32, #tpu.memory_space<vmem>>)
        tpu.yield
      }) : () -> ()
      "tpu.region"() ({
        %run_scoped3A = tpu.sem_alloc : memref<!tpu.dma_semaphore, #tpu.memory_space<semaphore_mem>>
        %dma_start3A = arith.constant 0 : i32
        %dma_start3A_73 = arith.constant 0 : i32
        %dma_start3A_74 = tpu.memref_slice %arg9[%dma_start3A, %dma_start3A_73] : memref<256x128xf32, #tpu.memory_space<vmem>> -> memref<128x128xf32, #tpu.memory_space<vmem>>
        %dma_start3A_75 = arith.constant 0 : i32
        %dma_start3A_76 = tpu.memref_slice %arg8[%add3A_72, %dma_start3A_75] : memref<16x128xi32, #tpu.memory_space<vmem>> -> memref<1x128xi32, #tpu.memory_space<vmem>>
        %dma_start3A_77 = tpu.memref_squeeze %dma_start3A_76 : memref<1x128xi32, #tpu.memory_space<vmem>> -> memref<128xi32, #tpu.memory_space<vmem>>
        %dma_start3A_78 = arith.constant 0 : i32
        %dma_start3A_79 = arith.constant 0 : i32
        %dma_start3A_80 = tpu.memref_slice %arg10[%dma_start3A_78, %dma_start3A_79] : memref<10240x128xf32, #tpu.memory_space<vmem_shared>> -> memref<10240x128xf32, #tpu.memory_space<vmem_shared>>
        tpu.enqueue_indirect_dma source(%dma_start3A_74 : memref<128x128xf32, #tpu.memory_space<vmem>>) target(%dma_start3A_80 : memref<10240x128xf32, #tpu.memory_space<vmem_shared>>) offsets(%dma_start3A_77 : memref<128xi32, #tpu.memory_space<vmem>>) semaphore(%run_scoped3A : memref<!tpu.dma_semaphore, #tpu.memory_space<semaphore_mem>>) {add = true}
        %dma_wait3A = arith.constant 0 : i32
        %dma_wait3A_81 = arith.constant 0 : i32
        %dma_wait3A_82 = tpu.memref_slice %arg9[%dma_wait3A, %dma_wait3A_81] : memref<256x128xf32, #tpu.memory_space<vmem>> -> memref<128x128xf32, #tpu.memory_space<vmem>>
        %dma_wait3A_83 = arith.constant 0 : i32
        %dma_wait3A_84 = tpu.memref_slice %arg8[%add3A_72, %dma_wait3A_83] : memref<16x128xi32, #tpu.memory_space<vmem>> -> memref<1x128xi32, #tpu.memory_space<vmem>>
        %dma_wait3A_85 = tpu.memref_squeeze %dma_wait3A_84 : memref<1x128xi32, #tpu.memory_space<vmem>> -> memref<128xi32, #tpu.memory_space<vmem>>
        %dma_wait3A_86 = arith.constant 0 : i32
        %dma_wait3A_87 = arith.constant 0 : i32
        %dma_wait3A_88 = tpu.memref_slice %arg10[%dma_wait3A_86, %dma_wait3A_87] : memref<10240x128xf32, #tpu.memory_space<vmem_shared>> -> memref<10240x128xf32, #tpu.memory_space<vmem_shared>>
        tpu.wait_indirect_dma semaphore(%run_scoped3A : memref<!tpu.dma_semaphore, #tpu.memory_space<semaphore_mem>>) src(%dma_wait3A_82 : memref<128x128xf32, #tpu.memory_space<vmem>>) dst(%dma_wait3A_88 : memref<10240x128xf32, #tpu.memory_space<vmem_shared>>)
        tpu.yield
      }) : () -> ()
    }
    %scan3A_40 = arith.constant 16 : i32
    %mul3A_41 = arith.constant 5 : i32
    %mul3A_42 = arith.muli %add3A, %mul3A_41 : i32
    %add3A_43 = arith.constant 3 : i32
    %add3A_44 = arith.addi %mul3A_42, %add3A_43 : i32
    "tpu.region"() ({
      %run_scoped3A = tpu.sem_alloc : memref<!tpu.dma_semaphore, #tpu.memory_space<semaphore_mem>>
      %dma_start3A = arith.constant 0 : i32
      %dma_start3A_68 = arith.constant 0 : i32
      %dma_start3A_69 = tpu.memref_slice %arg3[%add3A_44, %dma_start3A, %dma_start3A_68] : memref<160x16x128xi32, #tpu.memory_space<hbm>> -> memref<1x16x128xi32, #tpu.memory_space<hbm>>
      %dma_start3A_70 = tpu.memref_squeeze %dma_start3A_69 : memref<1x16x128xi32, #tpu.memory_space<hbm>> -> memref<16x128xi32, #tpu.memory_space<hbm>>
      %dma_start3A_71 = arith.constant 0 : i32
      %dma_start3A_72 = arith.constant 0 : i32
      %dma_start3A_73 = tpu.memref_slice %arg3[%add3A_44, %dma_start3A_71, %dma_start3A_72] : memref<160x16x128xi32, #tpu.memory_space<hbm>> -> memref<1x16x128xi32, #tpu.memory_space<hbm>>
      %dma_start3A_74 = tpu.memref_squeeze %dma_start3A_73 : memref<1x16x128xi32, #tpu.memory_space<hbm>> -> memref<16x128xi32, #tpu.memory_space<hbm>>
      tpu.enqueue_dma source(%dma_start3A_74 : memref<16x128xi32, #tpu.memory_space<hbm>>) target(%arg7 : memref<16x128xi32, #tpu.memory_space<vmem>>) target_semaphore(%run_scoped3A : memref<!tpu.dma_semaphore, #tpu.memory_space<semaphore_mem>>)
      %dma_wait3A = arith.constant 0 : i32
      %dma_wait3A_75 = arith.constant 0 : i32
      %dma_wait3A_76 = tpu.memref_slice %arg3[%add3A_44, %dma_wait3A, %dma_wait3A_75] : memref<160x16x128xi32, #tpu.memory_space<hbm>> -> memref<1x16x128xi32, #tpu.memory_space<hbm>>
      %dma_wait3A_77 = tpu.memref_squeeze %dma_wait3A_76 : memref<1x16x128xi32, #tpu.memory_space<hbm>> -> memref<16x128xi32, #tpu.memory_space<hbm>>
      %dma_wait3A_78 = arith.constant 0 : i32
      %dma_wait3A_79 = arith.constant 0 : i32
      %dma_wait3A_80 = tpu.memref_slice %arg3[%add3A_44, %dma_wait3A_78, %dma_wait3A_79] : memref<160x16x128xi32, #tpu.memory_space<hbm>> -> memref<1x16x128xi32, #tpu.memory_space<hbm>>
      %dma_wait3A_81 = tpu.memref_squeeze %dma_wait3A_80 : memref<1x16x128xi32, #tpu.memory_space<hbm>> -> memref<16x128xi32, #tpu.memory_space<hbm>>
      tpu.wait_dma2 semaphore(%run_scoped3A : memref<!tpu.dma_semaphore, #tpu.memory_space<semaphore_mem>>) src(%dma_wait3A_81 : memref<16x128xi32, #tpu.memory_space<hbm>>) dst(%arg7 : memref<16x128xi32, #tpu.memory_space<vmem>>)
      tpu.yield
    }) : () -> ()
    %mul3A_45 = arith.constant 5 : i32
    %mul3A_46 = arith.muli %add3A, %mul3A_45 : i32
    %add3A_47 = arith.constant 3 : i32
    %add3A_48 = arith.addi %mul3A_46, %add3A_47 : i32
    "tpu.region"() ({
      %run_scoped3A = tpu.sem_alloc : memref<!tpu.dma_semaphore, #tpu.memory_space<semaphore_mem>>
      %dma_start3A = arith.constant 0 : i32
      %dma_start3A_68 = arith.constant 0 : i32
      %dma_start3A_69 = tpu.memref_slice %arg4[%add3A_48, %dma_start3A, %dma_start3A_68] : memref<160x16x128xi32, #tpu.memory_space<hbm>> -> memref<1x16x128xi32, #tpu.memory_space<hbm>>
      %dma_start3A_70 = tpu.memref_squeeze %dma_start3A_69 : memref<1x16x128xi32, #tpu.memory_space<hbm>> -> memref<16x128xi32, #tpu.memory_space<hbm>>
      %dma_start3A_71 = arith.constant 0 : i32
      %dma_start3A_72 = arith.constant 0 : i32
      %dma_start3A_73 = tpu.memref_slice %arg4[%add3A_48, %dma_start3A_71, %dma_start3A_72] : memref<160x16x128xi32, #tpu.memory_space<hbm>> -> memref<1x16x128xi32, #tpu.memory_space<hbm>>
      %dma_start3A_74 = tpu.memref_squeeze %dma_start3A_73 : memref<1x16x128xi32, #tpu.memory_space<hbm>> -> memref<16x128xi32, #tpu.memory_space<hbm>>
      tpu.enqueue_dma source(%dma_start3A_74 : memref<16x128xi32, #tpu.memory_space<hbm>>) target(%arg8 : memref<16x128xi32, #tpu.memory_space<vmem>>) target_semaphore(%run_scoped3A : memref<!tpu.dma_semaphore, #tpu.memory_space<semaphore_mem>>)
      %dma_wait3A = arith.constant 0 : i32
      %dma_wait3A_75 = arith.constant 0 : i32
      %dma_wait3A_76 = tpu.memref_slice %arg4[%add3A_48, %dma_wait3A, %dma_wait3A_75] : memref<160x16x128xi32, #tpu.memory_space<hbm>> -> memref<1x16x128xi32, #tpu.memory_space<hbm>>
      %dma_wait3A_77 = tpu.memref_squeeze %dma_wait3A_76 : memref<1x16x128xi32, #tpu.memory_space<hbm>> -> memref<16x128xi32, #tpu.memory_space<hbm>>
      %dma_wait3A_78 = arith.constant 0 : i32
      %dma_wait3A_79 = arith.constant 0 : i32
      %dma_wait3A_80 = tpu.memref_slice %arg4[%add3A_48, %dma_wait3A_78, %dma_wait3A_79] : memref<160x16x128xi32, #tpu.memory_space<hbm>> -> memref<1x16x128xi32, #tpu.memory_space<hbm>>
      %dma_wait3A_81 = tpu.memref_squeeze %dma_wait3A_80 : memref<1x16x128xi32, #tpu.memory_space<hbm>> -> memref<16x128xi32, #tpu.memory_space<hbm>>
      tpu.wait_dma2 semaphore(%run_scoped3A : memref<!tpu.dma_semaphore, #tpu.memory_space<semaphore_mem>>) src(%dma_wait3A_81 : memref<16x128xi32, #tpu.memory_space<hbm>>) dst(%arg8 : memref<16x128xi32, #tpu.memory_space<vmem>>)
      tpu.yield
    }) : () -> ()
    %scan3A_49 = arith.constant 0 : i32
    %scan3A_50 = arith.constant 16 : i32
    %scan3A_51 = arith.addi %scan3A_49, %scan3A_50 : i32
    %scan3A_52 = arith.constant 1 : i32
    scf.for %scan3A_68 = %scan3A_49 to %scan3A_51 step %scan3A_52  : i32 {
      %mul3A_69 = arith.constant 1 : i32
      %mul3A_70 = arith.muli %scan3A_68, %mul3A_69 : i32
      %add3A_71 = arith.constant 0 : i32
      %add3A_72 = arith.addi %add3A_71, %mul3A_70 : i32
      "tpu.region"() ({
        %run_scoped3A = tpu.sem_alloc : memref<!tpu.dma_semaphore, #tpu.memory_space<semaphore_mem>>
        %dma_start3A = arith.constant 0 : i32
        %dma_start3A_73 = arith.constant 0 : i32
        %dma_start3A_74 = tpu.memref_slice %arg9[%dma_start3A, %dma_start3A_73] : memref<256x128xf32, #tpu.memory_space<vmem>> -> memref<128x128xf32, #tpu.memory_space<vmem>>
        %dma_start3A_75 = arith.constant 0 : i32
        %dma_start3A_76 = tpu.memref_slice %arg7[%add3A_72, %dma_start3A_75] : memref<16x128xi32, #tpu.memory_space<vmem>> -> memref<1x128xi32, #tpu.memory_space<vmem>>
        %dma_start3A_77 = tpu.memref_squeeze %dma_start3A_76 : memref<1x128xi32, #tpu.memory_space<vmem>> -> memref<128xi32, #tpu.memory_space<vmem>>
        %dma_start3A_78 = arith.constant 0 : i32
        %dma_start3A_79 = arith.constant 0 : i32
        %dma_start3A_80 = tpu.memref_slice %arg2[%dma_start3A_78, %dma_start3A_79] : memref<10240x128xf32, #tpu.memory_space<hbm>> -> memref<10240x128xf32, #tpu.memory_space<hbm>>
        tpu.enqueue_indirect_dma source(%dma_start3A_80 : memref<10240x128xf32, #tpu.memory_space<hbm>>) target(%dma_start3A_74 : memref<128x128xf32, #tpu.memory_space<vmem>>) offsets(%dma_start3A_77 : memref<128xi32, #tpu.memory_space<vmem>>) semaphore(%run_scoped3A : memref<!tpu.dma_semaphore, #tpu.memory_space<semaphore_mem>>)
        %dma_wait3A = arith.constant 0 : i32
        %dma_wait3A_81 = arith.constant 0 : i32
        %dma_wait3A_82 = tpu.memref_slice %arg9[%dma_wait3A, %dma_wait3A_81] : memref<256x128xf32, #tpu.memory_space<vmem>> -> memref<128x128xf32, #tpu.memory_space<vmem>>
        %dma_wait3A_83 = arith.constant 0 : i32
        %dma_wait3A_84 = tpu.memref_slice %arg7[%add3A_72, %dma_wait3A_83] : memref<16x128xi32, #tpu.memory_space<vmem>> -> memref<1x128xi32, #tpu.memory_space<vmem>>
        %dma_wait3A_85 = tpu.memref_squeeze %dma_wait3A_84 : memref<1x128xi32, #tpu.memory_space<vmem>> -> memref<128xi32, #tpu.memory_space<vmem>>
        %dma_wait3A_86 = arith.constant 0 : i32
        %dma_wait3A_87 = arith.constant 0 : i32
        %dma_wait3A_88 = tpu.memref_slice %arg2[%dma_wait3A_86, %dma_wait3A_87] : memref<10240x128xf32, #tpu.memory_space<hbm>> -> memref<10240x128xf32, #tpu.memory_space<hbm>>
        tpu.wait_indirect_dma semaphore(%run_scoped3A : memref<!tpu.dma_semaphore, #tpu.memory_space<semaphore_mem>>) src(%dma_wait3A_88 : memref<10240x128xf32, #tpu.memory_space<hbm>>) dst(%dma_wait3A_82 : memref<128x128xf32, #tpu.memory_space<vmem>>)
        tpu.yield
      }) : () -> ()
      "tpu.region"() ({
        %run_scoped3A = tpu.sem_alloc : memref<!tpu.dma_semaphore, #tpu.memory_space<semaphore_mem>>
        %dma_start3A = arith.constant 0 : i32
        %dma_start3A_73 = arith.constant 0 : i32
        %dma_start3A_74 = tpu.memref_slice %arg9[%dma_start3A, %dma_start3A_73] : memref<256x128xf32, #tpu.memory_space<vmem>> -> memref<128x128xf32, #tpu.memory_space<vmem>>
        %dma_start3A_75 = arith.constant 0 : i32
        %dma_start3A_76 = tpu.memref_slice %arg8[%add3A_72, %dma_start3A_75] : memref<16x128xi32, #tpu.memory_space<vmem>> -> memref<1x128xi32, #tpu.memory_space<vmem>>
        %dma_start3A_77 = tpu.memref_squeeze %dma_start3A_76 : memref<1x128xi32, #tpu.memory_space<vmem>> -> memref<128xi32, #tpu.memory_space<vmem>>
        %dma_start3A_78 = arith.constant 0 : i32
        %dma_start3A_79 = arith.constant 0 : i32
        %dma_start3A_80 = tpu.memref_slice %arg10[%dma_start3A_78, %dma_start3A_79] : memref<10240x128xf32, #tpu.memory_space<vmem_shared>> -> memref<10240x128xf32, #tpu.memory_space<vmem_shared>>
        tpu.enqueue_indirect_dma source(%dma_start3A_74 : memref<128x128xf32, #tpu.memory_space<vmem>>) target(%dma_start3A_80 : memref<10240x128xf32, #tpu.memory_space<vmem_shared>>) offsets(%dma_start3A_77 : memref<128xi32, #tpu.memory_space<vmem>>) semaphore(%run_scoped3A : memref<!tpu.dma_semaphore, #tpu.memory_space<semaphore_mem>>) {add = true}
        %dma_wait3A = arith.constant 0 : i32
        %dma_wait3A_81 = arith.constant 0 : i32
        %dma_wait3A_82 = tpu.memref_slice %arg9[%dma_wait3A, %dma_wait3A_81] : memref<256x128xf32, #tpu.memory_space<vmem>> -> memref<128x128xf32, #tpu.memory_space<vmem>>
        %dma_wait3A_83 = arith.constant 0 : i32
        %dma_wait3A_84 = tpu.memref_slice %arg8[%add3A_72, %dma_wait3A_83] : memref<16x128xi32, #tpu.memory_space<vmem>> -> memref<1x128xi32, #tpu.memory_space<vmem>>
        %dma_wait3A_85 = tpu.memref_squeeze %dma_wait3A_84 : memref<1x128xi32, #tpu.memory_space<vmem>> -> memref<128xi32, #tpu.memory_space<vmem>>
        %dma_wait3A_86 = arith.constant 0 : i32
        %dma_wait3A_87 = arith.constant 0 : i32
        %dma_wait3A_88 = tpu.memref_slice %arg10[%dma_wait3A_86, %dma_wait3A_87] : memref<10240x128xf32, #tpu.memory_space<vmem_shared>> -> memref<10240x128xf32, #tpu.memory_space<vmem_shared>>
        tpu.wait_indirect_dma semaphore(%run_scoped3A : memref<!tpu.dma_semaphore, #tpu.memory_space<semaphore_mem>>) src(%dma_wait3A_82 : memref<128x128xf32, #tpu.memory_space<vmem>>) dst(%dma_wait3A_88 : memref<10240x128xf32, #tpu.memory_space<vmem_shared>>)
        tpu.yield
      }) : () -> ()
    }
    %scan3A_53 = arith.constant 16 : i32
    %mul3A_54 = arith.constant 5 : i32
    %mul3A_55 = arith.muli %add3A, %mul3A_54 : i32
    %add3A_56 = arith.constant 4 : i32
    %add3A_57 = arith.addi %mul3A_55, %add3A_56 : i32
    "tpu.region"() ({
      %run_scoped3A = tpu.sem_alloc : memref<!tpu.dma_semaphore, #tpu.memory_space<semaphore_mem>>
      %dma_start3A = arith.constant 0 : i32
      %dma_start3A_68 = arith.constant 0 : i32
      %dma_start3A_69 = tpu.memref_slice %arg3[%add3A_57, %dma_start3A, %dma_start3A_68] : memref<160x16x128xi32, #tpu.memory_space<hbm>> -> memref<1x16x128xi32, #tpu.memory_space<hbm>>
      %dma_start3A_70 = tpu.memref_squeeze %dma_start3A_69 : memref<1x16x128xi32, #tpu.memory_space<hbm>> -> memref<16x128xi32, #tpu.memory_space<hbm>>
      %dma_start3A_71 = arith.constant 0 : i32
      %dma_start3A_72 = arith.constant 0 : i32
      %dma_start3A_73 = tpu.memref_slice %arg3[%add3A_57, %dma_start3A_71, %dma_start3A_72] : memref<160x16x128xi32, #tpu.memory_space<hbm>> -> memref<1x16x128xi32, #tpu.memory_space<hbm>>
      %dma_start3A_74 = tpu.memref_squeeze %dma_start3A_73 : memref<1x16x128xi32, #tpu.memory_space<hbm>> -> memref<16x128xi32, #tpu.memory_space<hbm>>
      tpu.enqueue_dma source(%dma_start3A_74 : memref<16x128xi32, #tpu.memory_space<hbm>>) target(%arg7 : memref<16x128xi32, #tpu.memory_space<vmem>>) target_semaphore(%run_scoped3A : memref<!tpu.dma_semaphore, #tpu.memory_space<semaphore_mem>>)
      %dma_wait3A = arith.constant 0 : i32
      %dma_wait3A_75 = arith.constant 0 : i32
      %dma_wait3A_76 = tpu.memref_slice %arg3[%add3A_57, %dma_wait3A, %dma_wait3A_75] : memref<160x16x128xi32, #tpu.memory_space<hbm>> -> memref<1x16x128xi32, #tpu.memory_space<hbm>>
      %dma_wait3A_77 = tpu.memref_squeeze %dma_wait3A_76 : memref<1x16x128xi32, #tpu.memory_space<hbm>> -> memref<16x128xi32, #tpu.memory_space<hbm>>
      %dma_wait3A_78 = arith.constant 0 : i32
      %dma_wait3A_79 = arith.constant 0 : i32
      %dma_wait3A_80 = tpu.memref_slice %arg3[%add3A_57, %dma_wait3A_78, %dma_wait3A_79] : memref<160x16x128xi32, #tpu.memory_space<hbm>> -> memref<1x16x128xi32, #tpu.memory_space<hbm>>
      %dma_wait3A_81 = tpu.memref_squeeze %dma_wait3A_80 : memref<1x16x128xi32, #tpu.memory_space<hbm>> -> memref<16x128xi32, #tpu.memory_space<hbm>>
      tpu.wait_dma2 semaphore(%run_scoped3A : memref<!tpu.dma_semaphore, #tpu.memory_space<semaphore_mem>>) src(%dma_wait3A_81 : memref<16x128xi32, #tpu.memory_space<hbm>>) dst(%arg7 : memref<16x128xi32, #tpu.memory_space<vmem>>)
      tpu.yield
    }) : () -> ()
    %mul3A_58 = arith.constant 5 : i32
    %mul3A_59 = arith.muli %add3A, %mul3A_58 : i32
    %add3A_60 = arith.constant 4 : i32
    %add3A_61 = arith.addi %mul3A_59, %add3A_60 : i32
    "tpu.region"() ({
      %run_scoped3A = tpu.sem_alloc : memref<!tpu.dma_semaphore, #tpu.memory_space<semaphore_mem>>
      %dma_start3A = arith.constant 0 : i32
      %dma_start3A_68 = arith.constant 0 : i32
      %dma_start3A_69 = tpu.memref_slice %arg4[%add3A_61, %dma_start3A, %dma_start3A_68] : memref<160x16x128xi32, #tpu.memory_space<hbm>> -> memref<1x16x128xi32, #tpu.memory_space<hbm>>
      %dma_start3A_70 = tpu.memref_squeeze %dma_start3A_69 : memref<1x16x128xi32, #tpu.memory_space<hbm>> -> memref<16x128xi32, #tpu.memory_space<hbm>>
      %dma_start3A_71 = arith.constant 0 : i32
      %dma_start3A_72 = arith.constant 0 : i32
      %dma_start3A_73 = tpu.memref_slice %arg4[%add3A_61, %dma_start3A_71, %dma_start3A_72] : memref<160x16x128xi32, #tpu.memory_space<hbm>> -> memref<1x16x128xi32, #tpu.memory_space<hbm>>
      %dma_start3A_74 = tpu.memref_squeeze %dma_start3A_73 : memref<1x16x128xi32, #tpu.memory_space<hbm>> -> memref<16x128xi32, #tpu.memory_space<hbm>>
      tpu.enqueue_dma source(%dma_start3A_74 : memref<16x128xi32, #tpu.memory_space<hbm>>) target(%arg8 : memref<16x128xi32, #tpu.memory_space<vmem>>) target_semaphore(%run_scoped3A : memref<!tpu.dma_semaphore, #tpu.memory_space<semaphore_mem>>)
      %dma_wait3A = arith.constant 0 : i32
      %dma_wait3A_75 = arith.constant 0 : i32
      %dma_wait3A_76 = tpu.memref_slice %arg4[%add3A_61, %dma_wait3A, %dma_wait3A_75] : memref<160x16x128xi32, #tpu.memory_space<hbm>> -> memref<1x16x128xi32, #tpu.memory_space<hbm>>
      %dma_wait3A_77 = tpu.memref_squeeze %dma_wait3A_76 : memref<1x16x128xi32, #tpu.memory_space<hbm>> -> memref<16x128xi32, #tpu.memory_space<hbm>>
      %dma_wait3A_78 = arith.constant 0 : i32
      %dma_wait3A_79 = arith.constant 0 : i32
      %dma_wait3A_80 = tpu.memref_slice %arg4[%add3A_61, %dma_wait3A_78, %dma_wait3A_79] : memref<160x16x128xi32, #tpu.memory_space<hbm>> -> memref<1x16x128xi32, #tpu.memory_space<hbm>>
      %dma_wait3A_81 = tpu.memref_squeeze %dma_wait3A_80 : memref<1x16x128xi32, #tpu.memory_space<hbm>> -> memref<16x128xi32, #tpu.memory_space<hbm>>
      tpu.wait_dma2 semaphore(%run_scoped3A : memref<!tpu.dma_semaphore, #tpu.memory_space<semaphore_mem>>) src(%dma_wait3A_81 : memref<16x128xi32, #tpu.memory_space<hbm>>) dst(%arg8 : memref<16x128xi32, #tpu.memory_space<vmem>>)
      tpu.yield
    }) : () -> ()
    %scan3A_62 = arith.constant 0 : i32
    %scan3A_63 = arith.constant 16 : i32
    %scan3A_64 = arith.addi %scan3A_62, %scan3A_63 : i32
    %scan3A_65 = arith.constant 1 : i32
    scf.for %scan3A_68 = %scan3A_62 to %scan3A_64 step %scan3A_65  : i32 {
      %mul3A_69 = arith.constant 1 : i32
      %mul3A_70 = arith.muli %scan3A_68, %mul3A_69 : i32
      %add3A_71 = arith.constant 0 : i32
      %add3A_72 = arith.addi %add3A_71, %mul3A_70 : i32
      "tpu.region"() ({
        %run_scoped3A = tpu.sem_alloc : memref<!tpu.dma_semaphore, #tpu.memory_space<semaphore_mem>>
        %dma_start3A = arith.constant 0 : i32
        %dma_start3A_73 = arith.constant 0 : i32
        %dma_start3A_74 = tpu.memref_slice %arg9[%dma_start3A, %dma_start3A_73] : memref<256x128xf32, #tpu.memory_space<vmem>> -> memref<128x128xf32, #tpu.memory_space<vmem>>
        %dma_start3A_75 = arith.constant 0 : i32
        %dma_start3A_76 = tpu.memref_slice %arg7[%add3A_72, %dma_start3A_75] : memref<16x128xi32, #tpu.memory_space<vmem>> -> memref<1x128xi32, #tpu.memory_space<vmem>>
        %dma_start3A_77 = tpu.memref_squeeze %dma_start3A_76 : memref<1x128xi32, #tpu.memory_space<vmem>> -> memref<128xi32, #tpu.memory_space<vmem>>
        %dma_start3A_78 = arith.constant 0 : i32
        %dma_start3A_79 = arith.constant 0 : i32
        %dma_start3A_80 = tpu.memref_slice %arg2[%dma_start3A_78, %dma_start3A_79] : memref<10240x128xf32, #tpu.memory_space<hbm>> -> memref<10240x128xf32, #tpu.memory_space<hbm>>
        tpu.enqueue_indirect_dma source(%dma_start3A_80 : memref<10240x128xf32, #tpu.memory_space<hbm>>) target(%dma_start3A_74 : memref<128x128xf32, #tpu.memory_space<vmem>>) offsets(%dma_start3A_77 : memref<128xi32, #tpu.memory_space<vmem>>) semaphore(%run_scoped3A : memref<!tpu.dma_semaphore, #tpu.memory_space<semaphore_mem>>)
        %dma_wait3A = arith.constant 0 : i32
        %dma_wait3A_81 = arith.constant 0 : i32
        %dma_wait3A_82 = tpu.memref_slice %arg9[%dma_wait3A, %dma_wait3A_81] : memref<256x128xf32, #tpu.memory_space<vmem>> -> memref<128x128xf32, #tpu.memory_space<vmem>>
        %dma_wait3A_83 = arith.constant 0 : i32
        %dma_wait3A_84 = tpu.memref_slice %arg7[%add3A_72, %dma_wait3A_83] : memref<16x128xi32, #tpu.memory_space<vmem>> -> memref<1x128xi32, #tpu.memory_space<vmem>>
        %dma_wait3A_85 = tpu.memref_squeeze %dma_wait3A_84 : memref<1x128xi32, #tpu.memory_space<vmem>> -> memref<128xi32, #tpu.memory_space<vmem>>
        %dma_wait3A_86 = arith.constant 0 : i32
        %dma_wait3A_87 = arith.constant 0 : i32
        %dma_wait3A_88 = tpu.memref_slice %arg2[%dma_wait3A_86, %dma_wait3A_87] : memref<10240x128xf32, #tpu.memory_space<hbm>> -> memref<10240x128xf32, #tpu.memory_space<hbm>>
        tpu.wait_indirect_dma semaphore(%run_scoped3A : memref<!tpu.dma_semaphore, #tpu.memory_space<semaphore_mem>>) src(%dma_wait3A_88 : memref<10240x128xf32, #tpu.memory_space<hbm>>) dst(%dma_wait3A_82 : memref<128x128xf32, #tpu.memory_space<vmem>>)
        tpu.yield
      }) : () -> ()
      "tpu.region"() ({
        %run_scoped3A = tpu.sem_alloc : memref<!tpu.dma_semaphore, #tpu.memory_space<semaphore_mem>>
        %dma_start3A = arith.constant 0 : i32
        %dma_start3A_73 = arith.constant 0 : i32
        %dma_start3A_74 = tpu.memref_slice %arg9[%dma_start3A, %dma_start3A_73] : memref<256x128xf32, #tpu.memory_space<vmem>> -> memref<128x128xf32, #tpu.memory_space<vmem>>
        %dma_start3A_75 = arith.constant 0 : i32
        %dma_start3A_76 = tpu.memref_slice %arg8[%add3A_72, %dma_start3A_75] : memref<16x128xi32, #tpu.memory_space<vmem>> -> memref<1x128xi32, #tpu.memory_space<vmem>>
        %dma_start3A_77 = tpu.memref_squeeze %dma_start3A_76 : memref<1x128xi32, #tpu.memory_space<vmem>> -> memref<128xi32, #tpu.memory_space<vmem>>
        %dma_start3A_78 = arith.constant 0 : i32
        %dma_start3A_79 = arith.constant 0 : i32
        %dma_start3A_80 = tpu.memref_slice %arg10[%dma_start3A_78, %dma_start3A_79] : memref<10240x128xf32, #tpu.memory_space<vmem_shared>> -> memref<10240x128xf32, #tpu.memory_space<vmem_shared>>
        tpu.enqueue_indirect_dma source(%dma_start3A_74 : memref<128x128xf32, #tpu.memory_space<vmem>>) target(%dma_start3A_80 : memref<10240x128xf32, #tpu.memory_space<vmem_shared>>) offsets(%dma_start3A_77 : memref<128xi32, #tpu.memory_space<vmem>>) semaphore(%run_scoped3A : memref<!tpu.dma_semaphore, #tpu.memory_space<semaphore_mem>>) {add = true}
        %dma_wait3A = arith.constant 0 : i32
        %dma_wait3A_81 = arith.constant 0 : i32
        %dma_wait3A_82 = tpu.memref_slice %arg9[%dma_wait3A, %dma_wait3A_81] : memref<256x128xf32, #tpu.memory_space<vmem>> -> memref<128x128xf32, #tpu.memory_space<vmem>>
        %dma_wait3A_83 = arith.constant 0 : i32
        %dma_wait3A_84 = tpu.memref_slice %arg8[%add3A_72, %dma_wait3A_83] : memref<16x128xi32, #tpu.memory_space<vmem>> -> memref<1x128xi32, #tpu.memory_space<vmem>>
        %dma_wait3A_85 = tpu.memref_squeeze %dma_wait3A_84 : memref<1x128xi32, #tpu.memory_space<vmem>> -> memref<128xi32, #tpu.memory_space<vmem>>
        %dma_wait3A_86 = arith.constant 0 : i32
        %dma_wait3A_87 = arith.constant 0 : i32
        %dma_wait3A_88 = tpu.memref_slice %arg10[%dma_wait3A_86, %dma_wait3A_87] : memref<10240x128xf32, #tpu.memory_space<vmem_shared>> -> memref<10240x128xf32, #tpu.memory_space<vmem_shared>>
        tpu.wait_indirect_dma semaphore(%run_scoped3A : memref<!tpu.dma_semaphore, #tpu.memory_space<semaphore_mem>>) src(%dma_wait3A_82 : memref<128x128xf32, #tpu.memory_space<vmem>>) dst(%dma_wait3A_88 : memref<10240x128xf32, #tpu.memory_space<vmem_shared>>)
        tpu.yield
      }) : () -> ()
    }
    %scan3A_66 = arith.constant 16 : i32
    %barrier3A_67 = arith.constant 0 : index
    tpu.barrier barrier_id(%barrier3A_67)
    "tpu.region"() ({
      %run_scoped3A = tpu.sem_alloc : memref<!tpu.dma_semaphore, #tpu.memory_space<semaphore_mem>>
      %dma_start3A = arith.constant 0 : i32
      %dma_start3A_68 = arith.constant 0 : i32
      %dma_start3A_69 = tpu.memref_slice %arg6[%arg0, %dma_start3A, %dma_start3A_68] : memref<2x10240x128xf32, #tpu.memory_space<hbm>> -> memref<1x10240x128xf32, #tpu.memory_space<hbm>>
      %dma_start3A_70 = tpu.memref_squeeze %dma_start3A_69 : memref<1x10240x128xf32, #tpu.memory_space<hbm>> -> memref<10240x128xf32, #tpu.memory_space<hbm>>
      %dma_start3A_71 = arith.constant 0 : i32
      %dma_start3A_72 = tpu.memref_slice %dma_start3A_70[%mul3A_2, %dma_start3A_71] : memref<10240x128xf32, #tpu.memory_space<hbm>> -> memref<640x128xf32, #tpu.memory_space<hbm>>
      %dma_start3A_73 = arith.constant 0 : i32
      %dma_start3A_74 = tpu.memref_slice %arg10[%mul3A_2, %dma_start3A_73] : memref<10240x128xf32, #tpu.memory_space<vmem_shared>> -> memref<640x128xf32, #tpu.memory_space<vmem_shared>>
      tpu.enqueue_dma source(%dma_start3A_74 : memref<640x128xf32, #tpu.memory_space<vmem_shared>>) target(%dma_start3A_72 : memref<640x128xf32, #tpu.memory_space<hbm>>) target_semaphore(%run_scoped3A : memref<!tpu.dma_semaphore, #tpu.memory_space<semaphore_mem>>)
      %dma_wait3A = arith.constant 0 : i32
      %dma_wait3A_75 = arith.constant 0 : i32
      %dma_wait3A_76 = tpu.memref_slice %arg6[%arg0, %dma_wait3A, %dma_wait3A_75] : memref<2x10240x128xf32, #tpu.memory_space<hbm>> -> memref<1x10240x128xf32, #tpu.memory_space<hbm>>
      %dma_wait3A_77 = tpu.memref_squeeze %dma_wait3A_76 : memref<1x10240x128xf32, #tpu.memory_space<hbm>> -> memref<10240x128xf32, #tpu.memory_space<hbm>>
      %dma_wait3A_78 = arith.constant 0 : i32
      %dma_wait3A_79 = tpu.memref_slice %dma_wait3A_77[%mul3A_2, %dma_wait3A_78] : memref<10240x128xf32, #tpu.memory_space<hbm>> -> memref<640x128xf32, #tpu.memory_space<hbm>>
      %dma_wait3A_80 = arith.constant 0 : i32
      %dma_wait3A_81 = tpu.memref_slice %arg10[%mul3A_2, %dma_wait3A_80] : memref<10240x128xf32, #tpu.memory_space<vmem_shared>> -> memref<640x128xf32, #tpu.memory_space<vmem_shared>>
      tpu.wait_dma2 semaphore(%run_scoped3A : memref<!tpu.dma_semaphore, #tpu.memory_space<semaphore_mem>>) src(%dma_wait3A_81 : memref<640x128xf32, #tpu.memory_space<vmem_shared>>) dst(%dma_wait3A_79 : memref<640x128xf32, #tpu.memory_space<hbm>>)
      tpu.yield
    }) : () -> ()
    return
  }
}

#map = affine_map<(d0, d1) -> (0, 0)>
#map1 = affine_map<(d0, d1) -> (0, 0, 0)>
module attributes {stable_mosaic.version = 14 : i64} {
  func.func @agg(%arg0: i32, %arg1: i32, %arg2: memref<10240x128xf32, #tpu.memory_space<hbm>>, %arg3: memref<160x16x128xi32, #tpu.memory_space<hbm>>, %arg4: memref<160x16x128xi32, #tpu.memory_space<hbm>>, %arg5: memref<640x128xf32, #tpu.memory_space<hbm>>, %arg6: memref<2x10240x128xf32, #tpu.memory_space<hbm>>, %arg7: memref<16x128xi32, #tpu.memory_space<vmem>>, %arg8: memref<16x128xi32, #tpu.memory_space<vmem>>, %arg9: memref<256x128xf32, #tpu.memory_space<vmem>>, %arg10: memref<10240x128xf32, #tpu.memory_space<vmem_shared>>) attributes {dimension_semantics = [#tpu.dimension_semantics<core_parallel>, #tpu.dimension_semantics<subcore_parallel>], iteration_bounds = array<i64: 2, 16>, scalar_prefetch = 0 : i64, scratch_operands = 4 : i64, tpu.core_type = #tpu.core_type<sc_vector_subcore>, window_params = [{transform_indices = #map}, {transform_indices = #map1}, {transform_indices = #map1}, {transform_indices = #map}, {transform_indices = #map1}]} {
    %mul3A = arith.constant 16 : i32
    %mul3A_0 = arith.muli %arg0, %mul3A : i32
    %add3A = arith.addi %mul3A_0, %arg1 : i32
    %mul3A_1 = arith.constant 640 : i32
    %mul3A_2 = arith.muli %arg1, %mul3A_1 : i32
    "tpu.region"() ({
      %run_scoped3A = tpu.sem_alloc : memref<!tpu.dma_semaphore, #tpu.memory_space<semaphore_mem>>
      %dma_start3A = arith.constant 0 : i32
      %dma_start3A_68 = tpu.memref_slice %arg10[%mul3A_2, %dma_start3A] : memref<10240x128xf32, #tpu.memory_space<vmem_shared>> -> memref<640x128xf32, #tpu.memory_space<vmem_shared>>
      tpu.enqueue_dma source(%arg5 : memref<640x128xf32, #tpu.memory_space<hbm>>) target(%dma_start3A_68 : memref<640x128xf32, #tpu.memory_space<vmem_shared>>) target_semaphore(%run_scoped3A : memref<!tpu.dma_semaphore, #tpu.memory_space<semaphore_mem>>)
      %dma_wait3A = arith.constant 0 : i32
      %dma_wait3A_69 = tpu.memref_slice %arg10[%mul3A_2, %dma_wait3A] : memref<10240x128xf32, #tpu.memory_space<vmem_shared>> -> memref<640x128xf32, #tpu.memory_space<vmem_shared>>
      tpu.wait_dma2 semaphore(%run_scoped3A : memref<!tpu.dma_semaphore, #tpu.memory_space<semaphore_mem>>) src(%arg5 : memref<640x128xf32, #tpu.memory_space<hbm>>) dst(%dma_wait3A_69 : memref<640x128xf32, #tpu.memory_space<vmem_shared>>)
      tpu.yield
    }) : () -> ()
    %barrier3A = arith.constant 0 : index
    tpu.barrier barrier_id(%barrier3A)
    %mul3A_3 = arith.constant 5 : i32
    %mul3A_4 = arith.muli %add3A, %mul3A_3 : i32
    %add3A_5 = arith.constant 0 : i32
    %add3A_6 = arith.addi %mul3A_4, %add3A_5 : i32
    "tpu.region"() ({
      %run_scoped3A = tpu.sem_alloc : memref<!tpu.dma_semaphore, #tpu.memory_space<semaphore_mem>>
      %dma_start3A = arith.constant 0 : i32
      %dma_start3A_68 = arith.constant 0 : i32
      %dma_start3A_69 = tpu.memref_slice %arg3[%add3A_6, %dma_start3A, %dma_start3A_68] : memref<160x16x128xi32, #tpu.memory_space<hbm>> -> memref<1x16x128xi32, #tpu.memory_space<hbm>>
      %dma_start3A_70 = tpu.memref_squeeze %dma_start3A_69 : memref<1x16x128xi32, #tpu.memory_space<hbm>> -> memref<16x128xi32, #tpu.memory_space<hbm>>
      %dma_start3A_71 = arith.constant 0 : i32
      %dma_start3A_72 = arith.constant 0 : i32
      %dma_start3A_73 = tpu.memref_slice %arg3[%add3A_6, %dma_start3A_71, %dma_start3A_72] : memref<160x16x128xi32, #tpu.memory_space<hbm>> -> memref<1x16x128xi32, #tpu.memory_space<hbm>>
      %dma_start3A_74 = tpu.memref_squeeze %dma_start3A_73 : memref<1x16x128xi32, #tpu.memory_space<hbm>> -> memref<16x128xi32, #tpu.memory_space<hbm>>
      tpu.enqueue_dma source(%dma_start3A_74 : memref<16x128xi32, #tpu.memory_space<hbm>>) target(%arg7 : memref<16x128xi32, #tpu.memory_space<vmem>>) target_semaphore(%run_scoped3A : memref<!tpu.dma_semaphore, #tpu.memory_space<semaphore_mem>>)
      %dma_wait3A = arith.constant 0 : i32
      %dma_wait3A_75 = arith.constant 0 : i32
      %dma_wait3A_76 = tpu.memref_slice %arg3[%add3A_6, %dma_wait3A, %dma_wait3A_75] : memref<160x16x128xi32, #tpu.memory_space<hbm>> -> memref<1x16x128xi32, #tpu.memory_space<hbm>>
      %dma_wait3A_77 = tpu.memref_squeeze %dma_wait3A_76 : memref<1x16x128xi32, #tpu.memory_space<hbm>> -> memref<16x128xi32, #tpu.memory_space<hbm>>
      %dma_wait3A_78 = arith.constant 0 : i32
      %dma_wait3A_79 = arith.constant 0 : i32
      %dma_wait3A_80 = tpu.memref_slice %arg3[%add3A_6, %dma_wait3A_78, %dma_wait3A_79] : memref<160x16x128xi32, #tpu.memory_space<hbm>> -> memref<1x16x128xi32, #tpu.memory_space<hbm>>
      %dma_wait3A_81 = tpu.memref_squeeze %dma_wait3A_80 : memref<1x16x128xi32, #tpu.memory_space<hbm>> -> memref<16x128xi32, #tpu.memory_space<hbm>>
      tpu.wait_dma2 semaphore(%run_scoped3A : memref<!tpu.dma_semaphore, #tpu.memory_space<semaphore_mem>>) src(%dma_wait3A_81 : memref<16x128xi32, #tpu.memory_space<hbm>>) dst(%arg7 : memref<16x128xi32, #tpu.memory_space<vmem>>)
      tpu.yield
    }) : () -> ()
    %mul3A_7 = arith.constant 5 : i32
    %mul3A_8 = arith.muli %add3A, %mul3A_7 : i32
    %add3A_9 = arith.constant 0 : i32
    %add3A_10 = arith.addi %mul3A_8, %add3A_9 : i32
    "tpu.region"() ({
      %run_scoped3A = tpu.sem_alloc : memref<!tpu.dma_semaphore, #tpu.memory_space<semaphore_mem>>
      %dma_start3A = arith.constant 0 : i32
      %dma_start3A_68 = arith.constant 0 : i32
      %dma_start3A_69 = tpu.memref_slice %arg4[%add3A_10, %dma_start3A, %dma_start3A_68] : memref<160x16x128xi32, #tpu.memory_space<hbm>> -> memref<1x16x128xi32, #tpu.memory_space<hbm>>
      %dma_start3A_70 = tpu.memref_squeeze %dma_start3A_69 : memref<1x16x128xi32, #tpu.memory_space<hbm>> -> memref<16x128xi32, #tpu.memory_space<hbm>>
      %dma_start3A_71 = arith.constant 0 : i32
      %dma_start3A_72 = arith.constant 0 : i32
      %dma_start3A_73 = tpu.memref_slice %arg4[%add3A_10, %dma_start3A_71, %dma_start3A_72] : memref<160x16x128xi32, #tpu.memory_space<hbm>> -> memref<1x16x128xi32, #tpu.memory_space<hbm>>
      %dma_start3A_74 = tpu.memref_squeeze %dma_start3A_73 : memref<1x16x128xi32, #tpu.memory_space<hbm>> -> memref<16x128xi32, #tpu.memory_space<hbm>>
      tpu.enqueue_dma source(%dma_start3A_74 : memref<16x128xi32, #tpu.memory_space<hbm>>) target(%arg8 : memref<16x128xi32, #tpu.memory_space<vmem>>) target_semaphore(%run_scoped3A : memref<!tpu.dma_semaphore, #tpu.memory_space<semaphore_mem>>)
      %dma_wait3A = arith.constant 0 : i32
      %dma_wait3A_75 = arith.constant 0 : i32
      %dma_wait3A_76 = tpu.memref_slice %arg4[%add3A_10, %dma_wait3A, %dma_wait3A_75] : memref<160x16x128xi32, #tpu.memory_space<hbm>> -> memref<1x16x128xi32, #tpu.memory_space<hbm>>
      %dma_wait3A_77 = tpu.memref_squeeze %dma_wait3A_76 : memref<1x16x128xi32, #tpu.memory_space<hbm>> -> memref<16x128xi32, #tpu.memory_space<hbm>>
      %dma_wait3A_78 = arith.constant 0 : i32
      %dma_wait3A_79 = arith.constant 0 : i32
      %dma_wait3A_80 = tpu.memref_slice %arg4[%add3A_10, %dma_wait3A_78, %dma_wait3A_79] : memref<160x16x128xi32, #tpu.memory_space<hbm>> -> memref<1x16x128xi32, #tpu.memory_space<hbm>>
      %dma_wait3A_81 = tpu.memref_squeeze %dma_wait3A_80 : memref<1x16x128xi32, #tpu.memory_space<hbm>> -> memref<16x128xi32, #tpu.memory_space<hbm>>
      tpu.wait_dma2 semaphore(%run_scoped3A : memref<!tpu.dma_semaphore, #tpu.memory_space<semaphore_mem>>) src(%dma_wait3A_81 : memref<16x128xi32, #tpu.memory_space<hbm>>) dst(%arg8 : memref<16x128xi32, #tpu.memory_space<vmem>>)
      tpu.yield
    }) : () -> ()
    %scan3A = arith.constant 0 : i32
    %scan3A_11 = arith.constant 16 : i32
    %scan3A_12 = arith.addi %scan3A, %scan3A_11 : i32
    %scan3A_13 = arith.constant 1 : i32
    scf.for %scan3A_68 = %scan3A to %scan3A_12 step %scan3A_13  : i32 {
      %mul3A_69 = arith.constant 1 : i32
      %mul3A_70 = arith.muli %scan3A_68, %mul3A_69 : i32
      %add3A_71 = arith.constant 0 : i32
      %add3A_72 = arith.addi %add3A_71, %mul3A_70 : i32
      "tpu.region"() ({
        %run_scoped3A = tpu.sem_alloc : memref<!tpu.dma_semaphore, #tpu.memory_space<semaphore_mem>>
        %dma_start3A = arith.constant 0 : i32
        %dma_start3A_73 = arith.constant 0 : i32
        %dma_start3A_74 = tpu.memref_slice %arg9[%dma_start3A, %dma_start3A_73] : memref<256x128xf32, #tpu.memory_space<vmem>> -> memref<128x128xf32, #tpu.memory_space<vmem>>
        %dma_start3A_75 = arith.constant 0 : i32
        %dma_start3A_76 = tpu.memref_slice %arg7[%add3A_72, %dma_start3A_75] : memref<16x128xi32, #tpu.memory_space<vmem>> -> memref<1x128xi32, #tpu.memory_space<vmem>>
        %dma_start3A_77 = tpu.memref_squeeze %dma_start3A_76 : memref<1x128xi32, #tpu.memory_space<vmem>> -> memref<128xi32, #tpu.memory_space<vmem>>
        %dma_start3A_78 = arith.constant 0 : i32
        %dma_start3A_79 = arith.constant 0 : i32
        %dma_start3A_80 = tpu.memref_slice %arg2[%dma_start3A_78, %dma_start3A_79] : memref<10240x128xf32, #tpu.memory_space<hbm>> -> memref<10240x128xf32, #tpu.memory_space<hbm>>
        tpu.enqueue_indirect_dma source(%dma_start3A_80 : memref<10240x128xf32, #tpu.memory_space<hbm>>) target(%dma_start3A_74 : memref<128x128xf32, #tpu.memory_space<vmem>>) offsets(%dma_start3A_77 : memref<128xi32, #tpu.memory_space<vmem>>) semaphore(%run_scoped3A : memref<!tpu.dma_semaphore, #tpu.memory_space<semaphore_mem>>)
        %dma_wait3A = arith.constant 0 : i32
        %dma_wait3A_81 = arith.constant 0 : i32
        %dma_wait3A_82 = tpu.memref_slice %arg9[%dma_wait3A, %dma_wait3A_81] : memref<256x128xf32, #tpu.memory_space<vmem>> -> memref<128x128xf32, #tpu.memory_space<vmem>>
        %dma_wait3A_83 = arith.constant 0 : i32
        %dma_wait3A_84 = tpu.memref_slice %arg7[%add3A_72, %dma_wait3A_83] : memref<16x128xi32, #tpu.memory_space<vmem>> -> memref<1x128xi32, #tpu.memory_space<vmem>>
        %dma_wait3A_85 = tpu.memref_squeeze %dma_wait3A_84 : memref<1x128xi32, #tpu.memory_space<vmem>> -> memref<128xi32, #tpu.memory_space<vmem>>
        %dma_wait3A_86 = arith.constant 0 : i32
        %dma_wait3A_87 = arith.constant 0 : i32
        %dma_wait3A_88 = tpu.memref_slice %arg2[%dma_wait3A_86, %dma_wait3A_87] : memref<10240x128xf32, #tpu.memory_space<hbm>> -> memref<10240x128xf32, #tpu.memory_space<hbm>>
        tpu.wait_indirect_dma semaphore(%run_scoped3A : memref<!tpu.dma_semaphore, #tpu.memory_space<semaphore_mem>>) src(%dma_wait3A_88 : memref<10240x128xf32, #tpu.memory_space<hbm>>) dst(%dma_wait3A_82 : memref<128x128xf32, #tpu.memory_space<vmem>>)
        tpu.yield
      }) : () -> ()
      "tpu.region"() ({
        %run_scoped3A = tpu.sem_alloc : memref<!tpu.dma_semaphore, #tpu.memory_space<semaphore_mem>>
        %dma_start3A = arith.constant 0 : i32
        %dma_start3A_73 = arith.constant 0 : i32
        %dma_start3A_74 = tpu.memref_slice %arg9[%dma_start3A, %dma_start3A_73] : memref<256x128xf32, #tpu.memory_space<vmem>> -> memref<128x128xf32, #tpu.memory_space<vmem>>
        %dma_start3A_75 = arith.constant 0 : i32
        %dma_start3A_76 = tpu.memref_slice %arg8[%add3A_72, %dma_start3A_75] : memref<16x128xi32, #tpu.memory_space<vmem>> -> memref<1x128xi32, #tpu.memory_space<vmem>>
        %dma_start3A_77 = tpu.memref_squeeze %dma_start3A_76 : memref<1x128xi32, #tpu.memory_space<vmem>> -> memref<128xi32, #tpu.memory_space<vmem>>
        %dma_start3A_78 = arith.constant 0 : i32
        %dma_start3A_79 = arith.constant 0 : i32
        %dma_start3A_80 = tpu.memref_slice %arg10[%dma_start3A_78, %dma_start3A_79] : memref<10240x128xf32, #tpu.memory_space<vmem_shared>> -> memref<10240x128xf32, #tpu.memory_space<vmem_shared>>
        tpu.enqueue_indirect_dma source(%dma_start3A_74 : memref<128x128xf32, #tpu.memory_space<vmem>>) target(%dma_start3A_80 : memref<10240x128xf32, #tpu.memory_space<vmem_shared>>) offsets(%dma_start3A_77 : memref<128xi32, #tpu.memory_space<vmem>>) semaphore(%run_scoped3A : memref<!tpu.dma_semaphore, #tpu.memory_space<semaphore_mem>>) {add = true}
        %dma_wait3A = arith.constant 0 : i32
        %dma_wait3A_81 = arith.constant 0 : i32
        %dma_wait3A_82 = tpu.memref_slice %arg9[%dma_wait3A, %dma_wait3A_81] : memref<256x128xf32, #tpu.memory_space<vmem>> -> memref<128x128xf32, #tpu.memory_space<vmem>>
        %dma_wait3A_83 = arith.constant 0 : i32
        %dma_wait3A_84 = tpu.memref_slice %arg8[%add3A_72, %dma_wait3A_83] : memref<16x128xi32, #tpu.memory_space<vmem>> -> memref<1x128xi32, #tpu.memory_space<vmem>>
        %dma_wait3A_85 = tpu.memref_squeeze %dma_wait3A_84 : memref<1x128xi32, #tpu.memory_space<vmem>> -> memref<128xi32, #tpu.memory_space<vmem>>
        %dma_wait3A_86 = arith.constant 0 : i32
        %dma_wait3A_87 = arith.constant 0 : i32
        %dma_wait3A_88 = tpu.memref_slice %arg10[%dma_wait3A_86, %dma_wait3A_87] : memref<10240x128xf32, #tpu.memory_space<vmem_shared>> -> memref<10240x128xf32, #tpu.memory_space<vmem_shared>>
        tpu.wait_indirect_dma semaphore(%run_scoped3A : memref<!tpu.dma_semaphore, #tpu.memory_space<semaphore_mem>>) src(%dma_wait3A_82 : memref<128x128xf32, #tpu.memory_space<vmem>>) dst(%dma_wait3A_88 : memref<10240x128xf32, #tpu.memory_space<vmem_shared>>)
        tpu.yield
      }) : () -> ()
    }
    %scan3A_14 = arith.constant 16 : i32
    %mul3A_15 = arith.constant 5 : i32
    %mul3A_16 = arith.muli %add3A, %mul3A_15 : i32
    %add3A_17 = arith.constant 1 : i32
    %add3A_18 = arith.addi %mul3A_16, %add3A_17 : i32
    "tpu.region"() ({
      %run_scoped3A = tpu.sem_alloc : memref<!tpu.dma_semaphore, #tpu.memory_space<semaphore_mem>>
      %dma_start3A = arith.constant 0 : i32
      %dma_start3A_68 = arith.constant 0 : i32
      %dma_start3A_69 = tpu.memref_slice %arg3[%add3A_18, %dma_start3A, %dma_start3A_68] : memref<160x16x128xi32, #tpu.memory_space<hbm>> -> memref<1x16x128xi32, #tpu.memory_space<hbm>>
      %dma_start3A_70 = tpu.memref_squeeze %dma_start3A_69 : memref<1x16x128xi32, #tpu.memory_space<hbm>> -> memref<16x128xi32, #tpu.memory_space<hbm>>
      %dma_start3A_71 = arith.constant 0 : i32
      %dma_start3A_72 = arith.constant 0 : i32
      %dma_start3A_73 = tpu.memref_slice %arg3[%add3A_18, %dma_start3A_71, %dma_start3A_72] : memref<160x16x128xi32, #tpu.memory_space<hbm>> -> memref<1x16x128xi32, #tpu.memory_space<hbm>>
      %dma_start3A_74 = tpu.memref_squeeze %dma_start3A_73 : memref<1x16x128xi32, #tpu.memory_space<hbm>> -> memref<16x128xi32, #tpu.memory_space<hbm>>
      tpu.enqueue_dma source(%dma_start3A_74 : memref<16x128xi32, #tpu.memory_space<hbm>>) target(%arg7 : memref<16x128xi32, #tpu.memory_space<vmem>>) target_semaphore(%run_scoped3A : memref<!tpu.dma_semaphore, #tpu.memory_space<semaphore_mem>>)
      %dma_wait3A = arith.constant 0 : i32
      %dma_wait3A_75 = arith.constant 0 : i32
      %dma_wait3A_76 = tpu.memref_slice %arg3[%add3A_18, %dma_wait3A, %dma_wait3A_75] : memref<160x16x128xi32, #tpu.memory_space<hbm>> -> memref<1x16x128xi32, #tpu.memory_space<hbm>>
      %dma_wait3A_77 = tpu.memref_squeeze %dma_wait3A_76 : memref<1x16x128xi32, #tpu.memory_space<hbm>> -> memref<16x128xi32, #tpu.memory_space<hbm>>
      %dma_wait3A_78 = arith.constant 0 : i32
      %dma_wait3A_79 = arith.constant 0 : i32
      %dma_wait3A_80 = tpu.memref_slice %arg3[%add3A_18, %dma_wait3A_78, %dma_wait3A_79] : memref<160x16x128xi32, #tpu.memory_space<hbm>> -> memref<1x16x128xi32, #tpu.memory_space<hbm>>
      %dma_wait3A_81 = tpu.memref_squeeze %dma_wait3A_80 : memref<1x16x128xi32, #tpu.memory_space<hbm>> -> memref<16x128xi32, #tpu.memory_space<hbm>>
      tpu.wait_dma2 semaphore(%run_scoped3A : memref<!tpu.dma_semaphore, #tpu.memory_space<semaphore_mem>>) src(%dma_wait3A_81 : memref<16x128xi32, #tpu.memory_space<hbm>>) dst(%arg7 : memref<16x128xi32, #tpu.memory_space<vmem>>)
      tpu.yield
    }) : () -> ()
    %mul3A_19 = arith.constant 5 : i32
    %mul3A_20 = arith.muli %add3A, %mul3A_19 : i32
    %add3A_21 = arith.constant 1 : i32
    %add3A_22 = arith.addi %mul3A_20, %add3A_21 : i32
    "tpu.region"() ({
      %run_scoped3A = tpu.sem_alloc : memref<!tpu.dma_semaphore, #tpu.memory_space<semaphore_mem>>
      %dma_start3A = arith.constant 0 : i32
      %dma_start3A_68 = arith.constant 0 : i32
      %dma_start3A_69 = tpu.memref_slice %arg4[%add3A_22, %dma_start3A, %dma_start3A_68] : memref<160x16x128xi32, #tpu.memory_space<hbm>> -> memref<1x16x128xi32, #tpu.memory_space<hbm>>
      %dma_start3A_70 = tpu.memref_squeeze %dma_start3A_69 : memref<1x16x128xi32, #tpu.memory_space<hbm>> -> memref<16x128xi32, #tpu.memory_space<hbm>>
      %dma_start3A_71 = arith.constant 0 : i32
      %dma_start3A_72 = arith.constant 0 : i32
      %dma_start3A_73 = tpu.memref_slice %arg4[%add3A_22, %dma_start3A_71, %dma_start3A_72] : memref<160x16x128xi32, #tpu.memory_space<hbm>> -> memref<1x16x128xi32, #tpu.memory_space<hbm>>
      %dma_start3A_74 = tpu.memref_squeeze %dma_start3A_73 : memref<1x16x128xi32, #tpu.memory_space<hbm>> -> memref<16x128xi32, #tpu.memory_space<hbm>>
      tpu.enqueue_dma source(%dma_start3A_74 : memref<16x128xi32, #tpu.memory_space<hbm>>) target(%arg8 : memref<16x128xi32, #tpu.memory_space<vmem>>) target_semaphore(%run_scoped3A : memref<!tpu.dma_semaphore, #tpu.memory_space<semaphore_mem>>)
      %dma_wait3A = arith.constant 0 : i32
      %dma_wait3A_75 = arith.constant 0 : i32
      %dma_wait3A_76 = tpu.memref_slice %arg4[%add3A_22, %dma_wait3A, %dma_wait3A_75] : memref<160x16x128xi32, #tpu.memory_space<hbm>> -> memref<1x16x128xi32, #tpu.memory_space<hbm>>
      %dma_wait3A_77 = tpu.memref_squeeze %dma_wait3A_76 : memref<1x16x128xi32, #tpu.memory_space<hbm>> -> memref<16x128xi32, #tpu.memory_space<hbm>>
      %dma_wait3A_78 = arith.constant 0 : i32
      %dma_wait3A_79 = arith.constant 0 : i32
      %dma_wait3A_80 = tpu.memref_slice %arg4[%add3A_22, %dma_wait3A_78, %dma_wait3A_79] : memref<160x16x128xi32, #tpu.memory_space<hbm>> -> memref<1x16x128xi32, #tpu.memory_space<hbm>>
      %dma_wait3A_81 = tpu.memref_squeeze %dma_wait3A_80 : memref<1x16x128xi32, #tpu.memory_space<hbm>> -> memref<16x128xi32, #tpu.memory_space<hbm>>
      tpu.wait_dma2 semaphore(%run_scoped3A : memref<!tpu.dma_semaphore, #tpu.memory_space<semaphore_mem>>) src(%dma_wait3A_81 : memref<16x128xi32, #tpu.memory_space<hbm>>) dst(%arg8 : memref<16x128xi32, #tpu.memory_space<vmem>>)
      tpu.yield
    }) : () -> ()
    %scan3A_23 = arith.constant 0 : i32
    %scan3A_24 = arith.constant 16 : i32
    %scan3A_25 = arith.addi %scan3A_23, %scan3A_24 : i32
    %scan3A_26 = arith.constant 1 : i32
    scf.for %scan3A_68 = %scan3A_23 to %scan3A_25 step %scan3A_26  : i32 {
      %mul3A_69 = arith.constant 1 : i32
      %mul3A_70 = arith.muli %scan3A_68, %mul3A_69 : i32
      %add3A_71 = arith.constant 0 : i32
      %add3A_72 = arith.addi %add3A_71, %mul3A_70 : i32
      "tpu.region"() ({
        %run_scoped3A = tpu.sem_alloc : memref<!tpu.dma_semaphore, #tpu.memory_space<semaphore_mem>>
        %dma_start3A = arith.constant 0 : i32
        %dma_start3A_73 = arith.constant 0 : i32
        %dma_start3A_74 = tpu.memref_slice %arg9[%dma_start3A, %dma_start3A_73] : memref<256x128xf32, #tpu.memory_space<vmem>> -> memref<128x128xf32, #tpu.memory_space<vmem>>
        %dma_start3A_75 = arith.constant 0 : i32
        %dma_start3A_76 = tpu.memref_slice %arg7[%add3A_72, %dma_start3A_75] : memref<16x128xi32, #tpu.memory_space<vmem>> -> memref<1x128xi32, #tpu.memory_space<vmem>>
        %dma_start3A_77 = tpu.memref_squeeze %dma_start3A_76 : memref<1x128xi32, #tpu.memory_space<vmem>> -> memref<128xi32, #tpu.memory_space<vmem>>
        %dma_start3A_78 = arith.constant 0 : i32
        %dma_start3A_79 = arith.constant 0 : i32
        %dma_start3A_80 = tpu.memref_slice %arg2[%dma_start3A_78, %dma_start3A_79] : memref<10240x128xf32, #tpu.memory_space<hbm>> -> memref<10240x128xf32, #tpu.memory_space<hbm>>
        tpu.enqueue_indirect_dma source(%dma_start3A_80 : memref<10240x128xf32, #tpu.memory_space<hbm>>) target(%dma_start3A_74 : memref<128x128xf32, #tpu.memory_space<vmem>>) offsets(%dma_start3A_77 : memref<128xi32, #tpu.memory_space<vmem>>) semaphore(%run_scoped3A : memref<!tpu.dma_semaphore, #tpu.memory_space<semaphore_mem>>)
        %dma_wait3A = arith.constant 0 : i32
        %dma_wait3A_81 = arith.constant 0 : i32
        %dma_wait3A_82 = tpu.memref_slice %arg9[%dma_wait3A, %dma_wait3A_81] : memref<256x128xf32, #tpu.memory_space<vmem>> -> memref<128x128xf32, #tpu.memory_space<vmem>>
        %dma_wait3A_83 = arith.constant 0 : i32
        %dma_wait3A_84 = tpu.memref_slice %arg7[%add3A_72, %dma_wait3A_83] : memref<16x128xi32, #tpu.memory_space<vmem>> -> memref<1x128xi32, #tpu.memory_space<vmem>>
        %dma_wait3A_85 = tpu.memref_squeeze %dma_wait3A_84 : memref<1x128xi32, #tpu.memory_space<vmem>> -> memref<128xi32, #tpu.memory_space<vmem>>
        %dma_wait3A_86 = arith.constant 0 : i32
        %dma_wait3A_87 = arith.constant 0 : i32
        %dma_wait3A_88 = tpu.memref_slice %arg2[%dma_wait3A_86, %dma_wait3A_87] : memref<10240x128xf32, #tpu.memory_space<hbm>> -> memref<10240x128xf32, #tpu.memory_space<hbm>>
        tpu.wait_indirect_dma semaphore(%run_scoped3A : memref<!tpu.dma_semaphore, #tpu.memory_space<semaphore_mem>>) src(%dma_wait3A_88 : memref<10240x128xf32, #tpu.memory_space<hbm>>) dst(%dma_wait3A_82 : memref<128x128xf32, #tpu.memory_space<vmem>>)
        tpu.yield
      }) : () -> ()
      "tpu.region"() ({
        %run_scoped3A = tpu.sem_alloc : memref<!tpu.dma_semaphore, #tpu.memory_space<semaphore_mem>>
        %dma_start3A = arith.constant 0 : i32
        %dma_start3A_73 = arith.constant 0 : i32
        %dma_start3A_74 = tpu.memref_slice %arg9[%dma_start3A, %dma_start3A_73] : memref<256x128xf32, #tpu.memory_space<vmem>> -> memref<128x128xf32, #tpu.memory_space<vmem>>
        %dma_start3A_75 = arith.constant 0 : i32
        %dma_start3A_76 = tpu.memref_slice %arg8[%add3A_72, %dma_start3A_75] : memref<16x128xi32, #tpu.memory_space<vmem>> -> memref<1x128xi32, #tpu.memory_space<vmem>>
        %dma_start3A_77 = tpu.memref_squeeze %dma_start3A_76 : memref<1x128xi32, #tpu.memory_space<vmem>> -> memref<128xi32, #tpu.memory_space<vmem>>
        %dma_start3A_78 = arith.constant 0 : i32
        %dma_start3A_79 = arith.constant 0 : i32
        %dma_start3A_80 = tpu.memref_slice %arg10[%dma_start3A_78, %dma_start3A_79] : memref<10240x128xf32, #tpu.memory_space<vmem_shared>> -> memref<10240x128xf32, #tpu.memory_space<vmem_shared>>
        tpu.enqueue_indirect_dma source(%dma_start3A_74 : memref<128x128xf32, #tpu.memory_space<vmem>>) target(%dma_start3A_80 : memref<10240x128xf32, #tpu.memory_space<vmem_shared>>) offsets(%dma_start3A_77 : memref<128xi32, #tpu.memory_space<vmem>>) semaphore(%run_scoped3A : memref<!tpu.dma_semaphore, #tpu.memory_space<semaphore_mem>>) {add = true}
        %dma_wait3A = arith.constant 0 : i32
        %dma_wait3A_81 = arith.constant 0 : i32
        %dma_wait3A_82 = tpu.memref_slice %arg9[%dma_wait3A, %dma_wait3A_81] : memref<256x128xf32, #tpu.memory_space<vmem>> -> memref<128x128xf32, #tpu.memory_space<vmem>>
        %dma_wait3A_83 = arith.constant 0 : i32
        %dma_wait3A_84 = tpu.memref_slice %arg8[%add3A_72, %dma_wait3A_83] : memref<16x128xi32, #tpu.memory_space<vmem>> -> memref<1x128xi32, #tpu.memory_space<vmem>>
        %dma_wait3A_85 = tpu.memref_squeeze %dma_wait3A_84 : memref<1x128xi32, #tpu.memory_space<vmem>> -> memref<128xi32, #tpu.memory_space<vmem>>
        %dma_wait3A_86 = arith.constant 0 : i32
        %dma_wait3A_87 = arith.constant 0 : i32
        %dma_wait3A_88 = tpu.memref_slice %arg10[%dma_wait3A_86, %dma_wait3A_87] : memref<10240x128xf32, #tpu.memory_space<vmem_shared>> -> memref<10240x128xf32, #tpu.memory_space<vmem_shared>>
        tpu.wait_indirect_dma semaphore(%run_scoped3A : memref<!tpu.dma_semaphore, #tpu.memory_space<semaphore_mem>>) src(%dma_wait3A_82 : memref<128x128xf32, #tpu.memory_space<vmem>>) dst(%dma_wait3A_88 : memref<10240x128xf32, #tpu.memory_space<vmem_shared>>)
        tpu.yield
      }) : () -> ()
    }
    %scan3A_27 = arith.constant 16 : i32
    %mul3A_28 = arith.constant 5 : i32
    %mul3A_29 = arith.muli %add3A, %mul3A_28 : i32
    %add3A_30 = arith.constant 2 : i32
    %add3A_31 = arith.addi %mul3A_29, %add3A_30 : i32
    "tpu.region"() ({
      %run_scoped3A = tpu.sem_alloc : memref<!tpu.dma_semaphore, #tpu.memory_space<semaphore_mem>>
      %dma_start3A = arith.constant 0 : i32
      %dma_start3A_68 = arith.constant 0 : i32
      %dma_start3A_69 = tpu.memref_slice %arg3[%add3A_31, %dma_start3A, %dma_start3A_68] : memref<160x16x128xi32, #tpu.memory_space<hbm>> -> memref<1x16x128xi32, #tpu.memory_space<hbm>>
      %dma_start3A_70 = tpu.memref_squeeze %dma_start3A_69 : memref<1x16x128xi32, #tpu.memory_space<hbm>> -> memref<16x128xi32, #tpu.memory_space<hbm>>
      %dma_start3A_71 = arith.constant 0 : i32
      %dma_start3A_72 = arith.constant 0 : i32
      %dma_start3A_73 = tpu.memref_slice %arg3[%add3A_31, %dma_start3A_71, %dma_start3A_72] : memref<160x16x128xi32, #tpu.memory_space<hbm>> -> memref<1x16x128xi32, #tpu.memory_space<hbm>>
      %dma_start3A_74 = tpu.memref_squeeze %dma_start3A_73 : memref<1x16x128xi32, #tpu.memory_space<hbm>> -> memref<16x128xi32, #tpu.memory_space<hbm>>
      tpu.enqueue_dma source(%dma_start3A_74 : memref<16x128xi32, #tpu.memory_space<hbm>>) target(%arg7 : memref<16x128xi32, #tpu.memory_space<vmem>>) target_semaphore(%run_scoped3A : memref<!tpu.dma_semaphore, #tpu.memory_space<semaphore_mem>>)
      %dma_wait3A = arith.constant 0 : i32
      %dma_wait3A_75 = arith.constant 0 : i32
      %dma_wait3A_76 = tpu.memref_slice %arg3[%add3A_31, %dma_wait3A, %dma_wait3A_75] : memref<160x16x128xi32, #tpu.memory_space<hbm>> -> memref<1x16x128xi32, #tpu.memory_space<hbm>>
      %dma_wait3A_77 = tpu.memref_squeeze %dma_wait3A_76 : memref<1x16x128xi32, #tpu.memory_space<hbm>> -> memref<16x128xi32, #tpu.memory_space<hbm>>
      %dma_wait3A_78 = arith.constant 0 : i32
      %dma_wait3A_79 = arith.constant 0 : i32
      %dma_wait3A_80 = tpu.memref_slice %arg3[%add3A_31, %dma_wait3A_78, %dma_wait3A_79] : memref<160x16x128xi32, #tpu.memory_space<hbm>> -> memref<1x16x128xi32, #tpu.memory_space<hbm>>
      %dma_wait3A_81 = tpu.memref_squeeze %dma_wait3A_80 : memref<1x16x128xi32, #tpu.memory_space<hbm>> -> memref<16x128xi32, #tpu.memory_space<hbm>>
      tpu.wait_dma2 semaphore(%run_scoped3A : memref<!tpu.dma_semaphore, #tpu.memory_space<semaphore_mem>>) src(%dma_wait3A_81 : memref<16x128xi32, #tpu.memory_space<hbm>>) dst(%arg7 : memref<16x128xi32, #tpu.memory_space<vmem>>)
      tpu.yield
    }) : () -> ()
    %mul3A_32 = arith.constant 5 : i32
    %mul3A_33 = arith.muli %add3A, %mul3A_32 : i32
    %add3A_34 = arith.constant 2 : i32
    %add3A_35 = arith.addi %mul3A_33, %add3A_34 : i32
    "tpu.region"() ({
      %run_scoped3A = tpu.sem_alloc : memref<!tpu.dma_semaphore, #tpu.memory_space<semaphore_mem>>
      %dma_start3A = arith.constant 0 : i32
      %dma_start3A_68 = arith.constant 0 : i32
      %dma_start3A_69 = tpu.memref_slice %arg4[%add3A_35, %dma_start3A, %dma_start3A_68] : memref<160x16x128xi32, #tpu.memory_space<hbm>> -> memref<1x16x128xi32, #tpu.memory_space<hbm>>
      %dma_start3A_70 = tpu.memref_squeeze %dma_start3A_69 : memref<1x16x128xi32, #tpu.memory_space<hbm>> -> memref<16x128xi32, #tpu.memory_space<hbm>>
      %dma_start3A_71 = arith.constant 0 : i32
      %dma_start3A_72 = arith.constant 0 : i32
      %dma_start3A_73 = tpu.memref_slice %arg4[%add3A_35, %dma_start3A_71, %dma_start3A_72] : memref<160x16x128xi32, #tpu.memory_space<hbm>> -> memref<1x16x128xi32, #tpu.memory_space<hbm>>
      %dma_start3A_74 = tpu.memref_squeeze %dma_start3A_73 : memref<1x16x128xi32, #tpu.memory_space<hbm>> -> memref<16x128xi32, #tpu.memory_space<hbm>>
      tpu.enqueue_dma source(%dma_start3A_74 : memref<16x128xi32, #tpu.memory_space<hbm>>) target(%arg8 : memref<16x128xi32, #tpu.memory_space<vmem>>) target_semaphore(%run_scoped3A : memref<!tpu.dma_semaphore, #tpu.memory_space<semaphore_mem>>)
      %dma_wait3A = arith.constant 0 : i32
      %dma_wait3A_75 = arith.constant 0 : i32
      %dma_wait3A_76 = tpu.memref_slice %arg4[%add3A_35, %dma_wait3A, %dma_wait3A_75] : memref<160x16x128xi32, #tpu.memory_space<hbm>> -> memref<1x16x128xi32, #tpu.memory_space<hbm>>
      %dma_wait3A_77 = tpu.memref_squeeze %dma_wait3A_76 : memref<1x16x128xi32, #tpu.memory_space<hbm>> -> memref<16x128xi32, #tpu.memory_space<hbm>>
      %dma_wait3A_78 = arith.constant 0 : i32
      %dma_wait3A_79 = arith.constant 0 : i32
      %dma_wait3A_80 = tpu.memref_slice %arg4[%add3A_35, %dma_wait3A_78, %dma_wait3A_79] : memref<160x16x128xi32, #tpu.memory_space<hbm>> -> memref<1x16x128xi32, #tpu.memory_space<hbm>>
      %dma_wait3A_81 = tpu.memref_squeeze %dma_wait3A_80 : memref<1x16x128xi32, #tpu.memory_space<hbm>> -> memref<16x128xi32, #tpu.memory_space<hbm>>
      tpu.wait_dma2 semaphore(%run_scoped3A : memref<!tpu.dma_semaphore, #tpu.memory_space<semaphore_mem>>) src(%dma_wait3A_81 : memref<16x128xi32, #tpu.memory_space<hbm>>) dst(%arg8 : memref<16x128xi32, #tpu.memory_space<vmem>>)
      tpu.yield
    }) : () -> ()
    %scan3A_36 = arith.constant 0 : i32
    %scan3A_37 = arith.constant 16 : i32
    %scan3A_38 = arith.addi %scan3A_36, %scan3A_37 : i32
    %scan3A_39 = arith.constant 1 : i32
    scf.for %scan3A_68 = %scan3A_36 to %scan3A_38 step %scan3A_39  : i32 {
      %mul3A_69 = arith.constant 1 : i32
      %mul3A_70 = arith.muli %scan3A_68, %mul3A_69 : i32
      %add3A_71 = arith.constant 0 : i32
      %add3A_72 = arith.addi %add3A_71, %mul3A_70 : i32
      "tpu.region"() ({
        %run_scoped3A = tpu.sem_alloc : memref<!tpu.dma_semaphore, #tpu.memory_space<semaphore_mem>>
        %dma_start3A = arith.constant 0 : i32
        %dma_start3A_73 = arith.constant 0 : i32
        %dma_start3A_74 = tpu.memref_slice %arg9[%dma_start3A, %dma_start3A_73] : memref<256x128xf32, #tpu.memory_space<vmem>> -> memref<128x128xf32, #tpu.memory_space<vmem>>
        %dma_start3A_75 = arith.constant 0 : i32
        %dma_start3A_76 = tpu.memref_slice %arg7[%add3A_72, %dma_start3A_75] : memref<16x128xi32, #tpu.memory_space<vmem>> -> memref<1x128xi32, #tpu.memory_space<vmem>>
        %dma_start3A_77 = tpu.memref_squeeze %dma_start3A_76 : memref<1x128xi32, #tpu.memory_space<vmem>> -> memref<128xi32, #tpu.memory_space<vmem>>
        %dma_start3A_78 = arith.constant 0 : i32
        %dma_start3A_79 = arith.constant 0 : i32
        %dma_start3A_80 = tpu.memref_slice %arg2[%dma_start3A_78, %dma_start3A_79] : memref<10240x128xf32, #tpu.memory_space<hbm>> -> memref<10240x128xf32, #tpu.memory_space<hbm>>
        tpu.enqueue_indirect_dma source(%dma_start3A_80 : memref<10240x128xf32, #tpu.memory_space<hbm>>) target(%dma_start3A_74 : memref<128x128xf32, #tpu.memory_space<vmem>>) offsets(%dma_start3A_77 : memref<128xi32, #tpu.memory_space<vmem>>) semaphore(%run_scoped3A : memref<!tpu.dma_semaphore, #tpu.memory_space<semaphore_mem>>)
        %dma_wait3A = arith.constant 0 : i32
        %dma_wait3A_81 = arith.constant 0 : i32
        %dma_wait3A_82 = tpu.memref_slice %arg9[%dma_wait3A, %dma_wait3A_81] : memref<256x128xf32, #tpu.memory_space<vmem>> -> memref<128x128xf32, #tpu.memory_space<vmem>>
        %dma_wait3A_83 = arith.constant 0 : i32
        %dma_wait3A_84 = tpu.memref_slice %arg7[%add3A_72, %dma_wait3A_83] : memref<16x128xi32, #tpu.memory_space<vmem>> -> memref<1x128xi32, #tpu.memory_space<vmem>>
        %dma_wait3A_85 = tpu.memref_squeeze %dma_wait3A_84 : memref<1x128xi32, #tpu.memory_space<vmem>> -> memref<128xi32, #tpu.memory_space<vmem>>
        %dma_wait3A_86 = arith.constant 0 : i32
        %dma_wait3A_87 = arith.constant 0 : i32
        %dma_wait3A_88 = tpu.memref_slice %arg2[%dma_wait3A_86, %dma_wait3A_87] : memref<10240x128xf32, #tpu.memory_space<hbm>> -> memref<10240x128xf32, #tpu.memory_space<hbm>>
        tpu.wait_indirect_dma semaphore(%run_scoped3A : memref<!tpu.dma_semaphore, #tpu.memory_space<semaphore_mem>>) src(%dma_wait3A_88 : memref<10240x128xf32, #tpu.memory_space<hbm>>) dst(%dma_wait3A_82 : memref<128x128xf32, #tpu.memory_space<vmem>>)
        tpu.yield
      }) : () -> ()
      "tpu.region"() ({
        %run_scoped3A = tpu.sem_alloc : memref<!tpu.dma_semaphore, #tpu.memory_space<semaphore_mem>>
        %dma_start3A = arith.constant 0 : i32
        %dma_start3A_73 = arith.constant 0 : i32
        %dma_start3A_74 = tpu.memref_slice %arg9[%dma_start3A, %dma_start3A_73] : memref<256x128xf32, #tpu.memory_space<vmem>> -> memref<128x128xf32, #tpu.memory_space<vmem>>
        %dma_start3A_75 = arith.constant 0 : i32
        %dma_start3A_76 = tpu.memref_slice %arg8[%add3A_72, %dma_start3A_75] : memref<16x128xi32, #tpu.memory_space<vmem>> -> memref<1x128xi32, #tpu.memory_space<vmem>>
        %dma_start3A_77 = tpu.memref_squeeze %dma_start3A_76 : memref<1x128xi32, #tpu.memory_space<vmem>> -> memref<128xi32, #tpu.memory_space<vmem>>
        %dma_start3A_78 = arith.constant 0 : i32
        %dma_start3A_79 = arith.constant 0 : i32
        %dma_start3A_80 = tpu.memref_slice %arg10[%dma_start3A_78, %dma_start3A_79] : memref<10240x128xf32, #tpu.memory_space<vmem_shared>> -> memref<10240x128xf32, #tpu.memory_space<vmem_shared>>
        tpu.enqueue_indirect_dma source(%dma_start3A_74 : memref<128x128xf32, #tpu.memory_space<vmem>>) target(%dma_start3A_80 : memref<10240x128xf32, #tpu.memory_space<vmem_shared>>) offsets(%dma_start3A_77 : memref<128xi32, #tpu.memory_space<vmem>>) semaphore(%run_scoped3A : memref<!tpu.dma_semaphore, #tpu.memory_space<semaphore_mem>>) {add = true}
        %dma_wait3A = arith.constant 0 : i32
        %dma_wait3A_81 = arith.constant 0 : i32
        %dma_wait3A_82 = tpu.memref_slice %arg9[%dma_wait3A, %dma_wait3A_81] : memref<256x128xf32, #tpu.memory_space<vmem>> -> memref<128x128xf32, #tpu.memory_space<vmem>>
        %dma_wait3A_83 = arith.constant 0 : i32
        %dma_wait3A_84 = tpu.memref_slice %arg8[%add3A_72, %dma_wait3A_83] : memref<16x128xi32, #tpu.memory_space<vmem>> -> memref<1x128xi32, #tpu.memory_space<vmem>>
        %dma_wait3A_85 = tpu.memref_squeeze %dma_wait3A_84 : memref<1x128xi32, #tpu.memory_space<vmem>> -> memref<128xi32, #tpu.memory_space<vmem>>
        %dma_wait3A_86 = arith.constant 0 : i32
        %dma_wait3A_87 = arith.constant 0 : i32
        %dma_wait3A_88 = tpu.memref_slice %arg10[%dma_wait3A_86, %dma_wait3A_87] : memref<10240x128xf32, #tpu.memory_space<vmem_shared>> -> memref<10240x128xf32, #tpu.memory_space<vmem_shared>>
        tpu.wait_indirect_dma semaphore(%run_scoped3A : memref<!tpu.dma_semaphore, #tpu.memory_space<semaphore_mem>>) src(%dma_wait3A_82 : memref<128x128xf32, #tpu.memory_space<vmem>>) dst(%dma_wait3A_88 : memref<10240x128xf32, #tpu.memory_space<vmem_shared>>)
        tpu.yield
      }) : () -> ()
    }
    %scan3A_40 = arith.constant 16 : i32
    %mul3A_41 = arith.constant 5 : i32
    %mul3A_42 = arith.muli %add3A, %mul3A_41 : i32
    %add3A_43 = arith.constant 3 : i32
    %add3A_44 = arith.addi %mul3A_42, %add3A_43 : i32
    "tpu.region"() ({
      %run_scoped3A = tpu.sem_alloc : memref<!tpu.dma_semaphore, #tpu.memory_space<semaphore_mem>>
      %dma_start3A = arith.constant 0 : i32
      %dma_start3A_68 = arith.constant 0 : i32
      %dma_start3A_69 = tpu.memref_slice %arg3[%add3A_44, %dma_start3A, %dma_start3A_68] : memref<160x16x128xi32, #tpu.memory_space<hbm>> -> memref<1x16x128xi32, #tpu.memory_space<hbm>>
      %dma_start3A_70 = tpu.memref_squeeze %dma_start3A_69 : memref<1x16x128xi32, #tpu.memory_space<hbm>> -> memref<16x128xi32, #tpu.memory_space<hbm>>
      %dma_start3A_71 = arith.constant 0 : i32
      %dma_start3A_72 = arith.constant 0 : i32
      %dma_start3A_73 = tpu.memref_slice %arg3[%add3A_44, %dma_start3A_71, %dma_start3A_72] : memref<160x16x128xi32, #tpu.memory_space<hbm>> -> memref<1x16x128xi32, #tpu.memory_space<hbm>>
      %dma_start3A_74 = tpu.memref_squeeze %dma_start3A_73 : memref<1x16x128xi32, #tpu.memory_space<hbm>> -> memref<16x128xi32, #tpu.memory_space<hbm>>
      tpu.enqueue_dma source(%dma_start3A_74 : memref<16x128xi32, #tpu.memory_space<hbm>>) target(%arg7 : memref<16x128xi32, #tpu.memory_space<vmem>>) target_semaphore(%run_scoped3A : memref<!tpu.dma_semaphore, #tpu.memory_space<semaphore_mem>>)
      %dma_wait3A = arith.constant 0 : i32
      %dma_wait3A_75 = arith.constant 0 : i32
      %dma_wait3A_76 = tpu.memref_slice %arg3[%add3A_44, %dma_wait3A, %dma_wait3A_75] : memref<160x16x128xi32, #tpu.memory_space<hbm>> -> memref<1x16x128xi32, #tpu.memory_space<hbm>>
      %dma_wait3A_77 = tpu.memref_squeeze %dma_wait3A_76 : memref<1x16x128xi32, #tpu.memory_space<hbm>> -> memref<16x128xi32, #tpu.memory_space<hbm>>
      %dma_wait3A_78 = arith.constant 0 : i32
      %dma_wait3A_79 = arith.constant 0 : i32
      %dma_wait3A_80 = tpu.memref_slice %arg3[%add3A_44, %dma_wait3A_78, %dma_wait3A_79] : memref<160x16x128xi32, #tpu.memory_space<hbm>> -> memref<1x16x128xi32, #tpu.memory_space<hbm>>
      %dma_wait3A_81 = tpu.memref_squeeze %dma_wait3A_80 : memref<1x16x128xi32, #tpu.memory_space<hbm>> -> memref<16x128xi32, #tpu.memory_space<hbm>>
      tpu.wait_dma2 semaphore(%run_scoped3A : memref<!tpu.dma_semaphore, #tpu.memory_space<semaphore_mem>>) src(%dma_wait3A_81 : memref<16x128xi32, #tpu.memory_space<hbm>>) dst(%arg7 : memref<16x128xi32, #tpu.memory_space<vmem>>)
      tpu.yield
    }) : () -> ()
    %mul3A_45 = arith.constant 5 : i32
    %mul3A_46 = arith.muli %add3A, %mul3A_45 : i32
    %add3A_47 = arith.constant 3 : i32
    %add3A_48 = arith.addi %mul3A_46, %add3A_47 : i32
    "tpu.region"() ({
      %run_scoped3A = tpu.sem_alloc : memref<!tpu.dma_semaphore, #tpu.memory_space<semaphore_mem>>
      %dma_start3A = arith.constant 0 : i32
      %dma_start3A_68 = arith.constant 0 : i32
      %dma_start3A_69 = tpu.memref_slice %arg4[%add3A_48, %dma_start3A, %dma_start3A_68] : memref<160x16x128xi32, #tpu.memory_space<hbm>> -> memref<1x16x128xi32, #tpu.memory_space<hbm>>
      %dma_start3A_70 = tpu.memref_squeeze %dma_start3A_69 : memref<1x16x128xi32, #tpu.memory_space<hbm>> -> memref<16x128xi32, #tpu.memory_space<hbm>>
      %dma_start3A_71 = arith.constant 0 : i32
      %dma_start3A_72 = arith.constant 0 : i32
      %dma_start3A_73 = tpu.memref_slice %arg4[%add3A_48, %dma_start3A_71, %dma_start3A_72] : memref<160x16x128xi32, #tpu.memory_space<hbm>> -> memref<1x16x128xi32, #tpu.memory_space<hbm>>
      %dma_start3A_74 = tpu.memref_squeeze %dma_start3A_73 : memref<1x16x128xi32, #tpu.memory_space<hbm>> -> memref<16x128xi32, #tpu.memory_space<hbm>>
      tpu.enqueue_dma source(%dma_start3A_74 : memref<16x128xi32, #tpu.memory_space<hbm>>) target(%arg8 : memref<16x128xi32, #tpu.memory_space<vmem>>) target_semaphore(%run_scoped3A : memref<!tpu.dma_semaphore, #tpu.memory_space<semaphore_mem>>)
      %dma_wait3A = arith.constant 0 : i32
      %dma_wait3A_75 = arith.constant 0 : i32
      %dma_wait3A_76 = tpu.memref_slice %arg4[%add3A_48, %dma_wait3A, %dma_wait3A_75] : memref<160x16x128xi32, #tpu.memory_space<hbm>> -> memref<1x16x128xi32, #tpu.memory_space<hbm>>
      %dma_wait3A_77 = tpu.memref_squeeze %dma_wait3A_76 : memref<1x16x128xi32, #tpu.memory_space<hbm>> -> memref<16x128xi32, #tpu.memory_space<hbm>>
      %dma_wait3A_78 = arith.constant 0 : i32
      %dma_wait3A_79 = arith.constant 0 : i32
      %dma_wait3A_80 = tpu.memref_slice %arg4[%add3A_48, %dma_wait3A_78, %dma_wait3A_79] : memref<160x16x128xi32, #tpu.memory_space<hbm>> -> memref<1x16x128xi32, #tpu.memory_space<hbm>>
      %dma_wait3A_81 = tpu.memref_squeeze %dma_wait3A_80 : memref<1x16x128xi32, #tpu.memory_space<hbm>> -> memref<16x128xi32, #tpu.memory_space<hbm>>
      tpu.wait_dma2 semaphore(%run_scoped3A : memref<!tpu.dma_semaphore, #tpu.memory_space<semaphore_mem>>) src(%dma_wait3A_81 : memref<16x128xi32, #tpu.memory_space<hbm>>) dst(%arg8 : memref<16x128xi32, #tpu.memory_space<vmem>>)
      tpu.yield
    }) : () -> ()
    %scan3A_49 = arith.constant 0 : i32
    %scan3A_50 = arith.constant 16 : i32
    %scan3A_51 = arith.addi %scan3A_49, %scan3A_50 : i32
    %scan3A_52 = arith.constant 1 : i32
    scf.for %scan3A_68 = %scan3A_49 to %scan3A_51 step %scan3A_52  : i32 {
      %mul3A_69 = arith.constant 1 : i32
      %mul3A_70 = arith.muli %scan3A_68, %mul3A_69 : i32
      %add3A_71 = arith.constant 0 : i32
      %add3A_72 = arith.addi %add3A_71, %mul3A_70 : i32
      "tpu.region"() ({
        %run_scoped3A = tpu.sem_alloc : memref<!tpu.dma_semaphore, #tpu.memory_space<semaphore_mem>>
        %dma_start3A = arith.constant 0 : i32
        %dma_start3A_73 = arith.constant 0 : i32
        %dma_start3A_74 = tpu.memref_slice %arg9[%dma_start3A, %dma_start3A_73] : memref<256x128xf32, #tpu.memory_space<vmem>> -> memref<128x128xf32, #tpu.memory_space<vmem>>
        %dma_start3A_75 = arith.constant 0 : i32
        %dma_start3A_76 = tpu.memref_slice %arg7[%add3A_72, %dma_start3A_75] : memref<16x128xi32, #tpu.memory_space<vmem>> -> memref<1x128xi32, #tpu.memory_space<vmem>>
        %dma_start3A_77 = tpu.memref_squeeze %dma_start3A_76 : memref<1x128xi32, #tpu.memory_space<vmem>> -> memref<128xi32, #tpu.memory_space<vmem>>
        %dma_start3A_78 = arith.constant 0 : i32
        %dma_start3A_79 = arith.constant 0 : i32
        %dma_start3A_80 = tpu.memref_slice %arg2[%dma_start3A_78, %dma_start3A_79] : memref<10240x128xf32, #tpu.memory_space<hbm>> -> memref<10240x128xf32, #tpu.memory_space<hbm>>
        tpu.enqueue_indirect_dma source(%dma_start3A_80 : memref<10240x128xf32, #tpu.memory_space<hbm>>) target(%dma_start3A_74 : memref<128x128xf32, #tpu.memory_space<vmem>>) offsets(%dma_start3A_77 : memref<128xi32, #tpu.memory_space<vmem>>) semaphore(%run_scoped3A : memref<!tpu.dma_semaphore, #tpu.memory_space<semaphore_mem>>)
        %dma_wait3A = arith.constant 0 : i32
        %dma_wait3A_81 = arith.constant 0 : i32
        %dma_wait3A_82 = tpu.memref_slice %arg9[%dma_wait3A, %dma_wait3A_81] : memref<256x128xf32, #tpu.memory_space<vmem>> -> memref<128x128xf32, #tpu.memory_space<vmem>>
        %dma_wait3A_83 = arith.constant 0 : i32
        %dma_wait3A_84 = tpu.memref_slice %arg7[%add3A_72, %dma_wait3A_83] : memref<16x128xi32, #tpu.memory_space<vmem>> -> memref<1x128xi32, #tpu.memory_space<vmem>>
        %dma_wait3A_85 = tpu.memref_squeeze %dma_wait3A_84 : memref<1x128xi32, #tpu.memory_space<vmem>> -> memref<128xi32, #tpu.memory_space<vmem>>
        %dma_wait3A_86 = arith.constant 0 : i32
        %dma_wait3A_87 = arith.constant 0 : i32
        %dma_wait3A_88 = tpu.memref_slice %arg2[%dma_wait3A_86, %dma_wait3A_87] : memref<10240x128xf32, #tpu.memory_space<hbm>> -> memref<10240x128xf32, #tpu.memory_space<hbm>>
        tpu.wait_indirect_dma semaphore(%run_scoped3A : memref<!tpu.dma_semaphore, #tpu.memory_space<semaphore_mem>>) src(%dma_wait3A_88 : memref<10240x128xf32, #tpu.memory_space<hbm>>) dst(%dma_wait3A_82 : memref<128x128xf32, #tpu.memory_space<vmem>>)
        tpu.yield
      }) : () -> ()
      "tpu.region"() ({
        %run_scoped3A = tpu.sem_alloc : memref<!tpu.dma_semaphore, #tpu.memory_space<semaphore_mem>>
        %dma_start3A = arith.constant 0 : i32
        %dma_start3A_73 = arith.constant 0 : i32
        %dma_start3A_74 = tpu.memref_slice %arg9[%dma_start3A, %dma_start3A_73] : memref<256x128xf32, #tpu.memory_space<vmem>> -> memref<128x128xf32, #tpu.memory_space<vmem>>
        %dma_start3A_75 = arith.constant 0 : i32
        %dma_start3A_76 = tpu.memref_slice %arg8[%add3A_72, %dma_start3A_75] : memref<16x128xi32, #tpu.memory_space<vmem>> -> memref<1x128xi32, #tpu.memory_space<vmem>>
        %dma_start3A_77 = tpu.memref_squeeze %dma_start3A_76 : memref<1x128xi32, #tpu.memory_space<vmem>> -> memref<128xi32, #tpu.memory_space<vmem>>
        %dma_start3A_78 = arith.constant 0 : i32
        %dma_start3A_79 = arith.constant 0 : i32
        %dma_start3A_80 = tpu.memref_slice %arg10[%dma_start3A_78, %dma_start3A_79] : memref<10240x128xf32, #tpu.memory_space<vmem_shared>> -> memref<10240x128xf32, #tpu.memory_space<vmem_shared>>
        tpu.enqueue_indirect_dma source(%dma_start3A_74 : memref<128x128xf32, #tpu.memory_space<vmem>>) target(%dma_start3A_80 : memref<10240x128xf32, #tpu.memory_space<vmem_shared>>) offsets(%dma_start3A_77 : memref<128xi32, #tpu.memory_space<vmem>>) semaphore(%run_scoped3A : memref<!tpu.dma_semaphore, #tpu.memory_space<semaphore_mem>>) {add = true}
        %dma_wait3A = arith.constant 0 : i32
        %dma_wait3A_81 = arith.constant 0 : i32
        %dma_wait3A_82 = tpu.memref_slice %arg9[%dma_wait3A, %dma_wait3A_81] : memref<256x128xf32, #tpu.memory_space<vmem>> -> memref<128x128xf32, #tpu.memory_space<vmem>>
        %dma_wait3A_83 = arith.constant 0 : i32
        %dma_wait3A_84 = tpu.memref_slice %arg8[%add3A_72, %dma_wait3A_83] : memref<16x128xi32, #tpu.memory_space<vmem>> -> memref<1x128xi32, #tpu.memory_space<vmem>>
        %dma_wait3A_85 = tpu.memref_squeeze %dma_wait3A_84 : memref<1x128xi32, #tpu.memory_space<vmem>> -> memref<128xi32, #tpu.memory_space<vmem>>
        %dma_wait3A_86 = arith.constant 0 : i32
        %dma_wait3A_87 = arith.constant 0 : i32
        %dma_wait3A_88 = tpu.memref_slice %arg10[%dma_wait3A_86, %dma_wait3A_87] : memref<10240x128xf32, #tpu.memory_space<vmem_shared>> -> memref<10240x128xf32, #tpu.memory_space<vmem_shared>>
        tpu.wait_indirect_dma semaphore(%run_scoped3A : memref<!tpu.dma_semaphore, #tpu.memory_space<semaphore_mem>>) src(%dma_wait3A_82 : memref<128x128xf32, #tpu.memory_space<vmem>>) dst(%dma_wait3A_88 : memref<10240x128xf32, #tpu.memory_space<vmem_shared>>)
        tpu.yield
      }) : () -> ()
    }
    %scan3A_53 = arith.constant 16 : i32
    %mul3A_54 = arith.constant 5 : i32
    %mul3A_55 = arith.muli %add3A, %mul3A_54 : i32
    %add3A_56 = arith.constant 4 : i32
    %add3A_57 = arith.addi %mul3A_55, %add3A_56 : i32
    "tpu.region"() ({
      %run_scoped3A = tpu.sem_alloc : memref<!tpu.dma_semaphore, #tpu.memory_space<semaphore_mem>>
      %dma_start3A = arith.constant 0 : i32
      %dma_start3A_68 = arith.constant 0 : i32
      %dma_start3A_69 = tpu.memref_slice %arg3[%add3A_57, %dma_start3A, %dma_start3A_68] : memref<160x16x128xi32, #tpu.memory_space<hbm>> -> memref<1x16x128xi32, #tpu.memory_space<hbm>>
      %dma_start3A_70 = tpu.memref_squeeze %dma_start3A_69 : memref<1x16x128xi32, #tpu.memory_space<hbm>> -> memref<16x128xi32, #tpu.memory_space<hbm>>
      %dma_start3A_71 = arith.constant 0 : i32
      %dma_start3A_72 = arith.constant 0 : i32
      %dma_start3A_73 = tpu.memref_slice %arg3[%add3A_57, %dma_start3A_71, %dma_start3A_72] : memref<160x16x128xi32, #tpu.memory_space<hbm>> -> memref<1x16x128xi32, #tpu.memory_space<hbm>>
      %dma_start3A_74 = tpu.memref_squeeze %dma_start3A_73 : memref<1x16x128xi32, #tpu.memory_space<hbm>> -> memref<16x128xi32, #tpu.memory_space<hbm>>
      tpu.enqueue_dma source(%dma_start3A_74 : memref<16x128xi32, #tpu.memory_space<hbm>>) target(%arg7 : memref<16x128xi32, #tpu.memory_space<vmem>>) target_semaphore(%run_scoped3A : memref<!tpu.dma_semaphore, #tpu.memory_space<semaphore_mem>>)
      %dma_wait3A = arith.constant 0 : i32
      %dma_wait3A_75 = arith.constant 0 : i32
      %dma_wait3A_76 = tpu.memref_slice %arg3[%add3A_57, %dma_wait3A, %dma_wait3A_75] : memref<160x16x128xi32, #tpu.memory_space<hbm>> -> memref<1x16x128xi32, #tpu.memory_space<hbm>>
      %dma_wait3A_77 = tpu.memref_squeeze %dma_wait3A_76 : memref<1x16x128xi32, #tpu.memory_space<hbm>> -> memref<16x128xi32, #tpu.memory_space<hbm>>
      %dma_wait3A_78 = arith.constant 0 : i32
      %dma_wait3A_79 = arith.constant 0 : i32
      %dma_wait3A_80 = tpu.memref_slice %arg3[%add3A_57, %dma_wait3A_78, %dma_wait3A_79] : memref<160x16x128xi32, #tpu.memory_space<hbm>> -> memref<1x16x128xi32, #tpu.memory_space<hbm>>
      %dma_wait3A_81 = tpu.memref_squeeze %dma_wait3A_80 : memref<1x16x128xi32, #tpu.memory_space<hbm>> -> memref<16x128xi32, #tpu.memory_space<hbm>>
      tpu.wait_dma2 semaphore(%run_scoped3A : memref<!tpu.dma_semaphore, #tpu.memory_space<semaphore_mem>>) src(%dma_wait3A_81 : memref<16x128xi32, #tpu.memory_space<hbm>>) dst(%arg7 : memref<16x128xi32, #tpu.memory_space<vmem>>)
      tpu.yield
    }) : () -> ()
    %mul3A_58 = arith.constant 5 : i32
    %mul3A_59 = arith.muli %add3A, %mul3A_58 : i32
    %add3A_60 = arith.constant 4 : i32
    %add3A_61 = arith.addi %mul3A_59, %add3A_60 : i32
    "tpu.region"() ({
      %run_scoped3A = tpu.sem_alloc : memref<!tpu.dma_semaphore, #tpu.memory_space<semaphore_mem>>
      %dma_start3A = arith.constant 0 : i32
      %dma_start3A_68 = arith.constant 0 : i32
      %dma_start3A_69 = tpu.memref_slice %arg4[%add3A_61, %dma_start3A, %dma_start3A_68] : memref<160x16x128xi32, #tpu.memory_space<hbm>> -> memref<1x16x128xi32, #tpu.memory_space<hbm>>
      %dma_start3A_70 = tpu.memref_squeeze %dma_start3A_69 : memref<1x16x128xi32, #tpu.memory_space<hbm>> -> memref<16x128xi32, #tpu.memory_space<hbm>>
      %dma_start3A_71 = arith.constant 0 : i32
      %dma_start3A_72 = arith.constant 0 : i32
      %dma_start3A_73 = tpu.memref_slice %arg4[%add3A_61, %dma_start3A_71, %dma_start3A_72] : memref<160x16x128xi32, #tpu.memory_space<hbm>> -> memref<1x16x128xi32, #tpu.memory_space<hbm>>
      %dma_start3A_74 = tpu.memref_squeeze %dma_start3A_73 : memref<1x16x128xi32, #tpu.memory_space<hbm>> -> memref<16x128xi32, #tpu.memory_space<hbm>>
      tpu.enqueue_dma source(%dma_start3A_74 : memref<16x128xi32, #tpu.memory_space<hbm>>) target(%arg8 : memref<16x128xi32, #tpu.memory_space<vmem>>) target_semaphore(%run_scoped3A : memref<!tpu.dma_semaphore, #tpu.memory_space<semaphore_mem>>)
      %dma_wait3A = arith.constant 0 : i32
      %dma_wait3A_75 = arith.constant 0 : i32
      %dma_wait3A_76 = tpu.memref_slice %arg4[%add3A_61, %dma_wait3A, %dma_wait3A_75] : memref<160x16x128xi32, #tpu.memory_space<hbm>> -> memref<1x16x128xi32, #tpu.memory_space<hbm>>
      %dma_wait3A_77 = tpu.memref_squeeze %dma_wait3A_76 : memref<1x16x128xi32, #tpu.memory_space<hbm>> -> memref<16x128xi32, #tpu.memory_space<hbm>>
      %dma_wait3A_78 = arith.constant 0 : i32
      %dma_wait3A_79 = arith.constant 0 : i32
      %dma_wait3A_80 = tpu.memref_slice %arg4[%add3A_61, %dma_wait3A_78, %dma_wait3A_79] : memref<160x16x128xi32, #tpu.memory_space<hbm>> -> memref<1x16x128xi32, #tpu.memory_space<hbm>>
      %dma_wait3A_81 = tpu.memref_squeeze %dma_wait3A_80 : memref<1x16x128xi32, #tpu.memory_space<hbm>> -> memref<16x128xi32, #tpu.memory_space<hbm>>
      tpu.wait_dma2 semaphore(%run_scoped3A : memref<!tpu.dma_semaphore, #tpu.memory_space<semaphore_mem>>) src(%dma_wait3A_81 : memref<16x128xi32, #tpu.memory_space<hbm>>) dst(%arg8 : memref<16x128xi32, #tpu.memory_space<vmem>>)
      tpu.yield
    }) : () -> ()
    %scan3A_62 = arith.constant 0 : i32
    %scan3A_63 = arith.constant 16 : i32
    %scan3A_64 = arith.addi %scan3A_62, %scan3A_63 : i32
    %scan3A_65 = arith.constant 1 : i32
    scf.for %scan3A_68 = %scan3A_62 to %scan3A_64 step %scan3A_65  : i32 {
      %mul3A_69 = arith.constant 1 : i32
      %mul3A_70 = arith.muli %scan3A_68, %mul3A_69 : i32
      %add3A_71 = arith.constant 0 : i32
      %add3A_72 = arith.addi %add3A_71, %mul3A_70 : i32
      "tpu.region"() ({
        %run_scoped3A = tpu.sem_alloc : memref<!tpu.dma_semaphore, #tpu.memory_space<semaphore_mem>>
        %dma_start3A = arith.constant 0 : i32
        %dma_start3A_73 = arith.constant 0 : i32
        %dma_start3A_74 = tpu.memref_slice %arg9[%dma_start3A, %dma_start3A_73] : memref<256x128xf32, #tpu.memory_space<vmem>> -> memref<128x128xf32, #tpu.memory_space<vmem>>
        %dma_start3A_75 = arith.constant 0 : i32
        %dma_start3A_76 = tpu.memref_slice %arg7[%add3A_72, %dma_start3A_75] : memref<16x128xi32, #tpu.memory_space<vmem>> -> memref<1x128xi32, #tpu.memory_space<vmem>>
        %dma_start3A_77 = tpu.memref_squeeze %dma_start3A_76 : memref<1x128xi32, #tpu.memory_space<vmem>> -> memref<128xi32, #tpu.memory_space<vmem>>
        %dma_start3A_78 = arith.constant 0 : i32
        %dma_start3A_79 = arith.constant 0 : i32
        %dma_start3A_80 = tpu.memref_slice %arg2[%dma_start3A_78, %dma_start3A_79] : memref<10240x128xf32, #tpu.memory_space<hbm>> -> memref<10240x128xf32, #tpu.memory_space<hbm>>
        tpu.enqueue_indirect_dma source(%dma_start3A_80 : memref<10240x128xf32, #tpu.memory_space<hbm>>) target(%dma_start3A_74 : memref<128x128xf32, #tpu.memory_space<vmem>>) offsets(%dma_start3A_77 : memref<128xi32, #tpu.memory_space<vmem>>) semaphore(%run_scoped3A : memref<!tpu.dma_semaphore, #tpu.memory_space<semaphore_mem>>)
        %dma_wait3A = arith.constant 0 : i32
        %dma_wait3A_81 = arith.constant 0 : i32
        %dma_wait3A_82 = tpu.memref_slice %arg9[%dma_wait3A, %dma_wait3A_81] : memref<256x128xf32, #tpu.memory_space<vmem>> -> memref<128x128xf32, #tpu.memory_space<vmem>>
        %dma_wait3A_83 = arith.constant 0 : i32
        %dma_wait3A_84 = tpu.memref_slice %arg7[%add3A_72, %dma_wait3A_83] : memref<16x128xi32, #tpu.memory_space<vmem>> -> memref<1x128xi32, #tpu.memory_space<vmem>>
        %dma_wait3A_85 = tpu.memref_squeeze %dma_wait3A_84 : memref<1x128xi32, #tpu.memory_space<vmem>> -> memref<128xi32, #tpu.memory_space<vmem>>
        %dma_wait3A_86 = arith.constant 0 : i32
        %dma_wait3A_87 = arith.constant 0 : i32
        %dma_wait3A_88 = tpu.memref_slice %arg2[%dma_wait3A_86, %dma_wait3A_87] : memref<10240x128xf32, #tpu.memory_space<hbm>> -> memref<10240x128xf32, #tpu.memory_space<hbm>>
        tpu.wait_indirect_dma semaphore(%run_scoped3A : memref<!tpu.dma_semaphore, #tpu.memory_space<semaphore_mem>>) src(%dma_wait3A_88 : memref<10240x128xf32, #tpu.memory_space<hbm>>) dst(%dma_wait3A_82 : memref<128x128xf32, #tpu.memory_space<vmem>>)
        tpu.yield
      }) : () -> ()
      "tpu.region"() ({
        %run_scoped3A = tpu.sem_alloc : memref<!tpu.dma_semaphore, #tpu.memory_space<semaphore_mem>>
        %dma_start3A = arith.constant 0 : i32
        %dma_start3A_73 = arith.constant 0 : i32
        %dma_start3A_74 = tpu.memref_slice %arg9[%dma_start3A, %dma_start3A_73] : memref<256x128xf32, #tpu.memory_space<vmem>> -> memref<128x128xf32, #tpu.memory_space<vmem>>
        %dma_start3A_75 = arith.constant 0 : i32
        %dma_start3A_76 = tpu.memref_slice %arg8[%add3A_72, %dma_start3A_75] : memref<16x128xi32, #tpu.memory_space<vmem>> -> memref<1x128xi32, #tpu.memory_space<vmem>>
        %dma_start3A_77 = tpu.memref_squeeze %dma_start3A_76 : memref<1x128xi32, #tpu.memory_space<vmem>> -> memref<128xi32, #tpu.memory_space<vmem>>
        %dma_start3A_78 = arith.constant 0 : i32
        %dma_start3A_79 = arith.constant 0 : i32
        %dma_start3A_80 = tpu.memref_slice %arg10[%dma_start3A_78, %dma_start3A_79] : memref<10240x128xf32, #tpu.memory_space<vmem_shared>> -> memref<10240x128xf32, #tpu.memory_space<vmem_shared>>
        tpu.enqueue_indirect_dma source(%dma_start3A_74 : memref<128x128xf32, #tpu.memory_space<vmem>>) target(%dma_start3A_80 : memref<10240x128xf32, #tpu.memory_space<vmem_shared>>) offsets(%dma_start3A_77 : memref<128xi32, #tpu.memory_space<vmem>>) semaphore(%run_scoped3A : memref<!tpu.dma_semaphore, #tpu.memory_space<semaphore_mem>>) {add = true}
        %dma_wait3A = arith.constant 0 : i32
        %dma_wait3A_81 = arith.constant 0 : i32
        %dma_wait3A_82 = tpu.memref_slice %arg9[%dma_wait3A, %dma_wait3A_81] : memref<256x128xf32, #tpu.memory_space<vmem>> -> memref<128x128xf32, #tpu.memory_space<vmem>>
        %dma_wait3A_83 = arith.constant 0 : i32
        %dma_wait3A_84 = tpu.memref_slice %arg8[%add3A_72, %dma_wait3A_83] : memref<16x128xi32, #tpu.memory_space<vmem>> -> memref<1x128xi32, #tpu.memory_space<vmem>>
        %dma_wait3A_85 = tpu.memref_squeeze %dma_wait3A_84 : memref<1x128xi32, #tpu.memory_space<vmem>> -> memref<128xi32, #tpu.memory_space<vmem>>
        %dma_wait3A_86 = arith.constant 0 : i32
        %dma_wait3A_87 = arith.constant 0 : i32
        %dma_wait3A_88 = tpu.memref_slice %arg10[%dma_wait3A_86, %dma_wait3A_87] : memref<10240x128xf32, #tpu.memory_space<vmem_shared>> -> memref<10240x128xf32, #tpu.memory_space<vmem_shared>>
        tpu.wait_indirect_dma semaphore(%run_scoped3A : memref<!tpu.dma_semaphore, #tpu.memory_space<semaphore_mem>>) src(%dma_wait3A_82 : memref<128x128xf32, #tpu.memory_space<vmem>>) dst(%dma_wait3A_88 : memref<10240x128xf32, #tpu.memory_space<vmem_shared>>)
        tpu.yield
      }) : () -> ()
    }
    %scan3A_66 = arith.constant 16 : i32
    %barrier3A_67 = arith.constant 0 : index
    tpu.barrier barrier_id(%barrier3A_67)
    "tpu.region"() ({
      %run_scoped3A = tpu.sem_alloc : memref<!tpu.dma_semaphore, #tpu.memory_space<semaphore_mem>>
      %dma_start3A = arith.constant 0 : i32
      %dma_start3A_68 = arith.constant 0 : i32
      %dma_start3A_69 = tpu.memref_slice %arg6[%arg0, %dma_start3A, %dma_start3A_68] : memref<2x10240x128xf32, #tpu.memory_space<hbm>> -> memref<1x10240x128xf32, #tpu.memory_space<hbm>>
      %dma_start3A_70 = tpu.memref_squeeze %dma_start3A_69 : memref<1x10240x128xf32, #tpu.memory_space<hbm>> -> memref<10240x128xf32, #tpu.memory_space<hbm>>
      %dma_start3A_71 = arith.constant 0 : i32
      %dma_start3A_72 = tpu.memref_slice %dma_start3A_70[%mul3A_2, %dma_start3A_71] : memref<10240x128xf32, #tpu.memory_space<hbm>> -> memref<640x128xf32, #tpu.memory_space<hbm>>
      %dma_start3A_73 = arith.constant 0 : i32
      %dma_start3A_74 = tpu.memref_slice %arg10[%mul3A_2, %dma_start3A_73] : memref<10240x128xf32, #tpu.memory_space<vmem_shared>> -> memref<640x128xf32, #tpu.memory_space<vmem_shared>>
      tpu.enqueue_dma source(%dma_start3A_74 : memref<640x128xf32, #tpu.memory_space<vmem_shared>>) target(%dma_start3A_72 : memref<640x128xf32, #tpu.memory_space<hbm>>) target_semaphore(%run_scoped3A : memref<!tpu.dma_semaphore, #tpu.memory_space<semaphore_mem>>)
      %dma_wait3A = arith.constant 0 : i32
      %dma_wait3A_75 = arith.constant 0 : i32
      %dma_wait3A_76 = tpu.memref_slice %arg6[%arg0, %dma_wait3A, %dma_wait3A_75] : memref<2x10240x128xf32, #tpu.memory_space<hbm>> -> memref<1x10240x128xf32, #tpu.memory_space<hbm>>
      %dma_wait3A_77 = tpu.memref_squeeze %dma_wait3A_76 : memref<1x10240x128xf32, #tpu.memory_space<hbm>> -> memref<10240x128xf32, #tpu.memory_space<hbm>>
      %dma_wait3A_78 = arith.constant 0 : i32
      %dma_wait3A_79 = tpu.memref_slice %dma_wait3A_77[%mul3A_2, %dma_wait3A_78] : memref<10240x128xf32, #tpu.memory_space<hbm>> -> memref<640x128xf32, #tpu.memory_space<hbm>>
      %dma_wait3A_80 = arith.constant 0 : i32
      %dma_wait3A_81 = tpu.memref_slice %arg10[%mul3A_2, %dma_wait3A_80] : memref<10240x128xf32, #tpu.memory_space<vmem_shared>> -> memref<640x128xf32, #tpu.memory_space<vmem_shared>>
      tpu.wait_dma2 semaphore(%run_scoped3A : memref<!tpu.dma_semaphore, #tpu.memory_space<semaphore_mem>>) src(%dma_wait3A_81 : memref<640x128xf32, #tpu.memory_space<vmem_shared>>) dst(%dma_wait3A_79 : memref<640x128xf32, #tpu.memory_space<hbm>>)
      tpu.yield
    }) : () -> ()
    return
  }
}

#map = affine_map<(d0, d1) -> (0, 0)>
#map1 = affine_map<(d0, d1) -> (0, 0, 0)>
module attributes {stable_mosaic.version = 14 : i64} {
  func.func @agg(%arg0: i32, %arg1: i32, %arg2: memref<10240x128xf32, #tpu.memory_space<hbm>>, %arg3: memref<160x16x128xi32, #tpu.memory_space<hbm>>, %arg4: memref<160x16x128xi32, #tpu.memory_space<hbm>>, %arg5: memref<640x128xf32, #tpu.memory_space<hbm>>, %arg6: memref<2x10240x128xf32, #tpu.memory_space<hbm>>, %arg7: memref<16x128xi32, #tpu.memory_space<vmem>>, %arg8: memref<16x128xi32, #tpu.memory_space<vmem>>, %arg9: memref<256x128xf32, #tpu.memory_space<vmem>>, %arg10: memref<10240x128xf32, #tpu.memory_space<vmem_shared>>) attributes {dimension_semantics = [#tpu.dimension_semantics<core_parallel>, #tpu.dimension_semantics<subcore_parallel>], iteration_bounds = array<i64: 2, 16>, scalar_prefetch = 0 : i64, scratch_operands = 4 : i64, tpu.core_type = #tpu.core_type<sc_vector_subcore>, window_params = [{transform_indices = #map}, {transform_indices = #map1}, {transform_indices = #map1}, {transform_indices = #map}, {transform_indices = #map1}]} {
    %mul3A = arith.constant 16 : i32
    %mul3A_0 = arith.muli %arg0, %mul3A : i32
    %add3A = arith.addi %mul3A_0, %arg1 : i32
    %mul3A_1 = arith.constant 640 : i32
    %mul3A_2 = arith.muli %arg1, %mul3A_1 : i32
    "tpu.region"() ({
      %run_scoped3A = tpu.sem_alloc : memref<!tpu.dma_semaphore, #tpu.memory_space<semaphore_mem>>
      %dma_start3A = arith.constant 0 : i32
      %dma_start3A_68 = tpu.memref_slice %arg10[%mul3A_2, %dma_start3A] : memref<10240x128xf32, #tpu.memory_space<vmem_shared>> -> memref<640x128xf32, #tpu.memory_space<vmem_shared>>
      tpu.enqueue_dma source(%arg5 : memref<640x128xf32, #tpu.memory_space<hbm>>) target(%dma_start3A_68 : memref<640x128xf32, #tpu.memory_space<vmem_shared>>) target_semaphore(%run_scoped3A : memref<!tpu.dma_semaphore, #tpu.memory_space<semaphore_mem>>)
      %dma_wait3A = arith.constant 0 : i32
      %dma_wait3A_69 = tpu.memref_slice %arg10[%mul3A_2, %dma_wait3A] : memref<10240x128xf32, #tpu.memory_space<vmem_shared>> -> memref<640x128xf32, #tpu.memory_space<vmem_shared>>
      tpu.wait_dma2 semaphore(%run_scoped3A : memref<!tpu.dma_semaphore, #tpu.memory_space<semaphore_mem>>) src(%arg5 : memref<640x128xf32, #tpu.memory_space<hbm>>) dst(%dma_wait3A_69 : memref<640x128xf32, #tpu.memory_space<vmem_shared>>)
      tpu.yield
    }) : () -> ()
    %barrier3A = arith.constant 0 : index
    tpu.barrier barrier_id(%barrier3A)
    %mul3A_3 = arith.constant 5 : i32
    %mul3A_4 = arith.muli %add3A, %mul3A_3 : i32
    %add3A_5 = arith.constant 0 : i32
    %add3A_6 = arith.addi %mul3A_4, %add3A_5 : i32
    "tpu.region"() ({
      %run_scoped3A = tpu.sem_alloc : memref<!tpu.dma_semaphore, #tpu.memory_space<semaphore_mem>>
      %dma_start3A = arith.constant 0 : i32
      %dma_start3A_68 = arith.constant 0 : i32
      %dma_start3A_69 = tpu.memref_slice %arg3[%add3A_6, %dma_start3A, %dma_start3A_68] : memref<160x16x128xi32, #tpu.memory_space<hbm>> -> memref<1x16x128xi32, #tpu.memory_space<hbm>>
      %dma_start3A_70 = tpu.memref_squeeze %dma_start3A_69 : memref<1x16x128xi32, #tpu.memory_space<hbm>> -> memref<16x128xi32, #tpu.memory_space<hbm>>
      %dma_start3A_71 = arith.constant 0 : i32
      %dma_start3A_72 = arith.constant 0 : i32
      %dma_start3A_73 = tpu.memref_slice %arg3[%add3A_6, %dma_start3A_71, %dma_start3A_72] : memref<160x16x128xi32, #tpu.memory_space<hbm>> -> memref<1x16x128xi32, #tpu.memory_space<hbm>>
      %dma_start3A_74 = tpu.memref_squeeze %dma_start3A_73 : memref<1x16x128xi32, #tpu.memory_space<hbm>> -> memref<16x128xi32, #tpu.memory_space<hbm>>
      tpu.enqueue_dma source(%dma_start3A_74 : memref<16x128xi32, #tpu.memory_space<hbm>>) target(%arg7 : memref<16x128xi32, #tpu.memory_space<vmem>>) target_semaphore(%run_scoped3A : memref<!tpu.dma_semaphore, #tpu.memory_space<semaphore_mem>>)
      %dma_wait3A = arith.constant 0 : i32
      %dma_wait3A_75 = arith.constant 0 : i32
      %dma_wait3A_76 = tpu.memref_slice %arg3[%add3A_6, %dma_wait3A, %dma_wait3A_75] : memref<160x16x128xi32, #tpu.memory_space<hbm>> -> memref<1x16x128xi32, #tpu.memory_space<hbm>>
      %dma_wait3A_77 = tpu.memref_squeeze %dma_wait3A_76 : memref<1x16x128xi32, #tpu.memory_space<hbm>> -> memref<16x128xi32, #tpu.memory_space<hbm>>
      %dma_wait3A_78 = arith.constant 0 : i32
      %dma_wait3A_79 = arith.constant 0 : i32
      %dma_wait3A_80 = tpu.memref_slice %arg3[%add3A_6, %dma_wait3A_78, %dma_wait3A_79] : memref<160x16x128xi32, #tpu.memory_space<hbm>> -> memref<1x16x128xi32, #tpu.memory_space<hbm>>
      %dma_wait3A_81 = tpu.memref_squeeze %dma_wait3A_80 : memref<1x16x128xi32, #tpu.memory_space<hbm>> -> memref<16x128xi32, #tpu.memory_space<hbm>>
      tpu.wait_dma2 semaphore(%run_scoped3A : memref<!tpu.dma_semaphore, #tpu.memory_space<semaphore_mem>>) src(%dma_wait3A_81 : memref<16x128xi32, #tpu.memory_space<hbm>>) dst(%arg7 : memref<16x128xi32, #tpu.memory_space<vmem>>)
      tpu.yield
    }) : () -> ()
    %mul3A_7 = arith.constant 5 : i32
    %mul3A_8 = arith.muli %add3A, %mul3A_7 : i32
    %add3A_9 = arith.constant 0 : i32
    %add3A_10 = arith.addi %mul3A_8, %add3A_9 : i32
    "tpu.region"() ({
      %run_scoped3A = tpu.sem_alloc : memref<!tpu.dma_semaphore, #tpu.memory_space<semaphore_mem>>
      %dma_start3A = arith.constant 0 : i32
      %dma_start3A_68 = arith.constant 0 : i32
      %dma_start3A_69 = tpu.memref_slice %arg4[%add3A_10, %dma_start3A, %dma_start3A_68] : memref<160x16x128xi32, #tpu.memory_space<hbm>> -> memref<1x16x128xi32, #tpu.memory_space<hbm>>
      %dma_start3A_70 = tpu.memref_squeeze %dma_start3A_69 : memref<1x16x128xi32, #tpu.memory_space<hbm>> -> memref<16x128xi32, #tpu.memory_space<hbm>>
      %dma_start3A_71 = arith.constant 0 : i32
      %dma_start3A_72 = arith.constant 0 : i32
      %dma_start3A_73 = tpu.memref_slice %arg4[%add3A_10, %dma_start3A_71, %dma_start3A_72] : memref<160x16x128xi32, #tpu.memory_space<hbm>> -> memref<1x16x128xi32, #tpu.memory_space<hbm>>
      %dma_start3A_74 = tpu.memref_squeeze %dma_start3A_73 : memref<1x16x128xi32, #tpu.memory_space<hbm>> -> memref<16x128xi32, #tpu.memory_space<hbm>>
      tpu.enqueue_dma source(%dma_start3A_74 : memref<16x128xi32, #tpu.memory_space<hbm>>) target(%arg8 : memref<16x128xi32, #tpu.memory_space<vmem>>) target_semaphore(%run_scoped3A : memref<!tpu.dma_semaphore, #tpu.memory_space<semaphore_mem>>)
      %dma_wait3A = arith.constant 0 : i32
      %dma_wait3A_75 = arith.constant 0 : i32
      %dma_wait3A_76 = tpu.memref_slice %arg4[%add3A_10, %dma_wait3A, %dma_wait3A_75] : memref<160x16x128xi32, #tpu.memory_space<hbm>> -> memref<1x16x128xi32, #tpu.memory_space<hbm>>
      %dma_wait3A_77 = tpu.memref_squeeze %dma_wait3A_76 : memref<1x16x128xi32, #tpu.memory_space<hbm>> -> memref<16x128xi32, #tpu.memory_space<hbm>>
      %dma_wait3A_78 = arith.constant 0 : i32
      %dma_wait3A_79 = arith.constant 0 : i32
      %dma_wait3A_80 = tpu.memref_slice %arg4[%add3A_10, %dma_wait3A_78, %dma_wait3A_79] : memref<160x16x128xi32, #tpu.memory_space<hbm>> -> memref<1x16x128xi32, #tpu.memory_space<hbm>>
      %dma_wait3A_81 = tpu.memref_squeeze %dma_wait3A_80 : memref<1x16x128xi32, #tpu.memory_space<hbm>> -> memref<16x128xi32, #tpu.memory_space<hbm>>
      tpu.wait_dma2 semaphore(%run_scoped3A : memref<!tpu.dma_semaphore, #tpu.memory_space<semaphore_mem>>) src(%dma_wait3A_81 : memref<16x128xi32, #tpu.memory_space<hbm>>) dst(%arg8 : memref<16x128xi32, #tpu.memory_space<vmem>>)
      tpu.yield
    }) : () -> ()
    %scan3A = arith.constant 0 : i32
    %scan3A_11 = arith.constant 16 : i32
    %scan3A_12 = arith.addi %scan3A, %scan3A_11 : i32
    %scan3A_13 = arith.constant 1 : i32
    scf.for %scan3A_68 = %scan3A to %scan3A_12 step %scan3A_13  : i32 {
      %mul3A_69 = arith.constant 1 : i32
      %mul3A_70 = arith.muli %scan3A_68, %mul3A_69 : i32
      %add3A_71 = arith.constant 0 : i32
      %add3A_72 = arith.addi %add3A_71, %mul3A_70 : i32
      "tpu.region"() ({
        %run_scoped3A = tpu.sem_alloc : memref<!tpu.dma_semaphore, #tpu.memory_space<semaphore_mem>>
        %dma_start3A = arith.constant 0 : i32
        %dma_start3A_73 = arith.constant 0 : i32
        %dma_start3A_74 = tpu.memref_slice %arg9[%dma_start3A, %dma_start3A_73] : memref<256x128xf32, #tpu.memory_space<vmem>> -> memref<128x128xf32, #tpu.memory_space<vmem>>
        %dma_start3A_75 = arith.constant 0 : i32
        %dma_start3A_76 = tpu.memref_slice %arg7[%add3A_72, %dma_start3A_75] : memref<16x128xi32, #tpu.memory_space<vmem>> -> memref<1x128xi32, #tpu.memory_space<vmem>>
        %dma_start3A_77 = tpu.memref_squeeze %dma_start3A_76 : memref<1x128xi32, #tpu.memory_space<vmem>> -> memref<128xi32, #tpu.memory_space<vmem>>
        %dma_start3A_78 = arith.constant 0 : i32
        %dma_start3A_79 = arith.constant 0 : i32
        %dma_start3A_80 = tpu.memref_slice %arg2[%dma_start3A_78, %dma_start3A_79] : memref<10240x128xf32, #tpu.memory_space<hbm>> -> memref<10240x128xf32, #tpu.memory_space<hbm>>
        tpu.enqueue_indirect_dma source(%dma_start3A_80 : memref<10240x128xf32, #tpu.memory_space<hbm>>) target(%dma_start3A_74 : memref<128x128xf32, #tpu.memory_space<vmem>>) offsets(%dma_start3A_77 : memref<128xi32, #tpu.memory_space<vmem>>) semaphore(%run_scoped3A : memref<!tpu.dma_semaphore, #tpu.memory_space<semaphore_mem>>)
        %dma_wait3A = arith.constant 0 : i32
        %dma_wait3A_81 = arith.constant 0 : i32
        %dma_wait3A_82 = tpu.memref_slice %arg9[%dma_wait3A, %dma_wait3A_81] : memref<256x128xf32, #tpu.memory_space<vmem>> -> memref<128x128xf32, #tpu.memory_space<vmem>>
        %dma_wait3A_83 = arith.constant 0 : i32
        %dma_wait3A_84 = tpu.memref_slice %arg7[%add3A_72, %dma_wait3A_83] : memref<16x128xi32, #tpu.memory_space<vmem>> -> memref<1x128xi32, #tpu.memory_space<vmem>>
        %dma_wait3A_85 = tpu.memref_squeeze %dma_wait3A_84 : memref<1x128xi32, #tpu.memory_space<vmem>> -> memref<128xi32, #tpu.memory_space<vmem>>
        %dma_wait3A_86 = arith.constant 0 : i32
        %dma_wait3A_87 = arith.constant 0 : i32
        %dma_wait3A_88 = tpu.memref_slice %arg2[%dma_wait3A_86, %dma_wait3A_87] : memref<10240x128xf32, #tpu.memory_space<hbm>> -> memref<10240x128xf32, #tpu.memory_space<hbm>>
        tpu.wait_indirect_dma semaphore(%run_scoped3A : memref<!tpu.dma_semaphore, #tpu.memory_space<semaphore_mem>>) src(%dma_wait3A_88 : memref<10240x128xf32, #tpu.memory_space<hbm>>) dst(%dma_wait3A_82 : memref<128x128xf32, #tpu.memory_space<vmem>>)
        tpu.yield
      }) : () -> ()
      "tpu.region"() ({
        %run_scoped3A = tpu.sem_alloc : memref<!tpu.dma_semaphore, #tpu.memory_space<semaphore_mem>>
        %dma_start3A = arith.constant 0 : i32
        %dma_start3A_73 = arith.constant 0 : i32
        %dma_start3A_74 = tpu.memref_slice %arg9[%dma_start3A, %dma_start3A_73] : memref<256x128xf32, #tpu.memory_space<vmem>> -> memref<128x128xf32, #tpu.memory_space<vmem>>
        %dma_start3A_75 = arith.constant 0 : i32
        %dma_start3A_76 = tpu.memref_slice %arg8[%add3A_72, %dma_start3A_75] : memref<16x128xi32, #tpu.memory_space<vmem>> -> memref<1x128xi32, #tpu.memory_space<vmem>>
        %dma_start3A_77 = tpu.memref_squeeze %dma_start3A_76 : memref<1x128xi32, #tpu.memory_space<vmem>> -> memref<128xi32, #tpu.memory_space<vmem>>
        %dma_start3A_78 = arith.constant 0 : i32
        %dma_start3A_79 = arith.constant 0 : i32
        %dma_start3A_80 = tpu.memref_slice %arg10[%dma_start3A_78, %dma_start3A_79] : memref<10240x128xf32, #tpu.memory_space<vmem_shared>> -> memref<10240x128xf32, #tpu.memory_space<vmem_shared>>
        tpu.enqueue_indirect_dma source(%dma_start3A_74 : memref<128x128xf32, #tpu.memory_space<vmem>>) target(%dma_start3A_80 : memref<10240x128xf32, #tpu.memory_space<vmem_shared>>) offsets(%dma_start3A_77 : memref<128xi32, #tpu.memory_space<vmem>>) semaphore(%run_scoped3A : memref<!tpu.dma_semaphore, #tpu.memory_space<semaphore_mem>>) {add = true}
        %dma_wait3A = arith.constant 0 : i32
        %dma_wait3A_81 = arith.constant 0 : i32
        %dma_wait3A_82 = tpu.memref_slice %arg9[%dma_wait3A, %dma_wait3A_81] : memref<256x128xf32, #tpu.memory_space<vmem>> -> memref<128x128xf32, #tpu.memory_space<vmem>>
        %dma_wait3A_83 = arith.constant 0 : i32
        %dma_wait3A_84 = tpu.memref_slice %arg8[%add3A_72, %dma_wait3A_83] : memref<16x128xi32, #tpu.memory_space<vmem>> -> memref<1x128xi32, #tpu.memory_space<vmem>>
        %dma_wait3A_85 = tpu.memref_squeeze %dma_wait3A_84 : memref<1x128xi32, #tpu.memory_space<vmem>> -> memref<128xi32, #tpu.memory_space<vmem>>
        %dma_wait3A_86 = arith.constant 0 : i32
        %dma_wait3A_87 = arith.constant 0 : i32
        %dma_wait3A_88 = tpu.memref_slice %arg10[%dma_wait3A_86, %dma_wait3A_87] : memref<10240x128xf32, #tpu.memory_space<vmem_shared>> -> memref<10240x128xf32, #tpu.memory_space<vmem_shared>>
        tpu.wait_indirect_dma semaphore(%run_scoped3A : memref<!tpu.dma_semaphore, #tpu.memory_space<semaphore_mem>>) src(%dma_wait3A_82 : memref<128x128xf32, #tpu.memory_space<vmem>>) dst(%dma_wait3A_88 : memref<10240x128xf32, #tpu.memory_space<vmem_shared>>)
        tpu.yield
      }) : () -> ()
    }
    %scan3A_14 = arith.constant 16 : i32
    %mul3A_15 = arith.constant 5 : i32
    %mul3A_16 = arith.muli %add3A, %mul3A_15 : i32
    %add3A_17 = arith.constant 1 : i32
    %add3A_18 = arith.addi %mul3A_16, %add3A_17 : i32
    "tpu.region"() ({
      %run_scoped3A = tpu.sem_alloc : memref<!tpu.dma_semaphore, #tpu.memory_space<semaphore_mem>>
      %dma_start3A = arith.constant 0 : i32
      %dma_start3A_68 = arith.constant 0 : i32
      %dma_start3A_69 = tpu.memref_slice %arg3[%add3A_18, %dma_start3A, %dma_start3A_68] : memref<160x16x128xi32, #tpu.memory_space<hbm>> -> memref<1x16x128xi32, #tpu.memory_space<hbm>>
      %dma_start3A_70 = tpu.memref_squeeze %dma_start3A_69 : memref<1x16x128xi32, #tpu.memory_space<hbm>> -> memref<16x128xi32, #tpu.memory_space<hbm>>
      %dma_start3A_71 = arith.constant 0 : i32
      %dma_start3A_72 = arith.constant 0 : i32
      %dma_start3A_73 = tpu.memref_slice %arg3[%add3A_18, %dma_start3A_71, %dma_start3A_72] : memref<160x16x128xi32, #tpu.memory_space<hbm>> -> memref<1x16x128xi32, #tpu.memory_space<hbm>>
      %dma_start3A_74 = tpu.memref_squeeze %dma_start3A_73 : memref<1x16x128xi32, #tpu.memory_space<hbm>> -> memref<16x128xi32, #tpu.memory_space<hbm>>
      tpu.enqueue_dma source(%dma_start3A_74 : memref<16x128xi32, #tpu.memory_space<hbm>>) target(%arg7 : memref<16x128xi32, #tpu.memory_space<vmem>>) target_semaphore(%run_scoped3A : memref<!tpu.dma_semaphore, #tpu.memory_space<semaphore_mem>>)
      %dma_wait3A = arith.constant 0 : i32
      %dma_wait3A_75 = arith.constant 0 : i32
      %dma_wait3A_76 = tpu.memref_slice %arg3[%add3A_18, %dma_wait3A, %dma_wait3A_75] : memref<160x16x128xi32, #tpu.memory_space<hbm>> -> memref<1x16x128xi32, #tpu.memory_space<hbm>>
      %dma_wait3A_77 = tpu.memref_squeeze %dma_wait3A_76 : memref<1x16x128xi32, #tpu.memory_space<hbm>> -> memref<16x128xi32, #tpu.memory_space<hbm>>
      %dma_wait3A_78 = arith.constant 0 : i32
      %dma_wait3A_79 = arith.constant 0 : i32
      %dma_wait3A_80 = tpu.memref_slice %arg3[%add3A_18, %dma_wait3A_78, %dma_wait3A_79] : memref<160x16x128xi32, #tpu.memory_space<hbm>> -> memref<1x16x128xi32, #tpu.memory_space<hbm>>
      %dma_wait3A_81 = tpu.memref_squeeze %dma_wait3A_80 : memref<1x16x128xi32, #tpu.memory_space<hbm>> -> memref<16x128xi32, #tpu.memory_space<hbm>>
      tpu.wait_dma2 semaphore(%run_scoped3A : memref<!tpu.dma_semaphore, #tpu.memory_space<semaphore_mem>>) src(%dma_wait3A_81 : memref<16x128xi32, #tpu.memory_space<hbm>>) dst(%arg7 : memref<16x128xi32, #tpu.memory_space<vmem>>)
      tpu.yield
    }) : () -> ()
    %mul3A_19 = arith.constant 5 : i32
    %mul3A_20 = arith.muli %add3A, %mul3A_19 : i32
    %add3A_21 = arith.constant 1 : i32
    %add3A_22 = arith.addi %mul3A_20, %add3A_21 : i32
    "tpu.region"() ({
      %run_scoped3A = tpu.sem_alloc : memref<!tpu.dma_semaphore, #tpu.memory_space<semaphore_mem>>
      %dma_start3A = arith.constant 0 : i32
      %dma_start3A_68 = arith.constant 0 : i32
      %dma_start3A_69 = tpu.memref_slice %arg4[%add3A_22, %dma_start3A, %dma_start3A_68] : memref<160x16x128xi32, #tpu.memory_space<hbm>> -> memref<1x16x128xi32, #tpu.memory_space<hbm>>
      %dma_start3A_70 = tpu.memref_squeeze %dma_start3A_69 : memref<1x16x128xi32, #tpu.memory_space<hbm>> -> memref<16x128xi32, #tpu.memory_space<hbm>>
      %dma_start3A_71 = arith.constant 0 : i32
      %dma_start3A_72 = arith.constant 0 : i32
      %dma_start3A_73 = tpu.memref_slice %arg4[%add3A_22, %dma_start3A_71, %dma_start3A_72] : memref<160x16x128xi32, #tpu.memory_space<hbm>> -> memref<1x16x128xi32, #tpu.memory_space<hbm>>
      %dma_start3A_74 = tpu.memref_squeeze %dma_start3A_73 : memref<1x16x128xi32, #tpu.memory_space<hbm>> -> memref<16x128xi32, #tpu.memory_space<hbm>>
      tpu.enqueue_dma source(%dma_start3A_74 : memref<16x128xi32, #tpu.memory_space<hbm>>) target(%arg8 : memref<16x128xi32, #tpu.memory_space<vmem>>) target_semaphore(%run_scoped3A : memref<!tpu.dma_semaphore, #tpu.memory_space<semaphore_mem>>)
      %dma_wait3A = arith.constant 0 : i32
      %dma_wait3A_75 = arith.constant 0 : i32
      %dma_wait3A_76 = tpu.memref_slice %arg4[%add3A_22, %dma_wait3A, %dma_wait3A_75] : memref<160x16x128xi32, #tpu.memory_space<hbm>> -> memref<1x16x128xi32, #tpu.memory_space<hbm>>
      %dma_wait3A_77 = tpu.memref_squeeze %dma_wait3A_76 : memref<1x16x128xi32, #tpu.memory_space<hbm>> -> memref<16x128xi32, #tpu.memory_space<hbm>>
      %dma_wait3A_78 = arith.constant 0 : i32
      %dma_wait3A_79 = arith.constant 0 : i32
      %dma_wait3A_80 = tpu.memref_slice %arg4[%add3A_22, %dma_wait3A_78, %dma_wait3A_79] : memref<160x16x128xi32, #tpu.memory_space<hbm>> -> memref<1x16x128xi32, #tpu.memory_space<hbm>>
      %dma_wait3A_81 = tpu.memref_squeeze %dma_wait3A_80 : memref<1x16x128xi32, #tpu.memory_space<hbm>> -> memref<16x128xi32, #tpu.memory_space<hbm>>
      tpu.wait_dma2 semaphore(%run_scoped3A : memref<!tpu.dma_semaphore, #tpu.memory_space<semaphore_mem>>) src(%dma_wait3A_81 : memref<16x128xi32, #tpu.memory_space<hbm>>) dst(%arg8 : memref<16x128xi32, #tpu.memory_space<vmem>>)
      tpu.yield
    }) : () -> ()
    %scan3A_23 = arith.constant 0 : i32
    %scan3A_24 = arith.constant 16 : i32
    %scan3A_25 = arith.addi %scan3A_23, %scan3A_24 : i32
    %scan3A_26 = arith.constant 1 : i32
    scf.for %scan3A_68 = %scan3A_23 to %scan3A_25 step %scan3A_26  : i32 {
      %mul3A_69 = arith.constant 1 : i32
      %mul3A_70 = arith.muli %scan3A_68, %mul3A_69 : i32
      %add3A_71 = arith.constant 0 : i32
      %add3A_72 = arith.addi %add3A_71, %mul3A_70 : i32
      "tpu.region"() ({
        %run_scoped3A = tpu.sem_alloc : memref<!tpu.dma_semaphore, #tpu.memory_space<semaphore_mem>>
        %dma_start3A = arith.constant 0 : i32
        %dma_start3A_73 = arith.constant 0 : i32
        %dma_start3A_74 = tpu.memref_slice %arg9[%dma_start3A, %dma_start3A_73] : memref<256x128xf32, #tpu.memory_space<vmem>> -> memref<128x128xf32, #tpu.memory_space<vmem>>
        %dma_start3A_75 = arith.constant 0 : i32
        %dma_start3A_76 = tpu.memref_slice %arg7[%add3A_72, %dma_start3A_75] : memref<16x128xi32, #tpu.memory_space<vmem>> -> memref<1x128xi32, #tpu.memory_space<vmem>>
        %dma_start3A_77 = tpu.memref_squeeze %dma_start3A_76 : memref<1x128xi32, #tpu.memory_space<vmem>> -> memref<128xi32, #tpu.memory_space<vmem>>
        %dma_start3A_78 = arith.constant 0 : i32
        %dma_start3A_79 = arith.constant 0 : i32
        %dma_start3A_80 = tpu.memref_slice %arg2[%dma_start3A_78, %dma_start3A_79] : memref<10240x128xf32, #tpu.memory_space<hbm>> -> memref<10240x128xf32, #tpu.memory_space<hbm>>
        tpu.enqueue_indirect_dma source(%dma_start3A_80 : memref<10240x128xf32, #tpu.memory_space<hbm>>) target(%dma_start3A_74 : memref<128x128xf32, #tpu.memory_space<vmem>>) offsets(%dma_start3A_77 : memref<128xi32, #tpu.memory_space<vmem>>) semaphore(%run_scoped3A : memref<!tpu.dma_semaphore, #tpu.memory_space<semaphore_mem>>)
        %dma_wait3A = arith.constant 0 : i32
        %dma_wait3A_81 = arith.constant 0 : i32
        %dma_wait3A_82 = tpu.memref_slice %arg9[%dma_wait3A, %dma_wait3A_81] : memref<256x128xf32, #tpu.memory_space<vmem>> -> memref<128x128xf32, #tpu.memory_space<vmem>>
        %dma_wait3A_83 = arith.constant 0 : i32
        %dma_wait3A_84 = tpu.memref_slice %arg7[%add3A_72, %dma_wait3A_83] : memref<16x128xi32, #tpu.memory_space<vmem>> -> memref<1x128xi32, #tpu.memory_space<vmem>>
        %dma_wait3A_85 = tpu.memref_squeeze %dma_wait3A_84 : memref<1x128xi32, #tpu.memory_space<vmem>> -> memref<128xi32, #tpu.memory_space<vmem>>
        %dma_wait3A_86 = arith.constant 0 : i32
        %dma_wait3A_87 = arith.constant 0 : i32
        %dma_wait3A_88 = tpu.memref_slice %arg2[%dma_wait3A_86, %dma_wait3A_87] : memref<10240x128xf32, #tpu.memory_space<hbm>> -> memref<10240x128xf32, #tpu.memory_space<hbm>>
        tpu.wait_indirect_dma semaphore(%run_scoped3A : memref<!tpu.dma_semaphore, #tpu.memory_space<semaphore_mem>>) src(%dma_wait3A_88 : memref<10240x128xf32, #tpu.memory_space<hbm>>) dst(%dma_wait3A_82 : memref<128x128xf32, #tpu.memory_space<vmem>>)
        tpu.yield
      }) : () -> ()
      "tpu.region"() ({
        %run_scoped3A = tpu.sem_alloc : memref<!tpu.dma_semaphore, #tpu.memory_space<semaphore_mem>>
        %dma_start3A = arith.constant 0 : i32
        %dma_start3A_73 = arith.constant 0 : i32
        %dma_start3A_74 = tpu.memref_slice %arg9[%dma_start3A, %dma_start3A_73] : memref<256x128xf32, #tpu.memory_space<vmem>> -> memref<128x128xf32, #tpu.memory_space<vmem>>
        %dma_start3A_75 = arith.constant 0 : i32
        %dma_start3A_76 = tpu.memref_slice %arg8[%add3A_72, %dma_start3A_75] : memref<16x128xi32, #tpu.memory_space<vmem>> -> memref<1x128xi32, #tpu.memory_space<vmem>>
        %dma_start3A_77 = tpu.memref_squeeze %dma_start3A_76 : memref<1x128xi32, #tpu.memory_space<vmem>> -> memref<128xi32, #tpu.memory_space<vmem>>
        %dma_start3A_78 = arith.constant 0 : i32
        %dma_start3A_79 = arith.constant 0 : i32
        %dma_start3A_80 = tpu.memref_slice %arg10[%dma_start3A_78, %dma_start3A_79] : memref<10240x128xf32, #tpu.memory_space<vmem_shared>> -> memref<10240x128xf32, #tpu.memory_space<vmem_shared>>
        tpu.enqueue_indirect_dma source(%dma_start3A_74 : memref<128x128xf32, #tpu.memory_space<vmem>>) target(%dma_start3A_80 : memref<10240x128xf32, #tpu.memory_space<vmem_shared>>) offsets(%dma_start3A_77 : memref<128xi32, #tpu.memory_space<vmem>>) semaphore(%run_scoped3A : memref<!tpu.dma_semaphore, #tpu.memory_space<semaphore_mem>>) {add = true}
        %dma_wait3A = arith.constant 0 : i32
        %dma_wait3A_81 = arith.constant 0 : i32
        %dma_wait3A_82 = tpu.memref_slice %arg9[%dma_wait3A, %dma_wait3A_81] : memref<256x128xf32, #tpu.memory_space<vmem>> -> memref<128x128xf32, #tpu.memory_space<vmem>>
        %dma_wait3A_83 = arith.constant 0 : i32
        %dma_wait3A_84 = tpu.memref_slice %arg8[%add3A_72, %dma_wait3A_83] : memref<16x128xi32, #tpu.memory_space<vmem>> -> memref<1x128xi32, #tpu.memory_space<vmem>>
        %dma_wait3A_85 = tpu.memref_squeeze %dma_wait3A_84 : memref<1x128xi32, #tpu.memory_space<vmem>> -> memref<128xi32, #tpu.memory_space<vmem>>
        %dma_wait3A_86 = arith.constant 0 : i32
        %dma_wait3A_87 = arith.constant 0 : i32
        %dma_wait3A_88 = tpu.memref_slice %arg10[%dma_wait3A_86, %dma_wait3A_87] : memref<10240x128xf32, #tpu.memory_space<vmem_shared>> -> memref<10240x128xf32, #tpu.memory_space<vmem_shared>>
        tpu.wait_indirect_dma semaphore(%run_scoped3A : memref<!tpu.dma_semaphore, #tpu.memory_space<semaphore_mem>>) src(%dma_wait3A_82 : memref<128x128xf32, #tpu.memory_space<vmem>>) dst(%dma_wait3A_88 : memref<10240x128xf32, #tpu.memory_space<vmem_shared>>)
        tpu.yield
      }) : () -> ()
    }
    %scan3A_27 = arith.constant 16 : i32
    %mul3A_28 = arith.constant 5 : i32
    %mul3A_29 = arith.muli %add3A, %mul3A_28 : i32
    %add3A_30 = arith.constant 2 : i32
    %add3A_31 = arith.addi %mul3A_29, %add3A_30 : i32
    "tpu.region"() ({
      %run_scoped3A = tpu.sem_alloc : memref<!tpu.dma_semaphore, #tpu.memory_space<semaphore_mem>>
      %dma_start3A = arith.constant 0 : i32
      %dma_start3A_68 = arith.constant 0 : i32
      %dma_start3A_69 = tpu.memref_slice %arg3[%add3A_31, %dma_start3A, %dma_start3A_68] : memref<160x16x128xi32, #tpu.memory_space<hbm>> -> memref<1x16x128xi32, #tpu.memory_space<hbm>>
      %dma_start3A_70 = tpu.memref_squeeze %dma_start3A_69 : memref<1x16x128xi32, #tpu.memory_space<hbm>> -> memref<16x128xi32, #tpu.memory_space<hbm>>
      %dma_start3A_71 = arith.constant 0 : i32
      %dma_start3A_72 = arith.constant 0 : i32
      %dma_start3A_73 = tpu.memref_slice %arg3[%add3A_31, %dma_start3A_71, %dma_start3A_72] : memref<160x16x128xi32, #tpu.memory_space<hbm>> -> memref<1x16x128xi32, #tpu.memory_space<hbm>>
      %dma_start3A_74 = tpu.memref_squeeze %dma_start3A_73 : memref<1x16x128xi32, #tpu.memory_space<hbm>> -> memref<16x128xi32, #tpu.memory_space<hbm>>
      tpu.enqueue_dma source(%dma_start3A_74 : memref<16x128xi32, #tpu.memory_space<hbm>>) target(%arg7 : memref<16x128xi32, #tpu.memory_space<vmem>>) target_semaphore(%run_scoped3A : memref<!tpu.dma_semaphore, #tpu.memory_space<semaphore_mem>>)
      %dma_wait3A = arith.constant 0 : i32
      %dma_wait3A_75 = arith.constant 0 : i32
      %dma_wait3A_76 = tpu.memref_slice %arg3[%add3A_31, %dma_wait3A, %dma_wait3A_75] : memref<160x16x128xi32, #tpu.memory_space<hbm>> -> memref<1x16x128xi32, #tpu.memory_space<hbm>>
      %dma_wait3A_77 = tpu.memref_squeeze %dma_wait3A_76 : memref<1x16x128xi32, #tpu.memory_space<hbm>> -> memref<16x128xi32, #tpu.memory_space<hbm>>
      %dma_wait3A_78 = arith.constant 0 : i32
      %dma_wait3A_79 = arith.constant 0 : i32
      %dma_wait3A_80 = tpu.memref_slice %arg3[%add3A_31, %dma_wait3A_78, %dma_wait3A_79] : memref<160x16x128xi32, #tpu.memory_space<hbm>> -> memref<1x16x128xi32, #tpu.memory_space<hbm>>
      %dma_wait3A_81 = tpu.memref_squeeze %dma_wait3A_80 : memref<1x16x128xi32, #tpu.memory_space<hbm>> -> memref<16x128xi32, #tpu.memory_space<hbm>>
      tpu.wait_dma2 semaphore(%run_scoped3A : memref<!tpu.dma_semaphore, #tpu.memory_space<semaphore_mem>>) src(%dma_wait3A_81 : memref<16x128xi32, #tpu.memory_space<hbm>>) dst(%arg7 : memref<16x128xi32, #tpu.memory_space<vmem>>)
      tpu.yield
    }) : () -> ()
    %mul3A_32 = arith.constant 5 : i32
    %mul3A_33 = arith.muli %add3A, %mul3A_32 : i32
    %add3A_34 = arith.constant 2 : i32
    %add3A_35 = arith.addi %mul3A_33, %add3A_34 : i32
    "tpu.region"() ({
      %run_scoped3A = tpu.sem_alloc : memref<!tpu.dma_semaphore, #tpu.memory_space<semaphore_mem>>
      %dma_start3A = arith.constant 0 : i32
      %dma_start3A_68 = arith.constant 0 : i32
      %dma_start3A_69 = tpu.memref_slice %arg4[%add3A_35, %dma_start3A, %dma_start3A_68] : memref<160x16x128xi32, #tpu.memory_space<hbm>> -> memref<1x16x128xi32, #tpu.memory_space<hbm>>
      %dma_start3A_70 = tpu.memref_squeeze %dma_start3A_69 : memref<1x16x128xi32, #tpu.memory_space<hbm>> -> memref<16x128xi32, #tpu.memory_space<hbm>>
      %dma_start3A_71 = arith.constant 0 : i32
      %dma_start3A_72 = arith.constant 0 : i32
      %dma_start3A_73 = tpu.memref_slice %arg4[%add3A_35, %dma_start3A_71, %dma_start3A_72] : memref<160x16x128xi32, #tpu.memory_space<hbm>> -> memref<1x16x128xi32, #tpu.memory_space<hbm>>
      %dma_start3A_74 = tpu.memref_squeeze %dma_start3A_73 : memref<1x16x128xi32, #tpu.memory_space<hbm>> -> memref<16x128xi32, #tpu.memory_space<hbm>>
      tpu.enqueue_dma source(%dma_start3A_74 : memref<16x128xi32, #tpu.memory_space<hbm>>) target(%arg8 : memref<16x128xi32, #tpu.memory_space<vmem>>) target_semaphore(%run_scoped3A : memref<!tpu.dma_semaphore, #tpu.memory_space<semaphore_mem>>)
      %dma_wait3A = arith.constant 0 : i32
      %dma_wait3A_75 = arith.constant 0 : i32
      %dma_wait3A_76 = tpu.memref_slice %arg4[%add3A_35, %dma_wait3A, %dma_wait3A_75] : memref<160x16x128xi32, #tpu.memory_space<hbm>> -> memref<1x16x128xi32, #tpu.memory_space<hbm>>
      %dma_wait3A_77 = tpu.memref_squeeze %dma_wait3A_76 : memref<1x16x128xi32, #tpu.memory_space<hbm>> -> memref<16x128xi32, #tpu.memory_space<hbm>>
      %dma_wait3A_78 = arith.constant 0 : i32
      %dma_wait3A_79 = arith.constant 0 : i32
      %dma_wait3A_80 = tpu.memref_slice %arg4[%add3A_35, %dma_wait3A_78, %dma_wait3A_79] : memref<160x16x128xi32, #tpu.memory_space<hbm>> -> memref<1x16x128xi32, #tpu.memory_space<hbm>>
      %dma_wait3A_81 = tpu.memref_squeeze %dma_wait3A_80 : memref<1x16x128xi32, #tpu.memory_space<hbm>> -> memref<16x128xi32, #tpu.memory_space<hbm>>
      tpu.wait_dma2 semaphore(%run_scoped3A : memref<!tpu.dma_semaphore, #tpu.memory_space<semaphore_mem>>) src(%dma_wait3A_81 : memref<16x128xi32, #tpu.memory_space<hbm>>) dst(%arg8 : memref<16x128xi32, #tpu.memory_space<vmem>>)
      tpu.yield
    }) : () -> ()
    %scan3A_36 = arith.constant 0 : i32
    %scan3A_37 = arith.constant 16 : i32
    %scan3A_38 = arith.addi %scan3A_36, %scan3A_37 : i32
    %scan3A_39 = arith.constant 1 : i32
    scf.for %scan3A_68 = %scan3A_36 to %scan3A_38 step %scan3A_39  : i32 {
      %mul3A_69 = arith.constant 1 : i32
      %mul3A_70 = arith.muli %scan3A_68, %mul3A_69 : i32
      %add3A_71 = arith.constant 0 : i32
      %add3A_72 = arith.addi %add3A_71, %mul3A_70 : i32
      "tpu.region"() ({
        %run_scoped3A = tpu.sem_alloc : memref<!tpu.dma_semaphore, #tpu.memory_space<semaphore_mem>>
        %dma_start3A = arith.constant 0 : i32
        %dma_start3A_73 = arith.constant 0 : i32
        %dma_start3A_74 = tpu.memref_slice %arg9[%dma_start3A, %dma_start3A_73] : memref<256x128xf32, #tpu.memory_space<vmem>> -> memref<128x128xf32, #tpu.memory_space<vmem>>
        %dma_start3A_75 = arith.constant 0 : i32
        %dma_start3A_76 = tpu.memref_slice %arg7[%add3A_72, %dma_start3A_75] : memref<16x128xi32, #tpu.memory_space<vmem>> -> memref<1x128xi32, #tpu.memory_space<vmem>>
        %dma_start3A_77 = tpu.memref_squeeze %dma_start3A_76 : memref<1x128xi32, #tpu.memory_space<vmem>> -> memref<128xi32, #tpu.memory_space<vmem>>
        %dma_start3A_78 = arith.constant 0 : i32
        %dma_start3A_79 = arith.constant 0 : i32
        %dma_start3A_80 = tpu.memref_slice %arg2[%dma_start3A_78, %dma_start3A_79] : memref<10240x128xf32, #tpu.memory_space<hbm>> -> memref<10240x128xf32, #tpu.memory_space<hbm>>
        tpu.enqueue_indirect_dma source(%dma_start3A_80 : memref<10240x128xf32, #tpu.memory_space<hbm>>) target(%dma_start3A_74 : memref<128x128xf32, #tpu.memory_space<vmem>>) offsets(%dma_start3A_77 : memref<128xi32, #tpu.memory_space<vmem>>) semaphore(%run_scoped3A : memref<!tpu.dma_semaphore, #tpu.memory_space<semaphore_mem>>)
        %dma_wait3A = arith.constant 0 : i32
        %dma_wait3A_81 = arith.constant 0 : i32
        %dma_wait3A_82 = tpu.memref_slice %arg9[%dma_wait3A, %dma_wait3A_81] : memref<256x128xf32, #tpu.memory_space<vmem>> -> memref<128x128xf32, #tpu.memory_space<vmem>>
        %dma_wait3A_83 = arith.constant 0 : i32
        %dma_wait3A_84 = tpu.memref_slice %arg7[%add3A_72, %dma_wait3A_83] : memref<16x128xi32, #tpu.memory_space<vmem>> -> memref<1x128xi32, #tpu.memory_space<vmem>>
        %dma_wait3A_85 = tpu.memref_squeeze %dma_wait3A_84 : memref<1x128xi32, #tpu.memory_space<vmem>> -> memref<128xi32, #tpu.memory_space<vmem>>
        %dma_wait3A_86 = arith.constant 0 : i32
        %dma_wait3A_87 = arith.constant 0 : i32
        %dma_wait3A_88 = tpu.memref_slice %arg2[%dma_wait3A_86, %dma_wait3A_87] : memref<10240x128xf32, #tpu.memory_space<hbm>> -> memref<10240x128xf32, #tpu.memory_space<hbm>>
        tpu.wait_indirect_dma semaphore(%run_scoped3A : memref<!tpu.dma_semaphore, #tpu.memory_space<semaphore_mem>>) src(%dma_wait3A_88 : memref<10240x128xf32, #tpu.memory_space<hbm>>) dst(%dma_wait3A_82 : memref<128x128xf32, #tpu.memory_space<vmem>>)
        tpu.yield
      }) : () -> ()
      "tpu.region"() ({
        %run_scoped3A = tpu.sem_alloc : memref<!tpu.dma_semaphore, #tpu.memory_space<semaphore_mem>>
        %dma_start3A = arith.constant 0 : i32
        %dma_start3A_73 = arith.constant 0 : i32
        %dma_start3A_74 = tpu.memref_slice %arg9[%dma_start3A, %dma_start3A_73] : memref<256x128xf32, #tpu.memory_space<vmem>> -> memref<128x128xf32, #tpu.memory_space<vmem>>
        %dma_start3A_75 = arith.constant 0 : i32
        %dma_start3A_76 = tpu.memref_slice %arg8[%add3A_72, %dma_start3A_75] : memref<16x128xi32, #tpu.memory_space<vmem>> -> memref<1x128xi32, #tpu.memory_space<vmem>>
        %dma_start3A_77 = tpu.memref_squeeze %dma_start3A_76 : memref<1x128xi32, #tpu.memory_space<vmem>> -> memref<128xi32, #tpu.memory_space<vmem>>
        %dma_start3A_78 = arith.constant 0 : i32
        %dma_start3A_79 = arith.constant 0 : i32
        %dma_start3A_80 = tpu.memref_slice %arg10[%dma_start3A_78, %dma_start3A_79] : memref<10240x128xf32, #tpu.memory_space<vmem_shared>> -> memref<10240x128xf32, #tpu.memory_space<vmem_shared>>
        tpu.enqueue_indirect_dma source(%dma_start3A_74 : memref<128x128xf32, #tpu.memory_space<vmem>>) target(%dma_start3A_80 : memref<10240x128xf32, #tpu.memory_space<vmem_shared>>) offsets(%dma_start3A_77 : memref<128xi32, #tpu.memory_space<vmem>>) semaphore(%run_scoped3A : memref<!tpu.dma_semaphore, #tpu.memory_space<semaphore_mem>>) {add = true}
        %dma_wait3A = arith.constant 0 : i32
        %dma_wait3A_81 = arith.constant 0 : i32
        %dma_wait3A_82 = tpu.memref_slice %arg9[%dma_wait3A, %dma_wait3A_81] : memref<256x128xf32, #tpu.memory_space<vmem>> -> memref<128x128xf32, #tpu.memory_space<vmem>>
        %dma_wait3A_83 = arith.constant 0 : i32
        %dma_wait3A_84 = tpu.memref_slice %arg8[%add3A_72, %dma_wait3A_83] : memref<16x128xi32, #tpu.memory_space<vmem>> -> memref<1x128xi32, #tpu.memory_space<vmem>>
        %dma_wait3A_85 = tpu.memref_squeeze %dma_wait3A_84 : memref<1x128xi32, #tpu.memory_space<vmem>> -> memref<128xi32, #tpu.memory_space<vmem>>
        %dma_wait3A_86 = arith.constant 0 : i32
        %dma_wait3A_87 = arith.constant 0 : i32
        %dma_wait3A_88 = tpu.memref_slice %arg10[%dma_wait3A_86, %dma_wait3A_87] : memref<10240x128xf32, #tpu.memory_space<vmem_shared>> -> memref<10240x128xf32, #tpu.memory_space<vmem_shared>>
        tpu.wait_indirect_dma semaphore(%run_scoped3A : memref<!tpu.dma_semaphore, #tpu.memory_space<semaphore_mem>>) src(%dma_wait3A_82 : memref<128x128xf32, #tpu.memory_space<vmem>>) dst(%dma_wait3A_88 : memref<10240x128xf32, #tpu.memory_space<vmem_shared>>)
        tpu.yield
      }) : () -> ()
    }
    %scan3A_40 = arith.constant 16 : i32
    %mul3A_41 = arith.constant 5 : i32
    %mul3A_42 = arith.muli %add3A, %mul3A_41 : i32
    %add3A_43 = arith.constant 3 : i32
    %add3A_44 = arith.addi %mul3A_42, %add3A_43 : i32
    "tpu.region"() ({
      %run_scoped3A = tpu.sem_alloc : memref<!tpu.dma_semaphore, #tpu.memory_space<semaphore_mem>>
      %dma_start3A = arith.constant 0 : i32
      %dma_start3A_68 = arith.constant 0 : i32
      %dma_start3A_69 = tpu.memref_slice %arg3[%add3A_44, %dma_start3A, %dma_start3A_68] : memref<160x16x128xi32, #tpu.memory_space<hbm>> -> memref<1x16x128xi32, #tpu.memory_space<hbm>>
      %dma_start3A_70 = tpu.memref_squeeze %dma_start3A_69 : memref<1x16x128xi32, #tpu.memory_space<hbm>> -> memref<16x128xi32, #tpu.memory_space<hbm>>
      %dma_start3A_71 = arith.constant 0 : i32
      %dma_start3A_72 = arith.constant 0 : i32
      %dma_start3A_73 = tpu.memref_slice %arg3[%add3A_44, %dma_start3A_71, %dma_start3A_72] : memref<160x16x128xi32, #tpu.memory_space<hbm>> -> memref<1x16x128xi32, #tpu.memory_space<hbm>>
      %dma_start3A_74 = tpu.memref_squeeze %dma_start3A_73 : memref<1x16x128xi32, #tpu.memory_space<hbm>> -> memref<16x128xi32, #tpu.memory_space<hbm>>
      tpu.enqueue_dma source(%dma_start3A_74 : memref<16x128xi32, #tpu.memory_space<hbm>>) target(%arg7 : memref<16x128xi32, #tpu.memory_space<vmem>>) target_semaphore(%run_scoped3A : memref<!tpu.dma_semaphore, #tpu.memory_space<semaphore_mem>>)
      %dma_wait3A = arith.constant 0 : i32
      %dma_wait3A_75 = arith.constant 0 : i32
      %dma_wait3A_76 = tpu.memref_slice %arg3[%add3A_44, %dma_wait3A, %dma_wait3A_75] : memref<160x16x128xi32, #tpu.memory_space<hbm>> -> memref<1x16x128xi32, #tpu.memory_space<hbm>>
      %dma_wait3A_77 = tpu.memref_squeeze %dma_wait3A_76 : memref<1x16x128xi32, #tpu.memory_space<hbm>> -> memref<16x128xi32, #tpu.memory_space<hbm>>
      %dma_wait3A_78 = arith.constant 0 : i32
      %dma_wait3A_79 = arith.constant 0 : i32
      %dma_wait3A_80 = tpu.memref_slice %arg3[%add3A_44, %dma_wait3A_78, %dma_wait3A_79] : memref<160x16x128xi32, #tpu.memory_space<hbm>> -> memref<1x16x128xi32, #tpu.memory_space<hbm>>
      %dma_wait3A_81 = tpu.memref_squeeze %dma_wait3A_80 : memref<1x16x128xi32, #tpu.memory_space<hbm>> -> memref<16x128xi32, #tpu.memory_space<hbm>>
      tpu.wait_dma2 semaphore(%run_scoped3A : memref<!tpu.dma_semaphore, #tpu.memory_space<semaphore_mem>>) src(%dma_wait3A_81 : memref<16x128xi32, #tpu.memory_space<hbm>>) dst(%arg7 : memref<16x128xi32, #tpu.memory_space<vmem>>)
      tpu.yield
    }) : () -> ()
    %mul3A_45 = arith.constant 5 : i32
    %mul3A_46 = arith.muli %add3A, %mul3A_45 : i32
    %add3A_47 = arith.constant 3 : i32
    %add3A_48 = arith.addi %mul3A_46, %add3A_47 : i32
    "tpu.region"() ({
      %run_scoped3A = tpu.sem_alloc : memref<!tpu.dma_semaphore, #tpu.memory_space<semaphore_mem>>
      %dma_start3A = arith.constant 0 : i32
      %dma_start3A_68 = arith.constant 0 : i32
      %dma_start3A_69 = tpu.memref_slice %arg4[%add3A_48, %dma_start3A, %dma_start3A_68] : memref<160x16x128xi32, #tpu.memory_space<hbm>> -> memref<1x16x128xi32, #tpu.memory_space<hbm>>
      %dma_start3A_70 = tpu.memref_squeeze %dma_start3A_69 : memref<1x16x128xi32, #tpu.memory_space<hbm>> -> memref<16x128xi32, #tpu.memory_space<hbm>>
      %dma_start3A_71 = arith.constant 0 : i32
      %dma_start3A_72 = arith.constant 0 : i32
      %dma_start3A_73 = tpu.memref_slice %arg4[%add3A_48, %dma_start3A_71, %dma_start3A_72] : memref<160x16x128xi32, #tpu.memory_space<hbm>> -> memref<1x16x128xi32, #tpu.memory_space<hbm>>
      %dma_start3A_74 = tpu.memref_squeeze %dma_start3A_73 : memref<1x16x128xi32, #tpu.memory_space<hbm>> -> memref<16x128xi32, #tpu.memory_space<hbm>>
      tpu.enqueue_dma source(%dma_start3A_74 : memref<16x128xi32, #tpu.memory_space<hbm>>) target(%arg8 : memref<16x128xi32, #tpu.memory_space<vmem>>) target_semaphore(%run_scoped3A : memref<!tpu.dma_semaphore, #tpu.memory_space<semaphore_mem>>)
      %dma_wait3A = arith.constant 0 : i32
      %dma_wait3A_75 = arith.constant 0 : i32
      %dma_wait3A_76 = tpu.memref_slice %arg4[%add3A_48, %dma_wait3A, %dma_wait3A_75] : memref<160x16x128xi32, #tpu.memory_space<hbm>> -> memref<1x16x128xi32, #tpu.memory_space<hbm>>
      %dma_wait3A_77 = tpu.memref_squeeze %dma_wait3A_76 : memref<1x16x128xi32, #tpu.memory_space<hbm>> -> memref<16x128xi32, #tpu.memory_space<hbm>>
      %dma_wait3A_78 = arith.constant 0 : i32
      %dma_wait3A_79 = arith.constant 0 : i32
      %dma_wait3A_80 = tpu.memref_slice %arg4[%add3A_48, %dma_wait3A_78, %dma_wait3A_79] : memref<160x16x128xi32, #tpu.memory_space<hbm>> -> memref<1x16x128xi32, #tpu.memory_space<hbm>>
      %dma_wait3A_81 = tpu.memref_squeeze %dma_wait3A_80 : memref<1x16x128xi32, #tpu.memory_space<hbm>> -> memref<16x128xi32, #tpu.memory_space<hbm>>
      tpu.wait_dma2 semaphore(%run_scoped3A : memref<!tpu.dma_semaphore, #tpu.memory_space<semaphore_mem>>) src(%dma_wait3A_81 : memref<16x128xi32, #tpu.memory_space<hbm>>) dst(%arg8 : memref<16x128xi32, #tpu.memory_space<vmem>>)
      tpu.yield
    }) : () -> ()
    %scan3A_49 = arith.constant 0 : i32
    %scan3A_50 = arith.constant 16 : i32
    %scan3A_51 = arith.addi %scan3A_49, %scan3A_50 : i32
    %scan3A_52 = arith.constant 1 : i32
    scf.for %scan3A_68 = %scan3A_49 to %scan3A_51 step %scan3A_52  : i32 {
      %mul3A_69 = arith.constant 1 : i32
      %mul3A_70 = arith.muli %scan3A_68, %mul3A_69 : i32
      %add3A_71 = arith.constant 0 : i32
      %add3A_72 = arith.addi %add3A_71, %mul3A_70 : i32
      "tpu.region"() ({
        %run_scoped3A = tpu.sem_alloc : memref<!tpu.dma_semaphore, #tpu.memory_space<semaphore_mem>>
        %dma_start3A = arith.constant 0 : i32
        %dma_start3A_73 = arith.constant 0 : i32
        %dma_start3A_74 = tpu.memref_slice %arg9[%dma_start3A, %dma_start3A_73] : memref<256x128xf32, #tpu.memory_space<vmem>> -> memref<128x128xf32, #tpu.memory_space<vmem>>
        %dma_start3A_75 = arith.constant 0 : i32
        %dma_start3A_76 = tpu.memref_slice %arg7[%add3A_72, %dma_start3A_75] : memref<16x128xi32, #tpu.memory_space<vmem>> -> memref<1x128xi32, #tpu.memory_space<vmem>>
        %dma_start3A_77 = tpu.memref_squeeze %dma_start3A_76 : memref<1x128xi32, #tpu.memory_space<vmem>> -> memref<128xi32, #tpu.memory_space<vmem>>
        %dma_start3A_78 = arith.constant 0 : i32
        %dma_start3A_79 = arith.constant 0 : i32
        %dma_start3A_80 = tpu.memref_slice %arg2[%dma_start3A_78, %dma_start3A_79] : memref<10240x128xf32, #tpu.memory_space<hbm>> -> memref<10240x128xf32, #tpu.memory_space<hbm>>
        tpu.enqueue_indirect_dma source(%dma_start3A_80 : memref<10240x128xf32, #tpu.memory_space<hbm>>) target(%dma_start3A_74 : memref<128x128xf32, #tpu.memory_space<vmem>>) offsets(%dma_start3A_77 : memref<128xi32, #tpu.memory_space<vmem>>) semaphore(%run_scoped3A : memref<!tpu.dma_semaphore, #tpu.memory_space<semaphore_mem>>)
        %dma_wait3A = arith.constant 0 : i32
        %dma_wait3A_81 = arith.constant 0 : i32
        %dma_wait3A_82 = tpu.memref_slice %arg9[%dma_wait3A, %dma_wait3A_81] : memref<256x128xf32, #tpu.memory_space<vmem>> -> memref<128x128xf32, #tpu.memory_space<vmem>>
        %dma_wait3A_83 = arith.constant 0 : i32
        %dma_wait3A_84 = tpu.memref_slice %arg7[%add3A_72, %dma_wait3A_83] : memref<16x128xi32, #tpu.memory_space<vmem>> -> memref<1x128xi32, #tpu.memory_space<vmem>>
        %dma_wait3A_85 = tpu.memref_squeeze %dma_wait3A_84 : memref<1x128xi32, #tpu.memory_space<vmem>> -> memref<128xi32, #tpu.memory_space<vmem>>
        %dma_wait3A_86 = arith.constant 0 : i32
        %dma_wait3A_87 = arith.constant 0 : i32
        %dma_wait3A_88 = tpu.memref_slice %arg2[%dma_wait3A_86, %dma_wait3A_87] : memref<10240x128xf32, #tpu.memory_space<hbm>> -> memref<10240x128xf32, #tpu.memory_space<hbm>>
        tpu.wait_indirect_dma semaphore(%run_scoped3A : memref<!tpu.dma_semaphore, #tpu.memory_space<semaphore_mem>>) src(%dma_wait3A_88 : memref<10240x128xf32, #tpu.memory_space<hbm>>) dst(%dma_wait3A_82 : memref<128x128xf32, #tpu.memory_space<vmem>>)
        tpu.yield
      }) : () -> ()
      "tpu.region"() ({
        %run_scoped3A = tpu.sem_alloc : memref<!tpu.dma_semaphore, #tpu.memory_space<semaphore_mem>>
        %dma_start3A = arith.constant 0 : i32
        %dma_start3A_73 = arith.constant 0 : i32
        %dma_start3A_74 = tpu.memref_slice %arg9[%dma_start3A, %dma_start3A_73] : memref<256x128xf32, #tpu.memory_space<vmem>> -> memref<128x128xf32, #tpu.memory_space<vmem>>
        %dma_start3A_75 = arith.constant 0 : i32
        %dma_start3A_76 = tpu.memref_slice %arg8[%add3A_72, %dma_start3A_75] : memref<16x128xi32, #tpu.memory_space<vmem>> -> memref<1x128xi32, #tpu.memory_space<vmem>>
        %dma_start3A_77 = tpu.memref_squeeze %dma_start3A_76 : memref<1x128xi32, #tpu.memory_space<vmem>> -> memref<128xi32, #tpu.memory_space<vmem>>
        %dma_start3A_78 = arith.constant 0 : i32
        %dma_start3A_79 = arith.constant 0 : i32
        %dma_start3A_80 = tpu.memref_slice %arg10[%dma_start3A_78, %dma_start3A_79] : memref<10240x128xf32, #tpu.memory_space<vmem_shared>> -> memref<10240x128xf32, #tpu.memory_space<vmem_shared>>
        tpu.enqueue_indirect_dma source(%dma_start3A_74 : memref<128x128xf32, #tpu.memory_space<vmem>>) target(%dma_start3A_80 : memref<10240x128xf32, #tpu.memory_space<vmem_shared>>) offsets(%dma_start3A_77 : memref<128xi32, #tpu.memory_space<vmem>>) semaphore(%run_scoped3A : memref<!tpu.dma_semaphore, #tpu.memory_space<semaphore_mem>>) {add = true}
        %dma_wait3A = arith.constant 0 : i32
        %dma_wait3A_81 = arith.constant 0 : i32
        %dma_wait3A_82 = tpu.memref_slice %arg9[%dma_wait3A, %dma_wait3A_81] : memref<256x128xf32, #tpu.memory_space<vmem>> -> memref<128x128xf32, #tpu.memory_space<vmem>>
        %dma_wait3A_83 = arith.constant 0 : i32
        %dma_wait3A_84 = tpu.memref_slice %arg8[%add3A_72, %dma_wait3A_83] : memref<16x128xi32, #tpu.memory_space<vmem>> -> memref<1x128xi32, #tpu.memory_space<vmem>>
        %dma_wait3A_85 = tpu.memref_squeeze %dma_wait3A_84 : memref<1x128xi32, #tpu.memory_space<vmem>> -> memref<128xi32, #tpu.memory_space<vmem>>
        %dma_wait3A_86 = arith.constant 0 : i32
        %dma_wait3A_87 = arith.constant 0 : i32
        %dma_wait3A_88 = tpu.memref_slice %arg10[%dma_wait3A_86, %dma_wait3A_87] : memref<10240x128xf32, #tpu.memory_space<vmem_shared>> -> memref<10240x128xf32, #tpu.memory_space<vmem_shared>>
        tpu.wait_indirect_dma semaphore(%run_scoped3A : memref<!tpu.dma_semaphore, #tpu.memory_space<semaphore_mem>>) src(%dma_wait3A_82 : memref<128x128xf32, #tpu.memory_space<vmem>>) dst(%dma_wait3A_88 : memref<10240x128xf32, #tpu.memory_space<vmem_shared>>)
        tpu.yield
      }) : () -> ()
    }
    %scan3A_53 = arith.constant 16 : i32
    %mul3A_54 = arith.constant 5 : i32
    %mul3A_55 = arith.muli %add3A, %mul3A_54 : i32
    %add3A_56 = arith.constant 4 : i32
    %add3A_57 = arith.addi %mul3A_55, %add3A_56 : i32
    "tpu.region"() ({
      %run_scoped3A = tpu.sem_alloc : memref<!tpu.dma_semaphore, #tpu.memory_space<semaphore_mem>>
      %dma_start3A = arith.constant 0 : i32
      %dma_start3A_68 = arith.constant 0 : i32
      %dma_start3A_69 = tpu.memref_slice %arg3[%add3A_57, %dma_start3A, %dma_start3A_68] : memref<160x16x128xi32, #tpu.memory_space<hbm>> -> memref<1x16x128xi32, #tpu.memory_space<hbm>>
      %dma_start3A_70 = tpu.memref_squeeze %dma_start3A_69 : memref<1x16x128xi32, #tpu.memory_space<hbm>> -> memref<16x128xi32, #tpu.memory_space<hbm>>
      %dma_start3A_71 = arith.constant 0 : i32
      %dma_start3A_72 = arith.constant 0 : i32
      %dma_start3A_73 = tpu.memref_slice %arg3[%add3A_57, %dma_start3A_71, %dma_start3A_72] : memref<160x16x128xi32, #tpu.memory_space<hbm>> -> memref<1x16x128xi32, #tpu.memory_space<hbm>>
      %dma_start3A_74 = tpu.memref_squeeze %dma_start3A_73 : memref<1x16x128xi32, #tpu.memory_space<hbm>> -> memref<16x128xi32, #tpu.memory_space<hbm>>
      tpu.enqueue_dma source(%dma_start3A_74 : memref<16x128xi32, #tpu.memory_space<hbm>>) target(%arg7 : memref<16x128xi32, #tpu.memory_space<vmem>>) target_semaphore(%run_scoped3A : memref<!tpu.dma_semaphore, #tpu.memory_space<semaphore_mem>>)
      %dma_wait3A = arith.constant 0 : i32
      %dma_wait3A_75 = arith.constant 0 : i32
      %dma_wait3A_76 = tpu.memref_slice %arg3[%add3A_57, %dma_wait3A, %dma_wait3A_75] : memref<160x16x128xi32, #tpu.memory_space<hbm>> -> memref<1x16x128xi32, #tpu.memory_space<hbm>>
      %dma_wait3A_77 = tpu.memref_squeeze %dma_wait3A_76 : memref<1x16x128xi32, #tpu.memory_space<hbm>> -> memref<16x128xi32, #tpu.memory_space<hbm>>
      %dma_wait3A_78 = arith.constant 0 : i32
      %dma_wait3A_79 = arith.constant 0 : i32
      %dma_wait3A_80 = tpu.memref_slice %arg3[%add3A_57, %dma_wait3A_78, %dma_wait3A_79] : memref<160x16x128xi32, #tpu.memory_space<hbm>> -> memref<1x16x128xi32, #tpu.memory_space<hbm>>
      %dma_wait3A_81 = tpu.memref_squeeze %dma_wait3A_80 : memref<1x16x128xi32, #tpu.memory_space<hbm>> -> memref<16x128xi32, #tpu.memory_space<hbm>>
      tpu.wait_dma2 semaphore(%run_scoped3A : memref<!tpu.dma_semaphore, #tpu.memory_space<semaphore_mem>>) src(%dma_wait3A_81 : memref<16x128xi32, #tpu.memory_space<hbm>>) dst(%arg7 : memref<16x128xi32, #tpu.memory_space<vmem>>)
      tpu.yield
    }) : () -> ()
    %mul3A_58 = arith.constant 5 : i32
    %mul3A_59 = arith.muli %add3A, %mul3A_58 : i32
    %add3A_60 = arith.constant 4 : i32
    %add3A_61 = arith.addi %mul3A_59, %add3A_60 : i32
    "tpu.region"() ({
      %run_scoped3A = tpu.sem_alloc : memref<!tpu.dma_semaphore, #tpu.memory_space<semaphore_mem>>
      %dma_start3A = arith.constant 0 : i32
      %dma_start3A_68 = arith.constant 0 : i32
      %dma_start3A_69 = tpu.memref_slice %arg4[%add3A_61, %dma_start3A, %dma_start3A_68] : memref<160x16x128xi32, #tpu.memory_space<hbm>> -> memref<1x16x128xi32, #tpu.memory_space<hbm>>
      %dma_start3A_70 = tpu.memref_squeeze %dma_start3A_69 : memref<1x16x128xi32, #tpu.memory_space<hbm>> -> memref<16x128xi32, #tpu.memory_space<hbm>>
      %dma_start3A_71 = arith.constant 0 : i32
      %dma_start3A_72 = arith.constant 0 : i32
      %dma_start3A_73 = tpu.memref_slice %arg4[%add3A_61, %dma_start3A_71, %dma_start3A_72] : memref<160x16x128xi32, #tpu.memory_space<hbm>> -> memref<1x16x128xi32, #tpu.memory_space<hbm>>
      %dma_start3A_74 = tpu.memref_squeeze %dma_start3A_73 : memref<1x16x128xi32, #tpu.memory_space<hbm>> -> memref<16x128xi32, #tpu.memory_space<hbm>>
      tpu.enqueue_dma source(%dma_start3A_74 : memref<16x128xi32, #tpu.memory_space<hbm>>) target(%arg8 : memref<16x128xi32, #tpu.memory_space<vmem>>) target_semaphore(%run_scoped3A : memref<!tpu.dma_semaphore, #tpu.memory_space<semaphore_mem>>)
      %dma_wait3A = arith.constant 0 : i32
      %dma_wait3A_75 = arith.constant 0 : i32
      %dma_wait3A_76 = tpu.memref_slice %arg4[%add3A_61, %dma_wait3A, %dma_wait3A_75] : memref<160x16x128xi32, #tpu.memory_space<hbm>> -> memref<1x16x128xi32, #tpu.memory_space<hbm>>
      %dma_wait3A_77 = tpu.memref_squeeze %dma_wait3A_76 : memref<1x16x128xi32, #tpu.memory_space<hbm>> -> memref<16x128xi32, #tpu.memory_space<hbm>>
      %dma_wait3A_78 = arith.constant 0 : i32
      %dma_wait3A_79 = arith.constant 0 : i32
      %dma_wait3A_80 = tpu.memref_slice %arg4[%add3A_61, %dma_wait3A_78, %dma_wait3A_79] : memref<160x16x128xi32, #tpu.memory_space<hbm>> -> memref<1x16x128xi32, #tpu.memory_space<hbm>>
      %dma_wait3A_81 = tpu.memref_squeeze %dma_wait3A_80 : memref<1x16x128xi32, #tpu.memory_space<hbm>> -> memref<16x128xi32, #tpu.memory_space<hbm>>
      tpu.wait_dma2 semaphore(%run_scoped3A : memref<!tpu.dma_semaphore, #tpu.memory_space<semaphore_mem>>) src(%dma_wait3A_81 : memref<16x128xi32, #tpu.memory_space<hbm>>) dst(%arg8 : memref<16x128xi32, #tpu.memory_space<vmem>>)
      tpu.yield
    }) : () -> ()
    %scan3A_62 = arith.constant 0 : i32
    %scan3A_63 = arith.constant 16 : i32
    %scan3A_64 = arith.addi %scan3A_62, %scan3A_63 : i32
    %scan3A_65 = arith.constant 1 : i32
    scf.for %scan3A_68 = %scan3A_62 to %scan3A_64 step %scan3A_65  : i32 {
      %mul3A_69 = arith.constant 1 : i32
      %mul3A_70 = arith.muli %scan3A_68, %mul3A_69 : i32
      %add3A_71 = arith.constant 0 : i32
      %add3A_72 = arith.addi %add3A_71, %mul3A_70 : i32
      "tpu.region"() ({
        %run_scoped3A = tpu.sem_alloc : memref<!tpu.dma_semaphore, #tpu.memory_space<semaphore_mem>>
        %dma_start3A = arith.constant 0 : i32
        %dma_start3A_73 = arith.constant 0 : i32
        %dma_start3A_74 = tpu.memref_slice %arg9[%dma_start3A, %dma_start3A_73] : memref<256x128xf32, #tpu.memory_space<vmem>> -> memref<128x128xf32, #tpu.memory_space<vmem>>
        %dma_start3A_75 = arith.constant 0 : i32
        %dma_start3A_76 = tpu.memref_slice %arg7[%add3A_72, %dma_start3A_75] : memref<16x128xi32, #tpu.memory_space<vmem>> -> memref<1x128xi32, #tpu.memory_space<vmem>>
        %dma_start3A_77 = tpu.memref_squeeze %dma_start3A_76 : memref<1x128xi32, #tpu.memory_space<vmem>> -> memref<128xi32, #tpu.memory_space<vmem>>
        %dma_start3A_78 = arith.constant 0 : i32
        %dma_start3A_79 = arith.constant 0 : i32
        %dma_start3A_80 = tpu.memref_slice %arg2[%dma_start3A_78, %dma_start3A_79] : memref<10240x128xf32, #tpu.memory_space<hbm>> -> memref<10240x128xf32, #tpu.memory_space<hbm>>
        tpu.enqueue_indirect_dma source(%dma_start3A_80 : memref<10240x128xf32, #tpu.memory_space<hbm>>) target(%dma_start3A_74 : memref<128x128xf32, #tpu.memory_space<vmem>>) offsets(%dma_start3A_77 : memref<128xi32, #tpu.memory_space<vmem>>) semaphore(%run_scoped3A : memref<!tpu.dma_semaphore, #tpu.memory_space<semaphore_mem>>)
        %dma_wait3A = arith.constant 0 : i32
        %dma_wait3A_81 = arith.constant 0 : i32
        %dma_wait3A_82 = tpu.memref_slice %arg9[%dma_wait3A, %dma_wait3A_81] : memref<256x128xf32, #tpu.memory_space<vmem>> -> memref<128x128xf32, #tpu.memory_space<vmem>>
        %dma_wait3A_83 = arith.constant 0 : i32
        %dma_wait3A_84 = tpu.memref_slice %arg7[%add3A_72, %dma_wait3A_83] : memref<16x128xi32, #tpu.memory_space<vmem>> -> memref<1x128xi32, #tpu.memory_space<vmem>>
        %dma_wait3A_85 = tpu.memref_squeeze %dma_wait3A_84 : memref<1x128xi32, #tpu.memory_space<vmem>> -> memref<128xi32, #tpu.memory_space<vmem>>
        %dma_wait3A_86 = arith.constant 0 : i32
        %dma_wait3A_87 = arith.constant 0 : i32
        %dma_wait3A_88 = tpu.memref_slice %arg2[%dma_wait3A_86, %dma_wait3A_87] : memref<10240x128xf32, #tpu.memory_space<hbm>> -> memref<10240x128xf32, #tpu.memory_space<hbm>>
        tpu.wait_indirect_dma semaphore(%run_scoped3A : memref<!tpu.dma_semaphore, #tpu.memory_space<semaphore_mem>>) src(%dma_wait3A_88 : memref<10240x128xf32, #tpu.memory_space<hbm>>) dst(%dma_wait3A_82 : memref<128x128xf32, #tpu.memory_space<vmem>>)
        tpu.yield
      }) : () -> ()
      "tpu.region"() ({
        %run_scoped3A = tpu.sem_alloc : memref<!tpu.dma_semaphore, #tpu.memory_space<semaphore_mem>>
        %dma_start3A = arith.constant 0 : i32
        %dma_start3A_73 = arith.constant 0 : i32
        %dma_start3A_74 = tpu.memref_slice %arg9[%dma_start3A, %dma_start3A_73] : memref<256x128xf32, #tpu.memory_space<vmem>> -> memref<128x128xf32, #tpu.memory_space<vmem>>
        %dma_start3A_75 = arith.constant 0 : i32
        %dma_start3A_76 = tpu.memref_slice %arg8[%add3A_72, %dma_start3A_75] : memref<16x128xi32, #tpu.memory_space<vmem>> -> memref<1x128xi32, #tpu.memory_space<vmem>>
        %dma_start3A_77 = tpu.memref_squeeze %dma_start3A_76 : memref<1x128xi32, #tpu.memory_space<vmem>> -> memref<128xi32, #tpu.memory_space<vmem>>
        %dma_start3A_78 = arith.constant 0 : i32
        %dma_start3A_79 = arith.constant 0 : i32
        %dma_start3A_80 = tpu.memref_slice %arg10[%dma_start3A_78, %dma_start3A_79] : memref<10240x128xf32, #tpu.memory_space<vmem_shared>> -> memref<10240x128xf32, #tpu.memory_space<vmem_shared>>
        tpu.enqueue_indirect_dma source(%dma_start3A_74 : memref<128x128xf32, #tpu.memory_space<vmem>>) target(%dma_start3A_80 : memref<10240x128xf32, #tpu.memory_space<vmem_shared>>) offsets(%dma_start3A_77 : memref<128xi32, #tpu.memory_space<vmem>>) semaphore(%run_scoped3A : memref<!tpu.dma_semaphore, #tpu.memory_space<semaphore_mem>>) {add = true}
        %dma_wait3A = arith.constant 0 : i32
        %dma_wait3A_81 = arith.constant 0 : i32
        %dma_wait3A_82 = tpu.memref_slice %arg9[%dma_wait3A, %dma_wait3A_81] : memref<256x128xf32, #tpu.memory_space<vmem>> -> memref<128x128xf32, #tpu.memory_space<vmem>>
        %dma_wait3A_83 = arith.constant 0 : i32
        %dma_wait3A_84 = tpu.memref_slice %arg8[%add3A_72, %dma_wait3A_83] : memref<16x128xi32, #tpu.memory_space<vmem>> -> memref<1x128xi32, #tpu.memory_space<vmem>>
        %dma_wait3A_85 = tpu.memref_squeeze %dma_wait3A_84 : memref<1x128xi32, #tpu.memory_space<vmem>> -> memref<128xi32, #tpu.memory_space<vmem>>
        %dma_wait3A_86 = arith.constant 0 : i32
        %dma_wait3A_87 = arith.constant 0 : i32
        %dma_wait3A_88 = tpu.memref_slice %arg10[%dma_wait3A_86, %dma_wait3A_87] : memref<10240x128xf32, #tpu.memory_space<vmem_shared>> -> memref<10240x128xf32, #tpu.memory_space<vmem_shared>>
        tpu.wait_indirect_dma semaphore(%run_scoped3A : memref<!tpu.dma_semaphore, #tpu.memory_space<semaphore_mem>>) src(%dma_wait3A_82 : memref<128x128xf32, #tpu.memory_space<vmem>>) dst(%dma_wait3A_88 : memref<10240x128xf32, #tpu.memory_space<vmem_shared>>)
        tpu.yield
      }) : () -> ()
    }
    %scan3A_66 = arith.constant 16 : i32
    %barrier3A_67 = arith.constant 0 : index
    tpu.barrier barrier_id(%barrier3A_67)
    "tpu.region"() ({
      %run_scoped3A = tpu.sem_alloc : memref<!tpu.dma_semaphore, #tpu.memory_space<semaphore_mem>>
      %dma_start3A = arith.constant 0 : i32
      %dma_start3A_68 = arith.constant 0 : i32
      %dma_start3A_69 = tpu.memref_slice %arg6[%arg0, %dma_start3A, %dma_start3A_68] : memref<2x10240x128xf32, #tpu.memory_space<hbm>> -> memref<1x10240x128xf32, #tpu.memory_space<hbm>>
      %dma_start3A_70 = tpu.memref_squeeze %dma_start3A_69 : memref<1x10240x128xf32, #tpu.memory_space<hbm>> -> memref<10240x128xf32, #tpu.memory_space<hbm>>
      %dma_start3A_71 = arith.constant 0 : i32
      %dma_start3A_72 = tpu.memref_slice %dma_start3A_70[%mul3A_2, %dma_start3A_71] : memref<10240x128xf32, #tpu.memory_space<hbm>> -> memref<640x128xf32, #tpu.memory_space<hbm>>
      %dma_start3A_73 = arith.constant 0 : i32
      %dma_start3A_74 = tpu.memref_slice %arg10[%mul3A_2, %dma_start3A_73] : memref<10240x128xf32, #tpu.memory_space<vmem_shared>> -> memref<640x128xf32, #tpu.memory_space<vmem_shared>>
      tpu.enqueue_dma source(%dma_start3A_74 : memref<640x128xf32, #tpu.memory_space<vmem_shared>>) target(%dma_start3A_72 : memref<640x128xf32, #tpu.memory_space<hbm>>) target_semaphore(%run_scoped3A : memref<!tpu.dma_semaphore, #tpu.memory_space<semaphore_mem>>)
      %dma_wait3A = arith.constant 0 : i32
      %dma_wait3A_75 = arith.constant 0 : i32
      %dma_wait3A_76 = tpu.memref_slice %arg6[%arg0, %dma_wait3A, %dma_wait3A_75] : memref<2x10240x128xf32, #tpu.memory_space<hbm>> -> memref<1x10240x128xf32, #tpu.memory_space<hbm>>
      %dma_wait3A_77 = tpu.memref_squeeze %dma_wait3A_76 : memref<1x10240x128xf32, #tpu.memory_space<hbm>> -> memref<10240x128xf32, #tpu.memory_space<hbm>>
      %dma_wait3A_78 = arith.constant 0 : i32
      %dma_wait3A_79 = tpu.memref_slice %dma_wait3A_77[%mul3A_2, %dma_wait3A_78] : memref<10240x128xf32, #tpu.memory_space<hbm>> -> memref<640x128xf32, #tpu.memory_space<hbm>>
      %dma_wait3A_80 = arith.constant 0 : i32
      %dma_wait3A_81 = tpu.memref_slice %arg10[%mul3A_2, %dma_wait3A_80] : memref<10240x128xf32, #tpu.memory_space<vmem_shared>> -> memref<640x128xf32, #tpu.memory_space<vmem_shared>>
      tpu.wait_dma2 semaphore(%run_scoped3A : memref<!tpu.dma_semaphore, #tpu.memory_space<semaphore_mem>>) src(%dma_wait3A_81 : memref<640x128xf32, #tpu.memory_space<vmem_shared>>) dst(%dma_wait3A_79 : memref<640x128xf32, #tpu.memory_space<hbm>>)
      tpu.yield
    }) : () -> ()
    return
  }
}

module attributes {stable_mosaic.version = 14 : i64} {
  func.func @_mm_scale_body(%arg0: i32, %arg1: memref<1024x128xf32, #tpu.memory_space<vmem>>, %arg2: memref<128x128xf32, #tpu.memory_space<vmem>>, %arg3: memref<2x1024x128xf32, #tpu.memory_space<vmem>>, %arg4: memref<1024x128xf32, #tpu.memory_space<vmem>>) attributes {dimension_semantics = [#tpu.dimension_semantics<arbitrary>], iteration_bounds = array<i64: 10>, scalar_prefetch = 0 : i64, scratch_operands = 0 : i64, tpu.core_type = #tpu.core_type<tc>, window_params = [{transform_indices = @transform_0, window_bounds = array<i64: 1024, 128>}, {pipeline_mode = #tpu.pipeline_mode<synchronous>, transform_indices = @transform_1, window_bounds = array<i64: 128, 128>}, {transform_indices = @transform_2, window_bounds = array<i64: 2, 1024, 128>}, {transform_indices = @transform_3, window_bounds = array<i64: 1024, 128>}]} {
    %get3A = arith.constant 0 : index
    %get3A_0 = arith.constant 0 : index
    %get3A_1 = arith.constant 0 : index
    %get3A_2 = vector.load %arg3[%get3A, %get3A_0, %get3A_1] : memref<2x1024x128xf32, #tpu.memory_space<vmem>>, vector<1x1024x1xf32>
    %get3A_3 = vector.shape_cast %get3A_2 : vector<1x1024x1xf32> to vector<1024x1xf32>
    %add3A = arith.constant 1.000000e+00 : f32
    %add3A_4 = vector.broadcast %add3A : f32 to vector<1024x1xf32>
    %add3A_5 = arith.addf %add3A_4, %get3A_3 : vector<1024x1xf32>
    %get3A_6 = arith.constant 1 : index
    %get3A_7 = arith.constant 0 : index
    %get3A_8 = arith.constant 0 : index
    %get3A_9 = vector.load %arg3[%get3A_6, %get3A_7, %get3A_8] : memref<2x1024x128xf32, #tpu.memory_space<vmem>>, vector<1x1024x1xf32>
    %get3A_10 = vector.shape_cast %get3A_9 : vector<1x1024x1xf32> to vector<1024x1xf32>
    %add3A_11 = arith.addf %add3A_5, %get3A_10 : vector<1024x1xf32>
    %rsqrt3A = math.rsqrt %add3A_11 : vector<1024x1xf32>
    %get3A_12 = arith.constant 0 : index
    %get3A_13 = arith.constant 0 : index
    %get3A_14 = vector.load %arg1[%get3A_12, %get3A_13] : memref<1024x128xf32, #tpu.memory_space<vmem>>, vector<1024x128xf32>
    %mul3A = vector.broadcast %rsqrt3A : vector<1024x1xf32> to vector<1024x128xf32>
    %mul3A_15 = arith.mulf %get3A_14, %mul3A : vector<1024x128xf32>
    %get3A_16 = arith.constant 0 : index
    %get3A_17 = arith.constant 0 : index
    %get3A_18 = vector.load %arg2[%get3A_16, %get3A_17] : memref<128x128xf32, #tpu.memory_space<vmem>>, vector<128x128xf32>
    %dot_general3A = arith.constant dense<0.000000e+00> : vector<1024x128xf32>
    %dot_general3A_19 = tpu.matmul %mul3A_15, %get3A_18, %dot_general3A {dimension_numbers = #tpu.dot_dimension_numbers<[1], [0], [0], [1], [0, 0, 1, 1], [], []>, transpose_lhs_hint = false} : vector<1024x128xf32>, vector<128x128xf32>, vector<1024x128xf32> -> vector<1024x128xf32>
    %swap3A = arith.constant 0 : index
    %swap3A_20 = arith.constant 0 : index
    %swap3A_21 = vector.load %arg4[%swap3A, %swap3A_20] : memref<1024x128xf32, #tpu.memory_space<vmem>>, vector<1024x128xf32>
    tpu.vector_store %arg4[%swap3A, %swap3A_20], %dot_general3A_19 {strides = array<i32>} : memref<1024x128xf32, #tpu.memory_space<vmem>>, vector<1024x128xf32>,
    return
  }
  func.func @transform_0(%arg0: i32) -> (i32, i32) {
    %c0_i32 = arith.constant 0 : i32
    %c0_i32_0 = arith.constant 0 : i32
    return %arg0, %c0_i32 : i32, i32
  }
  func.func @transform_1(%arg0: i32) -> (i32, i32) {
    %c0_i32 = arith.constant 0 : i32
    %c0_i32_0 = arith.constant 0 : i32
    %c0_i32_1 = arith.constant 0 : i32
    return %c0_i32, %c0_i32_0 : i32, i32
  }
  func.func @transform_2(%arg0: i32) -> (i32, i32, i32) {
    %c0_i32 = arith.constant 0 : i32
    %c0_i32_0 = arith.constant 0 : i32
    %c0_i32_1 = arith.constant 0 : i32
    return %c0_i32, %arg0, %c0_i32_0 : i32, i32, i32
  }
  func.func @transform_3(%arg0: i32) -> (i32, i32) {
    %c0_i32 = arith.constant 0 : i32
    %c0_i32_0 = arith.constant 0 : i32
    return %arg0, %c0_i32 : i32, i32
  }
}

module attributes {stable_mosaic.version = 14 : i64} {
  func.func @_fuse_body(%arg0: i32, %arg1: memref<2x1024x128xf32, #tpu.memory_space<vmem>>, %arg2: memref<1024x128xf32, #tpu.memory_space<vmem>>, %arg3: memref<2x1024x128xf32, #tpu.memory_space<vmem>>, %arg4: memref<1x128xf32, #tpu.memory_space<vmem>>, %arg5: memref<128x128xf32, #tpu.memory_space<vmem>>, %arg6: memref<1024x128xf32, #tpu.memory_space<vmem>>) attributes {dimension_semantics = [#tpu.dimension_semantics<arbitrary>], iteration_bounds = array<i64: 10>, scalar_prefetch = 0 : i64, scratch_operands = 0 : i64, tpu.core_type = #tpu.core_type<tc>, window_params = [{transform_indices = @transform_0, window_bounds = array<i64: 2, 1024, 128>}, {transform_indices = @transform_1, window_bounds = array<i64: 1024, 128>}, {transform_indices = @transform_2, window_bounds = array<i64: 2, 1024, 128>}, {pipeline_mode = #tpu.pipeline_mode<synchronous>, transform_indices = @transform_3, window_bounds = array<i64: 1, 128>}, {pipeline_mode = #tpu.pipeline_mode<synchronous>, transform_indices = @transform_4, window_bounds = array<i64: 128, 128>}, {transform_indices = @transform_5, window_bounds = array<i64: 1024, 128>}]} {
    %get3A = arith.constant 0 : index
    %get3A_0 = arith.constant 0 : index
    %get3A_1 = arith.constant 0 : index
    %get3A_2 = vector.load %arg3[%get3A, %get3A_0, %get3A_1] : memref<2x1024x128xf32, #tpu.memory_space<vmem>>, vector<1x1024x1xf32>
    %get3A_3 = vector.shape_cast %get3A_2 : vector<1x1024x1xf32> to vector<1024x1xf32>
    %add3A = arith.constant 1.000000e+00 : f32
    %add3A_4 = vector.broadcast %add3A : f32 to vector<1024x1xf32>
    %add3A_5 = arith.addf %add3A_4, %get3A_3 : vector<1024x1xf32>
    %get3A_6 = arith.constant 1 : index
    %get3A_7 = arith.constant 0 : index
    %get3A_8 = arith.constant 0 : index
    %get3A_9 = vector.load %arg3[%get3A_6, %get3A_7, %get3A_8] : memref<2x1024x128xf32, #tpu.memory_space<vmem>>, vector<1x1024x1xf32>
    %get3A_10 = vector.shape_cast %get3A_9 : vector<1x1024x1xf32> to vector<1024x1xf32>
    %add3A_11 = arith.addf %add3A_5, %get3A_10 : vector<1024x1xf32>
    %rsqrt3A = math.rsqrt %add3A_11 : vector<1024x1xf32>
    %get3A_12 = arith.constant 0 : index
    %get3A_13 = arith.constant 0 : index
    %get3A_14 = arith.constant 0 : index
    %get3A_15 = vector.load %arg1[%get3A_12, %get3A_13, %get3A_14] : memref<2x1024x128xf32, #tpu.memory_space<vmem>>, vector<1x1024x128xf32>
    %get3A_16 = vector.shape_cast %get3A_15 : vector<1x1024x128xf32> to vector<1024x128xf32>
    %get3A_17 = arith.constant 1 : index
    %get3A_18 = arith.constant 0 : index
    %get3A_19 = arith.constant 0 : index
    %get3A_20 = vector.load %arg1[%get3A_17, %get3A_18, %get3A_19] : memref<2x1024x128xf32, #tpu.memory_space<vmem>>, vector<1x1024x128xf32>
    %get3A_21 = vector.shape_cast %get3A_20 : vector<1x1024x128xf32> to vector<1024x128xf32>
    %add3A_22 = arith.addf %get3A_16, %get3A_21 : vector<1024x128xf32>
    %get3A_23 = arith.constant 0 : index
    %get3A_24 = arith.constant 0 : index
    %get3A_25 = vector.load %arg2[%get3A_23, %get3A_24] : memref<1024x128xf32, #tpu.memory_space<vmem>>, vector<1024x128xf32>
    %add3A_26 = arith.addf %add3A_22, %get3A_25 : vector<1024x128xf32>
    %mul3A = vector.broadcast %rsqrt3A : vector<1024x1xf32> to vector<1024x128xf32>
    %mul3A_27 = arith.mulf %add3A_26, %mul3A : vector<1024x128xf32>
    %get3A_28 = arith.constant 0 : index
    %get3A_29 = arith.constant 0 : index
    %get3A_30 = vector.load %arg4[%get3A_28, %get3A_29] : memref<1x128xf32, #tpu.memory_space<vmem>>, vector<1x128xf32>
    %add3A_31 = vector.broadcast %get3A_30 : vector<1x128xf32> to vector<1024x128xf32>
    %add3A_32 = arith.addf %mul3A_27, %add3A_31 : vector<1024x128xf32>
    %max3A = arith.constant 0.000000e+00 : f32
    %max3A_33 = vector.broadcast %max3A : f32 to vector<1024x128xf32>
    %max3A_34 = arith.maximumf %add3A_32, %max3A_33 : vector<1024x128xf32>
    %mul3A_35 = vector.broadcast %rsqrt3A : vector<1024x1xf32> to vector<1024x128xf32>
    %mul3A_36 = arith.mulf %max3A_34, %mul3A_35 : vector<1024x128xf32>
    %get3A_37 = arith.constant 0 : index
    %get3A_38 = arith.constant 0 : index
    %get3A_39 = vector.load %arg5[%get3A_37, %get3A_38] : memref<128x128xf32, #tpu.memory_space<vmem>>, vector<128x128xf32>
    %dot_general3A = arith.constant dense<0.000000e+00> : vector<1024x128xf32>
    %dot_general3A_40 = tpu.matmul %mul3A_36, %get3A_39, %dot_general3A {dimension_numbers = #tpu.dot_dimension_numbers<[1], [0], [0], [1], [0, 0, 1, 1], [], []>, transpose_lhs_hint = false} : vector<1024x128xf32>, vector<128x128xf32>, vector<1024x128xf32> -> vector<1024x128xf32>
    %swap3A = arith.constant 0 : index
    %swap3A_41 = arith.constant 0 : index
    %swap3A_42 = vector.load %arg6[%swap3A, %swap3A_41] : memref<1024x128xf32, #tpu.memory_space<vmem>>, vector<1024x128xf32>
    tpu.vector_store %arg6[%swap3A, %swap3A_41], %dot_general3A_40 {strides = array<i32>} : memref<1024x128xf32, #tpu.memory_space<vmem>>, vector<1024x128xf32>,
    return
  }
  func.func @transform_0(%arg0: i32) -> (i32, i32, i32) {
    %c0_i32 = arith.constant 0 : i32
    %c0_i32_0 = arith.constant 0 : i32
    %c0_i32_1 = arith.constant 0 : i32
    return %c0_i32, %arg0, %c0_i32_0 : i32, i32, i32
  }
  func.func @transform_1(%arg0: i32) -> (i32, i32) {
    %c0_i32 = arith.constant 0 : i32
    %c0_i32_0 = arith.constant 0 : i32
    return %arg0, %c0_i32 : i32, i32
  }
  func.func @transform_2(%arg0: i32) -> (i32, i32, i32) {
    %c0_i32 = arith.constant 0 : i32
    %c0_i32_0 = arith.constant 0 : i32
    %c0_i32_1 = arith.constant 0 : i32
    return %c0_i32, %arg0, %c0_i32_0 : i32, i32, i32
  }
  func.func @transform_3(%arg0: i32) -> (i32, i32) {
    %c0_i32 = arith.constant 0 : i32
    %c0_i32_0 = arith.constant 0 : i32
    %c0_i32_1 = arith.constant 0 : i32
    return %c0_i32, %c0_i32_0 : i32, i32
  }
  func.func @transform_4(%arg0: i32) -> (i32, i32) {
    %c0_i32 = arith.constant 0 : i32
    %c0_i32_0 = arith.constant 0 : i32
    %c0_i32_1 = arith.constant 0 : i32
    return %c0_i32, %c0_i32_0 : i32, i32
  }
  func.func @transform_5(%arg0: i32) -> (i32, i32) {
    %c0_i32 = arith.constant 0 : i32
    %c0_i32_0 = arith.constant 0 : i32
    return %arg0, %c0_i32 : i32, i32
  }
}

module attributes {stable_mosaic.version = 14 : i64} {
  func.func @_final_body(%arg0: i32, %arg1: memref<2x1024x128xf32, #tpu.memory_space<vmem>>, %arg2: memref<1024x128xf32, #tpu.memory_space<vmem>>, %arg3: memref<2x1024x128xf32, #tpu.memory_space<vmem>>, %arg4: memref<1x128xf32, #tpu.memory_space<vmem>>, %arg5: memref<1024x128xf32, #tpu.memory_space<vmem>>) attributes {dimension_semantics = [#tpu.dimension_semantics<arbitrary>], iteration_bounds = array<i64: 10>, scalar_prefetch = 0 : i64, scratch_operands = 0 : i64, tpu.core_type = #tpu.core_type<tc>, window_params = [{transform_indices = @transform_0, window_bounds = array<i64: 2, 1024, 128>}, {transform_indices = @transform_1, window_bounds = array<i64: 1024, 128>}, {transform_indices = @transform_2, window_bounds = array<i64: 2, 1024, 128>}, {pipeline_mode = #tpu.pipeline_mode<synchronous>, transform_indices = @transform_3, window_bounds = array<i64: 1, 128>}, {transform_indices = @transform_4, window_bounds = array<i64: 1024, 128>}]} {
    %get3A = arith.constant 0 : index
    %get3A_0 = arith.constant 0 : index
    %get3A_1 = arith.constant 0 : index
    %get3A_2 = vector.load %arg3[%get3A, %get3A_0, %get3A_1] : memref<2x1024x128xf32, #tpu.memory_space<vmem>>, vector<1x1024x1xf32>
    %get3A_3 = vector.shape_cast %get3A_2 : vector<1x1024x1xf32> to vector<1024x1xf32>
    %add3A = arith.constant 1.000000e+00 : f32
    %add3A_4 = vector.broadcast %add3A : f32 to vector<1024x1xf32>
    %add3A_5 = arith.addf %add3A_4, %get3A_3 : vector<1024x1xf32>
    %get3A_6 = arith.constant 1 : index
    %get3A_7 = arith.constant 0 : index
    %get3A_8 = arith.constant 0 : index
    %get3A_9 = vector.load %arg3[%get3A_6, %get3A_7, %get3A_8] : memref<2x1024x128xf32, #tpu.memory_space<vmem>>, vector<1x1024x1xf32>
    %get3A_10 = vector.shape_cast %get3A_9 : vector<1x1024x1xf32> to vector<1024x1xf32>
    %add3A_11 = arith.addf %add3A_5, %get3A_10 : vector<1024x1xf32>
    %rsqrt3A = math.rsqrt %add3A_11 : vector<1024x1xf32>
    %get3A_12 = arith.constant 0 : index
    %get3A_13 = arith.constant 0 : index
    %get3A_14 = arith.constant 0 : index
    %get3A_15 = vector.load %arg1[%get3A_12, %get3A_13, %get3A_14] : memref<2x1024x128xf32, #tpu.memory_space<vmem>>, vector<1x1024x128xf32>
    %get3A_16 = vector.shape_cast %get3A_15 : vector<1x1024x128xf32> to vector<1024x128xf32>
    %get3A_17 = arith.constant 1 : index
    %get3A_18 = arith.constant 0 : index
    %get3A_19 = arith.constant 0 : index
    %get3A_20 = vector.load %arg1[%get3A_17, %get3A_18, %get3A_19] : memref<2x1024x128xf32, #tpu.memory_space<vmem>>, vector<1x1024x128xf32>
    %get3A_21 = vector.shape_cast %get3A_20 : vector<1x1024x128xf32> to vector<1024x128xf32>
    %add3A_22 = arith.addf %get3A_16, %get3A_21 : vector<1024x128xf32>
    %get3A_23 = arith.constant 0 : index
    %get3A_24 = arith.constant 0 : index
    %get3A_25 = vector.load %arg2[%get3A_23, %get3A_24] : memref<1024x128xf32, #tpu.memory_space<vmem>>, vector<1024x128xf32>
    %add3A_26 = arith.addf %add3A_22, %get3A_25 : vector<1024x128xf32>
    %mul3A = vector.broadcast %rsqrt3A : vector<1024x1xf32> to vector<1024x128xf32>
    %mul3A_27 = arith.mulf %add3A_26, %mul3A : vector<1024x128xf32>
    %get3A_28 = arith.constant 0 : index
    %get3A_29 = arith.constant 0 : index
    %get3A_30 = vector.load %arg4[%get3A_28, %get3A_29] : memref<1x128xf32, #tpu.memory_space<vmem>>, vector<1x128xf32>
    %add3A_31 = vector.broadcast %get3A_30 : vector<1x128xf32> to vector<1024x128xf32>
    %add3A_32 = arith.addf %mul3A_27, %add3A_31 : vector<1024x128xf32>
    %max3A = arith.constant 0.000000e+00 : f32
    %max3A_33 = vector.broadcast %max3A : f32 to vector<1024x128xf32>
    %max3A_34 = arith.maximumf %add3A_32, %max3A_33 : vector<1024x128xf32>
    %swap3A = arith.constant 0 : index
    %swap3A_35 = arith.constant 0 : index
    %swap3A_36 = vector.load %arg5[%swap3A, %swap3A_35] : memref<1024x128xf32, #tpu.memory_space<vmem>>, vector<1024x128xf32>
    tpu.vector_store %arg5[%swap3A, %swap3A_35], %max3A_34 {strides = array<i32>} : memref<1024x128xf32, #tpu.memory_space<vmem>>, vector<1024x128xf32>,
    return
  }
  func.func @transform_0(%arg0: i32) -> (i32, i32, i32) {
    %c0_i32 = arith.constant 0 : i32
    %c0_i32_0 = arith.constant 0 : i32
    %c0_i32_1 = arith.constant 0 : i32
    return %c0_i32, %arg0, %c0_i32_0 : i32, i32, i32
  }
  func.func @transform_1(%arg0: i32) -> (i32, i32) {
    %c0_i32 = arith.constant 0 : i32
    %c0_i32_0 = arith.constant 0 : i32
    return %arg0, %c0_i32 : i32, i32
  }
  func.func @transform_2(%arg0: i32) -> (i32, i32, i32) {
    %c0_i32 = arith.constant 0 : i32
    %c0_i32_0 = arith.constant 0 : i32
    %c0_i32_1 = arith.constant 0 : i32
    return %c0_i32, %arg0, %c0_i32_0 : i32, i32, i32
  }
  func.func @transform_3(%arg0: i32) -> (i32, i32) {
    %c0_i32 = arith.constant 0 : i32
    %c0_i32_0 = arith.constant 0 : i32
    %c0_i32_1 = arith.constant 0 : i32
    return %c0_i32, %c0_i32_0 : i32, i32
  }
  func.func @transform_4(%arg0: i32) -> (i32, i32) {
    %c0_i32 = arith.constant 0 : i32
    %c0_i32_0 = arith.constant 0 : i32
    return %arg0, %c0_i32 : i32, i32
  }
}

</mosaic_0001>

<sc_bundles>
// kernel: kernel.12.cloned.1.call-start
scs
__scs_entry_jumppad:
0x0: {  	(pc) =	sbr.rel $0x88, $3  }
0x1: {  	(tag) =	ssettag $0x0;
	lr =	simm.s32 $0x1  }
0x2: {  	[smem:$0x3F97] =	sst lr;
	_ =	strace $0xD0000000  }
0x3: {  	_ = 	snop  }
0x4: {  	_ = 	snop  }
0x5: {  	_ = 	snop  }
0x6: {  	_ = 	snop  }
0x7: {  	_ = 	snop  }
__scs_overlays_trampoline_lowered:
0x8: {  	[smem:$0x3FA6] =	sst s0  }
0x9: {  	[smem:$0x3FA7] =	sst s1  }
0xa: {  	[smem:$0x3FA8] =	sst s2  }
0xb: {  	[smem:$0x3FA9] =	sst s3  }
0xc: {  	[smem:$0x3FAA] =	sst s4  }
0xd: {  	[smem:$0x3FAB] =	sst s5  }
0xe: {  	[smem:$0x3FAC] =	sst s6  }
0xf: {  	[smem:$0x3FAD] =	sst s7  }
0x10: {  	[smem:$0x3FAE] =	sst s8  }
0x11: {  	[smem:$0x3FAF] =	sst s9;
	s0 =	simm.s32 @!p0 $0x0  }
0x12: {  	s1 =	sld [smem:$0x3F95];
	s0 =	simm.s32 @p0 $0x1  }
0x13: {  	[smem:$0x3FB0] =	sst s0;
	s0 =	simm.s32 @!p1 $0x0  }
0x14: {  	s2 =	sld [smem:$0x3F94];
	s0 =	simm.s32 @p1 $0x1  }
0x15: {  	[smem:$0x3FB1] =	sst s0;
	s0 =	simm.s32 @!p2 $0x0  }
0x16: {  	s3 =	sld [smem:$0x3FDB];
	s0 =	simm.s32 @p2 $0x1  }
0x17: {  	s4 =	simm.s32 $0x1BF5;
	[smem:$0x3FB3] =	sst s0  }
0x18: {  	s0 =	sld [smem:$0x3F96];
	_ =	swait.ge [sflag:s4], $0x0  }
0x19: {  	s7 =	sld [smem:$0x3F97]  }
0x1a: {  	s8 =	sadd.s32 $0xFFFFE003, lr  }
0x1b: {  	s9 =	sadd.s32 $0xFFFFFEF7, lr;
	s5 =	simm.s32 $0xFFFFFFFF;
	p2 =	slt.u32 s8, $0xFFFFF086  }
0x1c: {  	p1 =	slt.u32 s9, $0xF7A;
	s5 =	simm.s32 @!p2 $0x0  }
0x1d: {  	s5 =	simm.s32 @p1 $0x1;
	p0 =	seq.s32 s7, s2  }
0x1e: {  	s7 =	smul.u32 @!p0 $0xF7A, s2;
	p2 =	seq.s32 @!p0 s5, $0x0  }
0x1f: {  	s9 =	smul.u32 $0xF7A, s1;
	s8 =	simm.s32 @!p0 $0x1BF5;
	p2 =	por !p2, p0  }
0x20: {  	[sflag:s8] =	ssyncset.s32 @!p0 $0xFFFFF086;
	s6 =	sadd.s32 @!p0 s3, s7;
	s7 =	simm.s32 @!p0 $0x108  }
0x21: {  	s3 =	sadd.s32 s3, s9;
	s6 =	sadd.s32 @!p0 $0x88, s6;
	s7 =	simm.s32 @p2 $0x1082  }
0x22: {  	[simem:s7], [sflag:s8] =	dma.local @!p0 [hbm:s6], $0xF7A  }
0x23: {  	s9 =	sor.u32 $0xD0000000, s2;
	s6 =	simm.s32 $0x108;
	_ =	swait.ge @!p0 [sflag:s8], $0x0  }
0x24: {  	s3 =	sadd.s32 $0x88, s3;
	s6 =	simm.s32 @!p1 $0x1082;
	[sflag:s4] =	ssyncset.s32 $0xFFFFF086  }
0x25: {  	[simem:s6], [sflag:s4] =	dma.local [hbm:s3], $0xF7A  }
0x26: {  	[smem:$0x3F97] =	sst s1;
	(tag) =	ssettag s2;
	_ =	strace s9  }
0x27: {  	s1 =	sld [smem:$0x3FA7]  }
0x28: {  	s2 =	sld [smem:$0x3FA8]  }
0x29: {  	s4 =	sld [smem:$0x3FAA]  }
0x2a: {  	p0 =	seq.s32 s5, $0x0;
	s5 =	sld [smem:$0x3FAB]  }
0x2b: {  	s6 =	sld [smem:$0x3FAC]  }
0x2c: {  	s7 =	sld [smem:$0x3FAD]  }
0x2d: {  	s3 =	simm.s32 $0x108;
	s8 =	sld [smem:$0x3FAE]  }
0x2e: {  	s3 =	simm.s32 @!p0 $0x1082;
	s9 =	sld [smem:$0x3FAF]  }
0x2f: {  	lr =	sadd.s32 s0, s3;
	s0 =	sld [smem:$0x3FA6]  }
0x30: {  	s3 =	sld [smem:$0x3FA9]  }
0x31: {  	[smem:$0x3FB2] =	sst s10  }
0x32: {  	s10 =	sld [smem:$0x3FB0];
	_ =	sdelay $0x3  }
0x33: {  	p0 =	seq.s32 s10, $0x1;
	s10 =	sld [smem:$0x3FB2];
	_ =	sdelay $0x3  }
0x34: {  	[smem:$0x3FB2] =	sst s10  }
0x35: {  	s10 =	sld [smem:$0x3FB1];
	_ =	sdelay $0x3  }
0x36: {  	p1 =	seq.s32 s10, $0x1;
	s10 =	sld [smem:$0x3FB2];
	_ =	sdelay $0x3  }
0x37: {  	[smem:$0x3FB2] =	sst s10  }
0x38: {  	s10 =	sld [smem:$0x3FB3]  }
0x39: {  	_ = 	snop;
	(pc) =	sbr.ind lr, $3  }
0x3a: {  	_ = 	snop  }
0x3b: {  	_ = 	snop  }
0x3c: {  	p2 =	seq.s32 s10, $0x1;
	s10 =	sld [smem:$0x3FB2]  }
0x3d: {  	_ =	shalt  }
0x3e: {  	_ =	shalt  }
0x3f: {  	_ =	shalt  }
0x40: {  	_ =	shalt  }
0x41: {  	_ =	shalt  }
0x42: {  	_ =	shalt  }
0x43: {  	_ =	shalt  }
0x44: {  	_ =	shalt  }
0x45: {  	_ =	shalt  }
0x46: {  	_ =	shalt  }
0x47: {  	_ =	shalt  }
0x48: {  	_ =	shalt  }
0x49: {  	_ =	shalt  }
0x4a: {  	_ =	shalt  }
0x4b: {  	_ =	shalt  }
0x4c: {  	_ =	shalt  }
0x4d: {  	_ =	shalt  }
0x4e: {  	_ =	shalt  }
0x4f: {  	_ =	shalt  }
0x50: {  	_ =	shalt  }
0x51: {  	_ =	shalt  }
0x52: {  	_ =	shalt  }
0x53: {  	_ =	shalt  }
0x54: {  	_ =	shalt  }
0x55: {  	_ =	shalt  }
0x56: {  	_ =	shalt  }
0x57: {  	_ =	shalt  }
0x58: {  	_ =	shalt  }
0x59: {  	_ =	shalt  }
0x5a: {  	_ =	shalt  }
0x5b: {  	_ =	shalt  }
0x5c: {  	_ =	shalt  }
0x5d: {  	_ =	shalt  }
0x5e: {  	_ =	shalt  }
0x5f: {  	_ =	shalt  }
0x60: {  	_ =	shalt  }
0x61: {  	_ =	shalt  }
0x62: {  	_ =	shalt  }
0x63: {  	_ =	shalt  }
0x64: {  	_ =	shalt  }
0x65: {  	_ =	shalt  }
0x66: {  	_ =	shalt  }
0x67: {  	_ =	shalt  }
0x68: {  	_ =	shalt  }
0x69: {  	_ =	shalt  }
0x6a: {  	_ =	shalt  }
0x6b: {  	_ =	shalt  }
0x6c: {  	_ =	shalt  }
0x6d: {  	_ =	shalt  }
0x6e: {  	_ =	shalt  }
0x6f: {  	_ =	shalt  }
0x70: {  	_ =	shalt  }
0x71: {  	_ =	shalt  }
0x72: {  	_ =	shalt  }
0x73: {  	_ =	shalt  }
0x74: {  	_ =	shalt  }
0x75: {  	_ =	shalt  }
0x76: {  	_ =	shalt  }
0x77: {  	_ =	shalt  }
0x78: {  	_ =	shalt  }
0x79: {  	_ =	shalt  }
0x7a: {  	_ =	shalt  }
0x7b: {  	_ =	shalt  }
0x7c: {  	_ =	shalt  }
0x7d: {  	_ =	shalt  }
0x7e: {  	_ =	shalt  }
0x7f: {  	_ =	shalt  }
0x80: {  	_ =	shalt  }
0x81: {  	_ =	shalt  }
0x82: {  	_ =	shalt  }
0x83: {  	_ =	shalt  }
0x84: {  	_ =	shalt  }
0x85: {  	_ =	shalt  }
0x86: {  	_ =	shalt  }
0x87: {  	_ =	shalt  }
.Lfunc_end0:
.L_simem_size_0:
called_computation_lowered:
.L_overlay_start_0:
0x88: {  	s2 =	sld [smem:$0x3FD9]  }
0x89: {  	s3 =	sld [smem:$0x3FFE];
	_ =	sdelay $0x1  }
0x8a: {  	s1 =	srdreg.scid  }
0x8b: {  	s0 =	sand.u32 $0x1, s1  }
0x8c: {  	s17 =	sshll.u32 s0, $0xA;
	s2 =	sadd.s32 s3, s2  }
0x8d: {  	s2 =	sadd.s32 s2, s17  }
0x8e: {  	[smem:$0x3FBE] =	sst s2  }
0x8f: {  	_ = 	snop  }
0x90: {  	s2 =	sld [smem:$0x3FD0];
	(tm) =	ssettm $0x1  }
0x91: {  	s18 =	sld [smem:$0x3FFB];
	_ =	sdelay $0x3  }
0x92: {  	_ =	strace s18  }
0x93: {  	s3 =	sld [smem:$0x3FFC];
	_ =	sdelay $0x3  }
0x94: {  	_ =	strace s3  }
0x95: {  	s3 =	sld [smem:$0x3FFD];
	_ =	sdelay $0x3  }
0x96: {  	_ =	strace s3  }
0x97: {  	_ =	strace $0x8FFFFFFF  }
0x98: {  	s19 =	sld [smem:$0x3FDB];
	_ =	sdelay $0x1  }
0x99: {  	s4 =	simm.s32 $_scs_section_size  }
0x9a: {  	s5 =	simm.s32 $_size__tile_overlayer_lowered;
	s6 =	simm.s32 $_tile_overlayer_lowered  }
0x9b: {  	s22 =	simm.s32 $0x1BFF;
	s21 =	sshll.u32 s6, $0x1;
	s3 =	sadd.s32 s4, s19  }
0x9c: {  	s7 =	simm.s32 $0x0;
	s20 =	sshll.u32 s5, $0x1;
	s5 =	sadd.s32 s21, s3  }
0x9d: {  	[timem:s7], [sflag:s22] =	dma.local [hbm:s5], s20  }
0x9e: {  	_ =	swait.ge [sflag:s22], s20  }
0x9f: {  	s4 =	ssub.s32 $0x0, s20;
	[sflag:s22] =	ssyncset.done $0x0  }
0xa0: {  	[sflag:s22] =	ssyncadd.s32 s4;
	_ =	sdelay $0x1  }
0xa1: {  	s23 =	simm.s32 $0x1B8B  }
0xa2: {  	_ =	swait.ge [sflag:s23], $0x1  }
0xa3: {  	[sflag:s23] =	ssyncset.done $0x0  }
0xa4: {  	s25 =	simm.s32 $0x1B8E;
	s24 =	sld [smem:$0x3FFE];
	[sflag:s23] =	ssyncadd.s32 $0xFFFFFFFF  }
0xa5: {  	s26 =	simm.s32 $execute0_lowered;
	[smem:$0x3FD2] =	sst s25  }
0xa6: {  	s5 =	sshll.u32 s26, $0x1;
	_ =	strace $0x80000046;
	[dreg:$0x1] =	wrdreg $0xFFFFFFFF  }
0xa7: {  	s28 =	simm.s32 $_size_execute0_lowered;
	s3 =	sadd.s32 s3, s5;
	[dreg:$0x0] =	wrdreg $0x0  }
0xa8: {  	s5 =	sshll.u32 s28, $0x1;
	[dreg:$0x2] =	wrdreg s3  }
0xa9: {  	[dreg:$0x3] =	wrdreg s5  }
0xaa: {  	[dreg:$0x4] =	wrdreg $0xC0  }
0xab: {  	_ =	task [dreg:s7], $0x5FFFF  }
0xac: {  	[dreg:$0x1] =	wrdreg $0xFFFFFFFF  }
0xad: {  	[dreg:$0x0] =	wrdreg $0x60  }
0xae: {  	[dreg:$0x2] =	wrdreg s2  }
0xaf: {  	[dreg:$0x3] =	wrdreg s24  }
0xb0: {  	[dreg:$0x4] =	wrdreg $0x48000  }
0xb1: {  	[dreg:$0x5] =	wrdreg $0x9  }
0xb2: {  	_ =	task.clear_ibuf [dreg:s7], $0x6FFFF;
	_ =	strace $0x90000046  }
0xb3: {  	s29 =	simm.s32 $0x9;
	_ =	strace $0x80000048  }
0xb4: {  	_ =	swait.ge [sflag:s29], $0x1  }
0xb5: {  	[sflag:s29] =	ssyncadd.s32 $0xFFFFFFFF  }
0xb6: {  	_ =	strace $0x90000048  }
0xb7: {  	_ =	sfence  }
0xb8: {  	s30 =	sld [smem:$0x0];
	_ =	sdelay $0x2  }
0xb9: {  	s31 =	sshll.u32 s1, $0xD;
	s1 =	sshrl.u32 s1, $0x2  }
0xba: {  	s3 =	sand.u32 $0x4000, s31;
	s1 =	sadd.s32 s1, s30  }
0xbb: {  	s0 =	sor.u32 s3, s0;
	s1 =	sshll.u32 s1, $0x11  }
0xbc: {  	s0 =	sor.u32 s1, s0  }
0xbd: {  	s0 =	sadd.s32 $0x8F2B, s0  }
0xbe: {  	[sflag:s0] =	ssyncadd.remote.s32 $0x1  }
0xbf: {  	_ =	sfence.sel $0xFFFF  }
0xc0: {  	[dreg:$0x0] =	wrdreg $0xFFFFFFFF;
	(pc) =	sbr.abs _section_cstart, $3  }
0xc1: {  	[dreg:$0x1] =	wrdreg $0xFFFFFFFF  }
0xc2: {  	_ =	task.clear_ibuf [dreg:s7], $0x2FFFF;
	_ =	strace $0x9FFFFFFF  }
0xc3: {  	(tm) =	ssettm $0x7FFFFFFF  }
tec
execute0_lowered:
.L_overlay_start_1:
0x0: {  	(tag) =	ssettag $0x1  }
0x1: {  	s25 =	rddreg [dreg:$0x0]  }
0x2: {  	s30 =	rddreg [dreg:$0x1];
	s1 =	stileid.u32  }
0x3: {  	s2 =	rddreg [dreg:$0x2];
	s3 =	simm.s32 $0x0;
	s5 =	smul.u32 $0x50000, s1  }
0x4: {  	[smem:$0x7FF] =	sst s3;
	s4 =	sadd.s32 $0x4600, s30  }
0x5: {  	_ =	strace $0x80000047;
	[dreg:$0x4] =	wrdreg s4;
	s26 =	sshrl.u32 s5, $0x2  }
0x6: {  	s0 =	sshll.u32 s1, $0x6;
	s7 =	rddreg [dreg:$0x4];
	s4 =	sadd.s32 s26, s2  }
0x7: {  	s5 =	sor.u32 $0x1C01, s0;
	s6 =	sshrl.u32 s4, $0x3;
	s4 =	simm.s32 $0x1  }
0x8: {  	[spmem:s6], [sflag:s5] =	dma.local [hbm:s7], $0x2800  }
0x9: {  	s8 =	srdreg.scid;
	_ =	swait.ge [sflag:s4], $0x2800  }
0xa: {  	s31 =	sand.u32 $0x1, s8;
	s8 =	simm.s32 $0x800;
	[sflag:s4] =	ssyncset.done $0x0  }
0xb: {  	s9 =	sshll.u32 s31, $0x4;
	s7 =	sadd.s32 $0x3E00, s30;
	[sflag:s4] =	ssyncadd.s32 $0xFFFFD800  }
0xc: {  	[tilespmem:s8], [sflag:$0x1] =	stream.linear.gather [hbm4b:s7+s3], $0x4000, $0x38;
	[tilespmem:$0x18800] =	vst v63  }
0xd: {  	s24 =	sor.u32 s1, s9;
	_ =	swait.ge [sflag:s4], $0x4000  }
0xe: {  	s9 =	smul.u32 $0x500, s24;
	[sflag:s4] =	ssyncset.done $0x0  }
0xf: {  	[sflag:s4] =	ssyncadd.s32 $0xFFFFC000  }
0x10: {  	s9 =	sadd.s32 s25, s9;
	[bflag:$0x0] =	sbarrier.arrive $0xFFFF  }
0x11: {  	[tilespmem:s3], [sflag:$0x1] =	stream.linear.gather [hbm4b:s9+s3], $0x800, $0x38;
	[tilespmem:$0x18800] =	vst v63  }
0x12: {  	_ =	swait.ge [sflag:s4], $0x800  }
0x13: {  	[sflag:s4] =	ssyncset.done $0x0  }
0x14: {  	s10 =	simm.s32 $0x80;
	[sflag:s4] =	ssyncadd.s32 $0xFFFFF800  }
0x15: {  	[spmem:s2] =	stream.indirect.scatter.add.f32 [tilespmem:s8], [sflag:$0x1], $0x80, s3, s10, $0xb8;
	[tilespmem:$0x18800] =	vst v63  }
0x16: {  	_ =	swait.ge [sflag:s4], $0x4000  }
0x17: {  	[sflag:s4] =	ssyncset.done $0x0  }
0x18: {  	[sflag:s4] =	ssyncadd.s32 $0xFFFFC000  }
0x19: {  	[spmem:s2] =	stream.indirect.scatter.add.f32 [tilespmem:s8], [sflag:$0x1], $0x80, s10, s10, $0xb8;
	[tilespmem:$0x18800] =	vst v63  }
0x1a: {  	_ =	swait.ge [sflag:s4], $0x4000  }
0x1b: {  	[sflag:s4] =	ssyncset.done $0x0  }
0x1c: {  	s11 =	simm.s32 $0x100;
	[sflag:s4] =	ssyncadd.s32 $0xFFFFC000  }
0x1d: {  	[spmem:s2] =	stream.indirect.scatter.add.f32 [tilespmem:s8], [sflag:$0x1], $0x80, s11, s10, $0xb8;
	[tilespmem:$0x18800] =	vst v63  }
0x1e: {  	_ =	swait.ge [sflag:s4], $0x4000  }
0x1f: {  	[sflag:s4] =	ssyncset.done $0x0  }
0x20: {  	s12 =	simm.s32 $0x180;
	[sflag:s4] =	ssyncadd.s32 $0xFFFFC000  }
0x21: {  	[spmem:s2] =	stream.indirect.scatter.add.f32 [tilespmem:s8], [sflag:$0x1], $0x80, s12, s10, $0xb8;
	[tilespmem:$0x18800] =	vst v63  }
0x22: {  	_ =	swait.ge [sflag:s4], $0x4000  }
0x23: {  	[sflag:s4] =	ssyncset.done $0x0  }
0x24: {  	s13 =	simm.s32 $0x200;
	[sflag:s4] =	ssyncadd.s32 $0xFFFFC000  }
0x25: {  	[spmem:s2] =	stream.indirect.scatter.add.f32 [tilespmem:s8], [sflag:$0x1], $0x80, s13, s10, $0xb8;
	[tilespmem:$0x18800] =	vst v63  }
0x26: {  	_ =	swait.ge [sflag:s4], $0x4000  }
0x27: {  	[sflag:s4] =	ssyncset.done $0x0  }
0x28: {  	s14 =	simm.s32 $0x280;
	[sflag:s4] =	ssyncadd.s32 $0xFFFFC000  }
0x29: {  	[spmem:s2] =	stream.indirect.scatter.add.f32 [tilespmem:s8], [sflag:$0x1], $0x80, s14, s10, $0xb8;
	[tilespmem:$0x18800] =	vst v63  }
0x2a: {  	_ =	swait.ge [sflag:s4], $0x4000  }
0x2b: {  	[sflag:s4] =	ssyncset.done $0x0  }
0x2c: {  	s15 =	simm.s32 $0x300;
	[sflag:s4] =	ssyncadd.s32 $0xFFFFC000  }
0x2d: {  	[spmem:s2] =	stream.indirect.scatter.add.f32 [tilespmem:s8], [sflag:$0x1], $0x80, s15, s10, $0xb8;
	[tilespmem:$0x18800] =	vst v63  }
0x2e: {  	_ =	swait.ge [sflag:s4], $0x4000  }
0x2f: {  	[sflag:s4] =	ssyncset.done $0x0  }
0x30: {  	s16 =	simm.s32 $0x380;
	[sflag:s4] =	ssyncadd.s32 $0xFFFFC000  }
0x31: {  	[spmem:s2] =	stream.indirect.scatter.add.f32 [tilespmem:s8], [sflag:$0x1], $0x80, s16, s10, $0xb8;
	[tilespmem:$0x18800] =	vst v63  }
0x32: {  	_ =	swait.ge [sflag:s4], $0x4000  }
0x33: {  	[sflag:s4] =	ssyncset.done $0x0  }
0x34: {  	s17 =	simm.s32 $0x400;
	[sflag:s4] =	ssyncadd.s32 $0xFFFFC000  }
0x35: {  	[spmem:s2] =	stream.indirect.scatter.add.f32 [tilespmem:s8], [sflag:$0x1], $0x80, s17, s10, $0xb8;
	[tilespmem:$0x18800] =	vst v63  }
0x36: {  	_ =	swait.ge [sflag:s4], $0x4000  }
0x37: {  	[sflag:s4] =	ssyncset.done $0x0  }
0x38: {  	s18 =	simm.s32 $0x480;
	[sflag:s4] =	ssyncadd.s32 $0xFFFFC000  }
0x39: {  	[spmem:s2] =	stream.indirect.scatter.add.f32 [tilespmem:s8], [sflag:$0x1], $0x80, s18, s10, $0xb8;
	[tilespmem:$0x18800] =	vst v63  }
0x3a: {  	_ =	swait.ge [sflag:s4], $0x4000  }
0x3b: {  	[sflag:s4] =	ssyncset.done $0x0  }
0x3c: {  	s19 =	simm.s32 $0x500;
	[sflag:s4] =	ssyncadd.s32 $0xFFFFC000  }
0x3d: {  	[spmem:s2] =	stream.indirect.scatter.add.f32 [tilespmem:s8], [sflag:$0x1], $0x80, s19, s10, $0xb8;
	[tilespmem:$0x18800] =	vst v63  }
0x3e: {  	_ =	swait.ge [sflag:s4], $0x4000  }
0x3f: {  	[sflag:s4] =	ssyncset.done $0x0  }
0x40: {  	s20 =	simm.s32 $0x580;
	[sflag:s4] =	ssyncadd.s32 $0xFFFFC000  }
0x41: {  	[spmem:s2] =	stream.indirect.scatter.add.f32 [tilespmem:s8], [sflag:$0x1], $0x80, s20, s10, $0xb8;
	[tilespmem:$0x18800] =	vst v63  }
0x42: {  	_ =	swait.ge [sflag:s4], $0x4000  }
0x43: {  	[sflag:s4] =	ssyncset.done $0x0  }
0x44: {  	s21 =	simm.s32 $0x600;
	[sflag:s4] =	ssyncadd.s32 $0xFFFFC000  }
0x45: {  	[spmem:s2] =	stream.indirect.scatter.add.f32 [tilespmem:s8], [sflag:$0x1], $0x80, s21, s10, $0xb8;
	[tilespmem:$0x18800] =	vst v63  }
0x46: {  	_ =	swait.ge [sflag:s4], $0x4000  }
0x47: {  	[sflag:s4] =	ssyncset.done $0x0  }
0x48: {  	s22 =	simm.s32 $0x680;
	[sflag:s4] =	ssyncadd.s32 $0xFFFFC000  }
0x49: {  	[spmem:s2] =	stream.indirect.scatter.add.f32 [tilespmem:s8], [sflag:$0x1], $0x80, s22, s10, $0xb8;
	[tilespmem:$0x18800] =	vst v63  }
0x4a: {  	_ =	swait.ge [sflag:s4], $0x4000  }
0x4b: {  	[sflag:s4] =	ssyncset.done $0x0  }
0x4c: {  	s23 =	simm.s32 $0x700;
	[sflag:s4] =	ssyncadd.s32 $0xFFFFC000  }
0x4d: {  	[spmem:s2] =	stream.indirect.scatter.add.f32 [tilespmem:s8], [sflag:$0x1], $0x80, s23, s10, $0xb8;
	[tilespmem:$0x18800] =	vst v63  }
0x4e: {  	_ =	swait.ge [sflag:s4], $0x4000  }
0x4f: {  	[sflag:s4] =	ssyncset.done $0x0  }
0x50: {  	s26 =	smul.u32 $0x2800, s24;
	s24 =	simm.s32 $0x780;
	[sflag:s4] =	ssyncadd.s32 $0xFFFFC000  }
0x51: {  	[spmem:s2] =	stream.indirect.scatter.add.f32 [tilespmem:s8], [sflag:$0x1], $0x80, s24, s10, $0xb8;
	[tilespmem:$0x18800] =	vst v63  }
0x52: {  	s26 =	sshrl.u32 s26, $0x3;
	_ =	swait.ge [sflag:s4], $0x4000  }
0x53: {  	s29 =	sadd.s32 s25, s26;
	[sflag:s4] =	ssyncset.done $0x0  }
0x54: {  	s25 =	sadd.s32 $0x100, s29;
	[sflag:s4] =	ssyncadd.s32 $0xFFFFC000  }
0x55: {  	[tilespmem:s3], [sflag:$0x1] =	stream.linear.gather [hbm4b:s25+s3], $0x800, $0x38;
	[tilespmem:$0x18800] =	vst v63  }
0x56: {  	_ =	swait.ge [sflag:s4], $0x800  }
0x57: {  	[sflag:s4] =	ssyncset.done $0x0  }
0x58: {  	[sflag:s4] =	ssyncadd.s32 $0xFFFFF800  }
0x59: {  	[spmem:s2] =	stream.indirect.scatter.add.f32 [tilespmem:s8], [sflag:$0x1], $0x80, s3, s10, $0xb8;
	[tilespmem:$0x18800] =	vst v63  }
0x5a: {  	_ =	swait.ge [sflag:s4], $0x4000  }
0x5b: {  	[sflag:s4] =	ssyncset.done $0x0  }
0x5c: {  	[sflag:s4] =	ssyncadd.s32 $0xFFFFC000  }
0x5d: {  	[spmem:s2] =	stream.indirect.scatter.add.f32 [tilespmem:s8], [sflag:$0x1], $0x80, s10, s10, $0xb8;
	[tilespmem:$0x18800] =	vst v63  }
0x5e: {  	_ =	swait.ge [sflag:s4], $0x4000  }
0x5f: {  	[sflag:s4] =	ssyncset.done $0x0  }
0x60: {  	[sflag:s4] =	ssyncadd.s32 $0xFFFFC000  }
0x61: {  	[spmem:s2] =	stream.indirect.scatter.add.f32 [tilespmem:s8], [sflag:$0x1], $0x80, s11, s10, $0xb8;
	[tilespmem:$0x18800] =	vst v63  }
0x62: {  	_ =	swait.ge [sflag:s4], $0x4000  }
0x63: {  	[sflag:s4] =	ssyncset.done $0x0  }
0x64: {  	[sflag:s4] =	ssyncadd.s32 $0xFFFFC000  }
0x65: {  	[spmem:s2] =	stream.indirect.scatter.add.f32 [tilespmem:s8], [sflag:$0x1], $0x80, s12, s10, $0xb8;
	[tilespmem:$0x18800] =	vst v63  }
0x66: {  	_ =	swait.ge [sflag:s4], $0x4000  }
0x67: {  	[sflag:s4] =	ssyncset.done $0x0  }
0x68: {  	[sflag:s4] =	ssyncadd.s32 $0xFFFFC000  }
0x69: {  	[spmem:s2] =	stream.indirect.scatter.add.f32 [tilespmem:s8], [sflag:$0x1], $0x80, s13, s10, $0xb8;
	[tilespmem:$0x18800] =	vst v63  }
0x6a: {  	_ =	swait.ge [sflag:s4], $0x4000  }
0x6b: {  	[sflag:s4] =	ssyncset.done $0x0  }
0x6c: {  	[sflag:s4] =	ssyncadd.s32 $0xFFFFC000  }
0x6d: {  	[spmem:s2] =	stream.indirect.scatter.add.f32 [tilespmem:s8], [sflag:$0x1], $0x80, s14, s10, $0xb8;
	[tilespmem:$0x18800] =	vst v63  }
0x6e: {  	_ =	swait.ge [sflag:s4], $0x4000  }
0x6f: {  	[sflag:s4] =	ssyncset.done $0x0  }
0x70: {  	[sflag:s4] =	ssyncadd.s32 $0xFFFFC000  }
0x71: {  	[spmem:s2] =	stream.indirect.scatter.add.f32 [tilespmem:s8], [sflag:$0x1], $0x80, s15, s10, $0xb8;
	[tilespmem:$0x18800] =	vst v63  }
0x72: {  	_ =	swait.ge [sflag:s4], $0x4000  }
0x73: {  	[sflag:s4] =	ssyncset.done $0x0  }
0x74: {  	[sflag:s4] =	ssyncadd.s32 $0xFFFFC000  }
0x75: {  	[spmem:s2] =	stream.indirect.scatter.add.f32 [tilespmem:s8], [sflag:$0x1], $0x80, s16, s10, $0xb8;
	[tilespmem:$0x18800] =	vst v63  }
0x76: {  	_ =	swait.ge [sflag:s4], $0x4000  }
0x77: {  	[sflag:s4] =	ssyncset.done $0x0  }
0x78: {  	[sflag:s4] =	ssyncadd.s32 $0xFFFFC000  }
0x79: {  	[spmem:s2] =	stream.indirect.scatter.add.f32 [tilespmem:s8], [sflag:$0x1], $0x80, s17, s10, $0xb8;
	[tilespmem:$0x18800] =	vst v63  }
0x7a: {  	_ =	swait.ge [sflag:s4], $0x4000  }
0x7b: {  	[sflag:s4] =	ssyncset.done $0x0  }
0x7c: {  	[sflag:s4] =	ssyncadd.s32 $0xFFFFC000  }
0x7d: {  	[spmem:s2] =	stream.indirect.scatter.add.f32 [tilespmem:s8], [sflag:$0x1], $0x80, s18, s10, $0xb8;
	[tilespmem:$0x18800] =	vst v63  }
0x7e: {  	_ =	swait.ge [sflag:s4], $0x4000  }
0x7f: {  	[sflag:s4] =	ssyncset.done $0x0  }
0x80: {  	[sflag:s4] =	ssyncadd.s32 $0xFFFFC000  }
0x81: {  	[spmem:s2] =	stream.indirect.scatter.add.f32 [tilespmem:s8], [sflag:$0x1], $0x80, s19, s10, $0xb8;
	[tilespmem:$0x18800] =	vst v63  }
0x82: {  	_ =	swait.ge [sflag:s4], $0x4000  }
0x83: {  	[sflag:s4] =	ssyncset.done $0x0  }
0x84: {  	[sflag:s4] =	ssyncadd.s32 $0xFFFFC000  }
0x85: {  	[spmem:s2] =	stream.indirect.scatter.add.f32 [tilespmem:s8], [sflag:$0x1], $0x80, s20, s10, $0xb8;
	[tilespmem:$0x18800] =	vst v63  }
0x86: {  	_ =	swait.ge [sflag:s4], $0x4000  }
0x87: {  	[sflag:s4] =	ssyncset.done $0x0  }
0x88: {  	[sflag:s4] =	ssyncadd.s32 $0xFFFFC000  }
0x89: {  	[spmem:s2] =	stream.indirect.scatter.add.f32 [tilespmem:s8], [sflag:$0x1], $0x80, s21, s10, $0xb8;
	[tilespmem:$0x18800] =	vst v63  }
0x8a: {  	_ =	swait.ge [sflag:s4], $0x4000  }
0x8b: {  	[sflag:s4] =	ssyncset.done $0x0  }
0x8c: {  	[sflag:s4] =	ssyncadd.s32 $0xFFFFC000  }
0x8d: {  	[spmem:s2] =	stream.indirect.scatter.add.f32 [tilespmem:s8], [sflag:$0x1], $0x80, s22, s10, $0xb8;
	[tilespmem:$0x18800] =	vst v63  }
0x8e: {  	_ =	swait.ge [sflag:s4], $0x4000  }
0x8f: {  	[sflag:s4] =	ssyncset.done $0x0  }
0x90: {  	[sflag:s4] =	ssyncadd.s32 $0xFFFFC000  }
0x91: {  	[spmem:s2] =	stream.indirect.scatter.add.f32 [tilespmem:s8], [sflag:$0x1], $0x80, s23, s10, $0xb8;
	[tilespmem:$0x18800] =	vst v63  }
0x92: {  	_ =	swait.ge [sflag:s4], $0x4000  }
0x93: {  	[sflag:s4] =	ssyncset.done $0x0  }
0x94: {  	[sflag:s4] =	ssyncadd.s32 $0xFFFFC000  }
0x95: {  	[spmem:s2] =	stream.indirect.scatter.add.f32 [tilespmem:s8], [sflag:$0x1], $0x80, s24, s10, $0xb8;
	[tilespmem:$0x18800] =	vst v63  }
0x96: {  	_ =	swait.ge [sflag:s4], $0x4000  }
0x97: {  	[sflag:s4] =	ssyncset.done $0x0  }
0x98: {  	s26 =	sadd.s32 $0x200, s29;
	[sflag:s4] =	ssyncadd.s32 $0xFFFFC000  }
0x99: {  	[tilespmem:s3], [sflag:$0x1] =	stream.linear.gather [hbm4b:s26+s3], $0x800, $0x38;
	[tilespmem:$0x18800] =	vst v63  }
0x9a: {  	_ =	swait.ge [sflag:s4], $0x800  }
0x9b: {  	[sflag:s4] =	ssyncset.done $0x0  }
0x9c: {  	[sflag:s4] =	ssyncadd.s32 $0xFFFFF800  }
0x9d: {  	[spmem:s2] =	stream.indirect.scatter.add.f32 [tilespmem:s8], [sflag:$0x1], $0x80, s3, s10, $0xb8;
	[tilespmem:$0x18800] =	vst v63  }
0x9e: {  	_ =	swait.ge [sflag:s4], $0x4000  }
0x9f: {  	[sflag:s4] =	ssyncset.done $0x0  }
0xa0: {  	[sflag:s4] =	ssyncadd.s32 $0xFFFFC000  }
0xa1: {  	[spmem:s2] =	stream.indirect.scatter.add.f32 [tilespmem:s8], [sflag:$0x1], $0x80, s10, s10, $0xb8;
	[tilespmem:$0x18800] =	vst v63  }
0xa2: {  	_ =	swait.ge [sflag:s4], $0x4000  }
0xa3: {  	[sflag:s4] =	ssyncset.done $0x0  }
0xa4: {  	[sflag:s4] =	ssyncadd.s32 $0xFFFFC000  }
0xa5: {  	[spmem:s2] =	stream.indirect.scatter.add.f32 [tilespmem:s8], [sflag:$0x1], $0x80, s11, s10, $0xb8;
	[tilespmem:$0x18800] =	vst v63  }
0xa6: {  	_ =	swait.ge [sflag:s4], $0x4000  }
0xa7: {  	[sflag:s4] =	ssyncset.done $0x0  }
0xa8: {  	[sflag:s4] =	ssyncadd.s32 $0xFFFFC000  }
0xa9: {  	[spmem:s2] =	stream.indirect.scatter.add.f32 [tilespmem:s8], [sflag:$0x1], $0x80, s12, s10, $0xb8;
	[tilespmem:$0x18800] =	vst v63  }
0xaa: {  	_ =	swait.ge [sflag:s4], $0x4000  }
0xab: {  	[sflag:s4] =	ssyncset.done $0x0  }
0xac: {  	[sflag:s4] =	ssyncadd.s32 $0xFFFFC000  }
0xad: {  	[spmem:s2] =	stream.indirect.scatter.add.f32 [tilespmem:s8], [sflag:$0x1], $0x80, s13, s10, $0xb8;
	[tilespmem:$0x18800] =	vst v63  }
0xae: {  	_ =	swait.ge [sflag:s4], $0x4000  }
0xaf: {  	[sflag:s4] =	ssyncset.done $0x0  }
0xb0: {  	[sflag:s4] =	ssyncadd.s32 $0xFFFFC000  }
0xb1: {  	[spmem:s2] =	stream.indirect.scatter.add.f32 [tilespmem:s8], [sflag:$0x1], $0x80, s14, s10, $0xb8;
	[tilespmem:$0x18800] =	vst v63  }
0xb2: {  	_ =	swait.ge [sflag:s4], $0x4000  }
0xb3: {  	[sflag:s4] =	ssyncset.done $0x0  }
0xb4: {  	[sflag:s4] =	ssyncadd.s32 $0xFFFFC000  }
0xb5: {  	[spmem:s2] =	stream.indirect.scatter.add.f32 [tilespmem:s8], [sflag:$0x1], $0x80, s15, s10, $0xb8;
	[tilespmem:$0x18800] =	vst v63  }
0xb6: {  	_ =	swait.ge [sflag:s4], $0x4000  }
0xb7: {  	[sflag:s4] =	ssyncset.done $0x0  }
0xb8: {  	[sflag:s4] =	ssyncadd.s32 $0xFFFFC000  }
0xb9: {  	[spmem:s2] =	stream.indirect.scatter.add.f32 [tilespmem:s8], [sflag:$0x1], $0x80, s16, s10, $0xb8;
	[tilespmem:$0x18800] =	vst v63  }
0xba: {  	_ =	swait.ge [sflag:s4], $0x4000  }
0xbb: {  	[sflag:s4] =	ssyncset.done $0x0  }
0xbc: {  	[sflag:s4] =	ssyncadd.s32 $0xFFFFC000  }
0xbd: {  	[spmem:s2] =	stream.indirect.scatter.add.f32 [tilespmem:s8], [sflag:$0x1], $0x80, s17, s10, $0xb8;
	[tilespmem:$0x18800] =	vst v63  }
0xbe: {  	_ =	swait.ge [sflag:s4], $0x4000  }
0xbf: {  	[sflag:s4] =	ssyncset.done $0x0  }
0xc0: {  	[sflag:s4] =	ssyncadd.s32 $0xFFFFC000  }
0xc1: {  	[spmem:s2] =	stream.indirect.scatter.add.f32 [tilespmem:s8], [sflag:$0x1], $0x80, s18, s10, $0xb8;
	[tilespmem:$0x18800] =	vst v63  }
0xc2: {  	_ =	swait.ge [sflag:s4], $0x4000  }
0xc3: {  	[sflag:s4] =	ssyncset.done $0x0  }
0xc4: {  	[sflag:s4] =	ssyncadd.s32 $0xFFFFC000  }
0xc5: {  	[spmem:s2] =	stream.indirect.scatter.add.f32 [tilespmem:s8], [sflag:$0x1], $0x80, s19, s10, $0xb8;
	[tilespmem:$0x18800] =	vst v63  }
0xc6: {  	_ =	swait.ge [sflag:s4], $0x4000  }
0xc7: {  	[sflag:s4] =	ssyncset.done $0x0  }
0xc8: {  	[sflag:s4] =	ssyncadd.s32 $0xFFFFC000  }
0xc9: {  	[spmem:s2] =	stream.indirect.scatter.add.f32 [tilespmem:s8], [sflag:$0x1], $0x80, s20, s10, $0xb8;
	[tilespmem:$0x18800] =	vst v63  }
0xca: {  	_ =	swait.ge [sflag:s4], $0x4000  }
0xcb: {  	[sflag:s4] =	ssyncset.done $0x0  }
0xcc: {  	[sflag:s4] =	ssyncadd.s32 $0xFFFFC000  }
0xcd: {  	[spmem:s2] =	stream.indirect.scatter.add.f32 [tilespmem:s8], [sflag:$0x1], $0x80, s21, s10, $0xb8;
	[tilespmem:$0x18800] =	vst v63  }
0xce: {  	_ =	swait.ge [sflag:s4], $0x4000  }
0xcf: {  	[sflag:s4] =	ssyncset.done $0x0  }
0xd0: {  	[sflag:s4] =	ssyncadd.s32 $0xFFFFC000  }
0xd1: {  	[spmem:s2] =	stream.indirect.scatter.add.f32 [tilespmem:s8], [sflag:$0x1], $0x80, s22, s10, $0xb8;
	[tilespmem:$0x18800] =	vst v63  }
0xd2: {  	_ =	swait.ge [sflag:s4], $0x4000  }
0xd3: {  	[sflag:s4] =	ssyncset.done $0x0  }
0xd4: {  	[sflag:s4] =	ssyncadd.s32 $0xFFFFC000  }
0xd5: {  	[spmem:s2] =	stream.indirect.scatter.add.f32 [tilespmem:s8], [sflag:$0x1], $0x80, s23, s10, $0xb8;
	[tilespmem:$0x18800] =	vst v63  }
0xd6: {  	_ =	swait.ge [sflag:s4], $0x4000  }
0xd7: {  	[sflag:s4] =	ssyncset.done $0x0  }
0xd8: {  	[sflag:s4] =	ssyncadd.s32 $0xFFFFC000  }
0xd9: {  	[spmem:s2] =	stream.indirect.scatter.add.f32 [tilespmem:s8], [sflag:$0x1], $0x80, s24, s10, $0xb8;
	[tilespmem:$0x18800] =	vst v63  }
0xda: {  	_ =	swait.ge [sflag:s4], $0x4000  }
0xdb: {  	[sflag:s4] =	ssyncset.done $0x0  }
0xdc: {  	s28 =	sadd.s32 $0x300, s29;
	[sflag:s4] =	ssyncadd.s32 $0xFFFFC000  }
0xdd: {  	[tilespmem:s3], [sflag:$0x1] =	stream.linear.gather [hbm4b:s28+s3], $0x800, $0x38;
	[tilespmem:$0x18800] =	vst v63  }
0xde: {  	_ =	swait.ge [sflag:s4], $0x800  }
0xdf: {  	[sflag:s4] =	ssyncset.done $0x0  }
0xe0: {  	[sflag:s4] =	ssyncadd.s32 $0xFFFFF800  }
0xe1: {  	[spmem:s2] =	stream.indirect.scatter.add.f32 [tilespmem:s8], [sflag:$0x1], $0x80, s3, s10, $0xb8;
	[tilespmem:$0x18800] =	vst v63  }
0xe2: {  	_ =	swait.ge [sflag:s4], $0x4000  }
0xe3: {  	[sflag:s4] =	ssyncset.done $0x0  }
0xe4: {  	[sflag:s4] =	ssyncadd.s32 $0xFFFFC000  }
0xe5: {  	[spmem:s2] =	stream.indirect.scatter.add.f32 [tilespmem:s8], [sflag:$0x1], $0x80, s10, s10, $0xb8;
	[tilespmem:$0x18800] =	vst v63  }
0xe6: {  	_ =	swait.ge [sflag:s4], $0x4000  }
0xe7: {  	[sflag:s4] =	ssyncset.done $0x0  }
0xe8: {  	[sflag:s4] =	ssyncadd.s32 $0xFFFFC000  }
0xe9: {  	[spmem:s2] =	stream.indirect.scatter.add.f32 [tilespmem:s8], [sflag:$0x1], $0x80, s11, s10, $0xb8;
	[tilespmem:$0x18800] =	vst v63  }
0xea: {  	_ =	swait.ge [sflag:s4], $0x4000  }
0xeb: {  	[sflag:s4] =	ssyncset.done $0x0  }
0xec: {  	[sflag:s4] =	ssyncadd.s32 $0xFFFFC000  }
0xed: {  	[spmem:s2] =	stream.indirect.scatter.add.f32 [tilespmem:s8], [sflag:$0x1], $0x80, s12, s10, $0xb8;
	[tilespmem:$0x18800] =	vst v63  }
0xee: {  	_ =	swait.ge [sflag:s4], $0x4000  }
0xef: {  	[sflag:s4] =	ssyncset.done $0x0  }
0xf0: {  	[sflag:s4] =	ssyncadd.s32 $0xFFFFC000  }
0xf1: {  	[spmem:s2] =	stream.indirect.scatter.add.f32 [tilespmem:s8], [sflag:$0x1], $0x80, s13, s10, $0xb8;
	[tilespmem:$0x18800] =	vst v63  }
0xf2: {  	_ =	swait.ge [sflag:s4], $0x4000  }
0xf3: {  	[sflag:s4] =	ssyncset.done $0x0  }
0xf4: {  	[sflag:s4] =	ssyncadd.s32 $0xFFFFC000  }
0xf5: {  	[spmem:s2] =	stream.indirect.scatter.add.f32 [tilespmem:s8], [sflag:$0x1], $0x80, s14, s10, $0xb8;
	[tilespmem:$0x18800] =	vst v63  }
0xf6: {  	_ =	swait.ge [sflag:s4], $0x4000  }
0xf7: {  	[sflag:s4] =	ssyncset.done $0x0  }
0xf8: {  	[sflag:s4] =	ssyncadd.s32 $0xFFFFC000  }
0xf9: {  	[spmem:s2] =	stream.indirect.scatter.add.f32 [tilespmem:s8], [sflag:$0x1], $0x80, s15, s10, $0xb8;
	[tilespmem:$0x18800] =	vst v63  }
0xfa: {  	_ =	swait.ge [sflag:s4], $0x4000  }
0xfb: {  	[sflag:s4] =	ssyncset.done $0x0  }
0xfc: {  	[sflag:s4] =	ssyncadd.s32 $0xFFFFC000  }
0xfd: {  	[spmem:s2] =	stream.indirect.scatter.add.f32 [tilespmem:s8], [sflag:$0x1], $0x80, s16, s10, $0xb8;
	[tilespmem:$0x18800] =	vst v63  }
0xfe: {  	_ =	swait.ge [sflag:s4], $0x4000  }
0xff: {  	[sflag:s4] =	ssyncset.done $0x0  }
0x100: {  	[sflag:s4] =	ssyncadd.s32 $0xFFFFC000  }
0x101: {  	[spmem:s2] =	stream.indirect.scatter.add.f32 [tilespmem:s8], [sflag:$0x1], $0x80, s17, s10, $0xb8;
	[tilespmem:$0x18800] =	vst v63  }
0x102: {  	_ =	swait.ge [sflag:s4], $0x4000  }
0x103: {  	[sflag:s4] =	ssyncset.done $0x0  }
0x104: {  	[sflag:s4] =	ssyncadd.s32 $0xFFFFC000  }
0x105: {  	[spmem:s2] =	stream.indirect.scatter.add.f32 [tilespmem:s8], [sflag:$0x1], $0x80, s18, s10, $0xb8;
	[tilespmem:$0x18800] =	vst v63  }
0x106: {  	_ =	swait.ge [sflag:s4], $0x4000  }
0x107: {  	[sflag:s4] =	ssyncset.done $0x0  }
0x108: {  	[sflag:s4] =	ssyncadd.s32 $0xFFFFC000  }
0x109: {  	[spmem:s2] =	stream.indirect.scatter.add.f32 [tilespmem:s8], [sflag:$0x1], $0x80, s19, s10, $0xb8;
	[tilespmem:$0x18800] =	vst v63  }
0x10a: {  	_ =	swait.ge [sflag:s4], $0x4000  }
0x10b: {  	[sflag:s4] =	ssyncset.done $0x0  }
0x10c: {  	[sflag:s4] =	ssyncadd.s32 $0xFFFFC000  }
0x10d: {  	[spmem:s2] =	stream.indirect.scatter.add.f32 [tilespmem:s8], [sflag:$0x1], $0x80, s20, s10, $0xb8;
	[tilespmem:$0x18800] =	vst v63  }
0x10e: {  	_ =	swait.ge [sflag:s4], $0x4000  }
0x10f: {  	[sflag:s4] =	ssyncset.done $0x0  }
0x110: {  	[sflag:s4] =	ssyncadd.s32 $0xFFFFC000  }
0x111: {  	[spmem:s2] =	stream.indirect.scatter.add.f32 [tilespmem:s8], [sflag:$0x1], $0x80, s21, s10, $0xb8;
	[tilespmem:$0x18800] =	vst v63  }
0x112: {  	_ =	swait.ge [sflag:s4], $0x4000  }
0x113: {  	[sflag:s4] =	ssyncset.done $0x0  }
0x114: {  	[sflag:s4] =	ssyncadd.s32 $0xFFFFC000  }
0x115: {  	[spmem:s2] =	stream.indirect.scatter.add.f32 [tilespmem:s8], [sflag:$0x1], $0x80, s22, s10, $0xb8;
	[tilespmem:$0x18800] =	vst v63  }
0x116: {  	_ =	swait.ge [sflag:s4], $0x4000  }
0x117: {  	[sflag:s4] =	ssyncset.done $0x0  }
0x118: {  	[sflag:s4] =	ssyncadd.s32 $0xFFFFC000  }
0x119: {  	[spmem:s2] =	stream.indirect.scatter.add.f32 [tilespmem:s8], [sflag:$0x1], $0x80, s23, s10, $0xb8;
	[tilespmem:$0x18800] =	vst v63  }
0x11a: {  	_ =	swait.ge [sflag:s4], $0x4000  }
0x11b: {  	[sflag:s4] =	ssyncset.done $0x0  }
0x11c: {  	[sflag:s4] =	ssyncadd.s32 $0xFFFFC000  }
0x11d: {  	[spmem:s2] =	stream.indirect.scatter.add.f32 [tilespmem:s8], [sflag:$0x1], $0x80, s24, s10, $0xb8;
	[tilespmem:$0x18800] =	vst v63  }
0x11e: {  	_ =	swait.ge [sflag:s4], $0x4000  }
0x11f: {  	[sflag:s4] =	ssyncset.done $0x0  }
0x120: {  	s29 =	sadd.s32 $0x400, s29;
	[sflag:s4] =	ssyncadd.s32 $0xFFFFC000  }
0x121: {  	[tilespmem:s3], [sflag:$0x1] =	stream.linear.gather [hbm4b:s29+s3], $0x800, $0x38;
	[tilespmem:$0x18800] =	vst v63  }
0x122: {  	_ =	swait.ge [sflag:s4], $0x800  }
0x123: {  	[sflag:s4] =	ssyncset.done $0x0  }
0x124: {  	[sflag:s4] =	ssyncadd.s32 $0xFFFFF800  }
0x125: {  	[spmem:s2] =	stream.indirect.scatter.add.f32 [tilespmem:s8], [sflag:$0x1], $0x80, s3, s10, $0xb8;
	[tilespmem:$0x18800] =	vst v63  }
0x126: {  	_ =	swait.ge [sflag:s4], $0x4000  }
0x127: {  	[sflag:s4] =	ssyncset.done $0x0  }
0x128: {  	[sflag:s4] =	ssyncadd.s32 $0xFFFFC000  }
0x129: {  	[spmem:s2] =	stream.indirect.scatter.add.f32 [tilespmem:s8], [sflag:$0x1], $0x80, s10, s10, $0xb8;
	[tilespmem:$0x18800] =	vst v63  }
0x12a: {  	_ =	swait.ge [sflag:s4], $0x4000  }
0x12b: {  	[sflag:s4] =	ssyncset.done $0x0  }
0x12c: {  	[sflag:s4] =	ssyncadd.s32 $0xFFFFC000  }
0x12d: {  	[spmem:s2] =	stream.indirect.scatter.add.f32 [tilespmem:s8], [sflag:$0x1], $0x80, s11, s10, $0xb8;
	[tilespmem:$0x18800] =	vst v63  }
0x12e: {  	_ =	swait.ge [sflag:s4], $0x4000  }
0x12f: {  	[sflag:s4] =	ssyncset.done $0x0  }
0x130: {  	[sflag:s4] =	ssyncadd.s32 $0xFFFFC000  }
0x131: {  	[spmem:s2] =	stream.indirect.scatter.add.f32 [tilespmem:s8], [sflag:$0x1], $0x80, s12, s10, $0xb8;
	[tilespmem:$0x18800] =	vst v63  }
0x132: {  	_ =	swait.ge [sflag:s4], $0x4000  }
0x133: {  	[sflag:s4] =	ssyncset.done $0x0  }
0x134: {  	[sflag:s4] =	ssyncadd.s32 $0xFFFFC000  }
0x135: {  	[spmem:s2] =	stream.indirect.scatter.add.f32 [tilespmem:s8], [sflag:$0x1], $0x80, s13, s10, $0xb8;
	[tilespmem:$0x18800] =	vst v63  }
0x136: {  	_ =	swait.ge [sflag:s4], $0x4000  }
0x137: {  	[sflag:s4] =	ssyncset.done $0x0  }
0x138: {  	[sflag:s4] =	ssyncadd.s32 $0xFFFFC000  }
0x139: {  	[spmem:s2] =	stream.indirect.scatter.add.f32 [tilespmem:s8], [sflag:$0x1], $0x80, s14, s10, $0xb8;
	[tilespmem:$0x18800] =	vst v63  }
0x13a: {  	_ =	swait.ge [sflag:s4], $0x4000  }
0x13b: {  	[sflag:s4] =	ssyncset.done $0x0  }
0x13c: {  	[sflag:s4] =	ssyncadd.s32 $0xFFFFC000  }
0x13d: {  	[spmem:s2] =	stream.indirect.scatter.add.f32 [tilespmem:s8], [sflag:$0x1], $0x80, s15, s10, $0xb8;
	[tilespmem:$0x18800] =	vst v63  }
0x13e: {  	_ =	swait.ge [sflag:s4], $0x4000  }
0x13f: {  	[sflag:s4] =	ssyncset.done $0x0  }
0x140: {  	[sflag:s4] =	ssyncadd.s32 $0xFFFFC000  }
0x141: {  	[spmem:s2] =	stream.indirect.scatter.add.f32 [tilespmem:s8], [sflag:$0x1], $0x80, s16, s10, $0xb8;
	[tilespmem:$0x18800] =	vst v63  }
0x142: {  	_ =	swait.ge [sflag:s4], $0x4000  }
0x143: {  	[sflag:s4] =	ssyncset.done $0x0  }
0x144: {  	[sflag:s4] =	ssyncadd.s32 $0xFFFFC000  }
0x145: {  	[spmem:s2] =	stream.indirect.scatter.add.f32 [tilespmem:s8], [sflag:$0x1], $0x80, s17, s10, $0xb8;
	[tilespmem:$0x18800] =	vst v63  }
0x146: {  	_ =	swait.ge [sflag:s4], $0x4000  }
0x147: {  	[sflag:s4] =	ssyncset.done $0x0  }
0x148: {  	[sflag:s4] =	ssyncadd.s32 $0xFFFFC000  }
0x149: {  	[spmem:s2] =	stream.indirect.scatter.add.f32 [tilespmem:s8], [sflag:$0x1], $0x80, s18, s10, $0xb8;
	[tilespmem:$0x18800] =	vst v63  }
0x14a: {  	_ =	swait.ge [sflag:s4], $0x4000  }
0x14b: {  	[sflag:s4] =	ssyncset.done $0x0  }
0x14c: {  	[sflag:s4] =	ssyncadd.s32 $0xFFFFC000  }
0x14d: {  	[spmem:s2] =	stream.indirect.scatter.add.f32 [tilespmem:s8], [sflag:$0x1], $0x80, s19, s10, $0xb8;
	[tilespmem:$0x18800] =	vst v63  }
0x14e: {  	_ =	swait.ge [sflag:s4], $0x4000  }
0x14f: {  	[sflag:s4] =	ssyncset.done $0x0  }
0x150: {  	[sflag:s4] =	ssyncadd.s32 $0xFFFFC000  }
0x151: {  	[spmem:s2] =	stream.indirect.scatter.add.f32 [tilespmem:s8], [sflag:$0x1], $0x80, s20, s10, $0xb8;
	[tilespmem:$0x18800] =	vst v63  }
0x152: {  	_ =	swait.ge [sflag:s4], $0x4000  }
0x153: {  	[sflag:s4] =	ssyncset.done $0x0  }
0x154: {  	[sflag:s4] =	ssyncadd.s32 $0xFFFFC000  }
0x155: {  	[spmem:s2] =	stream.indirect.scatter.add.f32 [tilespmem:s8], [sflag:$0x1], $0x80, s21, s10, $0xb8;
	[tilespmem:$0x18800] =	vst v63  }
0x156: {  	_ =	swait.ge [sflag:s4], $0x4000  }
0x157: {  	[sflag:s4] =	ssyncset.done $0x0  }
0x158: {  	[sflag:s4] =	ssyncadd.s32 $0xFFFFC000  }
0x159: {  	[spmem:s2] =	stream.indirect.scatter.add.f32 [tilespmem:s8], [sflag:$0x1], $0x80, s22, s10, $0xb8;
	[tilespmem:$0x18800] =	vst v63  }
0x15a: {  	s0 =	smul.u32 $0x28000, s31;
	_ =	swait.ge [sflag:s4], $0x4000  }
0x15b: {  	[sflag:s4] =	ssyncset.done $0x0  }
0x15c: {  	s0 =	sadd.s32 s0, s30;
	s30 =	ssub.s32 $0x2, s31;
	[sflag:s4] =	ssyncadd.s32 $0xFFFFC000  }
0x15d: {  	[spmem:s2] =	stream.indirect.scatter.add.f32 [tilespmem:s8], [sflag:$0x1], $0x80, s23, s10, $0xb8;
	[tilespmem:$0x18800] =	vst v63  }
0x15e: {  	s1 =	smul.u32 $0x2800, s1;
	s31 =	sshrl.u32 s30, $0x1;
	_ =	swait.ge [sflag:s4], $0x4000  }
0x15f: {  	s0 =	sadd.s32 $0x6E00, s0;
	s31 =	ssub.s32 s30, s31;
	[sflag:s4] =	ssyncset.done $0x0  }
0x160: {  	s30 =	sadd.s32 s1, s0;
	s1 =	smax.u32 s31, $0x1;
	[sflag:s4] =	ssyncadd.s32 $0xFFFFC000  }
0x161: {  	[spmem:s2] =	stream.indirect.scatter.add.f32 [tilespmem:s8], [sflag:$0x1], $0x80, s24, s10, $0xb8;
	[tilespmem:$0x18800] =	vst v63  }
0x162: {  	p0 =	sne.s32 s1, $0x1;
	_ =	swait.ge [sflag:s4], $0x4000  }
.Ltmp0:
0x163: {  	[sflag:s4] =	ssyncset.done $0x0;
	(pc) =	sbr.rel @!p0 .LBB2_2-.Ltmp0, $4  }
0x164: {  	[sflag:s4] =	ssyncadd.s32 $0xFFFFC000  }
0x165: {  	[bflag:$0x0] =	sbarrier.arrive $0xFFFF  }
0x166: {  	[hbm:s30], [sflag:s5] =	dma.local [spmem:s6], $0x2800  }
0x167: {  	s31 =	sadd.s32 $0xFFFFFFFF, s1;
	_ =	swait.ge [sflag:s4], $0x2800  }
.LBB2_1:
0x168: {  	[sflag:s4] =	ssyncset.done $0x0  }
0x169: {  	s0 =	rddreg [dreg:$0x4];
	[sflag:s4] =	ssyncadd.s32 $0xFFFFD800  }
0x16a: {  	[spmem:s6], [sflag:s5] =	dma.local [hbm:s0], $0x2800  }
0x16b: {  	_ =	swait.ge [sflag:s4], $0x2800  }
0x16c: {  	[sflag:s4] =	ssyncset.done $0x0  }
0x16d: {  	[sflag:s4] =	ssyncadd.s32 $0xFFFFD800  }
0x16e: {  	[tilespmem:s8], [sflag:$0x1] =	stream.linear.gather [hbm4b:s7+s3], $0x4000, $0x38;
	[tilespmem:$0x18800] =	vst v63  }
0x16f: {  	_ =	swait.ge [sflag:s4], $0x4000  }
0x170: {  	[sflag:s4] =	ssyncset.done $0x0  }
0x171: {  	[sflag:s4] =	ssyncadd.s32 $0xFFFFC000  }
0x172: {  	[bflag:$0x0] =	sbarrier.arrive $0xFFFF  }
0x173: {  	[tilespmem:s3], [sflag:$0x1] =	stream.linear.gather [hbm4b:s9+s3], $0x800, $0x38;
	[tilespmem:$0x18800] =	vst v63  }
0x174: {  	_ =	swait.ge [sflag:s4], $0x800  }
0x175: {  	[sflag:s4] =	ssyncset.done $0x0  }
0x176: {  	[sflag:s4] =	ssyncadd.s32 $0xFFFFF800  }
0x177: {  	[spmem:s2] =	stream.indirect.scatter.add.f32 [tilespmem:s8], [sflag:$0x1], $0x80, s3, s10, $0xb8;
	[tilespmem:$0x18800] =	vst v63  }
0x178: {  	_ =	swait.ge [sflag:s4], $0x4000  }
0x179: {  	[sflag:s4] =	ssyncset.done $0x0  }
0x17a: {  	[sflag:s4] =	ssyncadd.s32 $0xFFFFC000  }
0x17b: {  	[spmem:s2] =	stream.indirect.scatter.add.f32 [tilespmem:s8], [sflag:$0x1], $0x80, s10, s10, $0xb8;
	[tilespmem:$0x18800] =	vst v63  }
0x17c: {  	_ =	swait.ge [sflag:s4], $0x4000  }
0x17d: {  	[sflag:s4] =	ssyncset.done $0x0  }
0x17e: {  	[sflag:s4] =	ssyncadd.s32 $0xFFFFC000  }
0x17f: {  	[spmem:s2] =	stream.indirect.scatter.add.f32 [tilespmem:s8], [sflag:$0x1], $0x80, s11, s10, $0xb8;
	[tilespmem:$0x18800] =	vst v63  }
0x180: {  	_ =	swait.ge [sflag:s4], $0x4000  }
0x181: {  	[sflag:s4] =	ssyncset.done $0x0  }
0x182: {  	[sflag:s4] =	ssyncadd.s32 $0xFFFFC000  }
0x183: {  	[spmem:s2] =	stream.indirect.scatter.add.f32 [tilespmem:s8], [sflag:$0x1], $0x80, s12, s10, $0xb8;
	[tilespmem:$0x18800] =	vst v63  }
0x184: {  	_ =	swait.ge [sflag:s4], $0x4000  }
0x185: {  	[sflag:s4] =	ssyncset.done $0x0  }
0x186: {  	[sflag:s4] =	ssyncadd.s32 $0xFFFFC000  }
0x187: {  	[spmem:s2] =	stream.indirect.scatter.add.f32 [tilespmem:s8], [sflag:$0x1], $0x80, s13, s10, $0xb8;
	[tilespmem:$0x18800] =	vst v63  }
0x188: {  	_ =	swait.ge [sflag:s4], $0x4000  }
0x189: {  	[sflag:s4] =	ssyncset.done $0x0  }
0x18a: {  	[sflag:s4] =	ssyncadd.s32 $0xFFFFC000  }
0x18b: {  	[spmem:s2] =	stream.indirect.scatter.add.f32 [tilespmem:s8], [sflag:$0x1], $0x80, s14, s10, $0xb8;
	[tilespmem:$0x18800] =	vst v63  }
0x18c: {  	_ =	swait.ge [sflag:s4], $0x4000  }
0x18d: {  	[sflag:s4] =	ssyncset.done $0x0  }
0x18e: {  	[sflag:s4] =	ssyncadd.s32 $0xFFFFC000  }
0x18f: {  	[spmem:s2] =	stream.indirect.scatter.add.f32 [tilespmem:s8], [sflag:$0x1], $0x80, s15, s10, $0xb8;
	[tilespmem:$0x18800] =	vst v63  }
0x190: {  	_ =	swait.ge [sflag:s4], $0x4000  }
0x191: {  	[sflag:s4] =	ssyncset.done $0x0  }
0x192: {  	[sflag:s4] =	ssyncadd.s32 $0xFFFFC000  }
0x193: {  	[spmem:s2] =	stream.indirect.scatter.add.f32 [tilespmem:s8], [sflag:$0x1], $0x80, s16, s10, $0xb8;
	[tilespmem:$0x18800] =	vst v63  }
0x194: {  	_ =	swait.ge [sflag:s4], $0x4000  }
0x195: {  	[sflag:s4] =	ssyncset.done $0x0  }
0x196: {  	[sflag:s4] =	ssyncadd.s32 $0xFFFFC000  }
0x197: {  	[spmem:s2] =	stream.indirect.scatter.add.f32 [tilespmem:s8], [sflag:$0x1], $0x80, s17, s10, $0xb8;
	[tilespmem:$0x18800] =	vst v63  }
0x198: {  	_ =	swait.ge [sflag:s4], $0x4000  }
0x199: {  	[sflag:s4] =	ssyncset.done $0x0  }
0x19a: {  	[sflag:s4] =	ssyncadd.s32 $0xFFFFC000  }
0x19b: {  	[spmem:s2] =	stream.indirect.scatter.add.f32 [tilespmem:s8], [sflag:$0x1], $0x80, s18, s10, $0xb8;
	[tilespmem:$0x18800] =	vst v63  }
0x19c: {  	_ =	swait.ge [sflag:s4], $0x4000  }
0x19d: {  	[sflag:s4] =	ssyncset.done $0x0  }
0x19e: {  	[sflag:s4] =	ssyncadd.s32 $0xFFFFC000  }
0x19f: {  	[spmem:s2] =	stream.indirect.scatter.add.f32 [tilespmem:s8], [sflag:$0x1], $0x80, s19, s10, $0xb8;
	[tilespmem:$0x18800] =	vst v63  }
0x1a0: {  	_ =	swait.ge [sflag:s4], $0x4000  }
0x1a1: {  	[sflag:s4] =	ssyncset.done $0x0  }
0x1a2: {  	[sflag:s4] =	ssyncadd.s32 $0xFFFFC000  }
0x1a3: {  	[spmem:s2] =	stream.indirect.scatter.add.f32 [tilespmem:s8], [sflag:$0x1], $0x80, s20, s10, $0xb8;
	[tilespmem:$0x18800] =	vst v63  }
0x1a4: {  	_ =	swait.ge [sflag:s4], $0x4000  }
0x1a5: {  	[sflag:s4] =	ssyncset.done $0x0  }
0x1a6: {  	[sflag:s4] =	ssyncadd.s32 $0xFFFFC000  }
0x1a7: {  	[spmem:s2] =	stream.indirect.scatter.add.f32 [tilespmem:s8], [sflag:$0x1], $0x80, s21, s10, $0xb8;
	[tilespmem:$0x18800] =	vst v63  }
0x1a8: {  	_ =	swait.ge [sflag:s4], $0x4000  }
0x1a9: {  	[sflag:s4] =	ssyncset.done $0x0  }
0x1aa: {  	[sflag:s4] =	ssyncadd.s32 $0xFFFFC000  }
0x1ab: {  	[spmem:s2] =	stream.indirect.scatter.add.f32 [tilespmem:s8], [sflag:$0x1], $0x80, s22, s10, $0xb8;
	[tilespmem:$0x18800] =	vst v63  }
0x1ac: {  	_ =	swait.ge [sflag:s4], $0x4000  }
0x1ad: {  	[sflag:s4] =	ssyncset.done $0x0  }
0x1ae: {  	[sflag:s4] =	ssyncadd.s32 $0xFFFFC000  }
0x1af: {  	[spmem:s2] =	stream.indirect.scatter.add.f32 [tilespmem:s8], [sflag:$0x1], $0x80, s23, s10, $0xb8;
	[tilespmem:$0x18800] =	vst v63  }
0x1b0: {  	_ =	swait.ge [sflag:s4], $0x4000  }
0x1b1: {  	[sflag:s4] =	ssyncset.done $0x0  }
0x1b2: {  	[sflag:s4] =	ssyncadd.s32 $0xFFFFC000  }
0x1b3: {  	[spmem:s2] =	stream.indirect.scatter.add.f32 [tilespmem:s8], [sflag:$0x1], $0x80, s24, s10, $0xb8;
	[tilespmem:$0x18800] =	vst v63  }
0x1b4: {  	_ =	swait.ge [sflag:s4], $0x4000  }
0x1b5: {  	[sflag:s4] =	ssyncset.done $0x0  }
0x1b6: {  	[sflag:s4] =	ssyncadd.s32 $0xFFFFC000  }
0x1b7: {  	[tilespmem:s3], [sflag:$0x1] =	stream.linear.gather [hbm4b:s25+s3], $0x800, $0x38;
	[tilespmem:$0x18800] =	vst v63  }
0x1b8: {  	_ =	swait.ge [sflag:s4], $0x800  }
0x1b9: {  	[sflag:s4] =	ssyncset.done $0x0  }
0x1ba: {  	[sflag:s4] =	ssyncadd.s32 $0xFFFFF800  }
0x1bb: {  	[spmem:s2] =	stream.indirect.scatter.add.f32 [tilespmem:s8], [sflag:$0x1], $0x80, s3, s10, $0xb8;
	[tilespmem:$0x18800] =	vst v63  }
0x1bc: {  	_ =	swait.ge [sflag:s4], $0x4000  }
0x1bd: {  	[sflag:s4] =	ssyncset.done $0x0  }
0x1be: {  	[sflag:s4] =	ssyncadd.s32 $0xFFFFC000  }
0x1bf: {  	[spmem:s2] =	stream.indirect.scatter.add.f32 [tilespmem:s8], [sflag:$0x1], $0x80, s10, s10, $0xb8;
	[tilespmem:$0x18800] =	vst v63  }
0x1c0: {  	_ =	swait.ge [sflag:s4], $0x4000  }
0x1c1: {  	[sflag:s4] =	ssyncset.done $0x0  }
0x1c2: {  	[sflag:s4] =	ssyncadd.s32 $0xFFFFC000  }
0x1c3: {  	[spmem:s2] =	stream.indirect.scatter.add.f32 [tilespmem:s8], [sflag:$0x1], $0x80, s11, s10, $0xb8;
	[tilespmem:$0x18800] =	vst v63  }
0x1c4: {  	_ =	swait.ge [sflag:s4], $0x4000  }
0x1c5: {  	[sflag:s4] =	ssyncset.done $0x0  }
0x1c6: {  	[sflag:s4] =	ssyncadd.s32 $0xFFFFC000  }
0x1c7: {  	[spmem:s2] =	stream.indirect.scatter.add.f32 [tilespmem:s8], [sflag:$0x1], $0x80, s12, s10, $0xb8;
	[tilespmem:$0x18800] =	vst v63  }
0x1c8: {  	_ =	swait.ge [sflag:s4], $0x4000  }
0x1c9: {  	[sflag:s4] =	ssyncset.done $0x0  }
0x1ca: {  	[sflag:s4] =	ssyncadd.s32 $0xFFFFC000  }
0x1cb: {  	[spmem:s2] =	stream.indirect.scatter.add.f32 [tilespmem:s8], [sflag:$0x1], $0x80, s13, s10, $0xb8;
	[tilespmem:$0x18800] =	vst v63  }
0x1cc: {  	_ =	swait.ge [sflag:s4], $0x4000  }
0x1cd: {  	[sflag:s4] =	ssyncset.done $0x0  }
0x1ce: {  	[sflag:s4] =	ssyncadd.s32 $0xFFFFC000  }
0x1cf: {  	[spmem:s2] =	stream.indirect.scatter.add.f32 [tilespmem:s8], [sflag:$0x1], $0x80, s14, s10, $0xb8;
	[tilespmem:$0x18800] =	vst v63  }
0x1d0: {  	_ =	swait.ge [sflag:s4], $0x4000  }
0x1d1: {  	[sflag:s4] =	ssyncset.done $0x0  }
0x1d2: {  	[sflag:s4] =	ssyncadd.s32 $0xFFFFC000  }
0x1d3: {  	[spmem:s2] =	stream.indirect.scatter.add.f32 [tilespmem:s8], [sflag:$0x1], $0x80, s15, s10, $0xb8;
	[tilespmem:$0x18800] =	vst v63  }
0x1d4: {  	_ =	swait.ge [sflag:s4], $0x4000  }
0x1d5: {  	[sflag:s4] =	ssyncset.done $0x0  }
0x1d6: {  	[sflag:s4] =	ssyncadd.s32 $0xFFFFC000  }
0x1d7: {  	[spmem:s2] =	stream.indirect.scatter.add.f32 [tilespmem:s8], [sflag:$0x1], $0x80, s16, s10, $0xb8;
	[tilespmem:$0x18800] =	vst v63  }
0x1d8: {  	_ =	swait.ge [sflag:s4], $0x4000  }
0x1d9: {  	[sflag:s4] =	ssyncset.done $0x0  }
0x1da: {  	[sflag:s4] =	ssyncadd.s32 $0xFFFFC000  }
0x1db: {  	[spmem:s2] =	stream.indirect.scatter.add.f32 [tilespmem:s8], [sflag:$0x1], $0x80, s17, s10, $0xb8;
	[tilespmem:$0x18800] =	vst v63  }
0x1dc: {  	_ =	swait.ge [sflag:s4], $0x4000  }
0x1dd: {  	[sflag:s4] =	ssyncset.done $0x0  }
0x1de: {  	[sflag:s4] =	ssyncadd.s32 $0xFFFFC000  }
0x1df: {  	[spmem:s2] =	stream.indirect.scatter.add.f32 [tilespmem:s8], [sflag:$0x1], $0x80, s18, s10, $0xb8;
	[tilespmem:$0x18800] =	vst v63  }
0x1e0: {  	_ =	swait.ge [sflag:s4], $0x4000  }
0x1e1: {  	[sflag:s4] =	ssyncset.done $0x0  }
0x1e2: {  	[sflag:s4] =	ssyncadd.s32 $0xFFFFC000  }
0x1e3: {  	[spmem:s2] =	stream.indirect.scatter.add.f32 [tilespmem:s8], [sflag:$0x1], $0x80, s19, s10, $0xb8;
	[tilespmem:$0x18800] =	vst v63  }
0x1e4: {  	_ =	swait.ge [sflag:s4], $0x4000  }
0x1e5: {  	[sflag:s4] =	ssyncset.done $0x0  }
0x1e6: {  	[sflag:s4] =	ssyncadd.s32 $0xFFFFC000  }
0x1e7: {  	[spmem:s2] =	stream.indirect.scatter.add.f32 [tilespmem:s8], [sflag:$0x1], $0x80, s20, s10, $0xb8;
	[tilespmem:$0x18800] =	vst v63  }
0x1e8: {  	_ =	swait.ge [sflag:s4], $0x4000  }
0x1e9: {  	[sflag:s4] =	ssyncset.done $0x0  }
0x1ea: {  	[sflag:s4] =	ssyncadd.s32 $0xFFFFC000  }
0x1eb: {  	[spmem:s2] =	stream.indirect.scatter.add.f32 [tilespmem:s8], [sflag:$0x1], $0x80, s21, s10, $0xb8;
	[tilespmem:$0x18800] =	vst v63  }
0x1ec: {  	_ =	swait.ge [sflag:s4], $0x4000  }
0x1ed: {  	[sflag:s4] =	ssyncset.done $0x0  }
0x1ee: {  	[sflag:s4] =	ssyncadd.s32 $0xFFFFC000  }
0x1ef: {  	[spmem:s2] =	stream.indirect.scatter.add.f32 [tilespmem:s8], [sflag:$0x1], $0x80, s22, s10, $0xb8;
	[tilespmem:$0x18800] =	vst v63  }
0x1f0: {  	_ =	swait.ge [sflag:s4], $0x4000  }
0x1f1: {  	[sflag:s4] =	ssyncset.done $0x0  }
0x1f2: {  	[sflag:s4] =	ssyncadd.s32 $0xFFFFC000  }
0x1f3: {  	[spmem:s2] =	stream.indirect.scatter.add.f32 [tilespmem:s8], [sflag:$0x1], $0x80, s23, s10, $0xb8;
	[tilespmem:$0x18800] =	vst v63  }
0x1f4: {  	_ =	swait.ge [sflag:s4], $0x4000  }
0x1f5: {  	[sflag:s4] =	ssyncset.done $0x0  }
0x1f6: {  	[sflag:s4] =	ssyncadd.s32 $0xFFFFC000  }
0x1f7: {  	[spmem:s2] =	stream.indirect.scatter.add.f32 [tilespmem:s8], [sflag:$0x1], $0x80, s24, s10, $0xb8;
	[tilespmem:$0x18800] =	vst v63  }
0x1f8: {  	_ =	swait.ge [sflag:s4], $0x4000  }
0x1f9: {  	[sflag:s4] =	ssyncset.done $0x0  }
0x1fa: {  	[sflag:s4] =	ssyncadd.s32 $0xFFFFC000  }
0x1fb: {  	[tilespmem:s3], [sflag:$0x1] =	stream.linear.gather [hbm4b:s26+s3], $0x800, $0x38;
	[tilespmem:$0x18800] =	vst v63  }
0x1fc: {  	_ =	swait.ge [sflag:s4], $0x800  }
0x1fd: {  	[sflag:s4] =	ssyncset.done $0x0  }
0x1fe: {  	[sflag:s4] =	ssyncadd.s32 $0xFFFFF800  }
0x1ff: {  	[spmem:s2] =	stream.indirect.scatter.add.f32 [tilespmem:s8], [sflag:$0x1], $0x80, s3, s10, $0xb8;
	[tilespmem:$0x18800] =	vst v63  }
0x200: {  	_ =	swait.ge [sflag:s4], $0x4000  }
0x201: {  	[sflag:s4] =	ssyncset.done $0x0  }
0x202: {  	[sflag:s4] =	ssyncadd.s32 $0xFFFFC000  }
0x203: {  	[spmem:s2] =	stream.indirect.scatter.add.f32 [tilespmem:s8], [sflag:$0x1], $0x80, s10, s10, $0xb8;
	[tilespmem:$0x18800] =	vst v63  }
0x204: {  	_ =	swait.ge [sflag:s4], $0x4000  }
0x205: {  	[sflag:s4] =	ssyncset.done $0x0  }
0x206: {  	[sflag:s4] =	ssyncadd.s32 $0xFFFFC000  }
0x207: {  	[spmem:s2] =	stream.indirect.scatter.add.f32 [tilespmem:s8], [sflag:$0x1], $0x80, s11, s10, $0xb8;
	[tilespmem:$0x18800] =	vst v63  }
0x208: {  	_ =	swait.ge [sflag:s4], $0x4000  }
0x209: {  	[sflag:s4] =	ssyncset.done $0x0  }
0x20a: {  	[sflag:s4] =	ssyncadd.s32 $0xFFFFC000  }
0x20b: {  	[spmem:s2] =	stream.indirect.scatter.add.f32 [tilespmem:s8], [sflag:$0x1], $0x80, s12, s10, $0xb8;
	[tilespmem:$0x18800] =	vst v63  }
0x20c: {  	_ =	swait.ge [sflag:s4], $0x4000  }
0x20d: {  	[sflag:s4] =	ssyncset.done $0x0  }
0x20e: {  	[sflag:s4] =	ssyncadd.s32 $0xFFFFC000  }
0x20f: {  	[spmem:s2] =	stream.indirect.scatter.add.f32 [tilespmem:s8], [sflag:$0x1], $0x80, s13, s10, $0xb8;
	[tilespmem:$0x18800] =	vst v63  }
0x210: {  	_ =	swait.ge [sflag:s4], $0x4000  }
0x211: {  	[sflag:s4] =	ssyncset.done $0x0  }
0x212: {  	[sflag:s4] =	ssyncadd.s32 $0xFFFFC000  }
0x213: {  	[spmem:s2] =	stream.indirect.scatter.add.f32 [tilespmem:s8], [sflag:$0x1], $0x80, s14, s10, $0xb8;
	[tilespmem:$0x18800] =	vst v63  }
0x214: {  	_ =	swait.ge [sflag:s4], $0x4000  }
0x215: {  	[sflag:s4] =	ssyncset.done $0x0  }
0x216: {  	[sflag:s4] =	ssyncadd.s32 $0xFFFFC000  }
0x217: {  	[spmem:s2] =	stream.indirect.scatter.add.f32 [tilespmem:s8], [sflag:$0x1], $0x80, s15, s10, $0xb8;
	[tilespmem:$0x18800] =	vst v63  }
0x218: {  	_ =	swait.ge [sflag:s4], $0x4000  }
0x219: {  	[sflag:s4] =	ssyncset.done $0x0  }
0x21a: {  	[sflag:s4] =	ssyncadd.s32 $0xFFFFC000  }
0x21b: {  	[spmem:s2] =	stream.indirect.scatter.add.f32 [tilespmem:s8], [sflag:$0x1], $0x80, s16, s10, $0xb8;
	[tilespmem:$0x18800] =	vst v63  }
0x21c: {  	_ =	swait.ge [sflag:s4], $0x4000  }
0x21d: {  	[sflag:s4] =	ssyncset.done $0x0  }
0x21e: {  	[sflag:s4] =	ssyncadd.s32 $0xFFFFC000  }
0x21f: {  	[spmem:s2] =	stream.indirect.scatter.add.f32 [tilespmem:s8], [sflag:$0x1], $0x80, s17, s10, $0xb8;
	[tilespmem:$0x18800] =	vst v63  }
0x220: {  	_ =	swait.ge [sflag:s4], $0x4000  }
0x221: {  	[sflag:s4] =	ssyncset.done $0x0  }
0x222: {  	[sflag:s4] =	ssyncadd.s32 $0xFFFFC000  }
0x223: {  	[spmem:s2] =	stream.indirect.scatter.add.f32 [tilespmem:s8], [sflag:$0x1], $0x80, s18, s10, $0xb8;
	[tilespmem:$0x18800] =	vst v63  }
0x224: {  	_ =	swait.ge [sflag:s4], $0x4000  }
0x225: {  	[sflag:s4] =	ssyncset.done $0x0  }
0x226: {  	[sflag:s4] =	ssyncadd.s32 $0xFFFFC000  }
0x227: {  	[spmem:s2] =	stream.indirect.scatter.add.f32 [tilespmem:s8], [sflag:$0x1], $0x80, s19, s10, $0xb8;
	[tilespmem:$0x18800] =	vst v63  }
0x228: {  	_ =	swait.ge [sflag:s4], $0x4000  }
0x229: {  	[sflag:s4] =	ssyncset.done $0x0  }
0x22a: {  	[sflag:s4] =	ssyncadd.s32 $0xFFFFC000  }
0x22b: {  	[spmem:s2] =	stream.indirect.scatter.add.f32 [tilespmem:s8], [sflag:$0x1], $0x80, s20, s10, $0xb8;
	[tilespmem:$0x18800] =	vst v63  }
0x22c: {  	_ =	swait.ge [sflag:s4], $0x4000  }
0x22d: {  	[sflag:s4] =	ssyncset.done $0x0  }
0x22e: {  	[sflag:s4] =	ssyncadd.s32 $0xFFFFC000  }
0x22f: {  	[spmem:s2] =	stream.indirect.scatter.add.f32 [tilespmem:s8], [sflag:$0x1], $0x80, s21, s10, $0xb8;
	[tilespmem:$0x18800] =	vst v63  }
0x230: {  	_ =	swait.ge [sflag:s4], $0x4000  }
0x231: {  	[sflag:s4] =	ssyncset.done $0x0  }
0x232: {  	[sflag:s4] =	ssyncadd.s32 $0xFFFFC000  }
0x233: {  	[spmem:s2] =	stream.indirect.scatter.add.f32 [tilespmem:s8], [sflag:$0x1], $0x80, s22, s10, $0xb8;
	[tilespmem:$0x18800] =	vst v63  }
0x234: {  	_ =	swait.ge [sflag:s4], $0x4000  }
0x235: {  	[sflag:s4] =	ssyncset.done $0x0  }
0x236: {  	[sflag:s4] =	ssyncadd.s32 $0xFFFFC000  }
0x237: {  	[spmem:s2] =	stream.indirect.scatter.add.f32 [tilespmem:s8], [sflag:$0x1], $0x80, s23, s10, $0xb8;
	[tilespmem:$0x18800] =	vst v63  }
0x238: {  	_ =	swait.ge [sflag:s4], $0x4000  }
0x239: {  	[sflag:s4] =	ssyncset.done $0x0  }
0x23a: {  	[sflag:s4] =	ssyncadd.s32 $0xFFFFC000  }
0x23b: {  	[spmem:s2] =	stream.indirect.scatter.add.f32 [tilespmem:s8], [sflag:$0x1], $0x80, s24, s10, $0xb8;
	[tilespmem:$0x18800] =	vst v63  }
0x23c: {  	_ =	swait.ge [sflag:s4], $0x4000  }
0x23d: {  	[sflag:s4] =	ssyncset.done $0x0  }
0x23e: {  	[sflag:s4] =	ssyncadd.s32 $0xFFFFC000  }
0x23f: {  	[tilespmem:s3], [sflag:$0x1] =	stream.linear.gather [hbm4b:s28+s3], $0x800, $0x38;
	[tilespmem:$0x18800] =	vst v63  }
0x240: {  	_ =	swait.ge [sflag:s4], $0x800  }
0x241: {  	[sflag:s4] =	ssyncset.done $0x0  }
0x242: {  	[sflag:s4] =	ssyncadd.s32 $0xFFFFF800  }
0x243: {  	[spmem:s2] =	stream.indirect.scatter.add.f32 [tilespmem:s8], [sflag:$0x1], $0x80, s3, s10, $0xb8;
	[tilespmem:$0x18800] =	vst v63  }
0x244: {  	_ =	swait.ge [sflag:s4], $0x4000  }
0x245: {  	[sflag:s4] =	ssyncset.done $0x0  }
0x246: {  	[sflag:s4] =	ssyncadd.s32 $0xFFFFC000  }
0x247: {  	[spmem:s2] =	stream.indirect.scatter.add.f32 [tilespmem:s8], [sflag:$0x1], $0x80, s10, s10, $0xb8;
	[tilespmem:$0x18800] =	vst v63  }
0x248: {  	_ =	swait.ge [sflag:s4], $0x4000  }
0x249: {  	[sflag:s4] =	ssyncset.done $0x0  }
0x24a: {  	[sflag:s4] =	ssyncadd.s32 $0xFFFFC000  }
0x24b: {  	[spmem:s2] =	stream.indirect.scatter.add.f32 [tilespmem:s8], [sflag:$0x1], $0x80, s11, s10, $0xb8;
	[tilespmem:$0x18800] =	vst v63  }
0x24c: {  	_ =	swait.ge [sflag:s4], $0x4000  }
0x24d: {  	[sflag:s4] =	ssyncset.done $0x0  }
0x24e: {  	[sflag:s4] =	ssyncadd.s32 $0xFFFFC000  }
0x24f: {  	[spmem:s2] =	stream.indirect.scatter.add.f32 [tilespmem:s8], [sflag:$0x1], $0x80, s12, s10, $0xb8;
	[tilespmem:$0x18800] =	vst v63  }
0x250: {  	_ =	swait.ge [sflag:s4], $0x4000  }
0x251: {  	[sflag:s4] =	ssyncset.done $0x0  }
0x252: {  	[sflag:s4] =	ssyncadd.s32 $0xFFFFC000  }
0x253: {  	[spmem:s2] =	stream.indirect.scatter.add.f32 [tilespmem:s8], [sflag:$0x1], $0x80, s13, s10, $0xb8;
	[tilespmem:$0x18800] =	vst v63  }
0x254: {  	_ =	swait.ge [sflag:s4], $0x4000  }
0x255: {  	[sflag:s4] =	ssyncset.done $0x0  }
0x256: {  	[sflag:s4] =	ssyncadd.s32 $0xFFFFC000  }
0x257: {  	[spmem:s2] =	stream.indirect.scatter.add.f32 [tilespmem:s8], [sflag:$0x1], $0x80, s14, s10, $0xb8;
	[tilespmem:$0x18800] =	vst v63  }
0x258: {  	_ =	swait.ge [sflag:s4], $0x4000  }
0x259: {  	[sflag:s4] =	ssyncset.done $0x0  }
0x25a: {  	[sflag:s4] =	ssyncadd.s32 $0xFFFFC000  }
0x25b: {  	[spmem:s2] =	stream.indirect.scatter.add.f32 [tilespmem:s8], [sflag:$0x1], $0x80, s15, s10, $0xb8;
	[tilespmem:$0x18800] =	vst v63  }
0x25c: {  	_ =	swait.ge [sflag:s4], $0x4000  }
0x25d: {  	[sflag:s4] =	ssyncset.done $0x0  }
0x25e: {  	[sflag:s4] =	ssyncadd.s32 $0xFFFFC000  }
0x25f: {  	[spmem:s2] =	stream.indirect.scatter.add.f32 [tilespmem:s8], [sflag:$0x1], $0x80, s16, s10, $0xb8;
	[tilespmem:$0x18800] =	vst v63  }
0x260: {  	_ =	swait.ge [sflag:s4], $0x4000  }
0x261: {  	[sflag:s4] =	ssyncset.done $0x0  }
0x262: {  	[sflag:s4] =	ssyncadd.s32 $0xFFFFC000  }
0x263: {  	[spmem:s2] =	stream.indirect.scatter.add.f32 [tilespmem:s8], [sflag:$0x1], $0x80, s17, s10, $0xb8;
	[tilespmem:$0x18800] =	vst v63  }
0x264: {  	_ =	swait.ge [sflag:s4], $0x4000  }
0x265: {  	[sflag:s4] =	ssyncset.done $0x0  }
0x266: {  	[sflag:s4] =	ssyncadd.s32 $0xFFFFC000  }
0x267: {  	[spmem:s2] =	stream.indirect.scatter.add.f32 [tilespmem:s8], [sflag:$0x1], $0x80, s18, s10, $0xb8;
	[tilespmem:$0x18800] =	vst v63  }
0x268: {  	_ =	swait.ge [sflag:s4], $0x4000  }
0x269: {  	[sflag:s4] =	ssyncset.done $0x0  }
0x26a: {  	[sflag:s4] =	ssyncadd.s32 $0xFFFFC000  }
0x26b: {  	[spmem:s2] =	stream.indirect.scatter.add.f32 [tilespmem:s8], [sflag:$0x1], $0x80, s19, s10, $0xb8;
	[tilespmem:$0x18800] =	vst v63  }
0x26c: {  	_ =	swait.ge [sflag:s4], $0x4000  }
0x26d: {  	[sflag:s4] =	ssyncset.done $0x0  }
0x26e: {  	[sflag:s4] =	ssyncadd.s32 $0xFFFFC000  }
0x26f: {  	[spmem:s2] =	stream.indirect.scatter.add.f32 [tilespmem:s8], [sflag:$0x1], $0x80, s20, s10, $0xb8;
	[tilespmem:$0x18800] =	vst v63  }
0x270: {  	_ =	swait.ge [sflag:s4], $0x4000  }
0x271: {  	[sflag:s4] =	ssyncset.done $0x0  }
0x272: {  	[sflag:s4] =	ssyncadd.s32 $0xFFFFC000  }
0x273: {  	[spmem:s2] =	stream.indirect.scatter.add.f32 [tilespmem:s8], [sflag:$0x1], $0x80, s21, s10, $0xb8;
	[tilespmem:$0x18800] =	vst v63  }
0x274: {  	_ =	swait.ge [sflag:s4], $0x4000  }
0x275: {  	[sflag:s4] =	ssyncset.done $0x0  }
0x276: {  	[sflag:s4] =	ssyncadd.s32 $0xFFFFC000  }
0x277: {  	[spmem:s2] =	stream.indirect.scatter.add.f32 [tilespmem:s8], [sflag:$0x1], $0x80, s22, s10, $0xb8;
	[tilespmem:$0x18800] =	vst v63  }
0x278: {  	_ =	swait.ge [sflag:s4], $0x4000  }
0x279: {  	[sflag:s4] =	ssyncset.done $0x0  }
0x27a: {  	[sflag:s4] =	ssyncadd.s32 $0xFFFFC000  }
0x27b: {  	[spmem:s2] =	stream.indirect.scatter.add.f32 [tilespmem:s8], [sflag:$0x1], $0x80, s23, s10, $0xb8;
	[tilespmem:$0x18800] =	vst v63  }
0x27c: {  	_ =	swait.ge [sflag:s4], $0x4000  }
0x27d: {  	[sflag:s4] =	ssyncset.done $0x0  }
0x27e: {  	[sflag:s4] =	ssyncadd.s32 $0xFFFFC000  }
0x27f: {  	[spmem:s2] =	stream.indirect.scatter.add.f32 [tilespmem:s8], [sflag:$0x1], $0x80, s24, s10, $0xb8;
	[tilespmem:$0x18800] =	vst v63  }
0x280: {  	_ =	swait.ge [sflag:s4], $0x4000  }
0x281: {  	[sflag:s4] =	ssyncset.done $0x0  }
0x282: {  	[sflag:s4] =	ssyncadd.s32 $0xFFFFC000  }
0x283: {  	[tilespmem:s3], [sflag:$0x1] =	stream.linear.gather [hbm4b:s29+s3], $0x800, $0x38;
	[tilespmem:$0x18800] =	vst v63  }
0x284: {  	_ =	swait.ge [sflag:s4], $0x800  }
0x285: {  	[sflag:s4] =	ssyncset.done $0x0  }
0x286: {  	[sflag:s4] =	ssyncadd.s32 $0xFFFFF800  }
0x287: {  	[spmem:s2] =	stream.indirect.scatter.add.f32 [tilespmem:s8], [sflag:$0x1], $0x80, s3, s10, $0xb8;
	[tilespmem:$0x18800] =	vst v63  }
0x288: {  	_ =	swait.ge [sflag:s4], $0x4000  }
0x289: {  	[sflag:s4] =	ssyncset.done $0x0  }
0x28a: {  	[sflag:s4] =	ssyncadd.s32 $0xFFFFC000  }
0x28b: {  	[spmem:s2] =	stream.indirect.scatter.add.f32 [tilespmem:s8], [sflag:$0x1], $0x80, s10, s10, $0xb8;
	[tilespmem:$0x18800] =	vst v63  }
0x28c: {  	_ =	swait.ge [sflag:s4], $0x4000  }
0x28d: {  	[sflag:s4] =	ssyncset.done $0x0  }
0x28e: {  	[sflag:s4] =	ssyncadd.s32 $0xFFFFC000  }
0x28f: {  	[spmem:s2] =	stream.indirect.scatter.add.f32 [tilespmem:s8], [sflag:$0x1], $0x80, s11, s10, $0xb8;
	[tilespmem:$0x18800] =	vst v63  }
0x290: {  	_ =	swait.ge [sflag:s4], $0x4000  }
0x291: {  	[sflag:s4] =	ssyncset.done $0x0  }
0x292: {  	[sflag:s4] =	ssyncadd.s32 $0xFFFFC000  }
0x293: {  	[spmem:s2] =	stream.indirect.scatter.add.f32 [tilespmem:s8], [sflag:$0x1], $0x80, s12, s10, $0xb8;
	[tilespmem:$0x18800] =	vst v63  }
0x294: {  	_ =	swait.ge [sflag:s4], $0x4000  }
0x295: {  	[sflag:s4] =	ssyncset.done $0x0  }
0x296: {  	[sflag:s4] =	ssyncadd.s32 $0xFFFFC000  }
0x297: {  	[spmem:s2] =	stream.indirect.scatter.add.f32 [tilespmem:s8], [sflag:$0x1], $0x80, s13, s10, $0xb8;
	[tilespmem:$0x18800] =	vst v63  }
0x298: {  	_ =	swait.ge [sflag:s4], $0x4000  }
0x299: {  	[sflag:s4] =	ssyncset.done $0x0  }
0x29a: {  	[sflag:s4] =	ssyncadd.s32 $0xFFFFC000  }
0x29b: {  	[spmem:s2] =	stream.indirect.scatter.add.f32 [tilespmem:s8], [sflag:$0x1], $0x80, s14, s10, $0xb8;
	[tilespmem:$0x18800] =	vst v63  }
0x29c: {  	_ =	swait.ge [sflag:s4], $0x4000  }
0x29d: {  	[sflag:s4] =	ssyncset.done $0x0  }
0x29e: {  	[sflag:s4] =	ssyncadd.s32 $0xFFFFC000  }
0x29f: {  	[spmem:s2] =	stream.indirect.scatter.add.f32 [tilespmem:s8], [sflag:$0x1], $0x80, s15, s10, $0xb8;
	[tilespmem:$0x18800] =	vst v63  }
0x2a0: {  	_ =	swait.ge [sflag:s4], $0x4000  }
0x2a1: {  	[sflag:s4] =	ssyncset.done $0x0  }
0x2a2: {  	[sflag:s4] =	ssyncadd.s32 $0xFFFFC000  }
0x2a3: {  	[spmem:s2] =	stream.indirect.scatter.add.f32 [tilespmem:s8], [sflag:$0x1], $0x80, s16, s10, $0xb8;
	[tilespmem:$0x18800] =	vst v63  }
0x2a4: {  	_ =	swait.ge [sflag:s4], $0x4000  }
0x2a5: {  	[sflag:s4] =	ssyncset.done $0x0  }
0x2a6: {  	[sflag:s4] =	ssyncadd.s32 $0xFFFFC000  }
0x2a7: {  	[spmem:s2] =	stream.indirect.scatter.add.f32 [tilespmem:s8], [sflag:$0x1], $0x80, s17, s10, $0xb8;
	[tilespmem:$0x18800] =	vst v63  }
0x2a8: {  	_ =	swait.ge [sflag:s4], $0x4000  }
0x2a9: {  	[sflag:s4] =	ssyncset.done $0x0  }
0x2aa: {  	[sflag:s4] =	ssyncadd.s32 $0xFFFFC000  }
0x2ab: {  	[spmem:s2] =	stream.indirect.scatter.add.f32 [tilespmem:s8], [sflag:$0x1], $0x80, s18, s10, $0xb8;
	[tilespmem:$0x18800] =	vst v63  }
0x2ac: {  	_ =	swait.ge [sflag:s4], $0x4000  }
0x2ad: {  	[sflag:s4] =	ssyncset.done $0x0  }
0x2ae: {  	[sflag:s4] =	ssyncadd.s32 $0xFFFFC000  }
0x2af: {  	[spmem:s2] =	stream.indirect.scatter.add.f32 [tilespmem:s8], [sflag:$0x1], $0x80, s19, s10, $0xb8;
	[tilespmem:$0x18800] =	vst v63  }
0x2b0: {  	_ =	swait.ge [sflag:s4], $0x4000  }
0x2b1: {  	[sflag:s4] =	ssyncset.done $0x0  }
0x2b2: {  	[sflag:s4] =	ssyncadd.s32 $0xFFFFC000  }
0x2b3: {  	[spmem:s2] =	stream.indirect.scatter.add.f32 [tilespmem:s8], [sflag:$0x1], $0x80, s20, s10, $0xb8;
	[tilespmem:$0x18800] =	vst v63  }
0x2b4: {  	_ =	swait.ge [sflag:s4], $0x4000  }
0x2b5: {  	[sflag:s4] =	ssyncset.done $0x0  }
0x2b6: {  	[sflag:s4] =	ssyncadd.s32 $0xFFFFC000  }
0x2b7: {  	[spmem:s2] =	stream.indirect.scatter.add.f32 [tilespmem:s8], [sflag:$0x1], $0x80, s21, s10, $0xb8;
	[tilespmem:$0x18800] =	vst v63  }
0x2b8: {  	_ =	swait.ge [sflag:s4], $0x4000  }
0x2b9: {  	[sflag:s4] =	ssyncset.done $0x0  }
0x2ba: {  	[sflag:s4] =	ssyncadd.s32 $0xFFFFC000  }
0x2bb: {  	[spmem:s2] =	stream.indirect.scatter.add.f32 [tilespmem:s8], [sflag:$0x1], $0x80, s22, s10, $0xb8;
	[tilespmem:$0x18800] =	vst v63  }
0x2bc: {  	_ =	swait.ge [sflag:s4], $0x4000  }
0x2bd: {  	[sflag:s4] =	ssyncset.done $0x0  }
0x2be: {  	[sflag:s4] =	ssyncadd.s32 $0xFFFFC000  }
0x2bf: {  	[spmem:s2] =	stream.indirect.scatter.add.f32 [tilespmem:s8], [sflag:$0x1], $0x80, s23, s10, $0xb8;
	[tilespmem:$0x18800] =	vst v63  }
0x2c0: {  	_ =	swait.ge [sflag:s4], $0x4000  }
0x2c1: {  	[sflag:s4] =	ssyncset.done $0x0  }
0x2c2: {  	[sflag:s4] =	ssyncadd.s32 $0xFFFFC000  }
0x2c3: {  	[spmem:s2] =	stream.indirect.scatter.add.f32 [tilespmem:s8], [sflag:$0x1], $0x80, s24, s10, $0xb8;
	[tilespmem:$0x18800] =	vst v63  }
0x2c4: {  	p0 =	sne.s32 s31, $0x1;
	_ =	swait.ge [sflag:s4], $0x4000  }
.Ltmp1:
0x2c5: {  	[sflag:s4] =	ssyncset.done $0x0;
	(pc) =	sbr.rel @p0 .LBB2_1-.Ltmp1, $4  }
0x2c6: {  	[sflag:s4] =	ssyncadd.s32 $0xFFFFC000  }
0x2c7: {  	[bflag:$0x0] =	sbarrier.arrive $0xFFFF  }
0x2c8: {  	[hbm:s30], [sflag:s5] =	dma.local [spmem:s6], $0x2800  }
0x2c9: {  	s31 =	sadd.s32 $0xFFFFFFFF, s31;
	_ =	swait.ge [sflag:s4], $0x2800  }
.LBB2_2:
0x2ca: {  	[sflag:s4] =	ssyncset.done $0x0  }
0x2cb: {  	[sflag:s4] =	ssyncadd.s32 $0xFFFFD800  }
0x2cc: {  	_ =	sfence.sel $0x180000  }
0x2cd: {  	[bflag:$0x0] =	sbarrier.arrive $0xFFFF  }
0x2ce: {  	_ =	strace $0x90000047  }
0x2cf: {  	s0 =	stileid.u32;
	[bflag:$0x2] =	sbarrier.arrive $0xFFFF  }
0x2d0: {  	p0 =	sne.s32 s0, $0x0;
	s0 =	rddreg [dreg:$0x3]  }
0x2d1: {  	s0 =	sadd.s32 @!p0 $0x100000, s0  }
0x2d2: {  	[sflag:s0] =	ssyncadd.tile.s32 @!p0 $0x1;
	_ =	shalt  }
.Lfunc_end2:
_tile_overlayer_lowered:
.L_overlay_start_2:
0x2d3: {  	(tag) =	ssettag $0x2  }
0x2d4: {  	s0 =	rddreg [dreg:$0x0];
	s2 =	stileid.u32  }
0x2d5: {  	s1 =	rddreg [dreg:$0x1];
	p0 =	sne.s32 s2, $0x0  }
0x2d6: {  	s3 =	rddreg [dreg:$0x2];
	[bflag:$0x3] =	sbarrier.arrive $0xFFFF;
	s2 =	simm.s32 @!p0 $0x1C01  }
0x2d7: {  	[timem:s3], [sflag:s2] =	dma.local @!p0 [hbm:s0], s1  }
0x2d8: {  	s0 =	simm.s32 @!p0 $0x1  }
0x2d9: {  	_ =	swait.ge @!p0 [sflag:s0], s1  }
0x2da: {  	s1 =	ssub.s32 @!p0 $0x0, s1;
	[sflag:s0] =	ssyncset.done @!p0 $0x0  }
0x2db: {  	[sflag:s0] =	ssyncadd.s32 @!p0 s1  }
0x2dc: {  	[bflag:$0x3] =	sbarrier.arrive $0xFFFF  }
0x2dd: {  	_ =	shalt  }

// kernel: kernel.15.cloned.1.call-start
scs
__scs_entry_jumppad:
0x0: {  	(pc) =	sbr.rel $0x88, $3  }
0x1: {  	(tag) =	ssettag $0x0;
	lr =	simm.s32 $0x1  }
0x2: {  	[smem:$0x3F97] =	sst lr;
	_ =	strace $0xD0000000  }
0x3: {  	_ = 	snop  }
0x4: {  	_ = 	snop  }
0x5: {  	_ = 	snop  }
0x6: {  	_ = 	snop  }
0x7: {  	_ = 	snop  }
__scs_overlays_trampoline_lowered:
0x8: {  	[smem:$0x3FA6] =	sst s0  }
0x9: {  	[smem:$0x3FA7] =	sst s1  }
0xa: {  	[smem:$0x3FA8] =	sst s2  }
0xb: {  	[smem:$0x3FA9] =	sst s3  }
0xc: {  	[smem:$0x3FAA] =	sst s4  }
0xd: {  	[smem:$0x3FAB] =	sst s5  }
0xe: {  	[smem:$0x3FAC] =	sst s6  }
0xf: {  	[smem:$0x3FAD] =	sst s7  }
0x10: {  	[smem:$0x3FAE] =	sst s8  }
0x11: {  	[smem:$0x3FAF] =	sst s9;
	s0 =	simm.s32 @!p0 $0x0  }
0x12: {  	s1 =	sld [smem:$0x3F95];
	s0 =	simm.s32 @p0 $0x1  }
0x13: {  	[smem:$0x3FB0] =	sst s0;
	s0 =	simm.s32 @!p1 $0x0  }
0x14: {  	s2 =	sld [smem:$0x3F94];
	s0 =	simm.s32 @p1 $0x1  }
0x15: {  	[smem:$0x3FB1] =	sst s0;
	s0 =	simm.s32 @!p2 $0x0  }
0x16: {  	s3 =	sld [smem:$0x3FDB];
	s0 =	simm.s32 @p2 $0x1  }
0x17: {  	s4 =	simm.s32 $0x1BF5;
	[smem:$0x3FB3] =	sst s0  }
0x18: {  	s0 =	sld [smem:$0x3F96];
	_ =	swait.ge [sflag:s4], $0x0  }
0x19: {  	s7 =	sld [smem:$0x3F97]  }
0x1a: {  	s8 =	sadd.s32 $0xFFFFE003, lr  }
0x1b: {  	s9 =	sadd.s32 $0xFFFFFEF7, lr;
	s5 =	simm.s32 $0xFFFFFFFF;
	p2 =	slt.u32 s8, $0xFFFFF086  }
0x1c: {  	p1 =	slt.u32 s9, $0xF7A;
	s5 =	simm.s32 @!p2 $0x0  }
0x1d: {  	s5 =	simm.s32 @p1 $0x1;
	p0 =	seq.s32 s7, s2  }
0x1e: {  	s7 =	smul.u32 @!p0 $0xF7A, s2;
	p2 =	seq.s32 @!p0 s5, $0x0  }
0x1f: {  	s9 =	smul.u32 $0xF7A, s1;
	s8 =	simm.s32 @!p0 $0x1BF5;
	p2 =	por !p2, p0  }
0x20: {  	[sflag:s8] =	ssyncset.s32 @!p0 $0xFFFFF086;
	s6 =	sadd.s32 @!p0 s3, s7;
	s7 =	simm.s32 @!p0 $0x108  }
0x21: {  	s3 =	sadd.s32 s3, s9;
	s6 =	sadd.s32 @!p0 $0x88, s6;
	s7 =	simm.s32 @p2 $0x1082  }
0x22: {  	[simem:s7], [sflag:s8] =	dma.local @!p0 [hbm:s6], $0xF7A  }
0x23: {  	s9 =	sor.u32 $0xD0000000, s2;
	s6 =	simm.s32 $0x108;
	_ =	swait.ge @!p0 [sflag:s8], $0x0  }
0x24: {  	s3 =	sadd.s32 $0x88, s3;
	s6 =	simm.s32 @!p1 $0x1082;
	[sflag:s4] =	ssyncset.s32 $0xFFFFF086  }
0x25: {  	[simem:s6], [sflag:s4] =	dma.local [hbm:s3], $0xF7A  }
0x26: {  	[smem:$0x3F97] =	sst s1;
	(tag) =	ssettag s2;
	_ =	strace s9  }
0x27: {  	s1 =	sld [smem:$0x3FA7]  }
0x28: {  	s2 =	sld [smem:$0x3FA8]  }
0x29: {  	s4 =	sld [smem:$0x3FAA]  }
0x2a: {  	p0 =	seq.s32 s5, $0x0;
	s5 =	sld [smem:$0x3FAB]  }
0x2b: {  	s6 =	sld [smem:$0x3FAC]  }
0x2c: {  	s7 =	sld [smem:$0x3FAD]  }
0x2d: {  	s3 =	simm.s32 $0x108;
	s8 =	sld [smem:$0x3FAE]  }
0x2e: {  	s3 =	simm.s32 @!p0 $0x1082;
	s9 =	sld [smem:$0x3FAF]  }
0x2f: {  	lr =	sadd.s32 s0, s3;
	s0 =	sld [smem:$0x3FA6]  }
0x30: {  	s3 =	sld [smem:$0x3FA9]  }
0x31: {  	[smem:$0x3FB2] =	sst s10  }
0x32: {  	s10 =	sld [smem:$0x3FB0];
	_ =	sdelay $0x3  }
0x33: {  	p0 =	seq.s32 s10, $0x1;
	s10 =	sld [smem:$0x3FB2];
	_ =	sdelay $0x3  }
0x34: {  	[smem:$0x3FB2] =	sst s10  }
0x35: {  	s10 =	sld [smem:$0x3FB1];
	_ =	sdelay $0x3  }
0x36: {  	p1 =	seq.s32 s10, $0x1;
	s10 =	sld [smem:$0x3FB2];
	_ =	sdelay $0x3  }
0x37: {  	[smem:$0x3FB2] =	sst s10  }
0x38: {  	s10 =	sld [smem:$0x3FB3]  }
0x39: {  	_ = 	snop;
	(pc) =	sbr.ind lr, $3  }
0x3a: {  	_ = 	snop  }
0x3b: {  	_ = 	snop  }
0x3c: {  	p2 =	seq.s32 s10, $0x1;
	s10 =	sld [smem:$0x3FB2]  }
0x3d: {  	_ =	shalt  }
0x3e: {  	_ =	shalt  }
0x3f: {  	_ =	shalt  }
0x40: {  	_ =	shalt  }
0x41: {  	_ =	shalt  }
0x42: {  	_ =	shalt  }
0x43: {  	_ =	shalt  }
0x44: {  	_ =	shalt  }
0x45: {  	_ =	shalt  }
0x46: {  	_ =	shalt  }
0x47: {  	_ =	shalt  }
0x48: {  	_ =	shalt  }
0x49: {  	_ =	shalt  }
0x4a: {  	_ =	shalt  }
0x4b: {  	_ =	shalt  }
0x4c: {  	_ =	shalt  }
0x4d: {  	_ =	shalt  }
0x4e: {  	_ =	shalt  }
0x4f: {  	_ =	shalt  }
0x50: {  	_ =	shalt  }
0x51: {  	_ =	shalt  }
0x52: {  	_ =	shalt  }
0x53: {  	_ =	shalt  }
0x54: {  	_ =	shalt  }
0x55: {  	_ =	shalt  }
0x56: {  	_ =	shalt  }
0x57: {  	_ =	shalt  }
0x58: {  	_ =	shalt  }
0x59: {  	_ =	shalt  }
0x5a: {  	_ =	shalt  }
0x5b: {  	_ =	shalt  }
0x5c: {  	_ =	shalt  }
0x5d: {  	_ =	shalt  }
0x5e: {  	_ =	shalt  }
0x5f: {  	_ =	shalt  }
0x60: {  	_ =	shalt  }
0x61: {  	_ =	shalt  }
0x62: {  	_ =	shalt  }
0x63: {  	_ =	shalt  }
0x64: {  	_ =	shalt  }
0x65: {  	_ =	shalt  }
0x66: {  	_ =	shalt  }
0x67: {  	_ =	shalt  }
0x68: {  	_ =	shalt  }
0x69: {  	_ =	shalt  }
0x6a: {  	_ =	shalt  }
0x6b: {  	_ =	shalt  }
0x6c: {  	_ =	shalt  }
0x6d: {  	_ =	shalt  }
0x6e: {  	_ =	shalt  }
0x6f: {  	_ =	shalt  }
0x70: {  	_ =	shalt  }
0x71: {  	_ =	shalt  }
0x72: {  	_ =	shalt  }
0x73: {  	_ =	shalt  }
0x74: {  	_ =	shalt  }
0x75: {  	_ =	shalt  }
0x76: {  	_ =	shalt  }
0x77: {  	_ =	shalt  }
0x78: {  	_ =	shalt  }
0x79: {  	_ =	shalt  }
0x7a: {  	_ =	shalt  }
0x7b: {  	_ =	shalt  }
0x7c: {  	_ =	shalt  }
0x7d: {  	_ =	shalt  }
0x7e: {  	_ =	shalt  }
0x7f: {  	_ =	shalt  }
0x80: {  	_ =	shalt  }
0x81: {  	_ =	shalt  }
0x82: {  	_ =	shalt  }
0x83: {  	_ =	shalt  }
0x84: {  	_ =	shalt  }
0x85: {  	_ =	shalt  }
0x86: {  	_ =	shalt  }
0x87: {  	_ =	shalt  }
.Lfunc_end0:
.L_simem_size_0:
called_computation.1_lowered:
.L_overlay_start_0:
0x88: {  	s2 =	sld [smem:$0x3FD9]  }
0x89: {  	s3 =	sld [smem:$0x3FFE];
	_ =	sdelay $0x1  }
0x8a: {  	s1 =	srdreg.scid  }
0x8b: {  	s0 =	sand.u32 $0x1, s1  }
0x8c: {  	s17 =	sshll.u32 s0, $0xA;
	s2 =	sadd.s32 s3, s2  }
0x8d: {  	s2 =	sadd.s32 s2, s17  }
0x8e: {  	[smem:$0x3FBE] =	sst s2  }
0x8f: {  	_ = 	snop  }
0x90: {  	s2 =	sld [smem:$0x3FD0];
	(tm) =	ssettm $0x1  }
0x91: {  	s18 =	sld [smem:$0x3FFB];
	_ =	sdelay $0x3  }
0x92: {  	_ =	strace s18  }
0x93: {  	s3 =	sld [smem:$0x3FFC];
	_ =	sdelay $0x3  }
0x94: {  	_ =	strace s3  }
0x95: {  	s3 =	sld [smem:$0x3FFD];
	_ =	sdelay $0x3  }
0x96: {  	_ =	strace s3  }
0x97: {  	_ =	strace $0x8FFFFFFF  }
0x98: {  	s19 =	sld [smem:$0x3FDB];
	_ =	sdelay $0x1  }
0x99: {  	s4 =	simm.s32 $_scs_section_size  }
0x9a: {  	s5 =	simm.s32 $_size__tile_overlayer_lowered;
	s6 =	simm.s32 $_tile_overlayer_lowered  }
0x9b: {  	s22 =	simm.s32 $0x1BFF;
	s21 =	sshll.u32 s6, $0x1;
	s3 =	sadd.s32 s4, s19  }
0x9c: {  	s7 =	simm.s32 $0x0;
	s20 =	sshll.u32 s5, $0x1;
	s5 =	sadd.s32 s21, s3  }
0x9d: {  	[timem:s7], [sflag:s22] =	dma.local [hbm:s5], s20  }
0x9e: {  	_ =	swait.ge [sflag:s22], s20  }
0x9f: {  	s4 =	ssub.s32 $0x0, s20;
	[sflag:s22] =	ssyncset.done $0x0  }
0xa0: {  	[sflag:s22] =	ssyncadd.s32 s4;
	_ =	sdelay $0x1  }
0xa1: {  	s23 =	simm.s32 $0x1B8B  }
0xa2: {  	_ =	swait.ge [sflag:s23], $0x1  }
0xa3: {  	[sflag:s23] =	ssyncset.done $0x0  }
0xa4: {  	s25 =	simm.s32 $0x1B8E;
	s24 =	sld [smem:$0x3FFE];
	[sflag:s23] =	ssyncadd.s32 $0xFFFFFFFF  }
0xa5: {  	s26 =	simm.s32 $execute0_lowered;
	[smem:$0x3FD2] =	sst s25  }
0xa6: {  	s5 =	sshll.u32 s26, $0x1;
	_ =	strace $0x80000049;
	[dreg:$0x1] =	wrdreg $0xFFFFFFFF  }
0xa7: {  	s28 =	simm.s32 $_size_execute0_lowered;
	s3 =	sadd.s32 s3, s5;
	[dreg:$0x0] =	wrdreg $0x0  }
0xa8: {  	s5 =	sshll.u32 s28, $0x1;
	[dreg:$0x2] =	wrdreg s3  }
0xa9: {  	[dreg:$0x3] =	wrdreg s5  }
0xaa: {  	[dreg:$0x4] =	wrdreg $0xC0  }
0xab: {  	_ =	task [dreg:s7], $0x5FFFF  }
0xac: {  	[dreg:$0x1] =	wrdreg $0xFFFFFFFF  }
0xad: {  	[dreg:$0x0] =	wrdreg $0x60  }
0xae: {  	[dreg:$0x2] =	wrdreg s24  }
0xaf: {  	[dreg:$0x3] =	wrdreg s2  }
0xb0: {  	[dreg:$0x4] =	wrdreg $0x90000  }
0xb1: {  	[dreg:$0x5] =	wrdreg $0x9  }
0xb2: {  	_ =	task.clear_ibuf [dreg:s7], $0x6FFFF;
	_ =	strace $0x90000049  }
0xb3: {  	s29 =	simm.s32 $0x9;
	_ =	strace $0x8000004B  }
0xb4: {  	_ =	swait.ge [sflag:s29], $0x1  }
0xb5: {  	[sflag:s29] =	ssyncadd.s32 $0xFFFFFFFF  }
0xb6: {  	_ =	strace $0x9000004B  }
0xb7: {  	_ =	sfence  }
0xb8: {  	s30 =	sld [smem:$0x0];
	_ =	sdelay $0x2  }
0xb9: {  	s31 =	sshll.u32 s1, $0xD;
	s1 =	sshrl.u32 s1, $0x2  }
0xba: {  	s3 =	sand.u32 $0x4000, s31;
	s1 =	sadd.s32 s1, s30  }
0xbb: {  	s0 =	sor.u32 s3, s0;
	s1 =	sshll.u32 s1, $0x11  }
0xbc: {  	s0 =	sor.u32 s1, s0  }
0xbd: {  	s0 =	sadd.s32 $0x8F2B, s0  }
0xbe: {  	[sflag:s0] =	ssyncadd.remote.s32 $0x1  }
0xbf: {  	_ =	sfence.sel $0xFFFF  }
0xc0: {  	[dreg:$0x0] =	wrdreg $0xFFFFFFFF;
	(pc) =	sbr.abs _section_cstart, $3  }
0xc1: {  	[dreg:$0x1] =	wrdreg $0xFFFFFFFF  }
0xc2: {  	_ =	task.clear_ibuf [dreg:s7], $0x2FFFF;
	_ =	strace $0x9FFFFFFF  }
0xc3: {  	(tm) =	ssettm $0x7FFFFFFF  }
tec
execute0_lowered:
.L_overlay_start_1:
0x0: {  	(tag) =	ssettag $0x1  }
0x1: {  	s6 =	rddreg [dreg:$0x0]  }
0x2: {  	s17 =	rddreg [dreg:$0x1]  }
0x3: {  	s1 =	rddreg [dreg:$0x2]  }
0x4: {  	s0 =	rddreg [dreg:$0x3];
	s2 =	simm.s32 $0x0;
	s4 =	srdreg.scid  }
0x5: {  	s22 =	simm.s32 $0x1000;
	[smem:$0x7FF] =	sst s2;
	s3 =	sadd.s32 $0x60E00, s6  }
0x6: {  	s16 =	sadd.s32 $0x56E00, s6;
	s5 =	sadd.s32 $0x4600, s6;
	s7 =	sand.u32 $0x1, s4  }
0x7: {  	s4 =	stileid.u32;
	_ =	strace $0x8000004A;
	s8 =	smul.u32 $0x28000, s7  }
0x8: {  	s9 =	sshll.u32 s7, $0x4;
	s7 =	ssub.s32 $0x2, s7;
	s10 =	smul.u32 $0x50000, s4  }
0x9: {  	s31 =	sshll.u32 s4, $0x6;
	s24 =	smul.u32 $0x2800, s4;
	s9 =	sor.u32 s4, s9  }
0xa: {  	s28 =	sshrl.u32 s7, $0x1;
	s18 =	sadd.s32 s8, s6;
	s29 =	smul.u32 $0x2800, s9  }
0xb: {  	s19 =	ssub.s32 s7, s28;
	s30 =	sshrl.u32 s10, $0x2;
	s9 =	smul.u32 $0x500, s9  }
0xc: {  	s7 =	sor.u32 $0x1C01, s31;
	s6 =	sadd.s32 s30, s1;
	s23 =	sadd.s32 $0x88E00, s18  }
0xd: {  	s18 =	smax.u32 s19, $0x1;
	s19 =	simm.s32 $0x1;
	s15 =	sshrl.u32 s29, $0x3  }
0xe: {  	s8 =	sadd.s32 s16, s9;
	s9 =	sadd.s32 s17, s9;
	s23 =	sadd.s32 s24, s23  }
0xf: {  	s24 =	simm.s32 $0x0;
	s11 =	sadd.s32 $0x100, s15;
	s13 =	sadd.s32 $0x200, s15  }
0x10: {  	s20 =	sadd.s32 $0x300, s15;
	s21 =	sadd.s32 $0x400, s15;
	s10 =	sadd.s32 s16, s11  }
0x11: {  	s11 =	sadd.s32 s17, s11;
	s12 =	sadd.s32 s16, s13;
	s13 =	sadd.s32 s17, s13  }
0x12: {  	s14 =	sadd.s32 s16, s20;
	s15 =	sadd.s32 s17, s20;
	s16 =	sadd.s32 s16, s21  }
0x13: {  	s17 =	sadd.s32 s17, s21;
	s20 =	simm.s32 $0x800;
	s21 =	simm.s32 $0x80  }
.LBB2_1:
0x14: {  	s25 =	sshrl.u32 s6, $0x3  }
0x15: {  	[spmem:s25], [sflag:s7] =	dma.local [hbm:s5], $0x2800  }
0x16: {  	_ =	swait.ge [sflag:s19], $0x2800  }
0x17: {  	[sflag:s19] =	ssyncset.done $0x0  }
0x18: {  	[sflag:s19] =	ssyncadd.s32 $0xFFFFD800  }
0x19: {  	[bflag:$0x0] =	sbarrier.arrive $0xFFFF  }
0x1a: {  	[tilespmem:s2], [sflag:$0x1] =	stream.linear.gather [hbm4b:s8+s2], $0x800, $0x38;
	[tilespmem:$0x1D000] =	vst v63  }
0x1b: {  	_ =	swait.ge [sflag:s19], $0x800  }
0x1c: {  	[sflag:s19] =	ssyncset.done $0x0  }
0x1d: {  	[sflag:s19] =	ssyncadd.s32 $0xFFFFF800  }
0x1e: {  	[tilespmem:s20], [sflag:$0x1] =	stream.linear.gather [hbm4b:s9+s2], $0x800, $0x38;
	[tilespmem:$0x1D000] =	vst v63  }
0x1f: {  	_ =	swait.ge [sflag:s19], $0x800  }
0x20: {  	[sflag:s19] =	ssyncset.done $0x0  }
0x21: {  	s26 =	simm.s32 $0x0;
	[sflag:s19] =	ssyncadd.s32 $0xFFFFF800  }
0x22: {  	[tilespmem:s22], [sflag:$0x1] =	stream.indirect.gather [hbm4b:s3+s21], $0x80, s26, s21, $0xb8;
	[tilespmem:$0x1D000] =	vst v63  }
0x23: {  	_ =	swait.ge [sflag:s19], $0x4000  }
0x24: {  	[sflag:s19] =	ssyncset.done $0x0  }
0x25: {  	s31 =	simm.s32 $0x800;
	[sflag:s19] =	ssyncadd.s32 $0xFFFFC000  }
0x26: {  	[spmem:s1] =	stream.indirect.scatter.add.f32 [tilespmem:s22], [sflag:$0x1], $0x80, s31, s21, $0xb8;
	[tilespmem:$0x1D000] =	vst v63  }
0x27: {  	_ =	swait.ge [sflag:s19], $0x4000  }
0x28: {  	s28 =	simm.s32 $0x400;
	s26 =	simm.s32 $0x200;
	[sflag:s19] =	ssyncset.done $0x0  }
.LBB2_2:
0x29: {  	s29 =	sshra.s32 s26, $0x2  }
0x2a: {  	[sflag:s19] =	ssyncadd.s32 $0xFFFFC000;
	s26 =	smov.u32 s28;
	s30 =	sadd.s32 $0x200, s28  }
0x2b: {  	[tilespmem:s22], [sflag:$0x1] =	stream.indirect.gather [hbm4b:s3+s21], $0x80, s29, s21, $0xb8;
	[tilespmem:$0x1D000] =	vst v63  }
0x2c: {  	p0 =	sne.s32 s28, $0x1E00;
	_ =	swait.ge [sflag:s19], $0x4000  }
.Ltmp0:
0x2d: {  	[sflag:s19] =	ssyncset.done $0x0;
	(pc) =	sbr.rel @p0 .LBB2_2-.Ltmp0, $4  }
0x2e: {  	s28 =	sadd.s32 $0x800, s29;
	[sflag:s19] =	ssyncadd.s32 $0xFFFFC000  }
0x2f: {  	[spmem:s1] =	stream.indirect.scatter.add.f32 [tilespmem:s22], [sflag:$0x1], $0x80, s28, s21, $0xb8;
	[tilespmem:$0x1D000] =	vst v63  }
0x30: {  	_ =	swait.ge [sflag:s19], $0x4000  }
0x31: {  	s28 =	smov.u32 s30;
	[sflag:s19] =	ssyncset.done $0x0  }
0x32: {  	s26 =	sshra.s32 s26, $0x2;
	[sflag:s19] =	ssyncadd.s32 $0xFFFFC000  }
0x33: {  	[tilespmem:s22], [sflag:$0x1] =	stream.indirect.gather [hbm4b:s3+s21], $0x80, s26, s21, $0xb8;
	[tilespmem:$0x1D000] =	vst v63  }
0x34: {  	_ =	swait.ge [sflag:s19], $0x4000  }
0x35: {  	[sflag:s19] =	ssyncset.done $0x0  }
0x36: {  	s26 =	sadd.s32 $0x800, s26;
	[sflag:s19] =	ssyncadd.s32 $0xFFFFC000  }
0x37: {  	[spmem:s1] =	stream.indirect.scatter.add.f32 [tilespmem:s22], [sflag:$0x1], $0x80, s26, s21, $0xb8;
	[tilespmem:$0x1D000] =	vst v63  }
0x38: {  	_ =	swait.ge [sflag:s19], $0x4000  }
0x39: {  	[sflag:s19] =	ssyncset.done $0x0  }
0x3a: {  	s29 =	simm.s32 $0x0;
	[sflag:s19] =	ssyncadd.s32 $0xFFFFC000  }
0x3b: {  	[tilespmem:s29], [sflag:$0x1] =	stream.linear.gather [hbm4b:s10+s29], $0x800, $0x38;
	[tilespmem:$0x1D000] =	vst v63  }
0x3c: {  	_ =	swait.ge [sflag:s19], $0x800  }
0x3d: {  	[sflag:s19] =	ssyncset.done $0x0  }
0x3e: {  	[sflag:s19] =	ssyncadd.s32 $0xFFFFF800  }
0x3f: {  	[tilespmem:s20], [sflag:$0x1] =	stream.linear.gather [hbm4b:s11+s29], $0x800, $0x38;
	[tilespmem:$0x1D000] =	vst v63  }
0x40: {  	_ =	swait.ge [sflag:s19], $0x800  }
0x41: {  	[sflag:s19] =	ssyncset.done $0x0  }
0x42: {  	s30 =	simm.s32 $0x0;
	[sflag:s19] =	ssyncadd.s32 $0xFFFFF800  }
0x43: {  	[tilespmem:s22], [sflag:$0x1] =	stream.indirect.gather [hbm4b:s3+s21], $0x80, s30, s21, $0xb8;
	[tilespmem:$0x1D000] =	vst v63  }
0x44: {  	_ =	swait.ge [sflag:s19], $0x4000  }
0x45: {  	[sflag:s19] =	ssyncset.done $0x0  }
0x46: {  	s31 =	simm.s32 $0x800;
	[sflag:s19] =	ssyncadd.s32 $0xFFFFC000  }
0x47: {  	[spmem:s1] =	stream.indirect.scatter.add.f32 [tilespmem:s22], [sflag:$0x1], $0x80, s31, s21, $0xb8;
	[tilespmem:$0x1D000] =	vst v63  }
0x48: {  	_ =	swait.ge [sflag:s19], $0x4000  }
0x49: {  	s28 =	simm.s32 $0x400;
	s26 =	simm.s32 $0x200;
	[sflag:s19] =	ssyncset.done $0x0  }
.LBB2_4:
0x4a: {  	s29 =	sshra.s32 s26, $0x2  }
0x4b: {  	[sflag:s19] =	ssyncadd.s32 $0xFFFFC000;
	s26 =	smov.u32 s28;
	s30 =	sadd.s32 $0x200, s28  }
0x4c: {  	[tilespmem:s22], [sflag:$0x1] =	stream.indirect.gather [hbm4b:s3+s21], $0x80, s29, s21, $0xb8;
	[tilespmem:$0x1D000] =	vst v63  }
0x4d: {  	p0 =	sne.s32 s28, $0x1E00;
	_ =	swait.ge [sflag:s19], $0x4000  }
.Ltmp1:
0x4e: {  	[sflag:s19] =	ssyncset.done $0x0;
	(pc) =	sbr.rel @p0 .LBB2_4-.Ltmp1, $4  }
0x4f: {  	s28 =	sadd.s32 $0x800, s29;
	[sflag:s19] =	ssyncadd.s32 $0xFFFFC000  }
0x50: {  	[spmem:s1] =	stream.indirect.scatter.add.f32 [tilespmem:s22], [sflag:$0x1], $0x80, s28, s21, $0xb8;
	[tilespmem:$0x1D000] =	vst v63  }
0x51: {  	_ =	swait.ge [sflag:s19], $0x4000  }
0x52: {  	s28 =	smov.u32 s30;
	[sflag:s19] =	ssyncset.done $0x0  }
0x53: {  	s26 =	sshra.s32 s26, $0x2;
	[sflag:s19] =	ssyncadd.s32 $0xFFFFC000  }
0x54: {  	[tilespmem:s22], [sflag:$0x1] =	stream.indirect.gather [hbm4b:s3+s21], $0x80, s26, s21, $0xb8;
	[tilespmem:$0x1D000] =	vst v63  }
0x55: {  	_ =	swait.ge [sflag:s19], $0x4000  }
0x56: {  	[sflag:s19] =	ssyncset.done $0x0  }
0x57: {  	s26 =	sadd.s32 $0x800, s26;
	[sflag:s19] =	ssyncadd.s32 $0xFFFFC000  }
0x58: {  	[spmem:s1] =	stream.indirect.scatter.add.f32 [tilespmem:s22], [sflag:$0x1], $0x80, s26, s21, $0xb8;
	[tilespmem:$0x1D000] =	vst v63  }
0x59: {  	_ =	swait.ge [sflag:s19], $0x4000  }
0x5a: {  	[sflag:s19] =	ssyncset.done $0x0  }
0x5b: {  	s29 =	simm.s32 $0x0;
	[sflag:s19] =	ssyncadd.s32 $0xFFFFC000  }
0x5c: {  	[tilespmem:s29], [sflag:$0x1] =	stream.linear.gather [hbm4b:s12+s29], $0x800, $0x38;
	[tilespmem:$0x1D000] =	vst v63  }
0x5d: {  	_ =	swait.ge [sflag:s19], $0x800  }
0x5e: {  	[sflag:s19] =	ssyncset.done $0x0  }
0x5f: {  	[sflag:s19] =	ssyncadd.s32 $0xFFFFF800  }
0x60: {  	[tilespmem:s20], [sflag:$0x1] =	stream.linear.gather [hbm4b:s13+s29], $0x800, $0x38;
	[tilespmem:$0x1D000] =	vst v63  }
0x61: {  	_ =	swait.ge [sflag:s19], $0x800  }
0x62: {  	[sflag:s19] =	ssyncset.done $0x0  }
0x63: {  	s30 =	simm.s32 $0x0;
	[sflag:s19] =	ssyncadd.s32 $0xFFFFF800  }
0x64: {  	[tilespmem:s22], [sflag:$0x1] =	stream.indirect.gather [hbm4b:s3+s21], $0x80, s30, s21, $0xb8;
	[tilespmem:$0x1D000] =	vst v63  }
0x65: {  	_ =	swait.ge [sflag:s19], $0x4000  }
0x66: {  	[sflag:s19] =	ssyncset.done $0x0  }
0x67: {  	s31 =	simm.s32 $0x800;
	[sflag:s19] =	ssyncadd.s32 $0xFFFFC000  }
0x68: {  	[spmem:s1] =	stream.indirect.scatter.add.f32 [tilespmem:s22], [sflag:$0x1], $0x80, s31, s21, $0xb8;
	[tilespmem:$0x1D000] =	vst v63  }
0x69: {  	_ =	swait.ge [sflag:s19], $0x4000  }
0x6a: {  	s28 =	simm.s32 $0x400;
	s26 =	simm.s32 $0x200;
	[sflag:s19] =	ssyncset.done $0x0  }
.LBB2_6:
0x6b: {  	s29 =	sshra.s32 s26, $0x2  }
0x6c: {  	[sflag:s19] =	ssyncadd.s32 $0xFFFFC000;
	s26 =	smov.u32 s28;
	s30 =	sadd.s32 $0x200, s28  }
0x6d: {  	[tilespmem:s22], [sflag:$0x1] =	stream.indirect.gather [hbm4b:s3+s21], $0x80, s29, s21, $0xb8;
	[tilespmem:$0x1D000] =	vst v63  }
0x6e: {  	p0 =	sne.s32 s28, $0x1E00;
	_ =	swait.ge [sflag:s19], $0x4000  }
.Ltmp2:
0x6f: {  	[sflag:s19] =	ssyncset.done $0x0;
	(pc) =	sbr.rel @p0 .LBB2_6-.Ltmp2, $4  }
0x70: {  	s28 =	sadd.s32 $0x800, s29;
	[sflag:s19] =	ssyncadd.s32 $0xFFFFC000  }
0x71: {  	[spmem:s1] =	stream.indirect.scatter.add.f32 [tilespmem:s22], [sflag:$0x1], $0x80, s28, s21, $0xb8;
	[tilespmem:$0x1D000] =	vst v63  }
0x72: {  	_ =	swait.ge [sflag:s19], $0x4000  }
0x73: {  	s28 =	smov.u32 s30;
	[sflag:s19] =	ssyncset.done $0x0  }
0x74: {  	s26 =	sshra.s32 s26, $0x2;
	[sflag:s19] =	ssyncadd.s32 $0xFFFFC000  }
0x75: {  	[tilespmem:s22], [sflag:$0x1] =	stream.indirect.gather [hbm4b:s3+s21], $0x80, s26, s21, $0xb8;
	[tilespmem:$0x1D000] =	vst v63  }
0x76: {  	_ =	swait.ge [sflag:s19], $0x4000  }
0x77: {  	[sflag:s19] =	ssyncset.done $0x0  }
0x78: {  	s26 =	sadd.s32 $0x800, s26;
	[sflag:s19] =	ssyncadd.s32 $0xFFFFC000  }
0x79: {  	[spmem:s1] =	stream.indirect.scatter.add.f32 [tilespmem:s22], [sflag:$0x1], $0x80, s26, s21, $0xb8;
	[tilespmem:$0x1D000] =	vst v63  }
0x7a: {  	_ =	swait.ge [sflag:s19], $0x4000  }
0x7b: {  	[sflag:s19] =	ssyncset.done $0x0  }
0x7c: {  	s29 =	simm.s32 $0x0;
	[sflag:s19] =	ssyncadd.s32 $0xFFFFC000  }
0x7d: {  	[tilespmem:s29], [sflag:$0x1] =	stream.linear.gather [hbm4b:s14+s29], $0x800, $0x38;
	[tilespmem:$0x1D000] =	vst v63  }
0x7e: {  	_ =	swait.ge [sflag:s19], $0x800  }
0x7f: {  	[sflag:s19] =	ssyncset.done $0x0  }
0x80: {  	[sflag:s19] =	ssyncadd.s32 $0xFFFFF800  }
0x81: {  	[tilespmem:s20], [sflag:$0x1] =	stream.linear.gather [hbm4b:s15+s29], $0x800, $0x38;
	[tilespmem:$0x1D000] =	vst v63  }
0x82: {  	_ =	swait.ge [sflag:s19], $0x800  }
0x83: {  	[sflag:s19] =	ssyncset.done $0x0  }
0x84: {  	s30 =	simm.s32 $0x0;
	[sflag:s19] =	ssyncadd.s32 $0xFFFFF800  }
0x85: {  	[tilespmem:s22], [sflag:$0x1] =	stream.indirect.gather [hbm4b:s3+s21], $0x80, s30, s21, $0xb8;
	[tilespmem:$0x1D000] =	vst v63  }
0x86: {  	_ =	swait.ge [sflag:s19], $0x4000  }
0x87: {  	[sflag:s19] =	ssyncset.done $0x0  }
0x88: {  	s31 =	simm.s32 $0x800;
	[sflag:s19] =	ssyncadd.s32 $0xFFFFC000  }
0x89: {  	[spmem:s1] =	stream.indirect.scatter.add.f32 [tilespmem:s22], [sflag:$0x1], $0x80, s31, s21, $0xb8;
	[tilespmem:$0x1D000] =	vst v63  }
0x8a: {  	_ =	swait.ge [sflag:s19], $0x4000  }
0x8b: {  	s28 =	simm.s32 $0x400;
	s26 =	simm.s32 $0x200;
	[sflag:s19] =	ssyncset.done $0x0  }
.LBB2_8:
0x8c: {  	s29 =	sshra.s32 s26, $0x2  }
0x8d: {  	[sflag:s19] =	ssyncadd.s32 $0xFFFFC000;
	s26 =	smov.u32 s28;
	s30 =	sadd.s32 $0x200, s28  }
0x8e: {  	[tilespmem:s22], [sflag:$0x1] =	stream.indirect.gather [hbm4b:s3+s21], $0x80, s29, s21, $0xb8;
	[tilespmem:$0x1D000] =	vst v63  }
0x8f: {  	p0 =	sne.s32 s28, $0x1E00;
	_ =	swait.ge [sflag:s19], $0x4000  }
.Ltmp3:
0x90: {  	[sflag:s19] =	ssyncset.done $0x0;
	(pc) =	sbr.rel @p0 .LBB2_8-.Ltmp3, $4  }
0x91: {  	s28 =	sadd.s32 $0x800, s29;
	[sflag:s19] =	ssyncadd.s32 $0xFFFFC000  }
0x92: {  	[spmem:s1] =	stream.indirect.scatter.add.f32 [tilespmem:s22], [sflag:$0x1], $0x80, s28, s21, $0xb8;
	[tilespmem:$0x1D000] =	vst v63  }
0x93: {  	_ =	swait.ge [sflag:s19], $0x4000  }
0x94: {  	s28 =	smov.u32 s30;
	[sflag:s19] =	ssyncset.done $0x0  }
0x95: {  	s26 =	sshra.s32 s26, $0x2;
	[sflag:s19] =	ssyncadd.s32 $0xFFFFC000  }
0x96: {  	[tilespmem:s22], [sflag:$0x1] =	stream.indirect.gather [hbm4b:s3+s21], $0x80, s26, s21, $0xb8;
	[tilespmem:$0x1D000] =	vst v63  }
0x97: {  	_ =	swait.ge [sflag:s19], $0x4000  }
0x98: {  	[sflag:s19] =	ssyncset.done $0x0  }
0x99: {  	s26 =	sadd.s32 $0x800, s26;
	[sflag:s19] =	ssyncadd.s32 $0xFFFFC000  }
0x9a: {  	[spmem:s1] =	stream.indirect.scatter.add.f32 [tilespmem:s22], [sflag:$0x1], $0x80, s26, s21, $0xb8;
	[tilespmem:$0x1D000] =	vst v63  }
0x9b: {  	_ =	swait.ge [sflag:s19], $0x4000  }
0x9c: {  	[sflag:s19] =	ssyncset.done $0x0  }
0x9d: {  	s29 =	simm.s32 $0x0;
	[sflag:s19] =	ssyncadd.s32 $0xFFFFC000  }
0x9e: {  	[tilespmem:s29], [sflag:$0x1] =	stream.linear.gather [hbm4b:s16+s29], $0x800, $0x38;
	[tilespmem:$0x1D000] =	vst v63  }
0x9f: {  	_ =	swait.ge [sflag:s19], $0x800  }
0xa0: {  	[sflag:s19] =	ssyncset.done $0x0  }
0xa1: {  	[sflag:s19] =	ssyncadd.s32 $0xFFFFF800  }
0xa2: {  	[tilespmem:s20], [sflag:$0x1] =	stream.linear.gather [hbm4b:s17+s29], $0x800, $0x38;
	[tilespmem:$0x1D000] =	vst v63  }
0xa3: {  	_ =	swait.ge [sflag:s19], $0x800  }
0xa4: {  	[sflag:s19] =	ssyncset.done $0x0  }
0xa5: {  	s30 =	simm.s32 $0x0;
	[sflag:s19] =	ssyncadd.s32 $0xFFFFF800  }
0xa6: {  	[tilespmem:s22], [sflag:$0x1] =	stream.indirect.gather [hbm4b:s3+s21], $0x80, s30, s21, $0xb8;
	[tilespmem:$0x1D000] =	vst v63  }
0xa7: {  	_ =	swait.ge [sflag:s19], $0x4000  }
0xa8: {  	[sflag:s19] =	ssyncset.done $0x0  }
0xa9: {  	s31 =	simm.s32 $0x800;
	[sflag:s19] =	ssyncadd.s32 $0xFFFFC000  }
0xaa: {  	[spmem:s1] =	stream.indirect.scatter.add.f32 [tilespmem:s22], [sflag:$0x1], $0x80, s31, s21, $0xb8;
	[tilespmem:$0x1D000] =	vst v63  }
0xab: {  	_ =	swait.ge [sflag:s19], $0x4000  }
0xac: {  	s28 =	simm.s32 $0x400;
	s26 =	simm.s32 $0x200;
	[sflag:s19] =	ssyncset.done $0x0  }
.LBB2_10:
0xad: {  	s29 =	sshra.s32 s26, $0x2  }
0xae: {  	[sflag:s19] =	ssyncadd.s32 $0xFFFFC000;
	s26 =	smov.u32 s28;
	s30 =	sadd.s32 $0x200, s28  }
0xaf: {  	[tilespmem:s22], [sflag:$0x1] =	stream.indirect.gather [hbm4b:s3+s21], $0x80, s29, s21, $0xb8;
	[tilespmem:$0x1D000] =	vst v63  }
0xb0: {  	p0 =	sne.s32 s28, $0x1E00;
	_ =	swait.ge [sflag:s19], $0x4000  }
.Ltmp4:
0xb1: {  	[sflag:s19] =	ssyncset.done $0x0;
	(pc) =	sbr.rel @p0 .LBB2_10-.Ltmp4, $4  }
0xb2: {  	s28 =	sadd.s32 $0x800, s29;
	[sflag:s19] =	ssyncadd.s32 $0xFFFFC000  }
0xb3: {  	[spmem:s1] =	stream.indirect.scatter.add.f32 [tilespmem:s22], [sflag:$0x1], $0x80, s28, s21, $0xb8;
	[tilespmem:$0x1D000] =	vst v63  }
0xb4: {  	_ =	swait.ge [sflag:s19], $0x4000  }
0xb5: {  	s28 =	smov.u32 s30;
	[sflag:s19] =	ssyncset.done $0x0  }
0xb6: {  	s26 =	sshra.s32 s26, $0x2;
	[sflag:s19] =	ssyncadd.s32 $0xFFFFC000  }
0xb7: {  	[tilespmem:s22], [sflag:$0x1] =	stream.indirect.gather [hbm4b:s3+s21], $0x80, s26, s21, $0xb8;
	[tilespmem:$0x1D000] =	vst v63  }
0xb8: {  	_ =	swait.ge [sflag:s19], $0x4000  }
0xb9: {  	[sflag:s19] =	ssyncset.done $0x0  }
0xba: {  	s26 =	sadd.s32 $0x800, s26;
	[sflag:s19] =	ssyncadd.s32 $0xFFFFC000  }
0xbb: {  	[spmem:s1] =	stream.indirect.scatter.add.f32 [tilespmem:s22], [sflag:$0x1], $0x80, s26, s21, $0xb8;
	[tilespmem:$0x1D000] =	vst v63  }
0xbc: {  	_ =	swait.ge [sflag:s19], $0x4000  }
0xbd: {  	s24 =	sadd.s32 $0x1, s24;
	[sflag:s19] =	ssyncset.done $0x0  }
0xbe: {  	p0 =	sne.s32 s24, s18;
	[sflag:s19] =	ssyncadd.s32 $0xFFFFC000  }
.Ltmp5:
0xbf: {  	[bflag:$0x0] =	sbarrier.arrive $0xFFFF;
	(pc) =	sbr.rel @p0 .LBB2_1-.Ltmp5, $4  }
0xc0: {  	[hbm:s23], [sflag:s7] =	dma.local [spmem:s25], $0x2800  }
0xc1: {  	_ =	swait.ge [sflag:s19], $0x2800  }
0xc2: {  	[sflag:s19] =	ssyncset.done $0x0  }
0xc3: {  	[sflag:s19] =	ssyncadd.s32 $0xFFFFD800  }
0xc4: {  	_ =	sfence.sel $0x180000  }
0xc5: {  	[bflag:$0x0] =	sbarrier.arrive $0xFFFF  }
0xc6: {  	p0 =	sne.s32 s4, $0x0;
	_ =	strace $0x9000004A  }
0xc7: {  	s0 =	sadd.s32 @!p0 $0x100000, s0;
	[bflag:$0x2] =	sbarrier.arrive $0xFFFF  }
0xc8: {  	[sflag:s0] =	ssyncadd.tile.s32 @!p0 $0x1;
	_ =	shalt  }
.Lfunc_end2:
_tile_overlayer_lowered:
.L_overlay_start_2:
0xc9: {  	(tag) =	ssettag $0x2  }
0xca: {  	s0 =	rddreg [dreg:$0x0];
	s2 =	stileid.u32  }
0xcb: {  	s1 =	rddreg [dreg:$0x1];
	p0 =	sne.s32 s2, $0x0  }
0xcc: {  	s3 =	rddreg [dreg:$0x2];
	[bflag:$0x3] =	sbarrier.arrive $0xFFFF;
	s2 =	simm.s32 @!p0 $0x1C01  }
0xcd: {  	[timem:s3], [sflag:s2] =	dma.local @!p0 [hbm:s0], s1  }
0xce: {  	s0 =	simm.s32 @!p0 $0x1  }
0xcf: {  	_ =	swait.ge @!p0 [sflag:s0], s1  }
0xd0: {  	s1 =	ssub.s32 @!p0 $0x0, s1;
	[sflag:s0] =	ssyncset.done @!p0 $0x0  }
0xd1: {  	[sflag:s0] =	ssyncadd.s32 @!p0 s1  }
0xd2: {  	[bflag:$0x3] =	sbarrier.arrive $0xFFFF  }
0xd3: {  	_ =	shalt  }

// kernel: kernel.18.cloned.1.call-start
scs
__scs_entry_jumppad:
0x0: {  	(pc) =	sbr.rel $0x88, $3  }
0x1: {  	(tag) =	ssettag $0x0;
	lr =	simm.s32 $0x1  }
0x2: {  	[smem:$0x3F97] =	sst lr;
	_ =	strace $0xD0000000  }
0x3: {  	_ = 	snop  }
0x4: {  	_ = 	snop  }
0x5: {  	_ = 	snop  }
0x6: {  	_ = 	snop  }
0x7: {  	_ = 	snop  }
__scs_overlays_trampoline_lowered:
0x8: {  	[smem:$0x3FA6] =	sst s0  }
0x9: {  	[smem:$0x3FA7] =	sst s1  }
0xa: {  	[smem:$0x3FA8] =	sst s2  }
0xb: {  	[smem:$0x3FA9] =	sst s3  }
0xc: {  	[smem:$0x3FAA] =	sst s4  }
0xd: {  	[smem:$0x3FAB] =	sst s5  }
0xe: {  	[smem:$0x3FAC] =	sst s6  }
0xf: {  	[smem:$0x3FAD] =	sst s7  }
0x10: {  	[smem:$0x3FAE] =	sst s8  }
0x11: {  	[smem:$0x3FAF] =	sst s9;
	s0 =	simm.s32 @!p0 $0x0  }
0x12: {  	s1 =	sld [smem:$0x3F95];
	s0 =	simm.s32 @p0 $0x1  }
0x13: {  	[smem:$0x3FB0] =	sst s0;
	s0 =	simm.s32 @!p1 $0x0  }
0x14: {  	s2 =	sld [smem:$0x3F94];
	s0 =	simm.s32 @p1 $0x1  }
0x15: {  	[smem:$0x3FB1] =	sst s0;
	s0 =	simm.s32 @!p2 $0x0  }
0x16: {  	s3 =	sld [smem:$0x3FDB];
	s0 =	simm.s32 @p2 $0x1  }
0x17: {  	s4 =	simm.s32 $0x1BF5;
	[smem:$0x3FB3] =	sst s0  }
0x18: {  	s0 =	sld [smem:$0x3F96];
	_ =	swait.ge [sflag:s4], $0x0  }
0x19: {  	s7 =	sld [smem:$0x3F97]  }
0x1a: {  	s8 =	sadd.s32 $0xFFFFE003, lr  }
0x1b: {  	s9 =	sadd.s32 $0xFFFFFEF7, lr;
	s5 =	simm.s32 $0xFFFFFFFF;
	p2 =	slt.u32 s8, $0xFFFFF086  }
0x1c: {  	p1 =	slt.u32 s9, $0xF7A;
	s5 =	simm.s32 @!p2 $0x0  }
0x1d: {  	s5 =	simm.s32 @p1 $0x1;
	p0 =	seq.s32 s7, s2  }
0x1e: {  	s7 =	smul.u32 @!p0 $0xF7A, s2;
	p2 =	seq.s32 @!p0 s5, $0x0  }
0x1f: {  	s9 =	smul.u32 $0xF7A, s1;
	s8 =	simm.s32 @!p0 $0x1BF5;
	p2 =	por !p2, p0  }
0x20: {  	[sflag:s8] =	ssyncset.s32 @!p0 $0xFFFFF086;
	s6 =	sadd.s32 @!p0 s3, s7;
	s7 =	simm.s32 @!p0 $0x108  }
0x21: {  	s3 =	sadd.s32 s3, s9;
	s6 =	sadd.s32 @!p0 $0x88, s6;
	s7 =	simm.s32 @p2 $0x1082  }
0x22: {  	[simem:s7], [sflag:s8] =	dma.local @!p0 [hbm:s6], $0xF7A  }
0x23: {  	s9 =	sor.u32 $0xD0000000, s2;
	s6 =	simm.s32 $0x108;
	_ =	swait.ge @!p0 [sflag:s8], $0x0  }
0x24: {  	s3 =	sadd.s32 $0x88, s3;
	s6 =	simm.s32 @!p1 $0x1082;
	[sflag:s4] =	ssyncset.s32 $0xFFFFF086  }
0x25: {  	[simem:s6], [sflag:s4] =	dma.local [hbm:s3], $0xF7A  }
0x26: {  	[smem:$0x3F97] =	sst s1;
	(tag) =	ssettag s2;
	_ =	strace s9  }
0x27: {  	s1 =	sld [smem:$0x3FA7]  }
0x28: {  	s2 =	sld [smem:$0x3FA8]  }
0x29: {  	s4 =	sld [smem:$0x3FAA]  }
0x2a: {  	p0 =	seq.s32 s5, $0x0;
	s5 =	sld [smem:$0x3FAB]  }
0x2b: {  	s6 =	sld [smem:$0x3FAC]  }
0x2c: {  	s7 =	sld [smem:$0x3FAD]  }
0x2d: {  	s3 =	simm.s32 $0x108;
	s8 =	sld [smem:$0x3FAE]  }
0x2e: {  	s3 =	simm.s32 @!p0 $0x1082;
	s9 =	sld [smem:$0x3FAF]  }
0x2f: {  	lr =	sadd.s32 s0, s3;
	s0 =	sld [smem:$0x3FA6]  }
0x30: {  	s3 =	sld [smem:$0x3FA9]  }
0x31: {  	[smem:$0x3FB2] =	sst s10  }
0x32: {  	s10 =	sld [smem:$0x3FB0];
	_ =	sdelay $0x3  }
0x33: {  	p0 =	seq.s32 s10, $0x1;
	s10 =	sld [smem:$0x3FB2];
	_ =	sdelay $0x3  }
0x34: {  	[smem:$0x3FB2] =	sst s10  }
0x35: {  	s10 =	sld [smem:$0x3FB1];
	_ =	sdelay $0x3  }
0x36: {  	p1 =	seq.s32 s10, $0x1;
	s10 =	sld [smem:$0x3FB2];
	_ =	sdelay $0x3  }
0x37: {  	[smem:$0x3FB2] =	sst s10  }
0x38: {  	s10 =	sld [smem:$0x3FB3]  }
0x39: {  	_ = 	snop;
	(pc) =	sbr.ind lr, $3  }
0x3a: {  	_ = 	snop  }
0x3b: {  	_ = 	snop  }
0x3c: {  	p2 =	seq.s32 s10, $0x1;
	s10 =	sld [smem:$0x3FB2]  }
0x3d: {  	_ =	shalt  }
0x3e: {  	_ =	shalt  }
0x3f: {  	_ =	shalt  }
0x40: {  	_ =	shalt  }
0x41: {  	_ =	shalt  }
0x42: {  	_ =	shalt  }
0x43: {  	_ =	shalt  }
0x44: {  	_ =	shalt  }
0x45: {  	_ =	shalt  }
0x46: {  	_ =	shalt  }
0x47: {  	_ =	shalt  }
0x48: {  	_ =	shalt  }
0x49: {  	_ =	shalt  }
0x4a: {  	_ =	shalt  }
0x4b: {  	_ =	shalt  }
0x4c: {  	_ =	shalt  }
0x4d: {  	_ =	shalt  }
0x4e: {  	_ =	shalt  }
0x4f: {  	_ =	shalt  }
0x50: {  	_ =	shalt  }
0x51: {  	_ =	shalt  }
0x52: {  	_ =	shalt  }
0x53: {  	_ =	shalt  }
0x54: {  	_ =	shalt  }
0x55: {  	_ =	shalt  }
0x56: {  	_ =	shalt  }
0x57: {  	_ =	shalt  }
0x58: {  	_ =	shalt  }
0x59: {  	_ =	shalt  }
0x5a: {  	_ =	shalt  }
0x5b: {  	_ =	shalt  }
0x5c: {  	_ =	shalt  }
0x5d: {  	_ =	shalt  }
0x5e: {  	_ =	shalt  }
0x5f: {  	_ =	shalt  }
0x60: {  	_ =	shalt  }
0x61: {  	_ =	shalt  }
0x62: {  	_ =	shalt  }
0x63: {  	_ =	shalt  }
0x64: {  	_ =	shalt  }
0x65: {  	_ =	shalt  }
0x66: {  	_ =	shalt  }
0x67: {  	_ =	shalt  }
0x68: {  	_ =	shalt  }
0x69: {  	_ =	shalt  }
0x6a: {  	_ =	shalt  }
0x6b: {  	_ =	shalt  }
0x6c: {  	_ =	shalt  }
0x6d: {  	_ =	shalt  }
0x6e: {  	_ =	shalt  }
0x6f: {  	_ =	shalt  }
0x70: {  	_ =	shalt  }
0x71: {  	_ =	shalt  }
0x72: {  	_ =	shalt  }
0x73: {  	_ =	shalt  }
0x74: {  	_ =	shalt  }
0x75: {  	_ =	shalt  }
0x76: {  	_ =	shalt  }
0x77: {  	_ =	shalt  }
0x78: {  	_ =	shalt  }
0x79: {  	_ =	shalt  }
0x7a: {  	_ =	shalt  }
0x7b: {  	_ =	shalt  }
0x7c: {  	_ =	shalt  }
0x7d: {  	_ =	shalt  }
0x7e: {  	_ =	shalt  }
0x7f: {  	_ =	shalt  }
0x80: {  	_ =	shalt  }
0x81: {  	_ =	shalt  }
0x82: {  	_ =	shalt  }
0x83: {  	_ =	shalt  }
0x84: {  	_ =	shalt  }
0x85: {  	_ =	shalt  }
0x86: {  	_ =	shalt  }
0x87: {  	_ =	shalt  }
.Lfunc_end0:
.L_simem_size_0:
called_computation.2_lowered:
.L_overlay_start_0:
0x88: {  	s2 =	sld [smem:$0x3FD9]  }
0x89: {  	s3 =	sld [smem:$0x3FFE];
	_ =	sdelay $0x1  }
0x8a: {  	s1 =	srdreg.scid  }
0x8b: {  	s0 =	sand.u32 $0x1, s1  }
0x8c: {  	s17 =	sshll.u32 s0, $0xA;
	s2 =	sadd.s32 s3, s2  }
0x8d: {  	s2 =	sadd.s32 s2, s17  }
0x8e: {  	[smem:$0x3FBE] =	sst s2  }
0x8f: {  	_ = 	snop  }
0x90: {  	s2 =	sld [smem:$0x3FD0];
	(tm) =	ssettm $0x1  }
0x91: {  	s18 =	sld [smem:$0x3FFB];
	_ =	sdelay $0x3  }
0x92: {  	_ =	strace s18  }
0x93: {  	s3 =	sld [smem:$0x3FFC];
	_ =	sdelay $0x3  }
0x94: {  	_ =	strace s3  }
0x95: {  	s3 =	sld [smem:$0x3FFD];
	_ =	sdelay $0x3  }
0x96: {  	_ =	strace s3  }
0x97: {  	_ =	strace $0x8FFFFFFF  }
0x98: {  	s19 =	sld [smem:$0x3FDB];
	_ =	sdelay $0x1  }
0x99: {  	s4 =	simm.s32 $_scs_section_size  }
0x9a: {  	s5 =	simm.s32 $_size__tile_overlayer_lowered;
	s6 =	simm.s32 $_tile_overlayer_lowered  }
0x9b: {  	s22 =	simm.s32 $0x1BFF;
	s21 =	sshll.u32 s6, $0x1;
	s3 =	sadd.s32 s4, s19  }
0x9c: {  	s7 =	simm.s32 $0x0;
	s20 =	sshll.u32 s5, $0x1;
	s5 =	sadd.s32 s21, s3  }
0x9d: {  	[timem:s7], [sflag:s22] =	dma.local [hbm:s5], s20  }
0x9e: {  	_ =	swait.ge [sflag:s22], s20  }
0x9f: {  	s4 =	ssub.s32 $0x0, s20;
	[sflag:s22] =	ssyncset.done $0x0  }
0xa0: {  	[sflag:s22] =	ssyncadd.s32 s4;
	_ =	sdelay $0x1  }
0xa1: {  	s23 =	simm.s32 $0x1B8B  }
0xa2: {  	_ =	swait.ge [sflag:s23], $0x1  }
0xa3: {  	[sflag:s23] =	ssyncset.done $0x0  }
0xa4: {  	s25 =	simm.s32 $0x1B8E;
	s24 =	sld [smem:$0x3FFE];
	[sflag:s23] =	ssyncadd.s32 $0xFFFFFFFF  }
0xa5: {  	s26 =	simm.s32 $execute0_lowered;
	[smem:$0x3FD2] =	sst s25  }
0xa6: {  	s5 =	sshll.u32 s26, $0x1;
	_ =	strace $0x8000004C;
	[dreg:$0x1] =	wrdreg $0xFFFFFFFF  }
0xa7: {  	s28 =	simm.s32 $_size_execute0_lowered;
	s3 =	sadd.s32 s3, s5;
	[dreg:$0x0] =	wrdreg $0x0  }
0xa8: {  	s5 =	sshll.u32 s28, $0x1;
	[dreg:$0x2] =	wrdreg s3  }
0xa9: {  	[dreg:$0x3] =	wrdreg s5  }
0xaa: {  	[dreg:$0x4] =	wrdreg $0xC0  }
0xab: {  	_ =	task [dreg:s7], $0x5FFFF  }
0xac: {  	[dreg:$0x1] =	wrdreg $0xFFFFFFFF  }
0xad: {  	[dreg:$0x0] =	wrdreg $0x60  }
0xae: {  	[dreg:$0x2] =	wrdreg s24  }
0xaf: {  	[dreg:$0x3] =	wrdreg s2  }
0xb0: {  	[dreg:$0x4] =	wrdreg $0x90000  }
0xb1: {  	[dreg:$0x5] =	wrdreg $0x9  }
0xb2: {  	_ =	task.clear_ibuf [dreg:s7], $0x6FFFF;
	_ =	strace $0x9000004C  }
0xb3: {  	s29 =	simm.s32 $0x9;
	_ =	strace $0x8000004E  }
0xb4: {  	_ =	swait.ge [sflag:s29], $0x1  }
0xb5: {  	[sflag:s29] =	ssyncadd.s32 $0xFFFFFFFF  }
0xb6: {  	_ =	strace $0x9000004E  }
0xb7: {  	_ =	sfence  }
0xb8: {  	s30 =	sld [smem:$0x0];
	_ =	sdelay $0x2  }
0xb9: {  	s31 =	sshll.u32 s1, $0xD;
	s1 =	sshrl.u32 s1, $0x2  }
0xba: {  	s3 =	sand.u32 $0x4000, s31;
	s1 =	sadd.s32 s1, s30  }
0xbb: {  	s0 =	sor.u32 s3, s0;
	s1 =	sshll.u32 s1, $0x11  }
0xbc: {  	s0 =	sor.u32 s1, s0  }
0xbd: {  	s0 =	sadd.s32 $0x8F2B, s0  }
0xbe: {  	[sflag:s0] =	ssyncadd.remote.s32 $0x1  }
0xbf: {  	_ =	sfence.sel $0xFFFF  }
0xc0: {  	[dreg:$0x0] =	wrdreg $0xFFFFFFFF;
	(pc) =	sbr.abs _section_cstart, $3  }
0xc1: {  	[dreg:$0x1] =	wrdreg $0xFFFFFFFF  }
0xc2: {  	_ =	task.clear_ibuf [dreg:s7], $0x2FFFF;
	_ =	strace $0x9FFFFFFF  }
0xc3: {  	(tm) =	ssettm $0x7FFFFFFF  }
tec
execute0_lowered:
.L_overlay_start_1:
0x0: {  	(tag) =	ssettag $0x1  }
0x1: {  	s6 =	rddreg [dreg:$0x0]  }
0x2: {  	s17 =	rddreg [dreg:$0x1]  }
0x3: {  	s1 =	rddreg [dreg:$0x2]  }
0x4: {  	s0 =	rddreg [dreg:$0x3];
	s2 =	simm.s32 $0x0;
	s4 =	srdreg.scid  }
0x5: {  	s22 =	simm.s32 $0x1000;
	[smem:$0x7FF] =	sst s2;
	s3 =	sadd.s32 $0x60E00, s6  }
0x6: {  	s16 =	sadd.s32 $0x56E00, s6;
	s5 =	sadd.s32 $0x4600, s6;
	s7 =	sand.u32 $0x1, s4  }
0x7: {  	s4 =	stileid.u32;
	_ =	strace $0x8000004D;
	s8 =	smul.u32 $0x28000, s7  }
0x8: {  	s9 =	sshll.u32 s7, $0x4;
	s7 =	ssub.s32 $0x2, s7;
	s10 =	smul.u32 $0x50000, s4  }
0x9: {  	s31 =	sshll.u32 s4, $0x6;
	s24 =	smul.u32 $0x2800, s4;
	s9 =	sor.u32 s4, s9  }
0xa: {  	s28 =	sshrl.u32 s7, $0x1;
	s18 =	sadd.s32 s8, s6;
	s29 =	smul.u32 $0x2800, s9  }
0xb: {  	s19 =	ssub.s32 s7, s28;
	s30 =	sshrl.u32 s10, $0x2;
	s9 =	smul.u32 $0x500, s9  }
0xc: {  	s7 =	sor.u32 $0x1C01, s31;
	s6 =	sadd.s32 s30, s1;
	s23 =	sadd.s32 $0x88E00, s18  }
0xd: {  	s18 =	smax.u32 s19, $0x1;
	s19 =	simm.s32 $0x1;
	s15 =	sshrl.u32 s29, $0x3  }
0xe: {  	s8 =	sadd.s32 s16, s9;
	s9 =	sadd.s32 s17, s9;
	s23 =	sadd.s32 s24, s23  }
0xf: {  	s24 =	simm.s32 $0x0;
	s11 =	sadd.s32 $0x100, s15;
	s13 =	sadd.s32 $0x200, s15  }
0x10: {  	s20 =	sadd.s32 $0x300, s15;
	s21 =	sadd.s32 $0x400, s15;
	s10 =	sadd.s32 s16, s11  }
0x11: {  	s11 =	sadd.s32 s17, s11;
	s12 =	sadd.s32 s16, s13;
	s13 =	sadd.s32 s17, s13  }
0x12: {  	s14 =	sadd.s32 s16, s20;
	s15 =	sadd.s32 s17, s20;
	s16 =	sadd.s32 s16, s21  }
0x13: {  	s17 =	sadd.s32 s17, s21;
	s20 =	simm.s32 $0x800;
	s21 =	simm.s32 $0x80  }
.LBB2_1:
0x14: {  	s25 =	sshrl.u32 s6, $0x3  }
0x15: {  	[spmem:s25], [sflag:s7] =	dma.local [hbm:s5], $0x2800  }
0x16: {  	_ =	swait.ge [sflag:s19], $0x2800  }
0x17: {  	[sflag:s19] =	ssyncset.done $0x0  }
0x18: {  	[sflag:s19] =	ssyncadd.s32 $0xFFFFD800  }
0x19: {  	[bflag:$0x0] =	sbarrier.arrive $0xFFFF  }
0x1a: {  	[tilespmem:s2], [sflag:$0x1] =	stream.linear.gather [hbm4b:s8+s2], $0x800, $0x38;
	[tilespmem:$0x1D000] =	vst v63  }
0x1b: {  	_ =	swait.ge [sflag:s19], $0x800  }
0x1c: {  	[sflag:s19] =	ssyncset.done $0x0  }
0x1d: {  	[sflag:s19] =	ssyncadd.s32 $0xFFFFF800  }
0x1e: {  	[tilespmem:s20], [sflag:$0x1] =	stream.linear.gather [hbm4b:s9+s2], $0x800, $0x38;
	[tilespmem:$0x1D000] =	vst v63  }
0x1f: {  	_ =	swait.ge [sflag:s19], $0x800  }
0x20: {  	[sflag:s19] =	ssyncset.done $0x0  }
0x21: {  	s26 =	simm.s32 $0x0;
	[sflag:s19] =	ssyncadd.s32 $0xFFFFF800  }
0x22: {  	[tilespmem:s22], [sflag:$0x1] =	stream.indirect.gather [hbm4b:s3+s21], $0x80, s26, s21, $0xb8;
	[tilespmem:$0x1D000] =	vst v63  }
0x23: {  	_ =	swait.ge [sflag:s19], $0x4000  }
0x24: {  	[sflag:s19] =	ssyncset.done $0x0  }
0x25: {  	s31 =	simm.s32 $0x800;
	[sflag:s19] =	ssyncadd.s32 $0xFFFFC000  }
0x26: {  	[spmem:s1] =	stream.indirect.scatter.add.f32 [tilespmem:s22], [sflag:$0x1], $0x80, s31, s21, $0xb8;
	[tilespmem:$0x1D000] =	vst v63  }
0x27: {  	_ =	swait.ge [sflag:s19], $0x4000  }
0x28: {  	s28 =	simm.s32 $0x400;
	s26 =	simm.s32 $0x200;
	[sflag:s19] =	ssyncset.done $0x0  }
.LBB2_2:
0x29: {  	s29 =	sshra.s32 s26, $0x2  }
0x2a: {  	[sflag:s19] =	ssyncadd.s32 $0xFFFFC000;
	s26 =	smov.u32 s28;
	s30 =	sadd.s32 $0x200, s28  }
0x2b: {  	[tilespmem:s22], [sflag:$0x1] =	stream.indirect.gather [hbm4b:s3+s21], $0x80, s29, s21, $0xb8;
	[tilespmem:$0x1D000] =	vst v63  }
0x2c: {  	p0 =	sne.s32 s28, $0x1E00;
	_ =	swait.ge [sflag:s19], $0x4000  }
.Ltmp0:
0x2d: {  	[sflag:s19] =	ssyncset.done $0x0;
	(pc) =	sbr.rel @p0 .LBB2_2-.Ltmp0, $4  }
0x2e: {  	s28 =	sadd.s32 $0x800, s29;
	[sflag:s19] =	ssyncadd.s32 $0xFFFFC000  }
0x2f: {  	[spmem:s1] =	stream.indirect.scatter.add.f32 [tilespmem:s22], [sflag:$0x1], $0x80, s28, s21, $0xb8;
	[tilespmem:$0x1D000] =	vst v63  }
0x30: {  	_ =	swait.ge [sflag:s19], $0x4000  }
0x31: {  	s28 =	smov.u32 s30;
	[sflag:s19] =	ssyncset.done $0x0  }
0x32: {  	s26 =	sshra.s32 s26, $0x2;
	[sflag:s19] =	ssyncadd.s32 $0xFFFFC000  }
0x33: {  	[tilespmem:s22], [sflag:$0x1] =	stream.indirect.gather [hbm4b:s3+s21], $0x80, s26, s21, $0xb8;
	[tilespmem:$0x1D000] =	vst v63  }
0x34: {  	_ =	swait.ge [sflag:s19], $0x4000  }
0x35: {  	[sflag:s19] =	ssyncset.done $0x0  }
0x36: {  	s26 =	sadd.s32 $0x800, s26;
	[sflag:s19] =	ssyncadd.s32 $0xFFFFC000  }
0x37: {  	[spmem:s1] =	stream.indirect.scatter.add.f32 [tilespmem:s22], [sflag:$0x1], $0x80, s26, s21, $0xb8;
	[tilespmem:$0x1D000] =	vst v63  }
0x38: {  	_ =	swait.ge [sflag:s19], $0x4000  }
0x39: {  	[sflag:s19] =	ssyncset.done $0x0  }
0x3a: {  	s29 =	simm.s32 $0x0;
	[sflag:s19] =	ssyncadd.s32 $0xFFFFC000  }
0x3b: {  	[tilespmem:s29], [sflag:$0x1] =	stream.linear.gather [hbm4b:s10+s29], $0x800, $0x38;
	[tilespmem:$0x1D000] =	vst v63  }
0x3c: {  	_ =	swait.ge [sflag:s19], $0x800  }
0x3d: {  	[sflag:s19] =	ssyncset.done $0x0  }
0x3e: {  	[sflag:s19] =	ssyncadd.s32 $0xFFFFF800  }
0x3f: {  	[tilespmem:s20], [sflag:$0x1] =	stream.linear.gather [hbm4b:s11+s29], $0x800, $0x38;
	[tilespmem:$0x1D000] =	vst v63  }
0x40: {  	_ =	swait.ge [sflag:s19], $0x800  }
0x41: {  	[sflag:s19] =	ssyncset.done $0x0  }
0x42: {  	s30 =	simm.s32 $0x0;
	[sflag:s19] =	ssyncadd.s32 $0xFFFFF800  }
0x43: {  	[tilespmem:s22], [sflag:$0x1] =	stream.indirect.gather [hbm4b:s3+s21], $0x80, s30, s21, $0xb8;
	[tilespmem:$0x1D000] =	vst v63  }
0x44: {  	_ =	swait.ge [sflag:s19], $0x4000  }
0x45: {  	[sflag:s19] =	ssyncset.done $0x0  }
0x46: {  	s31 =	simm.s32 $0x800;
	[sflag:s19] =	ssyncadd.s32 $0xFFFFC000  }
0x47: {  	[spmem:s1] =	stream.indirect.scatter.add.f32 [tilespmem:s22], [sflag:$0x1], $0x80, s31, s21, $0xb8;
	[tilespmem:$0x1D000] =	vst v63  }
0x48: {  	_ =	swait.ge [sflag:s19], $0x4000  }
0x49: {  	s28 =	simm.s32 $0x400;
	s26 =	simm.s32 $0x200;
	[sflag:s19] =	ssyncset.done $0x0  }
.LBB2_4:
0x4a: {  	s29 =	sshra.s32 s26, $0x2  }
0x4b: {  	[sflag:s19] =	ssyncadd.s32 $0xFFFFC000;
	s26 =	smov.u32 s28;
	s30 =	sadd.s32 $0x200, s28  }
0x4c: {  	[tilespmem:s22], [sflag:$0x1] =	stream.indirect.gather [hbm4b:s3+s21], $0x80, s29, s21, $0xb8;
	[tilespmem:$0x1D000] =	vst v63  }
0x4d: {  	p0 =	sne.s32 s28, $0x1E00;
	_ =	swait.ge [sflag:s19], $0x4000  }
.Ltmp1:
0x4e: {  	[sflag:s19] =	ssyncset.done $0x0;
	(pc) =	sbr.rel @p0 .LBB2_4-.Ltmp1, $4  }
0x4f: {  	s28 =	sadd.s32 $0x800, s29;
	[sflag:s19] =	ssyncadd.s32 $0xFFFFC000  }
0x50: {  	[spmem:s1] =	stream.indirect.scatter.add.f32 [tilespmem:s22], [sflag:$0x1], $0x80, s28, s21, $0xb8;
	[tilespmem:$0x1D000] =	vst v63  }
0x51: {  	_ =	swait.ge [sflag:s19], $0x4000  }
0x52: {  	s28 =	smov.u32 s30;
	[sflag:s19] =	ssyncset.done $0x0  }
0x53: {  	s26 =	sshra.s32 s26, $0x2;
	[sflag:s19] =	ssyncadd.s32 $0xFFFFC000  }
0x54: {  	[tilespmem:s22], [sflag:$0x1] =	stream.indirect.gather [hbm4b:s3+s21], $0x80, s26, s21, $0xb8;
	[tilespmem:$0x1D000] =	vst v63  }
0x55: {  	_ =	swait.ge [sflag:s19], $0x4000  }
0x56: {  	[sflag:s19] =	ssyncset.done $0x0  }
0x57: {  	s26 =	sadd.s32 $0x800, s26;
	[sflag:s19] =	ssyncadd.s32 $0xFFFFC000  }
0x58: {  	[spmem:s1] =	stream.indirect.scatter.add.f32 [tilespmem:s22], [sflag:$0x1], $0x80, s26, s21, $0xb8;
	[tilespmem:$0x1D000] =	vst v63  }
0x59: {  	_ =	swait.ge [sflag:s19], $0x4000  }
0x5a: {  	[sflag:s19] =	ssyncset.done $0x0  }
0x5b: {  	s29 =	simm.s32 $0x0;
	[sflag:s19] =	ssyncadd.s32 $0xFFFFC000  }
0x5c: {  	[tilespmem:s29], [sflag:$0x1] =	stream.linear.gather [hbm4b:s12+s29], $0x800, $0x38;
	[tilespmem:$0x1D000] =	vst v63  }
0x5d: {  	_ =	swait.ge [sflag:s19], $0x800  }
0x5e: {  	[sflag:s19] =	ssyncset.done $0x0  }
0x5f: {  	[sflag:s19] =	ssyncadd.s32 $0xFFFFF800  }
0x60: {  	[tilespmem:s20], [sflag:$0x1] =	stream.linear.gather [hbm4b:s13+s29], $0x800, $0x38;
	[tilespmem:$0x1D000] =	vst v63  }
0x61: {  	_ =	swait.ge [sflag:s19], $0x800  }
0x62: {  	[sflag:s19] =	ssyncset.done $0x0  }
0x63: {  	s30 =	simm.s32 $0x0;
	[sflag:s19] =	ssyncadd.s32 $0xFFFFF800  }
0x64: {  	[tilespmem:s22], [sflag:$0x1] =	stream.indirect.gather [hbm4b:s3+s21], $0x80, s30, s21, $0xb8;
	[tilespmem:$0x1D000] =	vst v63  }
0x65: {  	_ =	swait.ge [sflag:s19], $0x4000  }
0x66: {  	[sflag:s19] =	ssyncset.done $0x0  }
0x67: {  	s31 =	simm.s32 $0x800;
	[sflag:s19] =	ssyncadd.s32 $0xFFFFC000  }
0x68: {  	[spmem:s1] =	stream.indirect.scatter.add.f32 [tilespmem:s22], [sflag:$0x1], $0x80, s31, s21, $0xb8;
	[tilespmem:$0x1D000] =	vst v63  }
0x69: {  	_ =	swait.ge [sflag:s19], $0x4000  }
0x6a: {  	s28 =	simm.s32 $0x400;
	s26 =	simm.s32 $0x200;
	[sflag:s19] =	ssyncset.done $0x0  }
.LBB2_6:
0x6b: {  	s29 =	sshra.s32 s26, $0x2  }
0x6c: {  	[sflag:s19] =	ssyncadd.s32 $0xFFFFC000;
	s26 =	smov.u32 s28;
	s30 =	sadd.s32 $0x200, s28  }
0x6d: {  	[tilespmem:s22], [sflag:$0x1] =	stream.indirect.gather [hbm4b:s3+s21], $0x80, s29, s21, $0xb8;
	[tilespmem:$0x1D000] =	vst v63  }
0x6e: {  	p0 =	sne.s32 s28, $0x1E00;
	_ =	swait.ge [sflag:s19], $0x4000  }
.Ltmp2:
0x6f: {  	[sflag:s19] =	ssyncset.done $0x0;
	(pc) =	sbr.rel @p0 .LBB2_6-.Ltmp2, $4  }
0x70: {  	s28 =	sadd.s32 $0x800, s29;
	[sflag:s19] =	ssyncadd.s32 $0xFFFFC000  }
0x71: {  	[spmem:s1] =	stream.indirect.scatter.add.f32 [tilespmem:s22], [sflag:$0x1], $0x80, s28, s21, $0xb8;
	[tilespmem:$0x1D000] =	vst v63  }
0x72: {  	_ =	swait.ge [sflag:s19], $0x4000  }
0x73: {  	s28 =	smov.u32 s30;
	[sflag:s19] =	ssyncset.done $0x0  }
0x74: {  	s26 =	sshra.s32 s26, $0x2;
	[sflag:s19] =	ssyncadd.s32 $0xFFFFC000  }
0x75: {  	[tilespmem:s22], [sflag:$0x1] =	stream.indirect.gather [hbm4b:s3+s21], $0x80, s26, s21, $0xb8;
	[tilespmem:$0x1D000] =	vst v63  }
0x76: {  	_ =	swait.ge [sflag:s19], $0x4000  }
0x77: {  	[sflag:s19] =	ssyncset.done $0x0  }
0x78: {  	s26 =	sadd.s32 $0x800, s26;
	[sflag:s19] =	ssyncadd.s32 $0xFFFFC000  }
0x79: {  	[spmem:s1] =	stream.indirect.scatter.add.f32 [tilespmem:s22], [sflag:$0x1], $0x80, s26, s21, $0xb8;
	[tilespmem:$0x1D000] =	vst v63  }
0x7a: {  	_ =	swait.ge [sflag:s19], $0x4000  }
0x7b: {  	[sflag:s19] =	ssyncset.done $0x0  }
0x7c: {  	s29 =	simm.s32 $0x0;
	[sflag:s19] =	ssyncadd.s32 $0xFFFFC000  }
0x7d: {  	[tilespmem:s29], [sflag:$0x1] =	stream.linear.gather [hbm4b:s14+s29], $0x800, $0x38;
	[tilespmem:$0x1D000] =	vst v63  }
0x7e: {  	_ =	swait.ge [sflag:s19], $0x800  }
0x7f: {  	[sflag:s19] =	ssyncset.done $0x0  }
0x80: {  	[sflag:s19] =	ssyncadd.s32 $0xFFFFF800  }
0x81: {  	[tilespmem:s20], [sflag:$0x1] =	stream.linear.gather [hbm4b:s15+s29], $0x800, $0x38;
	[tilespmem:$0x1D000] =	vst v63  }
0x82: {  	_ =	swait.ge [sflag:s19], $0x800  }
0x83: {  	[sflag:s19] =	ssyncset.done $0x0  }
0x84: {  	s30 =	simm.s32 $0x0;
	[sflag:s19] =	ssyncadd.s32 $0xFFFFF800  }
0x85: {  	[tilespmem:s22], [sflag:$0x1] =	stream.indirect.gather [hbm4b:s3+s21], $0x80, s30, s21, $0xb8;
	[tilespmem:$0x1D000] =	vst v63  }
0x86: {  	_ =	swait.ge [sflag:s19], $0x4000  }
0x87: {  	[sflag:s19] =	ssyncset.done $0x0  }
0x88: {  	s31 =	simm.s32 $0x800;
	[sflag:s19] =	ssyncadd.s32 $0xFFFFC000  }
0x89: {  	[spmem:s1] =	stream.indirect.scatter.add.f32 [tilespmem:s22], [sflag:$0x1], $0x80, s31, s21, $0xb8;
	[tilespmem:$0x1D000] =	vst v63  }
0x8a: {  	_ =	swait.ge [sflag:s19], $0x4000  }
0x8b: {  	s28 =	simm.s32 $0x400;
	s26 =	simm.s32 $0x200;
	[sflag:s19] =	ssyncset.done $0x0  }
.LBB2_8:
0x8c: {  	s29 =	sshra.s32 s26, $0x2  }
0x8d: {  	[sflag:s19] =	ssyncadd.s32 $0xFFFFC000;
	s26 =	smov.u32 s28;
	s30 =	sadd.s32 $0x200, s28  }
0x8e: {  	[tilespmem:s22], [sflag:$0x1] =	stream.indirect.gather [hbm4b:s3+s21], $0x80, s29, s21, $0xb8;
	[tilespmem:$0x1D000] =	vst v63  }
0x8f: {  	p0 =	sne.s32 s28, $0x1E00;
	_ =	swait.ge [sflag:s19], $0x4000  }
.Ltmp3:
0x90: {  	[sflag:s19] =	ssyncset.done $0x0;
	(pc) =	sbr.rel @p0 .LBB2_8-.Ltmp3, $4  }
0x91: {  	s28 =	sadd.s32 $0x800, s29;
	[sflag:s19] =	ssyncadd.s32 $0xFFFFC000  }
0x92: {  	[spmem:s1] =	stream.indirect.scatter.add.f32 [tilespmem:s22], [sflag:$0x1], $0x80, s28, s21, $0xb8;
	[tilespmem:$0x1D000] =	vst v63  }
0x93: {  	_ =	swait.ge [sflag:s19], $0x4000  }
0x94: {  	s28 =	smov.u32 s30;
	[sflag:s19] =	ssyncset.done $0x0  }
0x95: {  	s26 =	sshra.s32 s26, $0x2;
	[sflag:s19] =	ssyncadd.s32 $0xFFFFC000  }
0x96: {  	[tilespmem:s22], [sflag:$0x1] =	stream.indirect.gather [hbm4b:s3+s21], $0x80, s26, s21, $0xb8;
	[tilespmem:$0x1D000] =	vst v63  }
0x97: {  	_ =	swait.ge [sflag:s19], $0x4000  }
0x98: {  	[sflag:s19] =	ssyncset.done $0x0  }
0x99: {  	s26 =	sadd.s32 $0x800, s26;
	[sflag:s19] =	ssyncadd.s32 $0xFFFFC000  }
0x9a: {  	[spmem:s1] =	stream.indirect.scatter.add.f32 [tilespmem:s22], [sflag:$0x1], $0x80, s26, s21, $0xb8;
	[tilespmem:$0x1D000] =	vst v63  }
0x9b: {  	_ =	swait.ge [sflag:s19], $0x4000  }
0x9c: {  	[sflag:s19] =	ssyncset.done $0x0  }
0x9d: {  	s29 =	simm.s32 $0x0;
	[sflag:s19] =	ssyncadd.s32 $0xFFFFC000  }
0x9e: {  	[tilespmem:s29], [sflag:$0x1] =	stream.linear.gather [hbm4b:s16+s29], $0x800, $0x38;
	[tilespmem:$0x1D000] =	vst v63  }
0x9f: {  	_ =	swait.ge [sflag:s19], $0x800  }
0xa0: {  	[sflag:s19] =	ssyncset.done $0x0  }
0xa1: {  	[sflag:s19] =	ssyncadd.s32 $0xFFFFF800  }
0xa2: {  	[tilespmem:s20], [sflag:$0x1] =	stream.linear.gather [hbm4b:s17+s29], $0x800, $0x38;
	[tilespmem:$0x1D000] =	vst v63  }
0xa3: {  	_ =	swait.ge [sflag:s19], $0x800  }
0xa4: {  	[sflag:s19] =	ssyncset.done $0x0  }
0xa5: {  	s30 =	simm.s32 $0x0;
	[sflag:s19] =	ssyncadd.s32 $0xFFFFF800  }
0xa6: {  	[tilespmem:s22], [sflag:$0x1] =	stream.indirect.gather [hbm4b:s3+s21], $0x80, s30, s21, $0xb8;
	[tilespmem:$0x1D000] =	vst v63  }
0xa7: {  	_ =	swait.ge [sflag:s19], $0x4000  }
0xa8: {  	[sflag:s19] =	ssyncset.done $0x0  }
0xa9: {  	s31 =	simm.s32 $0x800;
	[sflag:s19] =	ssyncadd.s32 $0xFFFFC000  }
0xaa: {  	[spmem:s1] =	stream.indirect.scatter.add.f32 [tilespmem:s22], [sflag:$0x1], $0x80, s31, s21, $0xb8;
	[tilespmem:$0x1D000] =	vst v63  }
0xab: {  	_ =	swait.ge [sflag:s19], $0x4000  }
0xac: {  	s28 =	simm.s32 $0x400;
	s26 =	simm.s32 $0x200;
	[sflag:s19] =	ssyncset.done $0x0  }
.LBB2_10:
0xad: {  	s29 =	sshra.s32 s26, $0x2  }
0xae: {  	[sflag:s19] =	ssyncadd.s32 $0xFFFFC000;
	s26 =	smov.u32 s28;
	s30 =	sadd.s32 $0x200, s28  }
0xaf: {  	[tilespmem:s22], [sflag:$0x1] =	stream.indirect.gather [hbm4b:s3+s21], $0x80, s29, s21, $0xb8;
	[tilespmem:$0x1D000] =	vst v63  }
0xb0: {  	p0 =	sne.s32 s28, $0x1E00;
	_ =	swait.ge [sflag:s19], $0x4000  }
.Ltmp4:
0xb1: {  	[sflag:s19] =	ssyncset.done $0x0;
	(pc) =	sbr.rel @p0 .LBB2_10-.Ltmp4, $4  }
0xb2: {  	s28 =	sadd.s32 $0x800, s29;
	[sflag:s19] =	ssyncadd.s32 $0xFFFFC000  }
0xb3: {  	[spmem:s1] =	stream.indirect.scatter.add.f32 [tilespmem:s22], [sflag:$0x1], $0x80, s28, s21, $0xb8;
	[tilespmem:$0x1D000] =	vst v63  }
0xb4: {  	_ =	swait.ge [sflag:s19], $0x4000  }
0xb5: {  	s28 =	smov.u32 s30;
	[sflag:s19] =	ssyncset.done $0x0  }
0xb6: {  	s26 =	sshra.s32 s26, $0x2;
	[sflag:s19] =	ssyncadd.s32 $0xFFFFC000  }
0xb7: {  	[tilespmem:s22], [sflag:$0x1] =	stream.indirect.gather [hbm4b:s3+s21], $0x80, s26, s21, $0xb8;
	[tilespmem:$0x1D000] =	vst v63  }
0xb8: {  	_ =	swait.ge [sflag:s19], $0x4000  }
0xb9: {  	[sflag:s19] =	ssyncset.done $0x0  }
0xba: {  	s26 =	sadd.s32 $0x800, s26;
	[sflag:s19] =	ssyncadd.s32 $0xFFFFC000  }
0xbb: {  	[spmem:s1] =	stream.indirect.scatter.add.f32 [tilespmem:s22], [sflag:$0x1], $0x80, s26, s21, $0xb8;
	[tilespmem:$0x1D000] =	vst v63  }
0xbc: {  	_ =	swait.ge [sflag:s19], $0x4000  }
0xbd: {  	s24 =	sadd.s32 $0x1, s24;
	[sflag:s19] =	ssyncset.done $0x0  }
0xbe: {  	p0 =	sne.s32 s24, s18;
	[sflag:s19] =	ssyncadd.s32 $0xFFFFC000  }
.Ltmp5:
0xbf: {  	[bflag:$0x0] =	sbarrier.arrive $0xFFFF;
	(pc) =	sbr.rel @p0 .LBB2_1-.Ltmp5, $4  }
0xc0: {  	[hbm:s23], [sflag:s7] =	dma.local [spmem:s25], $0x2800  }
0xc1: {  	_ =	swait.ge [sflag:s19], $0x2800  }
0xc2: {  	[sflag:s19] =	ssyncset.done $0x0  }
0xc3: {  	[sflag:s19] =	ssyncadd.s32 $0xFFFFD800  }
0xc4: {  	_ =	sfence.sel $0x180000  }
0xc5: {  	[bflag:$0x0] =	sbarrier.arrive $0xFFFF  }
0xc6: {  	p0 =	sne.s32 s4, $0x0;
	_ =	strace $0x9000004D  }
0xc7: {  	s0 =	sadd.s32 @!p0 $0x100000, s0;
	[bflag:$0x2] =	sbarrier.arrive $0xFFFF  }
0xc8: {  	[sflag:s0] =	ssyncadd.tile.s32 @!p0 $0x1;
	_ =	shalt  }
.Lfunc_end2:
_tile_overlayer_lowered:
.L_overlay_start_2:
0xc9: {  	(tag) =	ssettag $0x2  }
0xca: {  	s0 =	rddreg [dreg:$0x0];
	s2 =	stileid.u32  }
0xcb: {  	s1 =	rddreg [dreg:$0x1];
	p0 =	sne.s32 s2, $0x0  }
0xcc: {  	s3 =	rddreg [dreg:$0x2];
	[bflag:$0x3] =	sbarrier.arrive $0xFFFF;
	s2 =	simm.s32 @!p0 $0x1C01  }
0xcd: {  	[timem:s3], [sflag:s2] =	dma.local @!p0 [hbm:s0], s1  }
0xce: {  	s0 =	simm.s32 @!p0 $0x1  }
0xcf: {  	_ =	swait.ge @!p0 [sflag:s0], s1  }
0xd0: {  	s1 =	ssub.s32 @!p0 $0x0, s1;
	[sflag:s0] =	ssyncset.done @!p0 $0x0  }
0xd1: {  	[sflag:s0] =	ssyncadd.s32 @!p0 s1  }
0xd2: {  	[bflag:$0x3] =	sbarrier.arrive $0xFFFF  }
0xd3: {  	_ =	shalt  }

// kernel: kernel.21.cloned.1.call-start
scs
__scs_entry_jumppad:
0x0: {  	(pc) =	sbr.rel $0x88, $3  }
0x1: {  	(tag) =	ssettag $0x0;
	lr =	simm.s32 $0x1  }
0x2: {  	[smem:$0x3F97] =	sst lr;
	_ =	strace $0xD0000000  }
0x3: {  	_ = 	snop  }
0x4: {  	_ = 	snop  }
0x5: {  	_ = 	snop  }
0x6: {  	_ = 	snop  }
0x7: {  	_ = 	snop  }
__scs_overlays_trampoline_lowered:
0x8: {  	[smem:$0x3FA6] =	sst s0  }
0x9: {  	[smem:$0x3FA7] =	sst s1  }
0xa: {  	[smem:$0x3FA8] =	sst s2  }
0xb: {  	[smem:$0x3FA9] =	sst s3  }
0xc: {  	[smem:$0x3FAA] =	sst s4  }
0xd: {  	[smem:$0x3FAB] =	sst s5  }
0xe: {  	[smem:$0x3FAC] =	sst s6  }
0xf: {  	[smem:$0x3FAD] =	sst s7  }
0x10: {  	[smem:$0x3FAE] =	sst s8  }
0x11: {  	[smem:$0x3FAF] =	sst s9;
	s0 =	simm.s32 @!p0 $0x0  }
0x12: {  	s1 =	sld [smem:$0x3F95];
	s0 =	simm.s32 @p0 $0x1  }
0x13: {  	[smem:$0x3FB0] =	sst s0;
	s0 =	simm.s32 @!p1 $0x0  }
0x14: {  	s2 =	sld [smem:$0x3F94];
	s0 =	simm.s32 @p1 $0x1  }
0x15: {  	[smem:$0x3FB1] =	sst s0;
	s0 =	simm.s32 @!p2 $0x0  }
0x16: {  	s3 =	sld [smem:$0x3FDB];
	s0 =	simm.s32 @p2 $0x1  }
0x17: {  	s4 =	simm.s32 $0x1BF5;
	[smem:$0x3FB3] =	sst s0  }
0x18: {  	s0 =	sld [smem:$0x3F96];
	_ =	swait.ge [sflag:s4], $0x0  }
0x19: {  	s7 =	sld [smem:$0x3F97]  }
0x1a: {  	s8 =	sadd.s32 $0xFFFFE003, lr  }
0x1b: {  	s9 =	sadd.s32 $0xFFFFFEF7, lr;
	s5 =	simm.s32 $0xFFFFFFFF;
	p2 =	slt.u32 s8, $0xFFFFF086  }
0x1c: {  	p1 =	slt.u32 s9, $0xF7A;
	s5 =	simm.s32 @!p2 $0x0  }
0x1d: {  	s5 =	simm.s32 @p1 $0x1;
	p0 =	seq.s32 s7, s2  }
0x1e: {  	s7 =	smul.u32 @!p0 $0xF7A, s2;
	p2 =	seq.s32 @!p0 s5, $0x0  }
0x1f: {  	s9 =	smul.u32 $0xF7A, s1;
	s8 =	simm.s32 @!p0 $0x1BF5;
	p2 =	por !p2, p0  }
0x20: {  	[sflag:s8] =	ssyncset.s32 @!p0 $0xFFFFF086;
	s6 =	sadd.s32 @!p0 s3, s7;
	s7 =	simm.s32 @!p0 $0x108  }
0x21: {  	s3 =	sadd.s32 s3, s9;
	s6 =	sadd.s32 @!p0 $0x88, s6;
	s7 =	simm.s32 @p2 $0x1082  }
0x22: {  	[simem:s7], [sflag:s8] =	dma.local @!p0 [hbm:s6], $0xF7A  }
0x23: {  	s9 =	sor.u32 $0xD0000000, s2;
	s6 =	simm.s32 $0x108;
	_ =	swait.ge @!p0 [sflag:s8], $0x0  }
0x24: {  	s3 =	sadd.s32 $0x88, s3;
	s6 =	simm.s32 @!p1 $0x1082;
	[sflag:s4] =	ssyncset.s32 $0xFFFFF086  }
0x25: {  	[simem:s6], [sflag:s4] =	dma.local [hbm:s3], $0xF7A  }
0x26: {  	[smem:$0x3F97] =	sst s1;
	(tag) =	ssettag s2;
	_ =	strace s9  }
0x27: {  	s1 =	sld [smem:$0x3FA7]  }
0x28: {  	s2 =	sld [smem:$0x3FA8]  }
0x29: {  	s4 =	sld [smem:$0x3FAA]  }
0x2a: {  	p0 =	seq.s32 s5, $0x0;
	s5 =	sld [smem:$0x3FAB]  }
0x2b: {  	s6 =	sld [smem:$0x3FAC]  }
0x2c: {  	s7 =	sld [smem:$0x3FAD]  }
0x2d: {  	s3 =	simm.s32 $0x108;
	s8 =	sld [smem:$0x3FAE]  }
0x2e: {  	s3 =	simm.s32 @!p0 $0x1082;
	s9 =	sld [smem:$0x3FAF]  }
0x2f: {  	lr =	sadd.s32 s0, s3;
	s0 =	sld [smem:$0x3FA6]  }
0x30: {  	s3 =	sld [smem:$0x3FA9]  }
0x31: {  	[smem:$0x3FB2] =	sst s10  }
0x32: {  	s10 =	sld [smem:$0x3FB0];
	_ =	sdelay $0x3  }
0x33: {  	p0 =	seq.s32 s10, $0x1;
	s10 =	sld [smem:$0x3FB2];
	_ =	sdelay $0x3  }
0x34: {  	[smem:$0x3FB2] =	sst s10  }
0x35: {  	s10 =	sld [smem:$0x3FB1];
	_ =	sdelay $0x3  }
0x36: {  	p1 =	seq.s32 s10, $0x1;
	s10 =	sld [smem:$0x3FB2];
	_ =	sdelay $0x3  }
0x37: {  	[smem:$0x3FB2] =	sst s10  }
0x38: {  	s10 =	sld [smem:$0x3FB3]  }
0x39: {  	_ = 	snop;
	(pc) =	sbr.ind lr, $3  }
0x3a: {  	_ = 	snop  }
0x3b: {  	_ = 	snop  }
0x3c: {  	p2 =	seq.s32 s10, $0x1;
	s10 =	sld [smem:$0x3FB2]  }
0x3d: {  	_ =	shalt  }
0x3e: {  	_ =	shalt  }
0x3f: {  	_ =	shalt  }
0x40: {  	_ =	shalt  }
0x41: {  	_ =	shalt  }
0x42: {  	_ =	shalt  }
0x43: {  	_ =	shalt  }
0x44: {  	_ =	shalt  }
0x45: {  	_ =	shalt  }
0x46: {  	_ =	shalt  }
0x47: {  	_ =	shalt  }
0x48: {  	_ =	shalt  }
0x49: {  	_ =	shalt  }
0x4a: {  	_ =	shalt  }
0x4b: {  	_ =	shalt  }
0x4c: {  	_ =	shalt  }
0x4d: {  	_ =	shalt  }
0x4e: {  	_ =	shalt  }
0x4f: {  	_ =	shalt  }
0x50: {  	_ =	shalt  }
0x51: {  	_ =	shalt  }
0x52: {  	_ =	shalt  }
0x53: {  	_ =	shalt  }
0x54: {  	_ =	shalt  }
0x55: {  	_ =	shalt  }
0x56: {  	_ =	shalt  }
0x57: {  	_ =	shalt  }
0x58: {  	_ =	shalt  }
0x59: {  	_ =	shalt  }
0x5a: {  	_ =	shalt  }
0x5b: {  	_ =	shalt  }
0x5c: {  	_ =	shalt  }
0x5d: {  	_ =	shalt  }
0x5e: {  	_ =	shalt  }
0x5f: {  	_ =	shalt  }
0x60: {  	_ =	shalt  }
0x61: {  	_ =	shalt  }
0x62: {  	_ =	shalt  }
0x63: {  	_ =	shalt  }
0x64: {  	_ =	shalt  }
0x65: {  	_ =	shalt  }
0x66: {  	_ =	shalt  }
0x67: {  	_ =	shalt  }
0x68: {  	_ =	shalt  }
0x69: {  	_ =	shalt  }
0x6a: {  	_ =	shalt  }
0x6b: {  	_ =	shalt  }
0x6c: {  	_ =	shalt  }
0x6d: {  	_ =	shalt  }
0x6e: {  	_ =	shalt  }
0x6f: {  	_ =	shalt  }
0x70: {  	_ =	shalt  }
0x71: {  	_ =	shalt  }
0x72: {  	_ =	shalt  }
0x73: {  	_ =	shalt  }
0x74: {  	_ =	shalt  }
0x75: {  	_ =	shalt  }
0x76: {  	_ =	shalt  }
0x77: {  	_ =	shalt  }
0x78: {  	_ =	shalt  }
0x79: {  	_ =	shalt  }
0x7a: {  	_ =	shalt  }
0x7b: {  	_ =	shalt  }
0x7c: {  	_ =	shalt  }
0x7d: {  	_ =	shalt  }
0x7e: {  	_ =	shalt  }
0x7f: {  	_ =	shalt  }
0x80: {  	_ =	shalt  }
0x81: {  	_ =	shalt  }
0x82: {  	_ =	shalt  }
0x83: {  	_ =	shalt  }
0x84: {  	_ =	shalt  }
0x85: {  	_ =	shalt  }
0x86: {  	_ =	shalt  }
0x87: {  	_ =	shalt  }
.Lfunc_end0:
.L_simem_size_0:
called_computation.3_lowered:
.L_overlay_start_0:
0x88: {  	s2 =	sld [smem:$0x3FD9]  }
0x89: {  	s3 =	sld [smem:$0x3FFE];
	_ =	sdelay $0x1  }
0x8a: {  	s1 =	srdreg.scid  }
0x8b: {  	s0 =	sand.u32 $0x1, s1  }
0x8c: {  	s17 =	sshll.u32 s0, $0xA;
	s2 =	sadd.s32 s3, s2  }
0x8d: {  	s2 =	sadd.s32 s2, s17  }
0x8e: {  	[smem:$0x3FBE] =	sst s2  }
0x8f: {  	_ = 	snop  }
0x90: {  	s2 =	sld [smem:$0x3FD0];
	(tm) =	ssettm $0x1  }
0x91: {  	s18 =	sld [smem:$0x3FFB];
	_ =	sdelay $0x3  }
0x92: {  	_ =	strace s18  }
0x93: {  	s3 =	sld [smem:$0x3FFC];
	_ =	sdelay $0x3  }
0x94: {  	_ =	strace s3  }
0x95: {  	s3 =	sld [smem:$0x3FFD];
	_ =	sdelay $0x3  }
0x96: {  	_ =	strace s3  }
0x97: {  	_ =	strace $0x8FFFFFFF  }
0x98: {  	s19 =	sld [smem:$0x3FDB];
	_ =	sdelay $0x1  }
0x99: {  	s4 =	simm.s32 $_scs_section_size  }
0x9a: {  	s5 =	simm.s32 $_size__tile_overlayer_lowered;
	s6 =	simm.s32 $_tile_overlayer_lowered  }
0x9b: {  	s22 =	simm.s32 $0x1BFF;
	s21 =	sshll.u32 s6, $0x1;
	s3 =	sadd.s32 s4, s19  }
0x9c: {  	s7 =	simm.s32 $0x0;
	s20 =	sshll.u32 s5, $0x1;
	s5 =	sadd.s32 s21, s3  }
0x9d: {  	[timem:s7], [sflag:s22] =	dma.local [hbm:s5], s20  }
0x9e: {  	_ =	swait.ge [sflag:s22], s20  }
0x9f: {  	s4 =	ssub.s32 $0x0, s20;
	[sflag:s22] =	ssyncset.done $0x0  }
0xa0: {  	[sflag:s22] =	ssyncadd.s32 s4;
	_ =	sdelay $0x1  }
0xa1: {  	s23 =	simm.s32 $0x1B8B  }
0xa2: {  	_ =	swait.ge [sflag:s23], $0x1  }
0xa3: {  	[sflag:s23] =	ssyncset.done $0x0  }
0xa4: {  	s25 =	simm.s32 $0x1B8E;
	s24 =	sld [smem:$0x3FFE];
	[sflag:s23] =	ssyncadd.s32 $0xFFFFFFFF  }
0xa5: {  	s26 =	simm.s32 $execute0_lowered;
	[smem:$0x3FD2] =	sst s25  }
0xa6: {  	s5 =	sshll.u32 s26, $0x1;
	_ =	strace $0x8000004F;
	[dreg:$0x1] =	wrdreg $0xFFFFFFFF  }
0xa7: {  	s28 =	simm.s32 $_size_execute0_lowered;
	s3 =	sadd.s32 s3, s5;
	[dreg:$0x0] =	wrdreg $0x0  }
0xa8: {  	s5 =	sshll.u32 s28, $0x1;
	[dreg:$0x2] =	wrdreg s3  }
0xa9: {  	[dreg:$0x3] =	wrdreg s5  }
0xaa: {  	[dreg:$0x4] =	wrdreg $0xC0  }
0xab: {  	_ =	task [dreg:s7], $0x5FFFF  }
0xac: {  	[dreg:$0x1] =	wrdreg $0xFFFFFFFF  }
0xad: {  	[dreg:$0x0] =	wrdreg $0x60  }
0xae: {  	[dreg:$0x2] =	wrdreg s24  }
0xaf: {  	[dreg:$0x3] =	wrdreg s2  }
0xb0: {  	[dreg:$0x4] =	wrdreg $0x90000  }
0xb1: {  	[dreg:$0x5] =	wrdreg $0x9  }
0xb2: {  	_ =	task.clear_ibuf [dreg:s7], $0x6FFFF;
	_ =	strace $0x9000004F  }
0xb3: {  	s29 =	simm.s32 $0x9;
	_ =	strace $0x80000051  }
0xb4: {  	_ =	swait.ge [sflag:s29], $0x1  }
0xb5: {  	[sflag:s29] =	ssyncadd.s32 $0xFFFFFFFF  }
0xb6: {  	_ =	strace $0x90000051  }
0xb7: {  	_ =	sfence  }
0xb8: {  	s30 =	sld [smem:$0x0];
	_ =	sdelay $0x2  }
0xb9: {  	s31 =	sshll.u32 s1, $0xD;
	s1 =	sshrl.u32 s1, $0x2  }
0xba: {  	s3 =	sand.u32 $0x4000, s31;
	s1 =	sadd.s32 s1, s30  }
0xbb: {  	s0 =	sor.u32 s3, s0;
	s1 =	sshll.u32 s1, $0x11  }
0xbc: {  	s0 =	sor.u32 s1, s0  }
0xbd: {  	s0 =	sadd.s32 $0x8F2B, s0  }
0xbe: {  	[sflag:s0] =	ssyncadd.remote.s32 $0x1  }
0xbf: {  	_ =	sfence.sel $0xFFFF  }
0xc0: {  	[dreg:$0x0] =	wrdreg $0xFFFFFFFF;
	(pc) =	sbr.abs _section_cstart, $3  }
0xc1: {  	[dreg:$0x1] =	wrdreg $0xFFFFFFFF  }
0xc2: {  	_ =	task.clear_ibuf [dreg:s7], $0x2FFFF;
	_ =	strace $0x9FFFFFFF  }
0xc3: {  	(tm) =	ssettm $0x7FFFFFFF  }
tec
execute0_lowered:
.L_overlay_start_1:
0x0: {  	(tag) =	ssettag $0x1  }
0x1: {  	s6 =	rddreg [dreg:$0x0]  }
0x2: {  	s17 =	rddreg [dreg:$0x1]  }
0x3: {  	s1 =	rddreg [dreg:$0x2]  }
0x4: {  	s0 =	rddreg [dreg:$0x3];
	s2 =	simm.s32 $0x0;
	s4 =	srdreg.scid  }
0x5: {  	s22 =	simm.s32 $0x1000;
	[smem:$0x7FF] =	sst s2;
	s3 =	sadd.s32 $0x60E00, s6  }
0x6: {  	s16 =	sadd.s32 $0x56E00, s6;
	s5 =	sadd.s32 $0x4600, s6;
	s7 =	sand.u32 $0x1, s4  }
0x7: {  	s4 =	stileid.u32;
	_ =	strace $0x80000050;
	s8 =	smul.u32 $0x28000, s7  }
0x8: {  	s9 =	sshll.u32 s7, $0x4;
	s7 =	ssub.s32 $0x2, s7;
	s10 =	smul.u32 $0x50000, s4  }
0x9: {  	s31 =	sshll.u32 s4, $0x6;
	s24 =	smul.u32 $0x2800, s4;
	s9 =	sor.u32 s4, s9  }
0xa: {  	s28 =	sshrl.u32 s7, $0x1;
	s18 =	sadd.s32 s8, s6;
	s29 =	smul.u32 $0x2800, s9  }
0xb: {  	s19 =	ssub.s32 s7, s28;
	s30 =	sshrl.u32 s10, $0x2;
	s9 =	smul.u32 $0x500, s9  }
0xc: {  	s7 =	sor.u32 $0x1C01, s31;
	s6 =	sadd.s32 s30, s1;
	s23 =	sadd.s32 $0x88E00, s18  }
0xd: {  	s18 =	smax.u32 s19, $0x1;
	s19 =	simm.s32 $0x1;
	s15 =	sshrl.u32 s29, $0x3  }
0xe: {  	s8 =	sadd.s32 s16, s9;
	s9 =	sadd.s32 s17, s9;
	s23 =	sadd.s32 s24, s23  }
0xf: {  	s24 =	simm.s32 $0x0;
	s11 =	sadd.s32 $0x100, s15;
	s13 =	sadd.s32 $0x200, s15  }
0x10: {  	s20 =	sadd.s32 $0x300, s15;
	s21 =	sadd.s32 $0x400, s15;
	s10 =	sadd.s32 s16, s11  }
0x11: {  	s11 =	sadd.s32 s17, s11;
	s12 =	sadd.s32 s16, s13;
	s13 =	sadd.s32 s17, s13  }
0x12: {  	s14 =	sadd.s32 s16, s20;
	s15 =	sadd.s32 s17, s20;
	s16 =	sadd.s32 s16, s21  }
0x13: {  	s17 =	sadd.s32 s17, s21;
	s20 =	simm.s32 $0x800;
	s21 =	simm.s32 $0x80  }
.LBB2_1:
0x14: {  	s25 =	sshrl.u32 s6, $0x3  }
0x15: {  	[spmem:s25], [sflag:s7] =	dma.local [hbm:s5], $0x2800  }
0x16: {  	_ =	swait.ge [sflag:s19], $0x2800  }
0x17: {  	[sflag:s19] =	ssyncset.done $0x0  }
0x18: {  	[sflag:s19] =	ssyncadd.s32 $0xFFFFD800  }
0x19: {  	[bflag:$0x0] =	sbarrier.arrive $0xFFFF  }
0x1a: {  	[tilespmem:s2], [sflag:$0x1] =	stream.linear.gather [hbm4b:s8+s2], $0x800, $0x38;
	[tilespmem:$0x1D000] =	vst v63  }
0x1b: {  	_ =	swait.ge [sflag:s19], $0x800  }
0x1c: {  	[sflag:s19] =	ssyncset.done $0x0  }
0x1d: {  	[sflag:s19] =	ssyncadd.s32 $0xFFFFF800  }
0x1e: {  	[tilespmem:s20], [sflag:$0x1] =	stream.linear.gather [hbm4b:s9+s2], $0x800, $0x38;
	[tilespmem:$0x1D000] =	vst v63  }
0x1f: {  	_ =	swait.ge [sflag:s19], $0x800  }
0x20: {  	[sflag:s19] =	ssyncset.done $0x0  }
0x21: {  	s26 =	simm.s32 $0x0;
	[sflag:s19] =	ssyncadd.s32 $0xFFFFF800  }
0x22: {  	[tilespmem:s22], [sflag:$0x1] =	stream.indirect.gather [hbm4b:s3+s21], $0x80, s26, s21, $0xb8;
	[tilespmem:$0x1D000] =	vst v63  }
0x23: {  	_ =	swait.ge [sflag:s19], $0x4000  }
0x24: {  	[sflag:s19] =	ssyncset.done $0x0  }
0x25: {  	s31 =	simm.s32 $0x800;
	[sflag:s19] =	ssyncadd.s32 $0xFFFFC000  }
0x26: {  	[spmem:s1] =	stream.indirect.scatter.add.f32 [tilespmem:s22], [sflag:$0x1], $0x80, s31, s21, $0xb8;
	[tilespmem:$0x1D000] =	vst v63  }
0x27: {  	_ =	swait.ge [sflag:s19], $0x4000  }
0x28: {  	s28 =	simm.s32 $0x400;
	s26 =	simm.s32 $0x200;
	[sflag:s19] =	ssyncset.done $0x0  }
.LBB2_2:
0x29: {  	s29 =	sshra.s32 s26, $0x2  }
0x2a: {  	[sflag:s19] =	ssyncadd.s32 $0xFFFFC000;
	s26 =	smov.u32 s28;
	s30 =	sadd.s32 $0x200, s28  }
0x2b: {  	[tilespmem:s22], [sflag:$0x1] =	stream.indirect.gather [hbm4b:s3+s21], $0x80, s29, s21, $0xb8;
	[tilespmem:$0x1D000] =	vst v63  }
0x2c: {  	p0 =	sne.s32 s28, $0x1E00;
	_ =	swait.ge [sflag:s19], $0x4000  }
.Ltmp0:
0x2d: {  	[sflag:s19] =	ssyncset.done $0x0;
	(pc) =	sbr.rel @p0 .LBB2_2-.Ltmp0, $4  }
0x2e: {  	s28 =	sadd.s32 $0x800, s29;
	[sflag:s19] =	ssyncadd.s32 $0xFFFFC000  }
0x2f: {  	[spmem:s1] =	stream.indirect.scatter.add.f32 [tilespmem:s22], [sflag:$0x1], $0x80, s28, s21, $0xb8;
	[tilespmem:$0x1D000] =	vst v63  }
0x30: {  	_ =	swait.ge [sflag:s19], $0x4000  }
0x31: {  	s28 =	smov.u32 s30;
	[sflag:s19] =	ssyncset.done $0x0  }
0x32: {  	s26 =	sshra.s32 s26, $0x2;
	[sflag:s19] =	ssyncadd.s32 $0xFFFFC000  }
0x33: {  	[tilespmem:s22], [sflag:$0x1] =	stream.indirect.gather [hbm4b:s3+s21], $0x80, s26, s21, $0xb8;
	[tilespmem:$0x1D000] =	vst v63  }
0x34: {  	_ =	swait.ge [sflag:s19], $0x4000  }
0x35: {  	[sflag:s19] =	ssyncset.done $0x0  }
0x36: {  	s26 =	sadd.s32 $0x800, s26;
	[sflag:s19] =	ssyncadd.s32 $0xFFFFC000  }
0x37: {  	[spmem:s1] =	stream.indirect.scatter.add.f32 [tilespmem:s22], [sflag:$0x1], $0x80, s26, s21, $0xb8;
	[tilespmem:$0x1D000] =	vst v63  }
0x38: {  	_ =	swait.ge [sflag:s19], $0x4000  }
0x39: {  	[sflag:s19] =	ssyncset.done $0x0  }
0x3a: {  	s29 =	simm.s32 $0x0;
	[sflag:s19] =	ssyncadd.s32 $0xFFFFC000  }
0x3b: {  	[tilespmem:s29], [sflag:$0x1] =	stream.linear.gather [hbm4b:s10+s29], $0x800, $0x38;
	[tilespmem:$0x1D000] =	vst v63  }
0x3c: {  	_ =	swait.ge [sflag:s19], $0x800  }
0x3d: {  	[sflag:s19] =	ssyncset.done $0x0  }
0x3e: {  	[sflag:s19] =	ssyncadd.s32 $0xFFFFF800  }
0x3f: {  	[tilespmem:s20], [sflag:$0x1] =	stream.linear.gather [hbm4b:s11+s29], $0x800, $0x38;
	[tilespmem:$0x1D000] =	vst v63  }
0x40: {  	_ =	swait.ge [sflag:s19], $0x800  }
0x41: {  	[sflag:s19] =	ssyncset.done $0x0  }
0x42: {  	s30 =	simm.s32 $0x0;
	[sflag:s19] =	ssyncadd.s32 $0xFFFFF800  }
0x43: {  	[tilespmem:s22], [sflag:$0x1] =	stream.indirect.gather [hbm4b:s3+s21], $0x80, s30, s21, $0xb8;
	[tilespmem:$0x1D000] =	vst v63  }
0x44: {  	_ =	swait.ge [sflag:s19], $0x4000  }
0x45: {  	[sflag:s19] =	ssyncset.done $0x0  }
0x46: {  	s31 =	simm.s32 $0x800;
	[sflag:s19] =	ssyncadd.s32 $0xFFFFC000  }
0x47: {  	[spmem:s1] =	stream.indirect.scatter.add.f32 [tilespmem:s22], [sflag:$0x1], $0x80, s31, s21, $0xb8;
	[tilespmem:$0x1D000] =	vst v63  }
0x48: {  	_ =	swait.ge [sflag:s19], $0x4000  }
0x49: {  	s28 =	simm.s32 $0x400;
	s26 =	simm.s32 $0x200;
	[sflag:s19] =	ssyncset.done $0x0  }
.LBB2_4:
0x4a: {  	s29 =	sshra.s32 s26, $0x2  }
0x4b: {  	[sflag:s19] =	ssyncadd.s32 $0xFFFFC000;
	s26 =	smov.u32 s28;
	s30 =	sadd.s32 $0x200, s28  }
0x4c: {  	[tilespmem:s22], [sflag:$0x1] =	stream.indirect.gather [hbm4b:s3+s21], $0x80, s29, s21, $0xb8;
	[tilespmem:$0x1D000] =	vst v63  }
0x4d: {  	p0 =	sne.s32 s28, $0x1E00;
	_ =	swait.ge [sflag:s19], $0x4000  }
.Ltmp1:
0x4e: {  	[sflag:s19] =	ssyncset.done $0x0;
	(pc) =	sbr.rel @p0 .LBB2_4-.Ltmp1, $4  }
0x4f: {  	s28 =	sadd.s32 $0x800, s29;
	[sflag:s19] =	ssyncadd.s32 $0xFFFFC000  }
0x50: {  	[spmem:s1] =	stream.indirect.scatter.add.f32 [tilespmem:s22], [sflag:$0x1], $0x80, s28, s21, $0xb8;
	[tilespmem:$0x1D000] =	vst v63  }
0x51: {  	_ =	swait.ge [sflag:s19], $0x4000  }
0x52: {  	s28 =	smov.u32 s30;
	[sflag:s19] =	ssyncset.done $0x0  }
0x53: {  	s26 =	sshra.s32 s26, $0x2;
	[sflag:s19] =	ssyncadd.s32 $0xFFFFC000  }
0x54: {  	[tilespmem:s22], [sflag:$0x1] =	stream.indirect.gather [hbm4b:s3+s21], $0x80, s26, s21, $0xb8;
	[tilespmem:$0x1D000] =	vst v63  }
0x55: {  	_ =	swait.ge [sflag:s19], $0x4000  }
0x56: {  	[sflag:s19] =	ssyncset.done $0x0  }
0x57: {  	s26 =	sadd.s32 $0x800, s26;
	[sflag:s19] =	ssyncadd.s32 $0xFFFFC000  }
0x58: {  	[spmem:s1] =	stream.indirect.scatter.add.f32 [tilespmem:s22], [sflag:$0x1], $0x80, s26, s21, $0xb8;
	[tilespmem:$0x1D000] =	vst v63  }
0x59: {  	_ =	swait.ge [sflag:s19], $0x4000  }
0x5a: {  	[sflag:s19] =	ssyncset.done $0x0  }
0x5b: {  	s29 =	simm.s32 $0x0;
	[sflag:s19] =	ssyncadd.s32 $0xFFFFC000  }
0x5c: {  	[tilespmem:s29], [sflag:$0x1] =	stream.linear.gather [hbm4b:s12+s29], $0x800, $0x38;
	[tilespmem:$0x1D000] =	vst v63  }
0x5d: {  	_ =	swait.ge [sflag:s19], $0x800  }
0x5e: {  	[sflag:s19] =	ssyncset.done $0x0  }
0x5f: {  	[sflag:s19] =	ssyncadd.s32 $0xFFFFF800  }
0x60: {  	[tilespmem:s20], [sflag:$0x1] =	stream.linear.gather [hbm4b:s13+s29], $0x800, $0x38;
	[tilespmem:$0x1D000] =	vst v63  }
0x61: {  	_ =	swait.ge [sflag:s19], $0x800  }
0x62: {  	[sflag:s19] =	ssyncset.done $0x0  }
0x63: {  	s30 =	simm.s32 $0x0;
	[sflag:s19] =	ssyncadd.s32 $0xFFFFF800  }
0x64: {  	[tilespmem:s22], [sflag:$0x1] =	stream.indirect.gather [hbm4b:s3+s21], $0x80, s30, s21, $0xb8;
	[tilespmem:$0x1D000] =	vst v63  }
0x65: {  	_ =	swait.ge [sflag:s19], $0x4000  }
0x66: {  	[sflag:s19] =	ssyncset.done $0x0  }
0x67: {  	s31 =	simm.s32 $0x800;
	[sflag:s19] =	ssyncadd.s32 $0xFFFFC000  }
0x68: {  	[spmem:s1] =	stream.indirect.scatter.add.f32 [tilespmem:s22], [sflag:$0x1], $0x80, s31, s21, $0xb8;
	[tilespmem:$0x1D000] =	vst v63  }
0x69: {  	_ =	swait.ge [sflag:s19], $0x4000  }
0x6a: {  	s28 =	simm.s32 $0x400;
	s26 =	simm.s32 $0x200;
	[sflag:s19] =	ssyncset.done $0x0  }
.LBB2_6:
0x6b: {  	s29 =	sshra.s32 s26, $0x2  }
0x6c: {  	[sflag:s19] =	ssyncadd.s32 $0xFFFFC000;
	s26 =	smov.u32 s28;
	s30 =	sadd.s32 $0x200, s28  }
0x6d: {  	[tilespmem:s22], [sflag:$0x1] =	stream.indirect.gather [hbm4b:s3+s21], $0x80, s29, s21, $0xb8;
	[tilespmem:$0x1D000] =	vst v63  }
0x6e: {  	p0 =	sne.s32 s28, $0x1E00;
	_ =	swait.ge [sflag:s19], $0x4000  }
.Ltmp2:
0x6f: {  	[sflag:s19] =	ssyncset.done $0x0;
	(pc) =	sbr.rel @p0 .LBB2_6-.Ltmp2, $4  }
0x70: {  	s28 =	sadd.s32 $0x800, s29;
	[sflag:s19] =	ssyncadd.s32 $0xFFFFC000  }
0x71: {  	[spmem:s1] =	stream.indirect.scatter.add.f32 [tilespmem:s22], [sflag:$0x1], $0x80, s28, s21, $0xb8;
	[tilespmem:$0x1D000] =	vst v63  }
0x72: {  	_ =	swait.ge [sflag:s19], $0x4000  }
0x73: {  	s28 =	smov.u32 s30;
	[sflag:s19] =	ssyncset.done $0x0  }
0x74: {  	s26 =	sshra.s32 s26, $0x2;
	[sflag:s19] =	ssyncadd.s32 $0xFFFFC000  }
0x75: {  	[tilespmem:s22], [sflag:$0x1] =	stream.indirect.gather [hbm4b:s3+s21], $0x80, s26, s21, $0xb8;
	[tilespmem:$0x1D000] =	vst v63  }
0x76: {  	_ =	swait.ge [sflag:s19], $0x4000  }
0x77: {  	[sflag:s19] =	ssyncset.done $0x0  }
0x78: {  	s26 =	sadd.s32 $0x800, s26;
	[sflag:s19] =	ssyncadd.s32 $0xFFFFC000  }
0x79: {  	[spmem:s1] =	stream.indirect.scatter.add.f32 [tilespmem:s22], [sflag:$0x1], $0x80, s26, s21, $0xb8;
	[tilespmem:$0x1D000] =	vst v63  }
0x7a: {  	_ =	swait.ge [sflag:s19], $0x4000  }
0x7b: {  	[sflag:s19] =	ssyncset.done $0x0  }
0x7c: {  	s29 =	simm.s32 $0x0;
	[sflag:s19] =	ssyncadd.s32 $0xFFFFC000  }
0x7d: {  	[tilespmem:s29], [sflag:$0x1] =	stream.linear.gather [hbm4b:s14+s29], $0x800, $0x38;
	[tilespmem:$0x1D000] =	vst v63  }
0x7e: {  	_ =	swait.ge [sflag:s19], $0x800  }
0x7f: {  	[sflag:s19] =	ssyncset.done $0x0  }
0x80: {  	[sflag:s19] =	ssyncadd.s32 $0xFFFFF800  }
0x81: {  	[tilespmem:s20], [sflag:$0x1] =	stream.linear.gather [hbm4b:s15+s29], $0x800, $0x38;
	[tilespmem:$0x1D000] =	vst v63  }
0x82: {  	_ =	swait.ge [sflag:s19], $0x800  }
0x83: {  	[sflag:s19] =	ssyncset.done $0x0  }
0x84: {  	s30 =	simm.s32 $0x0;
	[sflag:s19] =	ssyncadd.s32 $0xFFFFF800  }
0x85: {  	[tilespmem:s22], [sflag:$0x1] =	stream.indirect.gather [hbm4b:s3+s21], $0x80, s30, s21, $0xb8;
	[tilespmem:$0x1D000] =	vst v63  }
0x86: {  	_ =	swait.ge [sflag:s19], $0x4000  }
0x87: {  	[sflag:s19] =	ssyncset.done $0x0  }
0x88: {  	s31 =	simm.s32 $0x800;
	[sflag:s19] =	ssyncadd.s32 $0xFFFFC000  }
0x89: {  	[spmem:s1] =	stream.indirect.scatter.add.f32 [tilespmem:s22], [sflag:$0x1], $0x80, s31, s21, $0xb8;
	[tilespmem:$0x1D000] =	vst v63  }
0x8a: {  	_ =	swait.ge [sflag:s19], $0x4000  }
0x8b: {  	s28 =	simm.s32 $0x400;
	s26 =	simm.s32 $0x200;
	[sflag:s19] =	ssyncset.done $0x0  }
.LBB2_8:
0x8c: {  	s29 =	sshra.s32 s26, $0x2  }
0x8d: {  	[sflag:s19] =	ssyncadd.s32 $0xFFFFC000;
	s26 =	smov.u32 s28;
	s30 =	sadd.s32 $0x200, s28  }
0x8e: {  	[tilespmem:s22], [sflag:$0x1] =	stream.indirect.gather [hbm4b:s3+s21], $0x80, s29, s21, $0xb8;
	[tilespmem:$0x1D000] =	vst v63  }
0x8f: {  	p0 =	sne.s32 s28, $0x1E00;
	_ =	swait.ge [sflag:s19], $0x4000  }
.Ltmp3:
0x90: {  	[sflag:s19] =	ssyncset.done $0x0;
	(pc) =	sbr.rel @p0 .LBB2_8-.Ltmp3, $4  }
0x91: {  	s28 =	sadd.s32 $0x800, s29;
	[sflag:s19] =	ssyncadd.s32 $0xFFFFC000  }
0x92: {  	[spmem:s1] =	stream.indirect.scatter.add.f32 [tilespmem:s22], [sflag:$0x1], $0x80, s28, s21, $0xb8;
	[tilespmem:$0x1D000] =	vst v63  }
0x93: {  	_ =	swait.ge [sflag:s19], $0x4000  }
0x94: {  	s28 =	smov.u32 s30;
	[sflag:s19] =	ssyncset.done $0x0  }
0x95: {  	s26 =	sshra.s32 s26, $0x2;
	[sflag:s19] =	ssyncadd.s32 $0xFFFFC000  }
0x96: {  	[tilespmem:s22], [sflag:$0x1] =	stream.indirect.gather [hbm4b:s3+s21], $0x80, s26, s21, $0xb8;
	[tilespmem:$0x1D000] =	vst v63  }
0x97: {  	_ =	swait.ge [sflag:s19], $0x4000  }
0x98: {  	[sflag:s19] =	ssyncset.done $0x0  }
0x99: {  	s26 =	sadd.s32 $0x800, s26;
	[sflag:s19] =	ssyncadd.s32 $0xFFFFC000  }
0x9a: {  	[spmem:s1] =	stream.indirect.scatter.add.f32 [tilespmem:s22], [sflag:$0x1], $0x80, s26, s21, $0xb8;
	[tilespmem:$0x1D000] =	vst v63  }
0x9b: {  	_ =	swait.ge [sflag:s19], $0x4000  }
0x9c: {  	[sflag:s19] =	ssyncset.done $0x0  }
0x9d: {  	s29 =	simm.s32 $0x0;
	[sflag:s19] =	ssyncadd.s32 $0xFFFFC000  }
0x9e: {  	[tilespmem:s29], [sflag:$0x1] =	stream.linear.gather [hbm4b:s16+s29], $0x800, $0x38;
	[tilespmem:$0x1D000] =	vst v63  }
0x9f: {  	_ =	swait.ge [sflag:s19], $0x800  }
0xa0: {  	[sflag:s19] =	ssyncset.done $0x0  }
0xa1: {  	[sflag:s19] =	ssyncadd.s32 $0xFFFFF800  }
0xa2: {  	[tilespmem:s20], [sflag:$0x1] =	stream.linear.gather [hbm4b:s17+s29], $0x800, $0x38;
	[tilespmem:$0x1D000] =	vst v63  }
0xa3: {  	_ =	swait.ge [sflag:s19], $0x800  }
0xa4: {  	[sflag:s19] =	ssyncset.done $0x0  }
0xa5: {  	s30 =	simm.s32 $0x0;
	[sflag:s19] =	ssyncadd.s32 $0xFFFFF800  }
0xa6: {  	[tilespmem:s22], [sflag:$0x1] =	stream.indirect.gather [hbm4b:s3+s21], $0x80, s30, s21, $0xb8;
	[tilespmem:$0x1D000] =	vst v63  }
0xa7: {  	_ =	swait.ge [sflag:s19], $0x4000  }
0xa8: {  	[sflag:s19] =	ssyncset.done $0x0  }
0xa9: {  	s31 =	simm.s32 $0x800;
	[sflag:s19] =	ssyncadd.s32 $0xFFFFC000  }
0xaa: {  	[spmem:s1] =	stream.indirect.scatter.add.f32 [tilespmem:s22], [sflag:$0x1], $0x80, s31, s21, $0xb8;
	[tilespmem:$0x1D000] =	vst v63  }
0xab: {  	_ =	swait.ge [sflag:s19], $0x4000  }
0xac: {  	s28 =	simm.s32 $0x400;
	s26 =	simm.s32 $0x200;
	[sflag:s19] =	ssyncset.done $0x0  }
.LBB2_10:
0xad: {  	s29 =	sshra.s32 s26, $0x2  }
0xae: {  	[sflag:s19] =	ssyncadd.s32 $0xFFFFC000;
	s26 =	smov.u32 s28;
	s30 =	sadd.s32 $0x200, s28  }
0xaf: {  	[tilespmem:s22], [sflag:$0x1] =	stream.indirect.gather [hbm4b:s3+s21], $0x80, s29, s21, $0xb8;
	[tilespmem:$0x1D000] =	vst v63  }
0xb0: {  	p0 =	sne.s32 s28, $0x1E00;
	_ =	swait.ge [sflag:s19], $0x4000  }
.Ltmp4:
0xb1: {  	[sflag:s19] =	ssyncset.done $0x0;
	(pc) =	sbr.rel @p0 .LBB2_10-.Ltmp4, $4  }
0xb2: {  	s28 =	sadd.s32 $0x800, s29;
	[sflag:s19] =	ssyncadd.s32 $0xFFFFC000  }
0xb3: {  	[spmem:s1] =	stream.indirect.scatter.add.f32 [tilespmem:s22], [sflag:$0x1], $0x80, s28, s21, $0xb8;
	[tilespmem:$0x1D000] =	vst v63  }
0xb4: {  	_ =	swait.ge [sflag:s19], $0x4000  }
0xb5: {  	s28 =	smov.u32 s30;
	[sflag:s19] =	ssyncset.done $0x0  }
0xb6: {  	s26 =	sshra.s32 s26, $0x2;
	[sflag:s19] =	ssyncadd.s32 $0xFFFFC000  }
0xb7: {  	[tilespmem:s22], [sflag:$0x1] =	stream.indirect.gather [hbm4b:s3+s21], $0x80, s26, s21, $0xb8;
	[tilespmem:$0x1D000] =	vst v63  }
0xb8: {  	_ =	swait.ge [sflag:s19], $0x4000  }
0xb9: {  	[sflag:s19] =	ssyncset.done $0x0  }
0xba: {  	s26 =	sadd.s32 $0x800, s26;
	[sflag:s19] =	ssyncadd.s32 $0xFFFFC000  }
0xbb: {  	[spmem:s1] =	stream.indirect.scatter.add.f32 [tilespmem:s22], [sflag:$0x1], $0x80, s26, s21, $0xb8;
	[tilespmem:$0x1D000] =	vst v63  }
0xbc: {  	_ =	swait.ge [sflag:s19], $0x4000  }
0xbd: {  	s24 =	sadd.s32 $0x1, s24;
	[sflag:s19] =	ssyncset.done $0x0  }
0xbe: {  	p0 =	sne.s32 s24, s18;
	[sflag:s19] =	ssyncadd.s32 $0xFFFFC000  }
.Ltmp5:
0xbf: {  	[bflag:$0x0] =	sbarrier.arrive $0xFFFF;
	(pc) =	sbr.rel @p0 .LBB2_1-.Ltmp5, $4  }
0xc0: {  	[hbm:s23], [sflag:s7] =	dma.local [spmem:s25], $0x2800  }
0xc1: {  	_ =	swait.ge [sflag:s19], $0x2800  }
0xc2: {  	[sflag:s19] =	ssyncset.done $0x0  }
0xc3: {  	[sflag:s19] =	ssyncadd.s32 $0xFFFFD800  }
0xc4: {  	_ =	sfence.sel $0x180000  }
0xc5: {  	[bflag:$0x0] =	sbarrier.arrive $0xFFFF  }
0xc6: {  	p0 =	sne.s32 s4, $0x0;
	_ =	strace $0x90000050  }
0xc7: {  	s0 =	sadd.s32 @!p0 $0x100000, s0;
	[bflag:$0x2] =	sbarrier.arrive $0xFFFF  }
0xc8: {  	[sflag:s0] =	ssyncadd.tile.s32 @!p0 $0x1;
	_ =	shalt  }
.Lfunc_end2:
_tile_overlayer_lowered:
.L_overlay_start_2:
0xc9: {  	(tag) =	ssettag $0x2  }
0xca: {  	s0 =	rddreg [dreg:$0x0];
	s2 =	stileid.u32  }
0xcb: {  	s1 =	rddreg [dreg:$0x1];
	p0 =	sne.s32 s2, $0x0  }
0xcc: {  	s3 =	rddreg [dreg:$0x2];
	[bflag:$0x3] =	sbarrier.arrive $0xFFFF;
	s2 =	simm.s32 @!p0 $0x1C01  }
0xcd: {  	[timem:s3], [sflag:s2] =	dma.local @!p0 [hbm:s0], s1  }
0xce: {  	s0 =	simm.s32 @!p0 $0x1  }
0xcf: {  	_ =	swait.ge @!p0 [sflag:s0], s1  }
0xd0: {  	s1 =	ssub.s32 @!p0 $0x0, s1;
	[sflag:s0] =	ssyncset.done @!p0 $0x0  }
0xd1: {  	[sflag:s0] =	ssyncadd.s32 @!p0 s1  }
0xd2: {  	[bflag:$0x3] =	sbarrier.arrive $0xFFFF  }
0xd3: {  	_ =	shalt  }

// kernel: kernel.24.cloned.1.call-start
scs
__scs_entry_jumppad:
0x0: {  	(pc) =	sbr.rel $0x88, $3  }
0x1: {  	(tag) =	ssettag $0x0;
	lr =	simm.s32 $0x1  }
0x2: {  	[smem:$0x3F97] =	sst lr;
	_ =	strace $0xD0000000  }
0x3: {  	_ = 	snop  }
0x4: {  	_ = 	snop  }
0x5: {  	_ = 	snop  }
0x6: {  	_ = 	snop  }
0x7: {  	_ = 	snop  }
__scs_overlays_trampoline_lowered:
0x8: {  	[smem:$0x3FA6] =	sst s0  }
0x9: {  	[smem:$0x3FA7] =	sst s1  }
0xa: {  	[smem:$0x3FA8] =	sst s2  }
0xb: {  	[smem:$0x3FA9] =	sst s3  }
0xc: {  	[smem:$0x3FAA] =	sst s4  }
0xd: {  	[smem:$0x3FAB] =	sst s5  }
0xe: {  	[smem:$0x3FAC] =	sst s6  }
0xf: {  	[smem:$0x3FAD] =	sst s7  }
0x10: {  	[smem:$0x3FAE] =	sst s8  }
0x11: {  	[smem:$0x3FAF] =	sst s9;
	s0 =	simm.s32 @!p0 $0x0  }
0x12: {  	s1 =	sld [smem:$0x3F95];
	s0 =	simm.s32 @p0 $0x1  }
0x13: {  	[smem:$0x3FB0] =	sst s0;
	s0 =	simm.s32 @!p1 $0x0  }
0x14: {  	s2 =	sld [smem:$0x3F94];
	s0 =	simm.s32 @p1 $0x1  }
0x15: {  	[smem:$0x3FB1] =	sst s0;
	s0 =	simm.s32 @!p2 $0x0  }
0x16: {  	s3 =	sld [smem:$0x3FDB];
	s0 =	simm.s32 @p2 $0x1  }
0x17: {  	s4 =	simm.s32 $0x1BF5;
	[smem:$0x3FB3] =	sst s0  }
0x18: {  	s0 =	sld [smem:$0x3F96];
	_ =	swait.ge [sflag:s4], $0x0  }
0x19: {  	s7 =	sld [smem:$0x3F97]  }
0x1a: {  	s8 =	sadd.s32 $0xFFFFE003, lr  }
0x1b: {  	s9 =	sadd.s32 $0xFFFFFEF7, lr;
	s5 =	simm.s32 $0xFFFFFFFF;
	p2 =	slt.u32 s8, $0xFFFFF086  }
0x1c: {  	p1 =	slt.u32 s9, $0xF7A;
	s5 =	simm.s32 @!p2 $0x0  }
0x1d: {  	s5 =	simm.s32 @p1 $0x1;
	p0 =	seq.s32 s7, s2  }
0x1e: {  	s7 =	smul.u32 @!p0 $0xF7A, s2;
	p2 =	seq.s32 @!p0 s5, $0x0  }
0x1f: {  	s9 =	smul.u32 $0xF7A, s1;
	s8 =	simm.s32 @!p0 $0x1BF5;
	p2 =	por !p2, p0  }
0x20: {  	[sflag:s8] =	ssyncset.s32 @!p0 $0xFFFFF086;
	s6 =	sadd.s32 @!p0 s3, s7;
	s7 =	simm.s32 @!p0 $0x108  }
0x21: {  	s3 =	sadd.s32 s3, s9;
	s6 =	sadd.s32 @!p0 $0x88, s6;
	s7 =	simm.s32 @p2 $0x1082  }
0x22: {  	[simem:s7], [sflag:s8] =	dma.local @!p0 [hbm:s6], $0xF7A  }
0x23: {  	s9 =	sor.u32 $0xD0000000, s2;
	s6 =	simm.s32 $0x108;
	_ =	swait.ge @!p0 [sflag:s8], $0x0  }
0x24: {  	s3 =	sadd.s32 $0x88, s3;
	s6 =	simm.s32 @!p1 $0x1082;
	[sflag:s4] =	ssyncset.s32 $0xFFFFF086  }
0x25: {  	[simem:s6], [sflag:s4] =	dma.local [hbm:s3], $0xF7A  }
0x26: {  	[smem:$0x3F97] =	sst s1;
	(tag) =	ssettag s2;
	_ =	strace s9  }
0x27: {  	s1 =	sld [smem:$0x3FA7]  }
0x28: {  	s2 =	sld [smem:$0x3FA8]  }
0x29: {  	s4 =	sld [smem:$0x3FAA]  }
0x2a: {  	p0 =	seq.s32 s5, $0x0;
	s5 =	sld [smem:$0x3FAB]  }
0x2b: {  	s6 =	sld [smem:$0x3FAC]  }
0x2c: {  	s7 =	sld [smem:$0x3FAD]  }
0x2d: {  	s3 =	simm.s32 $0x108;
	s8 =	sld [smem:$0x3FAE]  }
0x2e: {  	s3 =	simm.s32 @!p0 $0x1082;
	s9 =	sld [smem:$0x3FAF]  }
0x2f: {  	lr =	sadd.s32 s0, s3;
	s0 =	sld [smem:$0x3FA6]  }
0x30: {  	s3 =	sld [smem:$0x3FA9]  }
0x31: {  	[smem:$0x3FB2] =	sst s10  }
0x32: {  	s10 =	sld [smem:$0x3FB0];
	_ =	sdelay $0x3  }
0x33: {  	p0 =	seq.s32 s10, $0x1;
	s10 =	sld [smem:$0x3FB2];
	_ =	sdelay $0x3  }
0x34: {  	[smem:$0x3FB2] =	sst s10  }
0x35: {  	s10 =	sld [smem:$0x3FB1];
	_ =	sdelay $0x3  }
0x36: {  	p1 =	seq.s32 s10, $0x1;
	s10 =	sld [smem:$0x3FB2];
	_ =	sdelay $0x3  }
0x37: {  	[smem:$0x3FB2] =	sst s10  }
0x38: {  	s10 =	sld [smem:$0x3FB3]  }
0x39: {  	_ = 	snop;
	(pc) =	sbr.ind lr, $3  }
0x3a: {  	_ = 	snop  }
0x3b: {  	_ = 	snop  }
0x3c: {  	p2 =	seq.s32 s10, $0x1;
	s10 =	sld [smem:$0x3FB2]  }
0x3d: {  	_ =	shalt  }
0x3e: {  	_ =	shalt  }
0x3f: {  	_ =	shalt  }
0x40: {  	_ =	shalt  }
0x41: {  	_ =	shalt  }
0x42: {  	_ =	shalt  }
0x43: {  	_ =	shalt  }
0x44: {  	_ =	shalt  }
0x45: {  	_ =	shalt  }
0x46: {  	_ =	shalt  }
0x47: {  	_ =	shalt  }
0x48: {  	_ =	shalt  }
0x49: {  	_ =	shalt  }
0x4a: {  	_ =	shalt  }
0x4b: {  	_ =	shalt  }
0x4c: {  	_ =	shalt  }
0x4d: {  	_ =	shalt  }
0x4e: {  	_ =	shalt  }
0x4f: {  	_ =	shalt  }
0x50: {  	_ =	shalt  }
0x51: {  	_ =	shalt  }
0x52: {  	_ =	shalt  }
0x53: {  	_ =	shalt  }
0x54: {  	_ =	shalt  }
0x55: {  	_ =	shalt  }
0x56: {  	_ =	shalt  }
0x57: {  	_ =	shalt  }
0x58: {  	_ =	shalt  }
0x59: {  	_ =	shalt  }
0x5a: {  	_ =	shalt  }
0x5b: {  	_ =	shalt  }
0x5c: {  	_ =	shalt  }
0x5d: {  	_ =	shalt  }
0x5e: {  	_ =	shalt  }
0x5f: {  	_ =	shalt  }
0x60: {  	_ =	shalt  }
0x61: {  	_ =	shalt  }
0x62: {  	_ =	shalt  }
0x63: {  	_ =	shalt  }
0x64: {  	_ =	shalt  }
0x65: {  	_ =	shalt  }
0x66: {  	_ =	shalt  }
0x67: {  	_ =	shalt  }
0x68: {  	_ =	shalt  }
0x69: {  	_ =	shalt  }
0x6a: {  	_ =	shalt  }
0x6b: {  	_ =	shalt  }
0x6c: {  	_ =	shalt  }
0x6d: {  	_ =	shalt  }
0x6e: {  	_ =	shalt  }
0x6f: {  	_ =	shalt  }
0x70: {  	_ =	shalt  }
0x71: {  	_ =	shalt  }
0x72: {  	_ =	shalt  }
0x73: {  	_ =	shalt  }
0x74: {  	_ =	shalt  }
0x75: {  	_ =	shalt  }
0x76: {  	_ =	shalt  }
0x77: {  	_ =	shalt  }
0x78: {  	_ =	shalt  }
0x79: {  	_ =	shalt  }
0x7a: {  	_ =	shalt  }
0x7b: {  	_ =	shalt  }
0x7c: {  	_ =	shalt  }
0x7d: {  	_ =	shalt  }
0x7e: {  	_ =	shalt  }
0x7f: {  	_ =	shalt  }
0x80: {  	_ =	shalt  }
0x81: {  	_ =	shalt  }
0x82: {  	_ =	shalt  }
0x83: {  	_ =	shalt  }
0x84: {  	_ =	shalt  }
0x85: {  	_ =	shalt  }
0x86: {  	_ =	shalt  }
0x87: {  	_ =	shalt  }
.Lfunc_end0:
.L_simem_size_0:
called_computation.4_lowered:
.L_overlay_start_0:
0x88: {  	s2 =	sld [smem:$0x3FD9]  }
0x89: {  	s3 =	sld [smem:$0x3FFE];
	_ =	sdelay $0x1  }
0x8a: {  	s1 =	srdreg.scid  }
0x8b: {  	s0 =	sand.u32 $0x1, s1  }
0x8c: {  	s17 =	sshll.u32 s0, $0xA;
	s2 =	sadd.s32 s3, s2  }
0x8d: {  	s2 =	sadd.s32 s2, s17  }
0x8e: {  	[smem:$0x3FBE] =	sst s2  }
0x8f: {  	_ = 	snop  }
0x90: {  	s2 =	sld [smem:$0x3FD0];
	(tm) =	ssettm $0x1  }
0x91: {  	s18 =	sld [smem:$0x3FFB];
	_ =	sdelay $0x3  }
0x92: {  	_ =	strace s18  }
0x93: {  	s3 =	sld [smem:$0x3FFC];
	_ =	sdelay $0x3  }
0x94: {  	_ =	strace s3  }
0x95: {  	s3 =	sld [smem:$0x3FFD];
	_ =	sdelay $0x3  }
0x96: {  	_ =	strace s3  }
0x97: {  	_ =	strace $0x8FFFFFFF  }
0x98: {  	s19 =	sld [smem:$0x3FDB];
	_ =	sdelay $0x1  }
0x99: {  	s4 =	simm.s32 $_scs_section_size  }
0x9a: {  	s5 =	simm.s32 $_size__tile_overlayer_lowered;
	s6 =	simm.s32 $_tile_overlayer_lowered  }
0x9b: {  	s22 =	simm.s32 $0x1BFF;
	s21 =	sshll.u32 s6, $0x1;
	s3 =	sadd.s32 s4, s19  }
0x9c: {  	s7 =	simm.s32 $0x0;
	s20 =	sshll.u32 s5, $0x1;
	s5 =	sadd.s32 s21, s3  }
0x9d: {  	[timem:s7], [sflag:s22] =	dma.local [hbm:s5], s20  }
0x9e: {  	_ =	swait.ge [sflag:s22], s20  }
0x9f: {  	s4 =	ssub.s32 $0x0, s20;
	[sflag:s22] =	ssyncset.done $0x0  }
0xa0: {  	[sflag:s22] =	ssyncadd.s32 s4;
	_ =	sdelay $0x1  }
0xa1: {  	s23 =	simm.s32 $0x1B8B  }
0xa2: {  	_ =	swait.ge [sflag:s23], $0x1  }
0xa3: {  	[sflag:s23] =	ssyncset.done $0x0  }
0xa4: {  	s25 =	simm.s32 $0x1B8E;
	s24 =	sld [smem:$0x3FFE];
	[sflag:s23] =	ssyncadd.s32 $0xFFFFFFFF  }
0xa5: {  	s26 =	simm.s32 $execute0_lowered;
	[smem:$0x3FD2] =	sst s25  }
0xa6: {  	s5 =	sshll.u32 s26, $0x1;
	_ =	strace $0x80000052;
	[dreg:$0x1] =	wrdreg $0xFFFFFFFF  }
0xa7: {  	s28 =	simm.s32 $_size_execute0_lowered;
	s3 =	sadd.s32 s3, s5;
	[dreg:$0x0] =	wrdreg $0x0  }
0xa8: {  	s5 =	sshll.u32 s28, $0x1;
	[dreg:$0x2] =	wrdreg s3  }
0xa9: {  	[dreg:$0x3] =	wrdreg s5  }
0xaa: {  	[dreg:$0x4] =	wrdreg $0xC0  }
0xab: {  	_ =	task [dreg:s7], $0x5FFFF  }
0xac: {  	[dreg:$0x1] =	wrdreg $0xFFFFFFFF  }
0xad: {  	[dreg:$0x0] =	wrdreg $0x60  }
0xae: {  	[dreg:$0x2] =	wrdreg s24  }
0xaf: {  	[dreg:$0x3] =	wrdreg s2  }
0xb0: {  	[dreg:$0x4] =	wrdreg $0x90000  }
0xb1: {  	[dreg:$0x5] =	wrdreg $0x9  }
0xb2: {  	_ =	task.clear_ibuf [dreg:s7], $0x6FFFF;
	_ =	strace $0x90000052  }
0xb3: {  	s29 =	simm.s32 $0x9;
	_ =	strace $0x80000054  }
0xb4: {  	_ =	swait.ge [sflag:s29], $0x1  }
0xb5: {  	[sflag:s29] =	ssyncadd.s32 $0xFFFFFFFF  }
0xb6: {  	_ =	strace $0x90000054  }
0xb7: {  	_ =	sfence  }
0xb8: {  	s30 =	sld [smem:$0x0];
	_ =	sdelay $0x2  }
0xb9: {  	s31 =	sshll.u32 s1, $0xD;
	s1 =	sshrl.u32 s1, $0x2  }
0xba: {  	s3 =	sand.u32 $0x4000, s31;
	s1 =	sadd.s32 s1, s30  }
0xbb: {  	s0 =	sor.u32 s3, s0;
	s1 =	sshll.u32 s1, $0x11  }
0xbc: {  	s0 =	sor.u32 s1, s0  }
0xbd: {  	s0 =	sadd.s32 $0x8F2B, s0  }
0xbe: {  	[sflag:s0] =	ssyncadd.remote.s32 $0x1  }
0xbf: {  	_ =	sfence.sel $0xFFFF  }
0xc0: {  	[dreg:$0x0] =	wrdreg $0xFFFFFFFF;
	(pc) =	sbr.abs _section_cstart, $3  }
0xc1: {  	[dreg:$0x1] =	wrdreg $0xFFFFFFFF  }
0xc2: {  	_ =	task.clear_ibuf [dreg:s7], $0x2FFFF;
	_ =	strace $0x9FFFFFFF  }
0xc3: {  	(tm) =	ssettm $0x7FFFFFFF  }
tec
execute0_lowered:
.L_overlay_start_1:
0x0: {  	(tag) =	ssettag $0x1  }
0x1: {  	s6 =	rddreg [dreg:$0x0]  }
0x2: {  	s17 =	rddreg [dreg:$0x1]  }
0x3: {  	s1 =	rddreg [dreg:$0x2]  }
0x4: {  	s0 =	rddreg [dreg:$0x3];
	s2 =	simm.s32 $0x0;
	s4 =	srdreg.scid  }
0x5: {  	s22 =	simm.s32 $0x1000;
	[smem:$0x7FF] =	sst s2;
	s3 =	sadd.s32 $0x60E00, s6  }
0x6: {  	s16 =	sadd.s32 $0x56E00, s6;
	s5 =	sadd.s32 $0x4600, s6;
	s7 =	sand.u32 $0x1, s4  }
0x7: {  	s4 =	stileid.u32;
	_ =	strace $0x80000053;
	s8 =	smul.u32 $0x28000, s7  }
0x8: {  	s9 =	sshll.u32 s7, $0x4;
	s7 =	ssub.s32 $0x2, s7;
	s10 =	smul.u32 $0x50000, s4  }
0x9: {  	s31 =	sshll.u32 s4, $0x6;
	s24 =	smul.u32 $0x2800, s4;
	s9 =	sor.u32 s4, s9  }
0xa: {  	s28 =	sshrl.u32 s7, $0x1;
	s18 =	sadd.s32 s8, s6;
	s29 =	smul.u32 $0x2800, s9  }
0xb: {  	s19 =	ssub.s32 s7, s28;
	s30 =	sshrl.u32 s10, $0x2;
	s9 =	smul.u32 $0x500, s9  }
0xc: {  	s7 =	sor.u32 $0x1C01, s31;
	s6 =	sadd.s32 s30, s1;
	s23 =	sadd.s32 $0x88E00, s18  }
0xd: {  	s18 =	smax.u32 s19, $0x1;
	s19 =	simm.s32 $0x1;
	s15 =	sshrl.u32 s29, $0x3  }
0xe: {  	s8 =	sadd.s32 s16, s9;
	s9 =	sadd.s32 s17, s9;
	s23 =	sadd.s32 s24, s23  }
0xf: {  	s24 =	simm.s32 $0x0;
	s11 =	sadd.s32 $0x100, s15;
	s13 =	sadd.s32 $0x200, s15  }
0x10: {  	s20 =	sadd.s32 $0x300, s15;
	s21 =	sadd.s32 $0x400, s15;
	s10 =	sadd.s32 s16, s11  }
0x11: {  	s11 =	sadd.s32 s17, s11;
	s12 =	sadd.s32 s16, s13;
	s13 =	sadd.s32 s17, s13  }
0x12: {  	s14 =	sadd.s32 s16, s20;
	s15 =	sadd.s32 s17, s20;
	s16 =	sadd.s32 s16, s21  }
0x13: {  	s17 =	sadd.s32 s17, s21;
	s20 =	simm.s32 $0x800;
	s21 =	simm.s32 $0x80  }
.LBB2_1:
0x14: {  	s25 =	sshrl.u32 s6, $0x3  }
0x15: {  	[spmem:s25], [sflag:s7] =	dma.local [hbm:s5], $0x2800  }
0x16: {  	_ =	swait.ge [sflag:s19], $0x2800  }
0x17: {  	[sflag:s19] =	ssyncset.done $0x0  }
0x18: {  	[sflag:s19] =	ssyncadd.s32 $0xFFFFD800  }
0x19: {  	[bflag:$0x0] =	sbarrier.arrive $0xFFFF  }
0x1a: {  	[tilespmem:s2], [sflag:$0x1] =	stream.linear.gather [hbm4b:s8+s2], $0x800, $0x38;
	[tilespmem:$0x1D000] =	vst v63  }
0x1b: {  	_ =	swait.ge [sflag:s19], $0x800  }
0x1c: {  	[sflag:s19] =	ssyncset.done $0x0  }
0x1d: {  	[sflag:s19] =	ssyncadd.s32 $0xFFFFF800  }
0x1e: {  	[tilespmem:s20], [sflag:$0x1] =	stream.linear.gather [hbm4b:s9+s2], $0x800, $0x38;
	[tilespmem:$0x1D000] =	vst v63  }
0x1f: {  	_ =	swait.ge [sflag:s19], $0x800  }
0x20: {  	[sflag:s19] =	ssyncset.done $0x0  }
0x21: {  	s26 =	simm.s32 $0x0;
	[sflag:s19] =	ssyncadd.s32 $0xFFFFF800  }
0x22: {  	[tilespmem:s22], [sflag:$0x1] =	stream.indirect.gather [hbm4b:s3+s21], $0x80, s26, s21, $0xb8;
	[tilespmem:$0x1D000] =	vst v63  }
0x23: {  	_ =	swait.ge [sflag:s19], $0x4000  }
0x24: {  	[sflag:s19] =	ssyncset.done $0x0  }
0x25: {  	s31 =	simm.s32 $0x800;
	[sflag:s19] =	ssyncadd.s32 $0xFFFFC000  }
0x26: {  	[spmem:s1] =	stream.indirect.scatter.add.f32 [tilespmem:s22], [sflag:$0x1], $0x80, s31, s21, $0xb8;
	[tilespmem:$0x1D000] =	vst v63  }
0x27: {  	_ =	swait.ge [sflag:s19], $0x4000  }
0x28: {  	s28 =	simm.s32 $0x400;
	s26 =	simm.s32 $0x200;
	[sflag:s19] =	ssyncset.done $0x0  }
.LBB2_2:
0x29: {  	s29 =	sshra.s32 s26, $0x2  }
0x2a: {  	[sflag:s19] =	ssyncadd.s32 $0xFFFFC000;
	s26 =	smov.u32 s28;
	s30 =	sadd.s32 $0x200, s28  }
0x2b: {  	[tilespmem:s22], [sflag:$0x1] =	stream.indirect.gather [hbm4b:s3+s21], $0x80, s29, s21, $0xb8;
	[tilespmem:$0x1D000] =	vst v63  }
0x2c: {  	p0 =	sne.s32 s28, $0x1E00;
	_ =	swait.ge [sflag:s19], $0x4000  }
.Ltmp0:
0x2d: {  	[sflag:s19] =	ssyncset.done $0x0;
	(pc) =	sbr.rel @p0 .LBB2_2-.Ltmp0, $4  }
0x2e: {  	s28 =	sadd.s32 $0x800, s29;
	[sflag:s19] =	ssyncadd.s32 $0xFFFFC000  }
0x2f: {  	[spmem:s1] =	stream.indirect.scatter.add.f32 [tilespmem:s22], [sflag:$0x1], $0x80, s28, s21, $0xb8;
	[tilespmem:$0x1D000] =	vst v63  }
0x30: {  	_ =	swait.ge [sflag:s19], $0x4000  }
0x31: {  	s28 =	smov.u32 s30;
	[sflag:s19] =	ssyncset.done $0x0  }
0x32: {  	s26 =	sshra.s32 s26, $0x2;
	[sflag:s19] =	ssyncadd.s32 $0xFFFFC000  }
0x33: {  	[tilespmem:s22], [sflag:$0x1] =	stream.indirect.gather [hbm4b:s3+s21], $0x80, s26, s21, $0xb8;
	[tilespmem:$0x1D000] =	vst v63  }
0x34: {  	_ =	swait.ge [sflag:s19], $0x4000  }
0x35: {  	[sflag:s19] =	ssyncset.done $0x0  }
0x36: {  	s26 =	sadd.s32 $0x800, s26;
	[sflag:s19] =	ssyncadd.s32 $0xFFFFC000  }
0x37: {  	[spmem:s1] =	stream.indirect.scatter.add.f32 [tilespmem:s22], [sflag:$0x1], $0x80, s26, s21, $0xb8;
	[tilespmem:$0x1D000] =	vst v63  }
0x38: {  	_ =	swait.ge [sflag:s19], $0x4000  }
0x39: {  	[sflag:s19] =	ssyncset.done $0x0  }
0x3a: {  	s29 =	simm.s32 $0x0;
	[sflag:s19] =	ssyncadd.s32 $0xFFFFC000  }
0x3b: {  	[tilespmem:s29], [sflag:$0x1] =	stream.linear.gather [hbm4b:s10+s29], $0x800, $0x38;
	[tilespmem:$0x1D000] =	vst v63  }
0x3c: {  	_ =	swait.ge [sflag:s19], $0x800  }
0x3d: {  	[sflag:s19] =	ssyncset.done $0x0  }
0x3e: {  	[sflag:s19] =	ssyncadd.s32 $0xFFFFF800  }
0x3f: {  	[tilespmem:s20], [sflag:$0x1] =	stream.linear.gather [hbm4b:s11+s29], $0x800, $0x38;
	[tilespmem:$0x1D000] =	vst v63  }
0x40: {  	_ =	swait.ge [sflag:s19], $0x800  }
0x41: {  	[sflag:s19] =	ssyncset.done $0x0  }
0x42: {  	s30 =	simm.s32 $0x0;
	[sflag:s19] =	ssyncadd.s32 $0xFFFFF800  }
0x43: {  	[tilespmem:s22], [sflag:$0x1] =	stream.indirect.gather [hbm4b:s3+s21], $0x80, s30, s21, $0xb8;
	[tilespmem:$0x1D000] =	vst v63  }
0x44: {  	_ =	swait.ge [sflag:s19], $0x4000  }
0x45: {  	[sflag:s19] =	ssyncset.done $0x0  }
0x46: {  	s31 =	simm.s32 $0x800;
	[sflag:s19] =	ssyncadd.s32 $0xFFFFC000  }
0x47: {  	[spmem:s1] =	stream.indirect.scatter.add.f32 [tilespmem:s22], [sflag:$0x1], $0x80, s31, s21, $0xb8;
	[tilespmem:$0x1D000] =	vst v63  }
0x48: {  	_ =	swait.ge [sflag:s19], $0x4000  }
0x49: {  	s28 =	simm.s32 $0x400;
	s26 =	simm.s32 $0x200;
	[sflag:s19] =	ssyncset.done $0x0  }
.LBB2_4:
0x4a: {  	s29 =	sshra.s32 s26, $0x2  }
0x4b: {  	[sflag:s19] =	ssyncadd.s32 $0xFFFFC000;
	s26 =	smov.u32 s28;
	s30 =	sadd.s32 $0x200, s28  }
0x4c: {  	[tilespmem:s22], [sflag:$0x1] =	stream.indirect.gather [hbm4b:s3+s21], $0x80, s29, s21, $0xb8;
	[tilespmem:$0x1D000] =	vst v63  }
0x4d: {  	p0 =	sne.s32 s28, $0x1E00;
	_ =	swait.ge [sflag:s19], $0x4000  }
.Ltmp1:
0x4e: {  	[sflag:s19] =	ssyncset.done $0x0;
	(pc) =	sbr.rel @p0 .LBB2_4-.Ltmp1, $4  }
0x4f: {  	s28 =	sadd.s32 $0x800, s29;
	[sflag:s19] =	ssyncadd.s32 $0xFFFFC000  }
0x50: {  	[spmem:s1] =	stream.indirect.scatter.add.f32 [tilespmem:s22], [sflag:$0x1], $0x80, s28, s21, $0xb8;
	[tilespmem:$0x1D000] =	vst v63  }
0x51: {  	_ =	swait.ge [sflag:s19], $0x4000  }
0x52: {  	s28 =	smov.u32 s30;
	[sflag:s19] =	ssyncset.done $0x0  }
0x53: {  	s26 =	sshra.s32 s26, $0x2;
	[sflag:s19] =	ssyncadd.s32 $0xFFFFC000  }
0x54: {  	[tilespmem:s22], [sflag:$0x1] =	stream.indirect.gather [hbm4b:s3+s21], $0x80, s26, s21, $0xb8;
	[tilespmem:$0x1D000] =	vst v63  }
0x55: {  	_ =	swait.ge [sflag:s19], $0x4000  }
0x56: {  	[sflag:s19] =	ssyncset.done $0x0  }
0x57: {  	s26 =	sadd.s32 $0x800, s26;
	[sflag:s19] =	ssyncadd.s32 $0xFFFFC000  }
0x58: {  	[spmem:s1] =	stream.indirect.scatter.add.f32 [tilespmem:s22], [sflag:$0x1], $0x80, s26, s21, $0xb8;
	[tilespmem:$0x1D000] =	vst v63  }
0x59: {  	_ =	swait.ge [sflag:s19], $0x4000  }
0x5a: {  	[sflag:s19] =	ssyncset.done $0x0  }
0x5b: {  	s29 =	simm.s32 $0x0;
	[sflag:s19] =	ssyncadd.s32 $0xFFFFC000  }
0x5c: {  	[tilespmem:s29], [sflag:$0x1] =	stream.linear.gather [hbm4b:s12+s29], $0x800, $0x38;
	[tilespmem:$0x1D000] =	vst v63  }
0x5d: {  	_ =	swait.ge [sflag:s19], $0x800  }
0x5e: {  	[sflag:s19] =	ssyncset.done $0x0  }
0x5f: {  	[sflag:s19] =	ssyncadd.s32 $0xFFFFF800  }
0x60: {  	[tilespmem:s20], [sflag:$0x1] =	stream.linear.gather [hbm4b:s13+s29], $0x800, $0x38;
	[tilespmem:$0x1D000] =	vst v63  }
0x61: {  	_ =	swait.ge [sflag:s19], $0x800  }
0x62: {  	[sflag:s19] =	ssyncset.done $0x0  }
0x63: {  	s30 =	simm.s32 $0x0;
	[sflag:s19] =	ssyncadd.s32 $0xFFFFF800  }
0x64: {  	[tilespmem:s22], [sflag:$0x1] =	stream.indirect.gather [hbm4b:s3+s21], $0x80, s30, s21, $0xb8;
	[tilespmem:$0x1D000] =	vst v63  }
0x65: {  	_ =	swait.ge [sflag:s19], $0x4000  }
0x66: {  	[sflag:s19] =	ssyncset.done $0x0  }
0x67: {  	s31 =	simm.s32 $0x800;
	[sflag:s19] =	ssyncadd.s32 $0xFFFFC000  }
0x68: {  	[spmem:s1] =	stream.indirect.scatter.add.f32 [tilespmem:s22], [sflag:$0x1], $0x80, s31, s21, $0xb8;
	[tilespmem:$0x1D000] =	vst v63  }
0x69: {  	_ =	swait.ge [sflag:s19], $0x4000  }
0x6a: {  	s28 =	simm.s32 $0x400;
	s26 =	simm.s32 $0x200;
	[sflag:s19] =	ssyncset.done $0x0  }
.LBB2_6:
0x6b: {  	s29 =	sshra.s32 s26, $0x2  }
0x6c: {  	[sflag:s19] =	ssyncadd.s32 $0xFFFFC000;
	s26 =	smov.u32 s28;
	s30 =	sadd.s32 $0x200, s28  }
0x6d: {  	[tilespmem:s22], [sflag:$0x1] =	stream.indirect.gather [hbm4b:s3+s21], $0x80, s29, s21, $0xb8;
	[tilespmem:$0x1D000] =	vst v63  }
0x6e: {  	p0 =	sne.s32 s28, $0x1E00;
	_ =	swait.ge [sflag:s19], $0x4000  }
.Ltmp2:
0x6f: {  	[sflag:s19] =	ssyncset.done $0x0;
	(pc) =	sbr.rel @p0 .LBB2_6-.Ltmp2, $4  }
0x70: {  	s28 =	sadd.s32 $0x800, s29;
	[sflag:s19] =	ssyncadd.s32 $0xFFFFC000  }
0x71: {  	[spmem:s1] =	stream.indirect.scatter.add.f32 [tilespmem:s22], [sflag:$0x1], $0x80, s28, s21, $0xb8;
	[tilespmem:$0x1D000] =	vst v63  }
0x72: {  	_ =	swait.ge [sflag:s19], $0x4000  }
0x73: {  	s28 =	smov.u32 s30;
	[sflag:s19] =	ssyncset.done $0x0  }
0x74: {  	s26 =	sshra.s32 s26, $0x2;
	[sflag:s19] =	ssyncadd.s32 $0xFFFFC000  }
0x75: {  	[tilespmem:s22], [sflag:$0x1] =	stream.indirect.gather [hbm4b:s3+s21], $0x80, s26, s21, $0xb8;
	[tilespmem:$0x1D000] =	vst v63  }
0x76: {  	_ =	swait.ge [sflag:s19], $0x4000  }
0x77: {  	[sflag:s19] =	ssyncset.done $0x0  }
0x78: {  	s26 =	sadd.s32 $0x800, s26;
	[sflag:s19] =	ssyncadd.s32 $0xFFFFC000  }
0x79: {  	[spmem:s1] =	stream.indirect.scatter.add.f32 [tilespmem:s22], [sflag:$0x1], $0x80, s26, s21, $0xb8;
	[tilespmem:$0x1D000] =	vst v63  }
0x7a: {  	_ =	swait.ge [sflag:s19], $0x4000  }
0x7b: {  	[sflag:s19] =	ssyncset.done $0x0  }
0x7c: {  	s29 =	simm.s32 $0x0;
	[sflag:s19] =	ssyncadd.s32 $0xFFFFC000  }
0x7d: {  	[tilespmem:s29], [sflag:$0x1] =	stream.linear.gather [hbm4b:s14+s29], $0x800, $0x38;
	[tilespmem:$0x1D000] =	vst v63  }
0x7e: {  	_ =	swait.ge [sflag:s19], $0x800  }
0x7f: {  	[sflag:s19] =	ssyncset.done $0x0  }
0x80: {  	[sflag:s19] =	ssyncadd.s32 $0xFFFFF800  }
0x81: {  	[tilespmem:s20], [sflag:$0x1] =	stream.linear.gather [hbm4b:s15+s29], $0x800, $0x38;
	[tilespmem:$0x1D000] =	vst v63  }
0x82: {  	_ =	swait.ge [sflag:s19], $0x800  }
0x83: {  	[sflag:s19] =	ssyncset.done $0x0  }
0x84: {  	s30 =	simm.s32 $0x0;
	[sflag:s19] =	ssyncadd.s32 $0xFFFFF800  }
0x85: {  	[tilespmem:s22], [sflag:$0x1] =	stream.indirect.gather [hbm4b:s3+s21], $0x80, s30, s21, $0xb8;
	[tilespmem:$0x1D000] =	vst v63  }
0x86: {  	_ =	swait.ge [sflag:s19], $0x4000  }
0x87: {  	[sflag:s19] =	ssyncset.done $0x0  }
0x88: {  	s31 =	simm.s32 $0x800;
	[sflag:s19] =	ssyncadd.s32 $0xFFFFC000  }
0x89: {  	[spmem:s1] =	stream.indirect.scatter.add.f32 [tilespmem:s22], [sflag:$0x1], $0x80, s31, s21, $0xb8;
	[tilespmem:$0x1D000] =	vst v63  }
0x8a: {  	_ =	swait.ge [sflag:s19], $0x4000  }
0x8b: {  	s28 =	simm.s32 $0x400;
	s26 =	simm.s32 $0x200;
	[sflag:s19] =	ssyncset.done $0x0  }
.LBB2_8:
0x8c: {  	s29 =	sshra.s32 s26, $0x2  }
0x8d: {  	[sflag:s19] =	ssyncadd.s32 $0xFFFFC000;
	s26 =	smov.u32 s28;
	s30 =	sadd.s32 $0x200, s28  }
0x8e: {  	[tilespmem:s22], [sflag:$0x1] =	stream.indirect.gather [hbm4b:s3+s21], $0x80, s29, s21, $0xb8;
	[tilespmem:$0x1D000] =	vst v63  }
0x8f: {  	p0 =	sne.s32 s28, $0x1E00;
	_ =	swait.ge [sflag:s19], $0x4000  }
.Ltmp3:
0x90: {  	[sflag:s19] =	ssyncset.done $0x0;
	(pc) =	sbr.rel @p0 .LBB2_8-.Ltmp3, $4  }
0x91: {  	s28 =	sadd.s32 $0x800, s29;
	[sflag:s19] =	ssyncadd.s32 $0xFFFFC000  }
0x92: {  	[spmem:s1] =	stream.indirect.scatter.add.f32 [tilespmem:s22], [sflag:$0x1], $0x80, s28, s21, $0xb8;
	[tilespmem:$0x1D000] =	vst v63  }
0x93: {  	_ =	swait.ge [sflag:s19], $0x4000  }
0x94: {  	s28 =	smov.u32 s30;
	[sflag:s19] =	ssyncset.done $0x0  }
0x95: {  	s26 =	sshra.s32 s26, $0x2;
	[sflag:s19] =	ssyncadd.s32 $0xFFFFC000  }
0x96: {  	[tilespmem:s22], [sflag:$0x1] =	stream.indirect.gather [hbm4b:s3+s21], $0x80, s26, s21, $0xb8;
	[tilespmem:$0x1D000] =	vst v63  }
0x97: {  	_ =	swait.ge [sflag:s19], $0x4000  }
0x98: {  	[sflag:s19] =	ssyncset.done $0x0  }
0x99: {  	s26 =	sadd.s32 $0x800, s26;
	[sflag:s19] =	ssyncadd.s32 $0xFFFFC000  }
0x9a: {  	[spmem:s1] =	stream.indirect.scatter.add.f32 [tilespmem:s22], [sflag:$0x1], $0x80, s26, s21, $0xb8;
	[tilespmem:$0x1D000] =	vst v63  }
0x9b: {  	_ =	swait.ge [sflag:s19], $0x4000  }
0x9c: {  	[sflag:s19] =	ssyncset.done $0x0  }
0x9d: {  	s29 =	simm.s32 $0x0;
	[sflag:s19] =	ssyncadd.s32 $0xFFFFC000  }
0x9e: {  	[tilespmem:s29], [sflag:$0x1] =	stream.linear.gather [hbm4b:s16+s29], $0x800, $0x38;
	[tilespmem:$0x1D000] =	vst v63  }
0x9f: {  	_ =	swait.ge [sflag:s19], $0x800  }
0xa0: {  	[sflag:s19] =	ssyncset.done $0x0  }
0xa1: {  	[sflag:s19] =	ssyncadd.s32 $0xFFFFF800  }
0xa2: {  	[tilespmem:s20], [sflag:$0x1] =	stream.linear.gather [hbm4b:s17+s29], $0x800, $0x38;
	[tilespmem:$0x1D000] =	vst v63  }
0xa3: {  	_ =	swait.ge [sflag:s19], $0x800  }
0xa4: {  	[sflag:s19] =	ssyncset.done $0x0  }
0xa5: {  	s30 =	simm.s32 $0x0;
	[sflag:s19] =	ssyncadd.s32 $0xFFFFF800  }
0xa6: {  	[tilespmem:s22], [sflag:$0x1] =	stream.indirect.gather [hbm4b:s3+s21], $0x80, s30, s21, $0xb8;
	[tilespmem:$0x1D000] =	vst v63  }
0xa7: {  	_ =	swait.ge [sflag:s19], $0x4000  }
0xa8: {  	[sflag:s19] =	ssyncset.done $0x0  }
0xa9: {  	s31 =	simm.s32 $0x800;
	[sflag:s19] =	ssyncadd.s32 $0xFFFFC000  }
0xaa: {  	[spmem:s1] =	stream.indirect.scatter.add.f32 [tilespmem:s22], [sflag:$0x1], $0x80, s31, s21, $0xb8;
	[tilespmem:$0x1D000] =	vst v63  }
0xab: {  	_ =	swait.ge [sflag:s19], $0x4000  }
0xac: {  	s28 =	simm.s32 $0x400;
	s26 =	simm.s32 $0x200;
	[sflag:s19] =	ssyncset.done $0x0  }
.LBB2_10:
0xad: {  	s29 =	sshra.s32 s26, $0x2  }
0xae: {  	[sflag:s19] =	ssyncadd.s32 $0xFFFFC000;
	s26 =	smov.u32 s28;
	s30 =	sadd.s32 $0x200, s28  }
0xaf: {  	[tilespmem:s22], [sflag:$0x1] =	stream.indirect.gather [hbm4b:s3+s21], $0x80, s29, s21, $0xb8;
	[tilespmem:$0x1D000] =	vst v63  }
0xb0: {  	p0 =	sne.s32 s28, $0x1E00;
	_ =	swait.ge [sflag:s19], $0x4000  }
.Ltmp4:
0xb1: {  	[sflag:s19] =	ssyncset.done $0x0;
	(pc) =	sbr.rel @p0 .LBB2_10-.Ltmp4, $4  }
0xb2: {  	s28 =	sadd.s32 $0x800, s29;
	[sflag:s19] =	ssyncadd.s32 $0xFFFFC000  }
0xb3: {  	[spmem:s1] =	stream.indirect.scatter.add.f32 [tilespmem:s22], [sflag:$0x1], $0x80, s28, s21, $0xb8;
	[tilespmem:$0x1D000] =	vst v63  }
0xb4: {  	_ =	swait.ge [sflag:s19], $0x4000  }
0xb5: {  	s28 =	smov.u32 s30;
	[sflag:s19] =	ssyncset.done $0x0  }
0xb6: {  	s26 =	sshra.s32 s26, $0x2;
	[sflag:s19] =	ssyncadd.s32 $0xFFFFC000  }
0xb7: {  	[tilespmem:s22], [sflag:$0x1] =	stream.indirect.gather [hbm4b:s3+s21], $0x80, s26, s21, $0xb8;
	[tilespmem:$0x1D000] =	vst v63  }
0xb8: {  	_ =	swait.ge [sflag:s19], $0x4000  }
0xb9: {  	[sflag:s19] =	ssyncset.done $0x0  }
0xba: {  	s26 =	sadd.s32 $0x800, s26;
	[sflag:s19] =	ssyncadd.s32 $0xFFFFC000  }
0xbb: {  	[spmem:s1] =	stream.indirect.scatter.add.f32 [tilespmem:s22], [sflag:$0x1], $0x80, s26, s21, $0xb8;
	[tilespmem:$0x1D000] =	vst v63  }
0xbc: {  	_ =	swait.ge [sflag:s19], $0x4000  }
0xbd: {  	s24 =	sadd.s32 $0x1, s24;
	[sflag:s19] =	ssyncset.done $0x0  }
0xbe: {  	p0 =	sne.s32 s24, s18;
	[sflag:s19] =	ssyncadd.s32 $0xFFFFC000  }
.Ltmp5:
0xbf: {  	[bflag:$0x0] =	sbarrier.arrive $0xFFFF;
	(pc) =	sbr.rel @p0 .LBB2_1-.Ltmp5, $4  }
0xc0: {  	[hbm:s23], [sflag:s7] =	dma.local [spmem:s25], $0x2800  }
0xc1: {  	_ =	swait.ge [sflag:s19], $0x2800  }
0xc2: {  	[sflag:s19] =	ssyncset.done $0x0  }
0xc3: {  	[sflag:s19] =	ssyncadd.s32 $0xFFFFD800  }
0xc4: {  	_ =	sfence.sel $0x180000  }
0xc5: {  	[bflag:$0x0] =	sbarrier.arrive $0xFFFF  }
0xc6: {  	p0 =	sne.s32 s4, $0x0;
	_ =	strace $0x90000053  }
0xc7: {  	s0 =	sadd.s32 @!p0 $0x100000, s0;
	[bflag:$0x2] =	sbarrier.arrive $0xFFFF  }
0xc8: {  	[sflag:s0] =	ssyncadd.tile.s32 @!p0 $0x1;
	_ =	shalt  }
.Lfunc_end2:
_tile_overlayer_lowered:
.L_overlay_start_2:
0xc9: {  	(tag) =	ssettag $0x2  }
0xca: {  	s0 =	rddreg [dreg:$0x0];
	s2 =	stileid.u32  }
0xcb: {  	s1 =	rddreg [dreg:$0x1];
	p0 =	sne.s32 s2, $0x0  }
0xcc: {  	s3 =	rddreg [dreg:$0x2];
	[bflag:$0x3] =	sbarrier.arrive $0xFFFF;
	s2 =	simm.s32 @!p0 $0x1C01  }
0xcd: {  	[timem:s3], [sflag:s2] =	dma.local @!p0 [hbm:s0], s1  }
0xce: {  	s0 =	simm.s32 @!p0 $0x1  }
0xcf: {  	_ =	swait.ge @!p0 [sflag:s0], s1  }
0xd0: {  	s1 =	ssub.s32 @!p0 $0x0, s1;
	[sflag:s0] =	ssyncset.done @!p0 $0x0  }
0xd1: {  	[sflag:s0] =	ssyncadd.s32 @!p0 s1  }
0xd2: {  	[bflag:$0x3] =	sbarrier.arrive $0xFFFF  }
0xd3: {  	_ =	shalt  }

</sc_bundles>
